<compile_context>
chip_gen: v7x
topology: tpu7x:2x2x1
jax: 0.10.2.dev20260603
libtpu: 0.0.44.dev20260713+nightly
codegen_flags: <defaults>
</compile_context>

<pallas_src>
import functools

import jax
import jax.numpy as jnp
from jax import lax
from jax.experimental import pallas as pl
from jax.experimental.pallas import tpu as pltpu
from jax.experimental.pallas import tpu_sc as plsc

_HIDDEN = 64
_NB, _NS_SEQ = 16384, 50
_NC, _NT = 2, 16
_NW = _NC * _NT
_SB = _NB // _NW
_BLK = 128
_NBLK = _SB // _BLK
_L = 16


def _gather_sc(ids_flat, table):
  mesh = plsc.VectorSubcoreMesh(core_axis_name="c", subcore_axis_name="s")

  @functools.partial(
      pl.kernel,
      out_type=jax.ShapeDtypeStruct((_NS_SEQ, 8, _NB // _BLK, 8, _BLK),
                                    jnp.float32),
      mesh=mesh,
      compiler_params=pltpu.CompilerParams(use_tc_tiling_on_sc=False,
                                           needs_layout_passes=False),
      scratch_types=(
          [pltpu.VMEM((_SB * _NS_SEQ,), jnp.int32),
           pltpu.VMEM((_NS_SEQ, _NBLK, _BLK), jnp.int32)]
          + [pltpu.VMEM((_BLK, _HIDDEN), jnp.float32) for _ in range(_NBLK)]
          + [pltpu.VMEM((8, 8, _BLK + 1), jnp.float32) for _ in range(_NBLK)]
          + [pltpu.SemaphoreType.DMA for _ in range(2 * _NBLK + 1)]
      ),
  )
  def body(ids_hbm, table_hbm, out_hbm, ids_v, idst, *rest):
    rbuf = rest[:_NBLK]
    tbuf = rest[_NBLK:2 * _NBLK]
    gsem = rest[2 * _NBLK:3 * _NBLK]
    osem = rest[3 * _NBLK:4 * _NBLK]
    isem = rest[4 * _NBLK]
    wid = lax.axis_index("s") * _NC + lax.axis_index("c")

    iota = lax.iota(jnp.int32, _L)
    zeros = iota * 0
    pltpu.async_copy(ids_hbm.at[pl.ds(wid * (_SB * _NS_SEQ), _SB * _NS_SEQ)],
                     ids_v, isem).wait()

    rows_a = [[(iota + (blk * _BLK + q * _L)) * _NS_SEQ
               for q in range(_BLK // _L)] for blk in range(_NBLK)]

    @pl.loop(0, _NS_SEQ, init_carry=zeros)
    def _tr_ids(s, svec):
      for blk in range(_NBLK):
        for q in range(_BLK // _L):
          vals = plsc.load_gather(ids_v, [rows_a[blk][q] + svec])
          idst[s, blk, pl.ds(q * _L, _L)] = vals
      return svec + 1

    def fire_gather(blk, s):
      pltpu.async_copy(table_hbm.at[idst.at[s, blk]], rbuf[blk], gsem[blk])

    def wait_gather(blk):
      pltpu.make_async_copy(table_hbm.at[idst.at[0, blk]], rbuf[blk],
                            gsem[blk]).wait()

    _NCH = _HIDDEN // _L
    hr_a = [(iota + 16 * c) // 8 for c in range(_NCH)]
    hi_a = [(iota + 16 * c) % 8 for c in range(_NCH)]
    tsl = (slice(None), slice(None), pl.ds(0, _BLK))

    def unit(s, s2, blk, first):
      wait_gather(blk)
      if not first:
        pltpu.make_async_copy(tbuf[blk].at[tsl],
                              out_hbm.at[0, slice(None), 0],
                              osem[blk]).wait()

      @pl.loop(0, _BLK, step=4, init_carry=zeros)
      def _tr(j, jvec):
        xs = [rbuf[blk][j + dj, pl.ds(c * _L, _L)]
              for dj in range(4) for c in range(_NCH)]
        k = 0
        for dj in range(4):
          for c in range(_NCH):
            plsc.store_scatter(tbuf[blk],
                               [hr_a[c], hi_a[c], jvec + dj], xs[k])
            k += 1
        return jvec + 4

      bc = wid * _NBLK + blk
      pltpu.async_copy(tbuf[blk].at[tsl], out_hbm.at[s, slice(None), bc],
                       osem[blk])
      fire_gather(blk, s2)

    for blk in range(_NBLK):
      fire_gather(blk, 0)
    for blk in range(_NBLK):
      unit(0, 1, blk, True)

    @pl.loop(1, _NS_SEQ)
    def _units(s):
      s2 = jnp.minimum(s + 1, _NS_SEQ - 1)
      for blk in range(_NBLK):
        unit(s, s2, blk, False)

    for blk in range(_NBLK):
      wait_gather(blk)
      pltpu.make_async_copy(tbuf[blk].at[tsl],
                            out_hbm.at[0, slice(None), 0],
                            osem[blk]).wait()

  return body(ids_flat, table)


def kernel(tool_ids, table):
  out5d = _gather_sc(tool_ids.astype(jnp.int32).reshape(-1), table)
  return out5d.transpose(2, 4, 0, 1, 3).reshape(_NB, _NS_SEQ, _HIDDEN)

# --- scband reference (transcript-rebuilt; emitter-appended) ---
"""Pipeline reference for scband-tool-embedding-42502996361939 (READ-ONLY COPY).

The authoritative reference and input builder live on the scoring server;
editing this copy changes nothing except your own understanding.
"""

import jax, jax.numpy as jnp
import numpy as np

NUM_TOOLS = 1000000
HIDDEN_SIZE = 64

def setup_inputs(seed: int = 0) -> dict:
    key = jax.random.key(seed)
    k_idx, k_tab = jax.random.split(key)
    tool_ids = jax.random.randint(k_idx, (16384, 50), 0, NUM_TOOLS, dtype=jnp.int64 if jax.config.jax_enable_x64 else jnp.int32)
    table = jax.random.normal(k_tab, (NUM_TOOLS, HIDDEN_SIZE), dtype=jnp.float32)
    return {"tool_ids": tool_ids, "table": table}

def reference(tool_ids, table):
    # nn.Embedding forward: gather rows of the embedding table by tool_ids
    return jnp.take(table, tool_ids, axis=0)

if __name__ == "__main__":
    import jax
    _d = setup_inputs()
    print(jax.jit(kernel)(*tuple(_d.values())))

</pallas_src>

<mosaic_0001>
#map = affine_map<(d0, d1) -> (0)>
#map1 = affine_map<(d0, d1) -> (0, 0)>
#map2 = affine_map<(d0, d1) -> (0, 0, 0, 0, 0)>
module attributes {stable_mosaic.version = 14 : i64} {
  func.func @body(%arg0: i32, %arg1: i32, %arg2: memref<819200xi32, #tpu.memory_space<hbm>>, %arg3: memref<1000000x64xf32, #tpu.memory_space<hbm>>, %arg4: memref<50x8x128x8x128xf32, #tpu.memory_space<hbm>>, %arg5: memref<25600xi32, #tpu.memory_space<vmem>>, %arg6: memref<50x4x128xi32, #tpu.memory_space<vmem>>, %arg7: memref<128x64xf32, #tpu.memory_space<vmem>>, %arg8: memref<128x64xf32, #tpu.memory_space<vmem>>, %arg9: memref<128x64xf32, #tpu.memory_space<vmem>>, %arg10: memref<128x64xf32, #tpu.memory_space<vmem>>, %arg11: memref<8x8x129xf32, #tpu.memory_space<vmem>>, %arg12: memref<8x8x129xf32, #tpu.memory_space<vmem>>, %arg13: memref<8x8x129xf32, #tpu.memory_space<vmem>>, %arg14: memref<8x8x129xf32, #tpu.memory_space<vmem>>, %arg15: memref<!tpu.dma_semaphore, #tpu.memory_space<semaphore_mem>>, %arg16: memref<!tpu.dma_semaphore, #tpu.memory_space<semaphore_mem>>, %arg17: memref<!tpu.dma_semaphore, #tpu.memory_space<semaphore_mem>>, %arg18: memref<!tpu.dma_semaphore, #tpu.memory_space<semaphore_mem>>, %arg19: memref<!tpu.dma_semaphore, #tpu.memory_space<semaphore_mem>>, %arg20: memref<!tpu.dma_semaphore, #tpu.memory_space<semaphore_mem>>, %arg21: memref<!tpu.dma_semaphore, #tpu.memory_space<semaphore_mem>>, %arg22: memref<!tpu.dma_semaphore, #tpu.memory_space<semaphore_mem>>, %arg23: memref<!tpu.dma_semaphore, #tpu.memory_space<semaphore_mem>>) attributes {dimension_semantics = [#tpu.dimension_semantics<core_parallel>, #tpu.dimension_semantics<subcore_parallel>], iteration_bounds = array<i64: 2, 16>, scalar_prefetch = 0 : i64, scratch_operands = 19 : i64, tpu.core_type = #tpu.core_type<sc_vector_subcore>, window_params = [{transform_indices = #map}, {transform_indices = #map1}, {transform_indices = #map2}]} {
    %mul3A = arith.constant 2 : i32
    %mul3A_0 = arith.muli %arg1, %mul3A : i32
    %add3A = arith.addi %mul3A_0, %arg0 : i32
    %iota3A = tpu.iota {dimensions = array<i32: 0>} : vector<16xi32>
    %mul3A_1 = arith.constant 0 : i32
    %mul3A_2 = vector.broadcast %mul3A_1 : i32 to vector<16xi32>
    %mul3A_3 = arith.muli %iota3A, %mul3A_2 : vector<16xi32>
    %mul3A_4 = arith.constant 25600 : i32
    %mul3A_5 = arith.muli %add3A, %mul3A_4 : i32
    %dma_start3A = tpu.memref_slice %arg2[%mul3A_5] : memref<819200xi32, #tpu.memory_space<hbm>> -> memref<25600xi32, #tpu.memory_space<hbm>>
    %dma_start3A_6 = tpu.memref_slice %arg2[%mul3A_5] : memref<819200xi32, #tpu.memory_space<hbm>> -> memref<25600xi32, #tpu.memory_space<hbm>>
    tpu.enqueue_dma source(%dma_start3A_6 : memref<25600xi32, #tpu.memory_space<hbm>>) target(%arg5 : memref<25600xi32, #tpu.memory_space<vmem>>) target_semaphore(%arg23 : memref<!tpu.dma_semaphore, #tpu.memory_space<semaphore_mem>>)
    %dma_wait3A = tpu.memref_slice %arg2[%mul3A_5] : memref<819200xi32, #tpu.memory_space<hbm>> -> memref<25600xi32, #tpu.memory_space<hbm>>
    %dma_wait3A_7 = tpu.memref_slice %arg2[%mul3A_5] : memref<819200xi32, #tpu.memory_space<hbm>> -> memref<25600xi32, #tpu.memory_space<hbm>>
    tpu.wait_dma2 semaphore(%arg23 : memref<!tpu.dma_semaphore, #tpu.memory_space<semaphore_mem>>) src(%dma_wait3A_7 : memref<25600xi32, #tpu.memory_space<hbm>>) dst(%arg5 : memref<25600xi32, #tpu.memory_space<vmem>>)
    %add3A_8 = arith.constant 0 : i32
    %add3A_9 = vector.broadcast %add3A_8 : i32 to vector<16xi32>
    %add3A_10 = arith.addi %iota3A, %add3A_9 : vector<16xi32>
    %mul3A_11 = arith.constant 50 : i32
    %mul3A_12 = vector.broadcast %mul3A_11 : i32 to vector<16xi32>
    %mul3A_13 = arith.muli %add3A_10, %mul3A_12 : vector<16xi32>
    %add3A_14 = arith.constant 16 : i32
    %add3A_15 = vector.broadcast %add3A_14 : i32 to vector<16xi32>
    %add3A_16 = arith.addi %iota3A, %add3A_15 : vector<16xi32>
    %mul3A_17 = arith.constant 50 : i32
    %mul3A_18 = vector.broadcast %mul3A_17 : i32 to vector<16xi32>
    %mul3A_19 = arith.muli %add3A_16, %mul3A_18 : vector<16xi32>
    %add3A_20 = arith.constant 32 : i32
    %add3A_21 = vector.broadcast %add3A_20 : i32 to vector<16xi32>
    %add3A_22 = arith.addi %iota3A, %add3A_21 : vector<16xi32>
    %mul3A_23 = arith.constant 50 : i32
    %mul3A_24 = vector.broadcast %mul3A_23 : i32 to vector<16xi32>
    %mul3A_25 = arith.muli %add3A_22, %mul3A_24 : vector<16xi32>
    %add3A_26 = arith.constant 48 : i32
    %add3A_27 = vector.broadcast %add3A_26 : i32 to vector<16xi32>
    %add3A_28 = arith.addi %iota3A, %add3A_27 : vector<16xi32>
    %mul3A_29 = arith.constant 50 : i32
    %mul3A_30 = vector.broadcast %mul3A_29 : i32 to vector<16xi32>
    %mul3A_31 = arith.muli %add3A_28, %mul3A_30 : vector<16xi32>
    %add3A_32 = arith.constant 64 : i32
    %add3A_33 = vector.broadcast %add3A_32 : i32 to vector<16xi32>
    %add3A_34 = arith.addi %iota3A, %add3A_33 : vector<16xi32>
    %mul3A_35 = arith.constant 50 : i32
    %mul3A_36 = vector.broadcast %mul3A_35 : i32 to vector<16xi32>
    %mul3A_37 = arith.muli %add3A_34, %mul3A_36 : vector<16xi32>
    %add3A_38 = arith.constant 80 : i32
    %add3A_39 = vector.broadcast %add3A_38 : i32 to vector<16xi32>
    %add3A_40 = arith.addi %iota3A, %add3A_39 : vector<16xi32>
    %mul3A_41 = arith.constant 50 : i32
    %mul3A_42 = vector.broadcast %mul3A_41 : i32 to vector<16xi32>
    %mul3A_43 = arith.muli %add3A_40, %mul3A_42 : vector<16xi32>
    %add3A_44 = arith.constant 96 : i32
    %add3A_45 = vector.broadcast %add3A_44 : i32 to vector<16xi32>
    %add3A_46 = arith.addi %iota3A, %add3A_45 : vector<16xi32>
    %mul3A_47 = arith.constant 50 : i32
    %mul3A_48 = vector.broadcast %mul3A_47 : i32 to vector<16xi32>
    %mul3A_49 = arith.muli %add3A_46, %mul3A_48 : vector<16xi32>
    %add3A_50 = arith.constant 112 : i32
    %add3A_51 = vector.broadcast %add3A_50 : i32 to vector<16xi32>
    %add3A_52 = arith.addi %iota3A, %add3A_51 : vector<16xi32>
    %mul3A_53 = arith.constant 50 : i32
    %mul3A_54 = vector.broadcast %mul3A_53 : i32 to vector<16xi32>
    %mul3A_55 = arith.muli %add3A_52, %mul3A_54 : vector<16xi32>
    %add3A_56 = arith.constant 128 : i32
    %add3A_57 = vector.broadcast %add3A_56 : i32 to vector<16xi32>
    %add3A_58 = arith.addi %iota3A, %add3A_57 : vector<16xi32>
    %mul3A_59 = arith.constant 50 : i32
    %mul3A_60 = vector.broadcast %mul3A_59 : i32 to vector<16xi32>
    %mul3A_61 = arith.muli %add3A_58, %mul3A_60 : vector<16xi32>
    %add3A_62 = arith.constant 144 : i32
    %add3A_63 = vector.broadcast %add3A_62 : i32 to vector<16xi32>
    %add3A_64 = arith.addi %iota3A, %add3A_63 : vector<16xi32>
    %mul3A_65 = arith.constant 50 : i32
    %mul3A_66 = vector.broadcast %mul3A_65 : i32 to vector<16xi32>
    %mul3A_67 = arith.muli %add3A_64, %mul3A_66 : vector<16xi32>
    %add3A_68 = arith.constant 160 : i32
    %add3A_69 = vector.broadcast %add3A_68 : i32 to vector<16xi32>
    %add3A_70 = arith.addi %iota3A, %add3A_69 : vector<16xi32>
    %mul3A_71 = arith.constant 50 : i32
    %mul3A_72 = vector.broadcast %mul3A_71 : i32 to vector<16xi32>
    %mul3A_73 = arith.muli %add3A_70, %mul3A_72 : vector<16xi32>
    %add3A_74 = arith.constant 176 : i32
    %add3A_75 = vector.broadcast %add3A_74 : i32 to vector<16xi32>
    %add3A_76 = arith.addi %iota3A, %add3A_75 : vector<16xi32>
    %mul3A_77 = arith.constant 50 : i32
    %mul3A_78 = vector.broadcast %mul3A_77 : i32 to vector<16xi32>
    %mul3A_79 = arith.muli %add3A_76, %mul3A_78 : vector<16xi32>
    %add3A_80 = arith.constant 192 : i32
    %add3A_81 = vector.broadcast %add3A_80 : i32 to vector<16xi32>
    %add3A_82 = arith.addi %iota3A, %add3A_81 : vector<16xi32>
    %mul3A_83 = arith.constant 50 : i32
    %mul3A_84 = vector.broadcast %mul3A_83 : i32 to vector<16xi32>
    %mul3A_85 = arith.muli %add3A_82, %mul3A_84 : vector<16xi32>
    %add3A_86 = arith.constant 208 : i32
    %add3A_87 = vector.broadcast %add3A_86 : i32 to vector<16xi32>
    %add3A_88 = arith.addi %iota3A, %add3A_87 : vector<16xi32>
    %mul3A_89 = arith.constant 50 : i32
    %mul3A_90 = vector.broadcast %mul3A_89 : i32 to vector<16xi32>
    %mul3A_91 = arith.muli %add3A_88, %mul3A_90 : vector<16xi32>
    %add3A_92 = arith.constant 224 : i32
    %add3A_93 = vector.broadcast %add3A_92 : i32 to vector<16xi32>
    %add3A_94 = arith.addi %iota3A, %add3A_93 : vector<16xi32>
    %mul3A_95 = arith.constant 50 : i32
    %mul3A_96 = vector.broadcast %mul3A_95 : i32 to vector<16xi32>
    %mul3A_97 = arith.muli %add3A_94, %mul3A_96 : vector<16xi32>
    %add3A_98 = arith.constant 240 : i32
    %add3A_99 = vector.broadcast %add3A_98 : i32 to vector<16xi32>
    %add3A_100 = arith.addi %iota3A, %add3A_99 : vector<16xi32>
    %mul3A_101 = arith.constant 50 : i32
    %mul3A_102 = vector.broadcast %mul3A_101 : i32 to vector<16xi32>
    %mul3A_103 = arith.muli %add3A_100, %mul3A_102 : vector<16xi32>
    %add3A_104 = arith.constant 256 : i32
    %add3A_105 = vector.broadcast %add3A_104 : i32 to vector<16xi32>
    %add3A_106 = arith.addi %iota3A, %add3A_105 : vector<16xi32>
    %mul3A_107 = arith.constant 50 : i32
    %mul3A_108 = vector.broadcast %mul3A_107 : i32 to vector<16xi32>
    %mul3A_109 = arith.muli %add3A_106, %mul3A_108 : vector<16xi32>
    %add3A_110 = arith.constant 272 : i32
    %add3A_111 = vector.broadcast %add3A_110 : i32 to vector<16xi32>
    %add3A_112 = arith.addi %iota3A, %add3A_111 : vector<16xi32>
    %mul3A_113 = arith.constant 50 : i32
    %mul3A_114 = vector.broadcast %mul3A_113 : i32 to vector<16xi32>
    %mul3A_115 = arith.muli %add3A_112, %mul3A_114 : vector<16xi32>
    %add3A_116 = arith.constant 288 : i32
    %add3A_117 = vector.broadcast %add3A_116 : i32 to vector<16xi32>
    %add3A_118 = arith.addi %iota3A, %add3A_117 : vector<16xi32>
    %mul3A_119 = arith.constant 50 : i32
    %mul3A_120 = vector.broadcast %mul3A_119 : i32 to vector<16xi32>
    %mul3A_121 = arith.muli %add3A_118, %mul3A_120 : vector<16xi32>
    %add3A_122 = arith.constant 304 : i32
    %add3A_123 = vector.broadcast %add3A_122 : i32 to vector<16xi32>
    %add3A_124 = arith.addi %iota3A, %add3A_123 : vector<16xi32>
    %mul3A_125 = arith.constant 50 : i32
    %mul3A_126 = vector.broadcast %mul3A_125 : i32 to vector<16xi32>
    %mul3A_127 = arith.muli %add3A_124, %mul3A_126 : vector<16xi32>
    %add3A_128 = arith.constant 320 : i32
    %add3A_129 = vector.broadcast %add3A_128 : i32 to vector<16xi32>
    %add3A_130 = arith.addi %iota3A, %add3A_129 : vector<16xi32>
    %mul3A_131 = arith.constant 50 : i32
    %mul3A_132 = vector.broadcast %mul3A_131 : i32 to vector<16xi32>
    %mul3A_133 = arith.muli %add3A_130, %mul3A_132 : vector<16xi32>
    %add3A_134 = arith.constant 336 : i32
    %add3A_135 = vector.broadcast %add3A_134 : i32 to vector<16xi32>
    %add3A_136 = arith.addi %iota3A, %add3A_135 : vector<16xi32>
    %mul3A_137 = arith.constant 50 : i32
    %mul3A_138 = vector.broadcast %mul3A_137 : i32 to vector<16xi32>
    %mul3A_139 = arith.muli %add3A_136, %mul3A_138 : vector<16xi32>
    %add3A_140 = arith.constant 352 : i32
    %add3A_141 = vector.broadcast %add3A_140 : i32 to vector<16xi32>
    %add3A_142 = arith.addi %iota3A, %add3A_141 : vector<16xi32>
    %mul3A_143 = arith.constant 50 : i32
    %mul3A_144 = vector.broadcast %mul3A_143 : i32 to vector<16xi32>
    %mul3A_145 = arith.muli %add3A_142, %mul3A_144 : vector<16xi32>
    %add3A_146 = arith.constant 368 : i32
    %add3A_147 = vector.broadcast %add3A_146 : i32 to vector<16xi32>
    %add3A_148 = arith.addi %iota3A, %add3A_147 : vector<16xi32>
    %mul3A_149 = arith.constant 50 : i32
    %mul3A_150 = vector.broadcast %mul3A_149 : i32 to vector<16xi32>
    %mul3A_151 = arith.muli %add3A_148, %mul3A_150 : vector<16xi32>
    %add3A_152 = arith.constant 384 : i32
    %add3A_153 = vector.broadcast %add3A_152 : i32 to vector<16xi32>
    %add3A_154 = arith.addi %iota3A, %add3A_153 : vector<16xi32>
    %mul3A_155 = arith.constant 50 : i32
    %mul3A_156 = vector.broadcast %mul3A_155 : i32 to vector<16xi32>
    %mul3A_157 = arith.muli %add3A_154, %mul3A_156 : vector<16xi32>
    %add3A_158 = arith.constant 400 : i32
    %add3A_159 = vector.broadcast %add3A_158 : i32 to vector<16xi32>
    %add3A_160 = arith.addi %iota3A, %add3A_159 : vector<16xi32>
    %mul3A_161 = arith.constant 50 : i32
    %mul3A_162 = vector.broadcast %mul3A_161 : i32 to vector<16xi32>
    %mul3A_163 = arith.muli %add3A_160, %mul3A_162 : vector<16xi32>
    %add3A_164 = arith.constant 416 : i32
    %add3A_165 = vector.broadcast %add3A_164 : i32 to vector<16xi32>
    %add3A_166 = arith.addi %iota3A, %add3A_165 : vector<16xi32>
    %mul3A_167 = arith.constant 50 : i32
    %mul3A_168 = vector.broadcast %mul3A_167 : i32 to vector<16xi32>
    %mul3A_169 = arith.muli %add3A_166, %mul3A_168 : vector<16xi32>
    %add3A_170 = arith.constant 432 : i32
    %add3A_171 = vector.broadcast %add3A_170 : i32 to vector<16xi32>
    %add3A_172 = arith.addi %iota3A, %add3A_171 : vector<16xi32>
    %mul3A_173 = arith.constant 50 : i32
    %mul3A_174 = vector.broadcast %mul3A_173 : i32 to vector<16xi32>
    %mul3A_175 = arith.muli %add3A_172, %mul3A_174 : vector<16xi32>
    %add3A_176 = arith.constant 448 : i32
    %add3A_177 = vector.broadcast %add3A_176 : i32 to vector<16xi32>
    %add3A_178 = arith.addi %iota3A, %add3A_177 : vector<16xi32>
    %mul3A_179 = arith.constant 50 : i32
    %mul3A_180 = vector.broadcast %mul3A_179 : i32 to vector<16xi32>
    %mul3A_181 = arith.muli %add3A_178, %mul3A_180 : vector<16xi32>
    %add3A_182 = arith.constant 464 : i32
    %add3A_183 = vector.broadcast %add3A_182 : i32 to vector<16xi32>
    %add3A_184 = arith.addi %iota3A, %add3A_183 : vector<16xi32>
    %mul3A_185 = arith.constant 50 : i32
    %mul3A_186 = vector.broadcast %mul3A_185 : i32 to vector<16xi32>
    %mul3A_187 = arith.muli %add3A_184, %mul3A_186 : vector<16xi32>
    %add3A_188 = arith.constant 480 : i32
    %add3A_189 = vector.broadcast %add3A_188 : i32 to vector<16xi32>
    %add3A_190 = arith.addi %iota3A, %add3A_189 : vector<16xi32>
    %mul3A_191 = arith.constant 50 : i32
    %mul3A_192 = vector.broadcast %mul3A_191 : i32 to vector<16xi32>
    %mul3A_193 = arith.muli %add3A_190, %mul3A_192 : vector<16xi32>
    %add3A_194 = arith.constant 496 : i32
    %add3A_195 = vector.broadcast %add3A_194 : i32 to vector<16xi32>
    %add3A_196 = arith.addi %iota3A, %add3A_195 : vector<16xi32>
    %mul3A_197 = arith.constant 50 : i32
    %mul3A_198 = vector.broadcast %mul3A_197 : i32 to vector<16xi32>
    %mul3A_199 = arith.muli %add3A_196, %mul3A_198 : vector<16xi32>
    %scan3A = arith.constant 0 : i32
    %scan3A_200 = arith.constant 50 : i32
    %scan3A_201 = arith.addi %scan3A, %scan3A_200 : i32
    %scan3A_202 = arith.constant 1 : i32
    %scan3A_203 = scf.for %scan3A_760 = %scan3A to %scan3A_201 step %scan3A_202 iter_args(%scan3A_761 = %mul3A_3) -> (vector<16xi32>)  : i32 {
      %mul3A_762 = arith.constant 1 : i32
      %mul3A_763 = arith.muli %scan3A_760, %mul3A_762 : i32
      %add3A_764 = arith.constant 0 : i32
      %add3A_765 = arith.addi %add3A_764, %mul3A_763 : i32
      %add3A_766 = arith.addi %mul3A_13, %scan3A_761 : vector<16xi32>
      %gather3A = tpu.vector_load_idx %arg5[%add3A_766] : memref<25600xi32, #tpu.memory_space<vmem>>[vector<16xi32>], vector<16xi32>,
      %swap3A = arith.constant 0 : i32
      %swap3A_767 = arith.index_cast %add3A_765 : i32 to index
      %swap3A_768 = arith.index_cast %swap3A : i32 to index
      %swap3A_769 = arith.constant 0 : index
      %swap3A_770 = tpu.vector_load %arg6[%swap3A_767, %swap3A_768, %swap3A_769] {strides = array<i32>} : memref<50x4x128xi32, #tpu.memory_space<vmem>>, vector<16xi32>,
      tpu.vector_store %arg6[%swap3A_767, %swap3A_768, %swap3A_769], %gather3A {strides = array<i32>} : memref<50x4x128xi32, #tpu.memory_space<vmem>>, vector<16xi32>,
      %add3A_771 = arith.addi %mul3A_19, %scan3A_761 : vector<16xi32>
      %gather3A_772 = tpu.vector_load_idx %arg5[%add3A_771] : memref<25600xi32, #tpu.memory_space<vmem>>[vector<16xi32>], vector<16xi32>,
      %swap3A_773 = arith.constant 0 : i32
      %swap3A_774 = arith.index_cast %add3A_765 : i32 to index
      %swap3A_775 = arith.index_cast %swap3A_773 : i32 to index
      %swap3A_776 = arith.constant 16 : index
      %swap3A_777 = tpu.vector_load %arg6[%swap3A_774, %swap3A_775, %swap3A_776] {strides = array<i32>} : memref<50x4x128xi32, #tpu.memory_space<vmem>>, vector<16xi32>,
      tpu.vector_store %arg6[%swap3A_774, %swap3A_775, %swap3A_776], %gather3A_772 {strides = array<i32>} : memref<50x4x128xi32, #tpu.memory_space<vmem>>, vector<16xi32>,
      %add3A_778 = arith.addi %mul3A_25, %scan3A_761 : vector<16xi32>
      %gather3A_779 = tpu.vector_load_idx %arg5[%add3A_778] : memref<25600xi32, #tpu.memory_space<vmem>>[vector<16xi32>], vector<16xi32>,
      %swap3A_780 = arith.constant 0 : i32
      %swap3A_781 = arith.index_cast %add3A_765 : i32 to index
      %swap3A_782 = arith.index_cast %swap3A_780 : i32 to index
      %swap3A_783 = arith.constant 32 : index
      %swap3A_784 = tpu.vector_load %arg6[%swap3A_781, %swap3A_782, %swap3A_783] {strides = array<i32>} : memref<50x4x128xi32, #tpu.memory_space<vmem>>, vector<16xi32>,
      tpu.vector_store %arg6[%swap3A_781, %swap3A_782, %swap3A_783], %gather3A_779 {strides = array<i32>} : memref<50x4x128xi32, #tpu.memory_space<vmem>>, vector<16xi32>,
      %add3A_785 = arith.addi %mul3A_31, %scan3A_761 : vector<16xi32>
      %gather3A_786 = tpu.vector_load_idx %arg5[%add3A_785] : memref<25600xi32, #tpu.memory_space<vmem>>[vector<16xi32>], vector<16xi32>,
      %swap3A_787 = arith.constant 0 : i32
      %swap3A_788 = arith.index_cast %add3A_765 : i32 to index
      %swap3A_789 = arith.index_cast %swap3A_787 : i32 to index
      %swap3A_790 = arith.constant 48 : index
      %swap3A_791 = tpu.vector_load %arg6[%swap3A_788, %swap3A_789, %swap3A_790] {strides = array<i32>} : memref<50x4x128xi32, #tpu.memory_space<vmem>>, vector<16xi32>,
      tpu.vector_store %arg6[%swap3A_788, %swap3A_789, %swap3A_790], %gather3A_786 {strides = array<i32>} : memref<50x4x128xi32, #tpu.memory_space<vmem>>, vector<16xi32>,
      %add3A_792 = arith.addi %mul3A_37, %scan3A_761 : vector<16xi32>
      %gather3A_793 = tpu.vector_load_idx %arg5[%add3A_792] : memref<25600xi32, #tpu.memory_space<vmem>>[vector<16xi32>], vector<16xi32>,
      %swap3A_794 = arith.constant 0 : i32
      %swap3A_795 = arith.index_cast %add3A_765 : i32 to index
      %swap3A_796 = arith.index_cast %swap3A_794 : i32 to index
      %swap3A_797 = arith.constant 64 : index
      %swap3A_798 = tpu.vector_load %arg6[%swap3A_795, %swap3A_796, %swap3A_797] {strides = array<i32>} : memref<50x4x128xi32, #tpu.memory_space<vmem>>, vector<16xi32>,
      tpu.vector_store %arg6[%swap3A_795, %swap3A_796, %swap3A_797], %gather3A_793 {strides = array<i32>} : memref<50x4x128xi32, #tpu.memory_space<vmem>>, vector<16xi32>,
      %add3A_799 = arith.addi %mul3A_43, %scan3A_761 : vector<16xi32>
      %gather3A_800 = tpu.vector_load_idx %arg5[%add3A_799] : memref<25600xi32, #tpu.memory_space<vmem>>[vector<16xi32>], vector<16xi32>,
      %swap3A_801 = arith.constant 0 : i32
      %swap3A_802 = arith.index_cast %add3A_765 : i32 to index
      %swap3A_803 = arith.index_cast %swap3A_801 : i32 to index
      %swap3A_804 = arith.constant 80 : index
      %swap3A_805 = tpu.vector_load %arg6[%swap3A_802, %swap3A_803, %swap3A_804] {strides = array<i32>} : memref<50x4x128xi32, #tpu.memory_space<vmem>>, vector<16xi32>,
      tpu.vector_store %arg6[%swap3A_802, %swap3A_803, %swap3A_804], %gather3A_800 {strides = array<i32>} : memref<50x4x128xi32, #tpu.memory_space<vmem>>, vector<16xi32>,
      %add3A_806 = arith.addi %mul3A_49, %scan3A_761 : vector<16xi32>
      %gather3A_807 = tpu.vector_load_idx %arg5[%add3A_806] : memref<25600xi32, #tpu.memory_space<vmem>>[vector<16xi32>], vector<16xi32>,
      %swap3A_808 = arith.constant 0 : i32
      %swap3A_809 = arith.index_cast %add3A_765 : i32 to index
      %swap3A_810 = arith.index_cast %swap3A_808 : i32 to index
      %swap3A_811 = arith.constant 96 : index
      %swap3A_812 = tpu.vector_load %arg6[%swap3A_809, %swap3A_810, %swap3A_811] {strides = array<i32>} : memref<50x4x128xi32, #tpu.memory_space<vmem>>, vector<16xi32>,
      tpu.vector_store %arg6[%swap3A_809, %swap3A_810, %swap3A_811], %gather3A_807 {strides = array<i32>} : memref<50x4x128xi32, #tpu.memory_space<vmem>>, vector<16xi32>,
      %add3A_813 = arith.addi %mul3A_55, %scan3A_761 : vector<16xi32>
      %gather3A_814 = tpu.vector_load_idx %arg5[%add3A_813] : memref<25600xi32, #tpu.memory_space<vmem>>[vector<16xi32>], vector<16xi32>,
      %swap3A_815 = arith.constant 0 : i32
      %swap3A_816 = arith.index_cast %add3A_765 : i32 to index
      %swap3A_817 = arith.index_cast %swap3A_815 : i32 to index
      %swap3A_818 = arith.constant 112 : index
      %swap3A_819 = tpu.vector_load %arg6[%swap3A_816, %swap3A_817, %swap3A_818] {strides = array<i32>} : memref<50x4x128xi32, #tpu.memory_space<vmem>>, vector<16xi32>,
      tpu.vector_store %arg6[%swap3A_816, %swap3A_817, %swap3A_818], %gather3A_814 {strides = array<i32>} : memref<50x4x128xi32, #tpu.memory_space<vmem>>, vector<16xi32>,
      %add3A_820 = arith.addi %mul3A_61, %scan3A_761 : vector<16xi32>
      %gather3A_821 = tpu.vector_load_idx %arg5[%add3A_820] : memref<25600xi32, #tpu.memory_space<vmem>>[vector<16xi32>], vector<16xi32>,
      %swap3A_822 = arith.constant 1 : i32
      %swap3A_823 = arith.index_cast %add3A_765 : i32 to index
      %swap3A_824 = arith.index_cast %swap3A_822 : i32 to index
      %swap3A_825 = arith.constant 0 : index
      %swap3A_826 = tpu.vector_load %arg6[%swap3A_823, %swap3A_824, %swap3A_825] {strides = array<i32>} : memref<50x4x128xi32, #tpu.memory_space<vmem>>, vector<16xi32>,
      tpu.vector_store %arg6[%swap3A_823, %swap3A_824, %swap3A_825], %gather3A_821 {strides = array<i32>} : memref<50x4x128xi32, #tpu.memory_space<vmem>>, vector<16xi32>,
      %add3A_827 = arith.addi %mul3A_67, %scan3A_761 : vector<16xi32>
      %gather3A_828 = tpu.vector_load_idx %arg5[%add3A_827] : memref<25600xi32, #tpu.memory_space<vmem>>[vector<16xi32>], vector<16xi32>,
      %swap3A_829 = arith.constant 1 : i32
      %swap3A_830 = arith.index_cast %add3A_765 : i32 to index
      %swap3A_831 = arith.index_cast %swap3A_829 : i32 to index
      %swap3A_832 = arith.constant 16 : index
      %swap3A_833 = tpu.vector_load %arg6[%swap3A_830, %swap3A_831, %swap3A_832] {strides = array<i32>} : memref<50x4x128xi32, #tpu.memory_space<vmem>>, vector<16xi32>,
      tpu.vector_store %arg6[%swap3A_830, %swap3A_831, %swap3A_832], %gather3A_828 {strides = array<i32>} : memref<50x4x128xi32, #tpu.memory_space<vmem>>, vector<16xi32>,
      %add3A_834 = arith.addi %mul3A_73, %scan3A_761 : vector<16xi32>
      %gather3A_835 = tpu.vector_load_idx %arg5[%add3A_834] : memref<25600xi32, #tpu.memory_space<vmem>>[vector<16xi32>], vector<16xi32>,
      %swap3A_836 = arith.constant 1 : i32
      %swap3A_837 = arith.index_cast %add3A_765 : i32 to index
      %swap3A_838 = arith.index_cast %swap3A_836 : i32 to index
      %swap3A_839 = arith.constant 32 : index
      %swap3A_840 = tpu.vector_load %arg6[%swap3A_837, %swap3A_838, %swap3A_839] {strides = array<i32>} : memref<50x4x128xi32, #tpu.memory_space<vmem>>, vector<16xi32>,
      tpu.vector_store %arg6[%swap3A_837, %swap3A_838, %swap3A_839], %gather3A_835 {strides = array<i32>} : memref<50x4x128xi32, #tpu.memory_space<vmem>>, vector<16xi32>,
      %add3A_841 = arith.addi %mul3A_79, %scan3A_761 : vector<16xi32>
      %gather3A_842 = tpu.vector_load_idx %arg5[%add3A_841] : memref<25600xi32, #tpu.memory_space<vmem>>[vector<16xi32>], vector<16xi32>,
      %swap3A_843 = arith.constant 1 : i32
      %swap3A_844 = arith.index_cast %add3A_765 : i32 to index
      %swap3A_845 = arith.index_cast %swap3A_843 : i32 to index
      %swap3A_846 = arith.constant 48 : index
      %swap3A_847 = tpu.vector_load %arg6[%swap3A_844, %swap3A_845, %swap3A_846] {strides = array<i32>} : memref<50x4x128xi32, #tpu.memory_space<vmem>>, vector<16xi32>,
      tpu.vector_store %arg6[%swap3A_844, %swap3A_845, %swap3A_846], %gather3A_842 {strides = array<i32>} : memref<50x4x128xi32, #tpu.memory_space<vmem>>, vector<16xi32>,
      %add3A_848 = arith.addi %mul3A_85, %scan3A_761 : vector<16xi32>
      %gather3A_849 = tpu.vector_load_idx %arg5[%add3A_848] : memref<25600xi32, #tpu.memory_space<vmem>>[vector<16xi32>], vector<16xi32>,
      %swap3A_850 = arith.constant 1 : i32
      %swap3A_851 = arith.index_cast %add3A_765 : i32 to index
      %swap3A_852 = arith.index_cast %swap3A_850 : i32 to index
      %swap3A_853 = arith.constant 64 : index
      %swap3A_854 = tpu.vector_load %arg6[%swap3A_851, %swap3A_852, %swap3A_853] {strides = array<i32>} : memref<50x4x128xi32, #tpu.memory_space<vmem>>, vector<16xi32>,
      tpu.vector_store %arg6[%swap3A_851, %swap3A_852, %swap3A_853], %gather3A_849 {strides = array<i32>} : memref<50x4x128xi32, #tpu.memory_space<vmem>>, vector<16xi32>,
      %add3A_855 = arith.addi %mul3A_91, %scan3A_761 : vector<16xi32>
      %gather3A_856 = tpu.vector_load_idx %arg5[%add3A_855] : memref<25600xi32, #tpu.memory_space<vmem>>[vector<16xi32>], vector<16xi32>,
      %swap3A_857 = arith.constant 1 : i32
      %swap3A_858 = arith.index_cast %add3A_765 : i32 to index
      %swap3A_859 = arith.index_cast %swap3A_857 : i32 to index
      %swap3A_860 = arith.constant 80 : index
      %swap3A_861 = tpu.vector_load %arg6[%swap3A_858, %swap3A_859, %swap3A_860] {strides = array<i32>} : memref<50x4x128xi32, #tpu.memory_space<vmem>>, vector<16xi32>,
      tpu.vector_store %arg6[%swap3A_858, %swap3A_859, %swap3A_860], %gather3A_856 {strides = array<i32>} : memref<50x4x128xi32, #tpu.memory_space<vmem>>, vector<16xi32>,
      %add3A_862 = arith.addi %mul3A_97, %scan3A_761 : vector<16xi32>
      %gather3A_863 = tpu.vector_load_idx %arg5[%add3A_862] : memref<25600xi32, #tpu.memory_space<vmem>>[vector<16xi32>], vector<16xi32>,
      %swap3A_864 = arith.constant 1 : i32
      %swap3A_865 = arith.index_cast %add3A_765 : i32 to index
      %swap3A_866 = arith.index_cast %swap3A_864 : i32 to index
      %swap3A_867 = arith.constant 96 : index
      %swap3A_868 = tpu.vector_load %arg6[%swap3A_865, %swap3A_866, %swap3A_867] {strides = array<i32>} : memref<50x4x128xi32, #tpu.memory_space<vmem>>, vector<16xi32>,
      tpu.vector_store %arg6[%swap3A_865, %swap3A_866, %swap3A_867], %gather3A_863 {strides = array<i32>} : memref<50x4x128xi32, #tpu.memory_space<vmem>>, vector<16xi32>,
      %add3A_869 = arith.addi %mul3A_103, %scan3A_761 : vector<16xi32>
      %gather3A_870 = tpu.vector_load_idx %arg5[%add3A_869] : memref<25600xi32, #tpu.memory_space<vmem>>[vector<16xi32>], vector<16xi32>,
      %swap3A_871 = arith.constant 1 : i32
      %swap3A_872 = arith.index_cast %add3A_765 : i32 to index
      %swap3A_873 = arith.index_cast %swap3A_871 : i32 to index
      %swap3A_874 = arith.constant 112 : index
      %swap3A_875 = tpu.vector_load %arg6[%swap3A_872, %swap3A_873, %swap3A_874] {strides = array<i32>} : memref<50x4x128xi32, #tpu.memory_space<vmem>>, vector<16xi32>,
      tpu.vector_store %arg6[%swap3A_872, %swap3A_873, %swap3A_874], %gather3A_870 {strides = array<i32>} : memref<50x4x128xi32, #tpu.memory_space<vmem>>, vector<16xi32>,
      %add3A_876 = arith.addi %mul3A_109, %scan3A_761 : vector<16xi32>
      %gather3A_877 = tpu.vector_load_idx %arg5[%add3A_876] : memref<25600xi32, #tpu.memory_space<vmem>>[vector<16xi32>], vector<16xi32>,
      %swap3A_878 = arith.constant 2 : i32
      %swap3A_879 = arith.index_cast %add3A_765 : i32 to index
      %swap3A_880 = arith.index_cast %swap3A_878 : i32 to index
      %swap3A_881 = arith.constant 0 : index
      %swap3A_882 = tpu.vector_load %arg6[%swap3A_879, %swap3A_880, %swap3A_881] {strides = array<i32>} : memref<50x4x128xi32, #tpu.memory_space<vmem>>, vector<16xi32>,
      tpu.vector_store %arg6[%swap3A_879, %swap3A_880, %swap3A_881], %gather3A_877 {strides = array<i32>} : memref<50x4x128xi32, #tpu.memory_space<vmem>>, vector<16xi32>,
      %add3A_883 = arith.addi %mul3A_115, %scan3A_761 : vector<16xi32>
      %gather3A_884 = tpu.vector_load_idx %arg5[%add3A_883] : memref<25600xi32, #tpu.memory_space<vmem>>[vector<16xi32>], vector<16xi32>,
      %swap3A_885 = arith.constant 2 : i32
      %swap3A_886 = arith.index_cast %add3A_765 : i32 to index
      %swap3A_887 = arith.index_cast %swap3A_885 : i32 to index
      %swap3A_888 = arith.constant 16 : index
      %swap3A_889 = tpu.vector_load %arg6[%swap3A_886, %swap3A_887, %swap3A_888] {strides = array<i32>} : memref<50x4x128xi32, #tpu.memory_space<vmem>>, vector<16xi32>,
      tpu.vector_store %arg6[%swap3A_886, %swap3A_887, %swap3A_888], %gather3A_884 {strides = array<i32>} : memref<50x4x128xi32, #tpu.memory_space<vmem>>, vector<16xi32>,
      %add3A_890 = arith.addi %mul3A_121, %scan3A_761 : vector<16xi32>
      %gather3A_891 = tpu.vector_load_idx %arg5[%add3A_890] : memref<25600xi32, #tpu.memory_space<vmem>>[vector<16xi32>], vector<16xi32>,
      %swap3A_892 = arith.constant 2 : i32
      %swap3A_893 = arith.index_cast %add3A_765 : i32 to index
      %swap3A_894 = arith.index_cast %swap3A_892 : i32 to index
      %swap3A_895 = arith.constant 32 : index
      %swap3A_896 = tpu.vector_load %arg6[%swap3A_893, %swap3A_894, %swap3A_895] {strides = array<i32>} : memref<50x4x128xi32, #tpu.memory_space<vmem>>, vector<16xi32>,
      tpu.vector_store %arg6[%swap3A_893, %swap3A_894, %swap3A_895], %gather3A_891 {strides = array<i32>} : memref<50x4x128xi32, #tpu.memory_space<vmem>>, vector<16xi32>,
      %add3A_897 = arith.addi %mul3A_127, %scan3A_761 : vector<16xi32>
      %gather3A_898 = tpu.vector_load_idx %arg5[%add3A_897] : memref<25600xi32, #tpu.memory_space<vmem>>[vector<16xi32>], vector<16xi32>,
      %swap3A_899 = arith.constant 2 : i32
      %swap3A_900 = arith.index_cast %add3A_765 : i32 to index
      %swap3A_901 = arith.index_cast %swap3A_899 : i32 to index
      %swap3A_902 = arith.constant 48 : index
      %swap3A_903 = tpu.vector_load %arg6[%swap3A_900, %swap3A_901, %swap3A_902] {strides = array<i32>} : memref<50x4x128xi32, #tpu.memory_space<vmem>>, vector<16xi32>,
      tpu.vector_store %arg6[%swap3A_900, %swap3A_901, %swap3A_902], %gather3A_898 {strides = array<i32>} : memref<50x4x128xi32, #tpu.memory_space<vmem>>, vector<16xi32>,
      %add3A_904 = arith.addi %mul3A_133, %scan3A_761 : vector<16xi32>
      %gather3A_905 = tpu.vector_load_idx %arg5[%add3A_904] : memref<25600xi32, #tpu.memory_space<vmem>>[vector<16xi32>], vector<16xi32>,
      %swap3A_906 = arith.constant 2 : i32
      %swap3A_907 = arith.index_cast %add3A_765 : i32 to index
      %swap3A_908 = arith.index_cast %swap3A_906 : i32 to index
      %swap3A_909 = arith.constant 64 : index
      %swap3A_910 = tpu.vector_load %arg6[%swap3A_907, %swap3A_908, %swap3A_909] {strides = array<i32>} : memref<50x4x128xi32, #tpu.memory_space<vmem>>, vector<16xi32>,
      tpu.vector_store %arg6[%swap3A_907, %swap3A_908, %swap3A_909], %gather3A_905 {strides = array<i32>} : memref<50x4x128xi32, #tpu.memory_space<vmem>>, vector<16xi32>,
      %add3A_911 = arith.addi %mul3A_139, %scan3A_761 : vector<16xi32>
      %gather3A_912 = tpu.vector_load_idx %arg5[%add3A_911] : memref<25600xi32, #tpu.memory_space<vmem>>[vector<16xi32>], vector<16xi32>,
      %swap3A_913 = arith.constant 2 : i32
      %swap3A_914 = arith.index_cast %add3A_765 : i32 to index
      %swap3A_915 = arith.index_cast %swap3A_913 : i32 to index
      %swap3A_916 = arith.constant 80 : index
      %swap3A_917 = tpu.vector_load %arg6[%swap3A_914, %swap3A_915, %swap3A_916] {strides = array<i32>} : memref<50x4x128xi32, #tpu.memory_space<vmem>>, vector<16xi32>,
      tpu.vector_store %arg6[%swap3A_914, %swap3A_915, %swap3A_916], %gather3A_912 {strides = array<i32>} : memref<50x4x128xi32, #tpu.memory_space<vmem>>, vector<16xi32>,
      %add3A_918 = arith.addi %mul3A_145, %scan3A_761 : vector<16xi32>
      %gather3A_919 = tpu.vector_load_idx %arg5[%add3A_918] : memref<25600xi32, #tpu.memory_space<vmem>>[vector<16xi32>], vector<16xi32>,
      %swap3A_920 = arith.constant 2 : i32
      %swap3A_921 = arith.index_cast %add3A_765 : i32 to index
      %swap3A_922 = arith.index_cast %swap3A_920 : i32 to index
      %swap3A_923 = arith.constant 96 : index
      %swap3A_924 = tpu.vector_load %arg6[%swap3A_921, %swap3A_922, %swap3A_923] {strides = array<i32>} : memref<50x4x128xi32, #tpu.memory_space<vmem>>, vector<16xi32>,
      tpu.vector_store %arg6[%swap3A_921, %swap3A_922, %swap3A_923], %gather3A_919 {strides = array<i32>} : memref<50x4x128xi32, #tpu.memory_space<vmem>>, vector<16xi32>,
      %add3A_925 = arith.addi %mul3A_151, %scan3A_761 : vector<16xi32>
      %gather3A_926 = tpu.vector_load_idx %arg5[%add3A_925] : memref<25600xi32, #tpu.memory_space<vmem>>[vector<16xi32>], vector<16xi32>,
      %swap3A_927 = arith.constant 2 : i32
      %swap3A_928 = arith.index_cast %add3A_765 : i32 to index
      %swap3A_929 = arith.index_cast %swap3A_927 : i32 to index
      %swap3A_930 = arith.constant 112 : index
      %swap3A_931 = tpu.vector_load %arg6[%swap3A_928, %swap3A_929, %swap3A_930] {strides = array<i32>} : memref<50x4x128xi32, #tpu.memory_space<vmem>>, vector<16xi32>,
      tpu.vector_store %arg6[%swap3A_928, %swap3A_929, %swap3A_930], %gather3A_926 {strides = array<i32>} : memref<50x4x128xi32, #tpu.memory_space<vmem>>, vector<16xi32>,
      %add3A_932 = arith.addi %mul3A_157, %scan3A_761 : vector<16xi32>
      %gather3A_933 = tpu.vector_load_idx %arg5[%add3A_932] : memref<25600xi32, #tpu.memory_space<vmem>>[vector<16xi32>], vector<16xi32>,
      %swap3A_934 = arith.constant 3 : i32
      %swap3A_935 = arith.index_cast %add3A_765 : i32 to index
      %swap3A_936 = arith.index_cast %swap3A_934 : i32 to index
      %swap3A_937 = arith.constant 0 : index
      %swap3A_938 = tpu.vector_load %arg6[%swap3A_935, %swap3A_936, %swap3A_937] {strides = array<i32>} : memref<50x4x128xi32, #tpu.memory_space<vmem>>, vector<16xi32>,
      tpu.vector_store %arg6[%swap3A_935, %swap3A_936, %swap3A_937], %gather3A_933 {strides = array<i32>} : memref<50x4x128xi32, #tpu.memory_space<vmem>>, vector<16xi32>,
      %add3A_939 = arith.addi %mul3A_163, %scan3A_761 : vector<16xi32>
      %gather3A_940 = tpu.vector_load_idx %arg5[%add3A_939] : memref<25600xi32, #tpu.memory_space<vmem>>[vector<16xi32>], vector<16xi32>,
      %swap3A_941 = arith.constant 3 : i32
      %swap3A_942 = arith.index_cast %add3A_765 : i32 to index
      %swap3A_943 = arith.index_cast %swap3A_941 : i32 to index
      %swap3A_944 = arith.constant 16 : index
      %swap3A_945 = tpu.vector_load %arg6[%swap3A_942, %swap3A_943, %swap3A_944] {strides = array<i32>} : memref<50x4x128xi32, #tpu.memory_space<vmem>>, vector<16xi32>,
      tpu.vector_store %arg6[%swap3A_942, %swap3A_943, %swap3A_944], %gather3A_940 {strides = array<i32>} : memref<50x4x128xi32, #tpu.memory_space<vmem>>, vector<16xi32>,
      %add3A_946 = arith.addi %mul3A_169, %scan3A_761 : vector<16xi32>
      %gather3A_947 = tpu.vector_load_idx %arg5[%add3A_946] : memref<25600xi32, #tpu.memory_space<vmem>>[vector<16xi32>], vector<16xi32>,
      %swap3A_948 = arith.constant 3 : i32
      %swap3A_949 = arith.index_cast %add3A_765 : i32 to index
      %swap3A_950 = arith.index_cast %swap3A_948 : i32 to index
      %swap3A_951 = arith.constant 32 : index
      %swap3A_952 = tpu.vector_load %arg6[%swap3A_949, %swap3A_950, %swap3A_951] {strides = array<i32>} : memref<50x4x128xi32, #tpu.memory_space<vmem>>, vector<16xi32>,
      tpu.vector_store %arg6[%swap3A_949, %swap3A_950, %swap3A_951], %gather3A_947 {strides = array<i32>} : memref<50x4x128xi32, #tpu.memory_space<vmem>>, vector<16xi32>,
      %add3A_953 = arith.addi %mul3A_175, %scan3A_761 : vector<16xi32>
      %gather3A_954 = tpu.vector_load_idx %arg5[%add3A_953] : memref<25600xi32, #tpu.memory_space<vmem>>[vector<16xi32>], vector<16xi32>,
      %swap3A_955 = arith.constant 3 : i32
      %swap3A_956 = arith.index_cast %add3A_765 : i32 to index
      %swap3A_957 = arith.index_cast %swap3A_955 : i32 to index
      %swap3A_958 = arith.constant 48 : index
      %swap3A_959 = tpu.vector_load %arg6[%swap3A_956, %swap3A_957, %swap3A_958] {strides = array<i32>} : memref<50x4x128xi32, #tpu.memory_space<vmem>>, vector<16xi32>,
      tpu.vector_store %arg6[%swap3A_956, %swap3A_957, %swap3A_958], %gather3A_954 {strides = array<i32>} : memref<50x4x128xi32, #tpu.memory_space<vmem>>, vector<16xi32>,
      %add3A_960 = arith.addi %mul3A_181, %scan3A_761 : vector<16xi32>
      %gather3A_961 = tpu.vector_load_idx %arg5[%add3A_960] : memref<25600xi32, #tpu.memory_space<vmem>>[vector<16xi32>], vector<16xi32>,
      %swap3A_962 = arith.constant 3 : i32
      %swap3A_963 = arith.index_cast %add3A_765 : i32 to index
      %swap3A_964 = arith.index_cast %swap3A_962 : i32 to index
      %swap3A_965 = arith.constant 64 : index
      %swap3A_966 = tpu.vector_load %arg6[%swap3A_963, %swap3A_964, %swap3A_965] {strides = array<i32>} : memref<50x4x128xi32, #tpu.memory_space<vmem>>, vector<16xi32>,
      tpu.vector_store %arg6[%swap3A_963, %swap3A_964, %swap3A_965], %gather3A_961 {strides = array<i32>} : memref<50x4x128xi32, #tpu.memory_space<vmem>>, vector<16xi32>,
      %add3A_967 = arith.addi %mul3A_187, %scan3A_761 : vector<16xi32>
      %gather3A_968 = tpu.vector_load_idx %arg5[%add3A_967] : memref<25600xi32, #tpu.memory_space<vmem>>[vector<16xi32>], vector<16xi32>,
      %swap3A_969 = arith.constant 3 : i32
      %swap3A_970 = arith.index_cast %add3A_765 : i32 to index
      %swap3A_971 = arith.index_cast %swap3A_969 : i32 to index
      %swap3A_972 = arith.constant 80 : index
      %swap3A_973 = tpu.vector_load %arg6[%swap3A_970, %swap3A_971, %swap3A_972] {strides = array<i32>} : memref<50x4x128xi32, #tpu.memory_space<vmem>>, vector<16xi32>,
      tpu.vector_store %arg6[%swap3A_970, %swap3A_971, %swap3A_972], %gather3A_968 {strides = array<i32>} : memref<50x4x128xi32, #tpu.memory_space<vmem>>, vector<16xi32>,
      %add3A_974 = arith.addi %mul3A_193, %scan3A_761 : vector<16xi32>
      %gather3A_975 = tpu.vector_load_idx %arg5[%add3A_974] : memref<25600xi32, #tpu.memory_space<vmem>>[vector<16xi32>], vector<16xi32>,
      %swap3A_976 = arith.constant 3 : i32
      %swap3A_977 = arith.index_cast %add3A_765 : i32 to index
      %swap3A_978 = arith.index_cast %swap3A_976 : i32 to index
      %swap3A_979 = arith.constant 96 : index
      %swap3A_980 = tpu.vector_load %arg6[%swap3A_977, %swap3A_978, %swap3A_979] {strides = array<i32>} : memref<50x4x128xi32, #tpu.memory_space<vmem>>, vector<16xi32>,
      tpu.vector_store %arg6[%swap3A_977, %swap3A_978, %swap3A_979], %gather3A_975 {strides = array<i32>} : memref<50x4x128xi32, #tpu.memory_space<vmem>>, vector<16xi32>,
      %add3A_981 = arith.addi %mul3A_199, %scan3A_761 : vector<16xi32>
      %gather3A_982 = tpu.vector_load_idx %arg5[%add3A_981] : memref<25600xi32, #tpu.memory_space<vmem>>[vector<16xi32>], vector<16xi32>,
      %swap3A_983 = arith.constant 3 : i32
      %swap3A_984 = arith.index_cast %add3A_765 : i32 to index
      %swap3A_985 = arith.index_cast %swap3A_983 : i32 to index
      %swap3A_986 = arith.constant 112 : index
      %swap3A_987 = tpu.vector_load %arg6[%swap3A_984, %swap3A_985, %swap3A_986] {strides = array<i32>} : memref<50x4x128xi32, #tpu.memory_space<vmem>>, vector<16xi32>,
      tpu.vector_store %arg6[%swap3A_984, %swap3A_985, %swap3A_986], %gather3A_982 {strides = array<i32>} : memref<50x4x128xi32, #tpu.memory_space<vmem>>, vector<16xi32>,
      %add3A_988 = arith.constant 1 : i32
      %add3A_989 = vector.broadcast %add3A_988 : i32 to vector<16xi32>
      %add3A_990 = arith.addi %scan3A_761, %add3A_989 : vector<16xi32>
      scf.yield %add3A_990 : vector<16xi32>
    }
    %scan3A_204 = arith.constant 50 : i32
    %add3A_205 = arith.constant 0 : i32
    %add3A_206 = vector.broadcast %add3A_205 : i32 to vector<16xi32>
    %add3A_207 = arith.addi %iota3A, %add3A_206 : vector<16xi32>
    %jit3A = arith.constant 8 : i32
    %div3A = vector.broadcast %jit3A : i32 to vector<16xi32>
    %div3A_208 = arith.divsi %add3A_207, %div3A : vector<16xi32>
    %sign3A = arith.constant 0 : i32
    %sign3A_209 = vector.broadcast %sign3A : i32 to vector<16xi32>
    %sign3A_210 = arith.cmpi sgt, %add3A_207, %sign3A_209 : vector<16xi32>
    %sign3A_211 = arith.extui %sign3A_210 : vector<16xi1> to vector<16xi32>
    %sign3A_212 = arith.constant 0 : i32
    %sign3A_213 = vector.broadcast %sign3A_212 : i32 to vector<16xi32>
    %sign3A_214 = arith.cmpi slt, %add3A_207, %sign3A_213 : vector<16xi32>
    %sign3A_215 = arith.extui %sign3A_214 : vector<16xi1> to vector<16xi32>
    %sign3A_216 = arith.subi %sign3A_211, %sign3A_215 : vector<16xi32>
    %sign3A_217 = arith.constant 0 : i32
    %sign3A_218 = arith.cmpi sgt, %jit3A, %sign3A_217 : i32
    %sign3A_219 = arith.extui %sign3A_218 : i1 to i32
    %sign3A_220 = arith.constant 0 : i32
    %sign3A_221 = arith.cmpi slt, %jit3A, %sign3A_220 : i32
    %sign3A_222 = arith.extui %sign3A_221 : i1 to i32
    %sign3A_223 = arith.subi %sign3A_219, %sign3A_222 : i32
    %ne3A = vector.broadcast %sign3A_223 : i32 to vector<16xi32>
    %ne3A_224 = arith.cmpi ne, %sign3A_216, %ne3A : vector<16xi32>
    %rem3A = vector.broadcast %jit3A : i32 to vector<16xi32>
    %rem3A_225 = arith.remsi %add3A_207, %rem3A : vector<16xi32>
    %ne3A_226 = arith.constant 0 : i32
    %ne3A_227 = vector.broadcast %ne3A_226 : i32 to vector<16xi32>
    %ne3A_228 = arith.cmpi ne, %rem3A_225, %ne3A_227 : vector<16xi32>
    %and3A = arith.andi %ne3A_224, %ne3A_228 : vector<16xi1>
    %sub3A = arith.constant 1 : i32
    %sub3A_229 = vector.broadcast %sub3A : i32 to vector<16xi32>
    %sub3A_230 = arith.subi %div3A_208, %sub3A_229 : vector<16xi32>
    %select_n3A = arith.select %and3A, %sub3A_230, %div3A_208 : vector<16xi1>, vector<16xi32>
    %add3A_231 = arith.constant 16 : i32
    %add3A_232 = vector.broadcast %add3A_231 : i32 to vector<16xi32>
    %add3A_233 = arith.addi %iota3A, %add3A_232 : vector<16xi32>
    %jit3A_234 = arith.constant 8 : i32
    %div3A_235 = vector.broadcast %jit3A_234 : i32 to vector<16xi32>
    %div3A_236 = arith.divsi %add3A_233, %div3A_235 : vector<16xi32>
    %sign3A_237 = arith.constant 0 : i32
    %sign3A_238 = vector.broadcast %sign3A_237 : i32 to vector<16xi32>
    %sign3A_239 = arith.cmpi sgt, %add3A_233, %sign3A_238 : vector<16xi32>
    %sign3A_240 = arith.extui %sign3A_239 : vector<16xi1> to vector<16xi32>
    %sign3A_241 = arith.constant 0 : i32
    %sign3A_242 = vector.broadcast %sign3A_241 : i32 to vector<16xi32>
    %sign3A_243 = arith.cmpi slt, %add3A_233, %sign3A_242 : vector<16xi32>
    %sign3A_244 = arith.extui %sign3A_243 : vector<16xi1> to vector<16xi32>
    %sign3A_245 = arith.subi %sign3A_240, %sign3A_244 : vector<16xi32>
    %sign3A_246 = arith.constant 0 : i32
    %sign3A_247 = arith.cmpi sgt, %jit3A_234, %sign3A_246 : i32
    %sign3A_248 = arith.extui %sign3A_247 : i1 to i32
    %sign3A_249 = arith.constant 0 : i32
    %sign3A_250 = arith.cmpi slt, %jit3A_234, %sign3A_249 : i32
    %sign3A_251 = arith.extui %sign3A_250 : i1 to i32
    %sign3A_252 = arith.subi %sign3A_248, %sign3A_251 : i32
    %ne3A_253 = vector.broadcast %sign3A_252 : i32 to vector<16xi32>
    %ne3A_254 = arith.cmpi ne, %sign3A_245, %ne3A_253 : vector<16xi32>
    %rem3A_255 = vector.broadcast %jit3A_234 : i32 to vector<16xi32>
    %rem3A_256 = arith.remsi %add3A_233, %rem3A_255 : vector<16xi32>
    %ne3A_257 = arith.constant 0 : i32
    %ne3A_258 = vector.broadcast %ne3A_257 : i32 to vector<16xi32>
    %ne3A_259 = arith.cmpi ne, %rem3A_256, %ne3A_258 : vector<16xi32>
    %and3A_260 = arith.andi %ne3A_254, %ne3A_259 : vector<16xi1>
    %sub3A_261 = arith.constant 1 : i32
    %sub3A_262 = vector.broadcast %sub3A_261 : i32 to vector<16xi32>
    %sub3A_263 = arith.subi %div3A_236, %sub3A_262 : vector<16xi32>
    %select_n3A_264 = arith.select %and3A_260, %sub3A_263, %div3A_236 : vector<16xi1>, vector<16xi32>
    %add3A_265 = arith.constant 32 : i32
    %add3A_266 = vector.broadcast %add3A_265 : i32 to vector<16xi32>
    %add3A_267 = arith.addi %iota3A, %add3A_266 : vector<16xi32>
    %jit3A_268 = arith.constant 8 : i32
    %div3A_269 = vector.broadcast %jit3A_268 : i32 to vector<16xi32>
    %div3A_270 = arith.divsi %add3A_267, %div3A_269 : vector<16xi32>
    %sign3A_271 = arith.constant 0 : i32
    %sign3A_272 = vector.broadcast %sign3A_271 : i32 to vector<16xi32>
    %sign3A_273 = arith.cmpi sgt, %add3A_267, %sign3A_272 : vector<16xi32>
    %sign3A_274 = arith.extui %sign3A_273 : vector<16xi1> to vector<16xi32>
    %sign3A_275 = arith.constant 0 : i32
    %sign3A_276 = vector.broadcast %sign3A_275 : i32 to vector<16xi32>
    %sign3A_277 = arith.cmpi slt, %add3A_267, %sign3A_276 : vector<16xi32>
    %sign3A_278 = arith.extui %sign3A_277 : vector<16xi1> to vector<16xi32>
    %sign3A_279 = arith.subi %sign3A_274, %sign3A_278 : vector<16xi32>
    %sign3A_280 = arith.constant 0 : i32
    %sign3A_281 = arith.cmpi sgt, %jit3A_268, %sign3A_280 : i32
    %sign3A_282 = arith.extui %sign3A_281 : i1 to i32
    %sign3A_283 = arith.constant 0 : i32
    %sign3A_284 = arith.cmpi slt, %jit3A_268, %sign3A_283 : i32
    %sign3A_285 = arith.extui %sign3A_284 : i1 to i32
    %sign3A_286 = arith.subi %sign3A_282, %sign3A_285 : i32
    %ne3A_287 = vector.broadcast %sign3A_286 : i32 to vector<16xi32>
    %ne3A_288 = arith.cmpi ne, %sign3A_279, %ne3A_287 : vector<16xi32>
    %rem3A_289 = vector.broadcast %jit3A_268 : i32 to vector<16xi32>
    %rem3A_290 = arith.remsi %add3A_267, %rem3A_289 : vector<16xi32>
    %ne3A_291 = arith.constant 0 : i32
    %ne3A_292 = vector.broadcast %ne3A_291 : i32 to vector<16xi32>
    %ne3A_293 = arith.cmpi ne, %rem3A_290, %ne3A_292 : vector<16xi32>
    %and3A_294 = arith.andi %ne3A_288, %ne3A_293 : vector<16xi1>
    %sub3A_295 = arith.constant 1 : i32
    %sub3A_296 = vector.broadcast %sub3A_295 : i32 to vector<16xi32>
    %sub3A_297 = arith.subi %div3A_270, %sub3A_296 : vector<16xi32>
    %select_n3A_298 = arith.select %and3A_294, %sub3A_297, %div3A_270 : vector<16xi1>, vector<16xi32>
    %add3A_299 = arith.constant 48 : i32
    %add3A_300 = vector.broadcast %add3A_299 : i32 to vector<16xi32>
    %add3A_301 = arith.addi %iota3A, %add3A_300 : vector<16xi32>
    %jit3A_302 = arith.constant 8 : i32
    %div3A_303 = vector.broadcast %jit3A_302 : i32 to vector<16xi32>
    %div3A_304 = arith.divsi %add3A_301, %div3A_303 : vector<16xi32>
    %sign3A_305 = arith.constant 0 : i32
    %sign3A_306 = vector.broadcast %sign3A_305 : i32 to vector<16xi32>
    %sign3A_307 = arith.cmpi sgt, %add3A_301, %sign3A_306 : vector<16xi32>
    %sign3A_308 = arith.extui %sign3A_307 : vector<16xi1> to vector<16xi32>
    %sign3A_309 = arith.constant 0 : i32
    %sign3A_310 = vector.broadcast %sign3A_309 : i32 to vector<16xi32>
    %sign3A_311 = arith.cmpi slt, %add3A_301, %sign3A_310 : vector<16xi32>
    %sign3A_312 = arith.extui %sign3A_311 : vector<16xi1> to vector<16xi32>
    %sign3A_313 = arith.subi %sign3A_308, %sign3A_312 : vector<16xi32>
    %sign3A_314 = arith.constant 0 : i32
    %sign3A_315 = arith.cmpi sgt, %jit3A_302, %sign3A_314 : i32
    %sign3A_316 = arith.extui %sign3A_315 : i1 to i32
    %sign3A_317 = arith.constant 0 : i32
    %sign3A_318 = arith.cmpi slt, %jit3A_302, %sign3A_317 : i32
    %sign3A_319 = arith.extui %sign3A_318 : i1 to i32
    %sign3A_320 = arith.subi %sign3A_316, %sign3A_319 : i32
    %ne3A_321 = vector.broadcast %sign3A_320 : i32 to vector<16xi32>
    %ne3A_322 = arith.cmpi ne, %sign3A_313, %ne3A_321 : vector<16xi32>
    %rem3A_323 = vector.broadcast %jit3A_302 : i32 to vector<16xi32>
    %rem3A_324 = arith.remsi %add3A_301, %rem3A_323 : vector<16xi32>
    %ne3A_325 = arith.constant 0 : i32
    %ne3A_326 = vector.broadcast %ne3A_325 : i32 to vector<16xi32>
    %ne3A_327 = arith.cmpi ne, %rem3A_324, %ne3A_326 : vector<16xi32>
    %and3A_328 = arith.andi %ne3A_322, %ne3A_327 : vector<16xi1>
    %sub3A_329 = arith.constant 1 : i32
    %sub3A_330 = vector.broadcast %sub3A_329 : i32 to vector<16xi32>
    %sub3A_331 = arith.subi %div3A_304, %sub3A_330 : vector<16xi32>
    %select_n3A_332 = arith.select %and3A_328, %sub3A_331, %div3A_304 : vector<16xi1>, vector<16xi32>
    %add3A_333 = arith.constant 0 : i32
    %add3A_334 = vector.broadcast %add3A_333 : i32 to vector<16xi32>
    %add3A_335 = arith.addi %iota3A, %add3A_334 : vector<16xi32>
    %jit3A_336 = arith.constant 8 : i32
    %eq3A = arith.constant 0 : i32
    %eq3A_337 = arith.cmpi eq, %jit3A_336, %eq3A : i32
    %jit3A_338 = arith.constant 1 : i32
    %select_n3A_339 = arith.select %eq3A_337, %jit3A_338, %jit3A_336 : i32
    %rem3A_340 = vector.broadcast %select_n3A_339 : i32 to vector<16xi32>
    %rem3A_341 = arith.remsi %add3A_335, %rem3A_340 : vector<16xi32>
    %ne3A_342 = arith.constant 0 : i32
    %ne3A_343 = vector.broadcast %ne3A_342 : i32 to vector<16xi32>
    %ne3A_344 = arith.cmpi ne, %rem3A_341, %ne3A_343 : vector<16xi32>
    %lt3A = arith.constant 0 : i32
    %lt3A_345 = vector.broadcast %lt3A : i32 to vector<16xi32>
    %lt3A_346 = arith.cmpi slt, %rem3A_341, %lt3A_345 : vector<16xi32>
    %lt3A_347 = arith.constant 0 : i32
    %lt3A_348 = arith.cmpi slt, %select_n3A_339, %lt3A_347 : i32
    %ne3A_349 = vector.broadcast %lt3A_348 : i1 to vector<16xi1>
    %ne3A_350 = vector.broadcast %ne3A_349 : vector<16xi1> to vector<16xi1>
    %ne3A_351 = arith.xori %lt3A_346, %ne3A_350 : vector<16xi1>
    %and3A_352 = arith.andi %ne3A_351, %ne3A_344 : vector<16xi1>
    %add3A_353 = vector.broadcast %select_n3A_339 : i32 to vector<16xi32>
    %add3A_354 = arith.addi %rem3A_341, %add3A_353 : vector<16xi32>
    %select_n3A_355 = arith.select %and3A_352, %add3A_354, %rem3A_341 : vector<16xi1>, vector<16xi32>
    %add3A_356 = arith.constant 16 : i32
    %add3A_357 = vector.broadcast %add3A_356 : i32 to vector<16xi32>
    %add3A_358 = arith.addi %iota3A, %add3A_357 : vector<16xi32>
    %jit3A_359 = arith.constant 8 : i32
    %eq3A_360 = arith.constant 0 : i32
    %eq3A_361 = arith.cmpi eq, %jit3A_359, %eq3A_360 : i32
    %jit3A_362 = arith.constant 1 : i32
    %select_n3A_363 = arith.select %eq3A_361, %jit3A_362, %jit3A_359 : i32
    %rem3A_364 = vector.broadcast %select_n3A_363 : i32 to vector<16xi32>
    %rem3A_365 = arith.remsi %add3A_358, %rem3A_364 : vector<16xi32>
    %ne3A_366 = arith.constant 0 : i32
    %ne3A_367 = vector.broadcast %ne3A_366 : i32 to vector<16xi32>
    %ne3A_368 = arith.cmpi ne, %rem3A_365, %ne3A_367 : vector<16xi32>
    %lt3A_369 = arith.constant 0 : i32
    %lt3A_370 = vector.broadcast %lt3A_369 : i32 to vector<16xi32>
    %lt3A_371 = arith.cmpi slt, %rem3A_365, %lt3A_370 : vector<16xi32>
    %lt3A_372 = arith.constant 0 : i32
    %lt3A_373 = arith.cmpi slt, %select_n3A_363, %lt3A_372 : i32
    %ne3A_374 = vector.broadcast %lt3A_373 : i1 to vector<16xi1>
    %ne3A_375 = vector.broadcast %ne3A_374 : vector<16xi1> to vector<16xi1>
    %ne3A_376 = arith.xori %lt3A_371, %ne3A_375 : vector<16xi1>
    %and3A_377 = arith.andi %ne3A_376, %ne3A_368 : vector<16xi1>
    %add3A_378 = vector.broadcast %select_n3A_363 : i32 to vector<16xi32>
    %add3A_379 = arith.addi %rem3A_365, %add3A_378 : vector<16xi32>
    %select_n3A_380 = arith.select %and3A_377, %add3A_379, %rem3A_365 : vector<16xi1>, vector<16xi32>
    %add3A_381 = arith.constant 32 : i32
    %add3A_382 = vector.broadcast %add3A_381 : i32 to vector<16xi32>
    %add3A_383 = arith.addi %iota3A, %add3A_382 : vector<16xi32>
    %jit3A_384 = arith.constant 8 : i32
    %eq3A_385 = arith.constant 0 : i32
    %eq3A_386 = arith.cmpi eq, %jit3A_384, %eq3A_385 : i32
    %jit3A_387 = arith.constant 1 : i32
    %select_n3A_388 = arith.select %eq3A_386, %jit3A_387, %jit3A_384 : i32
    %rem3A_389 = vector.broadcast %select_n3A_388 : i32 to vector<16xi32>
    %rem3A_390 = arith.remsi %add3A_383, %rem3A_389 : vector<16xi32>
    %ne3A_391 = arith.constant 0 : i32
    %ne3A_392 = vector.broadcast %ne3A_391 : i32 to vector<16xi32>
    %ne3A_393 = arith.cmpi ne, %rem3A_390, %ne3A_392 : vector<16xi32>
    %lt3A_394 = arith.constant 0 : i32
    %lt3A_395 = vector.broadcast %lt3A_394 : i32 to vector<16xi32>
    %lt3A_396 = arith.cmpi slt, %rem3A_390, %lt3A_395 : vector<16xi32>
    %lt3A_397 = arith.constant 0 : i32
    %lt3A_398 = arith.cmpi slt, %select_n3A_388, %lt3A_397 : i32
    %ne3A_399 = vector.broadcast %lt3A_398 : i1 to vector<16xi1>
    %ne3A_400 = vector.broadcast %ne3A_399 : vector<16xi1> to vector<16xi1>
    %ne3A_401 = arith.xori %lt3A_396, %ne3A_400 : vector<16xi1>
    %and3A_402 = arith.andi %ne3A_401, %ne3A_393 : vector<16xi1>
    %add3A_403 = vector.broadcast %select_n3A_388 : i32 to vector<16xi32>
    %add3A_404 = arith.addi %rem3A_390, %add3A_403 : vector<16xi32>
    %select_n3A_405 = arith.select %and3A_402, %add3A_404, %rem3A_390 : vector<16xi1>, vector<16xi32>
    %add3A_406 = arith.constant 48 : i32
    %add3A_407 = vector.broadcast %add3A_406 : i32 to vector<16xi32>
    %add3A_408 = arith.addi %iota3A, %add3A_407 : vector<16xi32>
    %jit3A_409 = arith.constant 8 : i32
    %eq3A_410 = arith.constant 0 : i32
    %eq3A_411 = arith.cmpi eq, %jit3A_409, %eq3A_410 : i32
    %jit3A_412 = arith.constant 1 : i32
    %select_n3A_413 = arith.select %eq3A_411, %jit3A_412, %jit3A_409 : i32
    %rem3A_414 = vector.broadcast %select_n3A_413 : i32 to vector<16xi32>
    %rem3A_415 = arith.remsi %add3A_408, %rem3A_414 : vector<16xi32>
    %ne3A_416 = arith.constant 0 : i32
    %ne3A_417 = vector.broadcast %ne3A_416 : i32 to vector<16xi32>
    %ne3A_418 = arith.cmpi ne, %rem3A_415, %ne3A_417 : vector<16xi32>
    %lt3A_419 = arith.constant 0 : i32
    %lt3A_420 = vector.broadcast %lt3A_419 : i32 to vector<16xi32>
    %lt3A_421 = arith.cmpi slt, %rem3A_415, %lt3A_420 : vector<16xi32>
    %lt3A_422 = arith.constant 0 : i32
    %lt3A_423 = arith.cmpi slt, %select_n3A_413, %lt3A_422 : i32
    %ne3A_424 = vector.broadcast %lt3A_423 : i1 to vector<16xi1>
    %ne3A_425 = vector.broadcast %ne3A_424 : vector<16xi1> to vector<16xi1>
    %ne3A_426 = arith.xori %lt3A_421, %ne3A_425 : vector<16xi1>
    %and3A_427 = arith.andi %ne3A_426, %ne3A_418 : vector<16xi1>
    %add3A_428 = vector.broadcast %select_n3A_413 : i32 to vector<16xi32>
    %add3A_429 = arith.addi %rem3A_415, %add3A_428 : vector<16xi32>
    %select_n3A_430 = arith.select %and3A_427, %add3A_429, %rem3A_415 : vector<16xi1>, vector<16xi32>
    %dma_start3A_431 = arith.constant 0 : i32
    %dma_start3A_432 = arith.constant 0 : i32
    %dma_start3A_433 = arith.constant 0 : i32
    %dma_start3A_434 = tpu.memref_slice %arg6[%dma_start3A_431, %dma_start3A_432, %dma_start3A_433] : memref<50x4x128xi32, #tpu.memory_space<vmem>> -> memref<1x1x128xi32, #tpu.memory_space<vmem>>
    %dma_start3A_435 = tpu.memref_squeeze %dma_start3A_434 : memref<1x1x128xi32, #tpu.memory_space<vmem>> -> memref<128xi32, #tpu.memory_space<vmem>>
    %dma_start3A_436 = arith.constant 0 : i32
    %dma_start3A_437 = arith.constant 0 : i32
    %dma_start3A_438 = tpu.memref_slice %arg3[%dma_start3A_436, %dma_start3A_437] : memref<1000000x64xf32, #tpu.memory_space<hbm>> -> memref<1000000x64xf32, #tpu.memory_space<hbm>>
    tpu.enqueue_indirect_dma source(%dma_start3A_438 : memref<1000000x64xf32, #tpu.memory_space<hbm>>) target(%arg7 : memref<128x64xf32, #tpu.memory_space<vmem>>) offsets(%dma_start3A_435 : memref<128xi32, #tpu.memory_space<vmem>>) semaphore(%arg15 : memref<!tpu.dma_semaphore, #tpu.memory_space<semaphore_mem>>)
    %dma_start3A_439 = arith.constant 0 : i32
    %dma_start3A_440 = arith.constant 1 : i32
    %dma_start3A_441 = arith.constant 0 : i32
    %dma_start3A_442 = tpu.memref_slice %arg6[%dma_start3A_439, %dma_start3A_440, %dma_start3A_441] : memref<50x4x128xi32, #tpu.memory_space<vmem>> -> memref<1x1x128xi32, #tpu.memory_space<vmem>>
    %dma_start3A_443 = tpu.memref_squeeze %dma_start3A_442 : memref<1x1x128xi32, #tpu.memory_space<vmem>> -> memref<128xi32, #tpu.memory_space<vmem>>
    %dma_start3A_444 = arith.constant 0 : i32
    %dma_start3A_445 = arith.constant 0 : i32
    %dma_start3A_446 = tpu.memref_slice %arg3[%dma_start3A_444, %dma_start3A_445] : memref<1000000x64xf32, #tpu.memory_space<hbm>> -> memref<1000000x64xf32, #tpu.memory_space<hbm>>
    tpu.enqueue_indirect_dma source(%dma_start3A_446 : memref<1000000x64xf32, #tpu.memory_space<hbm>>) target(%arg8 : memref<128x64xf32, #tpu.memory_space<vmem>>) offsets(%dma_start3A_443 : memref<128xi32, #tpu.memory_space<vmem>>) semaphore(%arg16 : memref<!tpu.dma_semaphore, #tpu.memory_space<semaphore_mem>>)
    %dma_start3A_447 = arith.constant 0 : i32
    %dma_start3A_448 = arith.constant 2 : i32
    %dma_start3A_449 = arith.constant 0 : i32
    %dma_start3A_450 = tpu.memref_slice %arg6[%dma_start3A_447, %dma_start3A_448, %dma_start3A_449] : memref<50x4x128xi32, #tpu.memory_space<vmem>> -> memref<1x1x128xi32, #tpu.memory_space<vmem>>
    %dma_start3A_451 = tpu.memref_squeeze %dma_start3A_450 : memref<1x1x128xi32, #tpu.memory_space<vmem>> -> memref<128xi32, #tpu.memory_space<vmem>>
    %dma_start3A_452 = arith.constant 0 : i32
    %dma_start3A_453 = arith.constant 0 : i32
    %dma_start3A_454 = tpu.memref_slice %arg3[%dma_start3A_452, %dma_start3A_453] : memref<1000000x64xf32, #tpu.memory_space<hbm>> -> memref<1000000x64xf32, #tpu.memory_space<hbm>>
    tpu.enqueue_indirect_dma source(%dma_start3A_454 : memref<1000000x64xf32, #tpu.memory_space<hbm>>) target(%arg9 : memref<128x64xf32, #tpu.memory_space<vmem>>) offsets(%dma_start3A_451 : memref<128xi32, #tpu.memory_space<vmem>>) semaphore(%arg17 : memref<!tpu.dma_semaphore, #tpu.memory_space<semaphore_mem>>)
    %dma_start3A_455 = arith.constant 0 : i32
    %dma_start3A_456 = arith.constant 3 : i32
    %dma_start3A_457 = arith.constant 0 : i32
    %dma_start3A_458 = tpu.memref_slice %arg6[%dma_start3A_455, %dma_start3A_456, %dma_start3A_457] : memref<50x4x128xi32, #tpu.memory_space<vmem>> -> memref<1x1x128xi32, #tpu.memory_space<vmem>>
    %dma_start3A_459 = tpu.memref_squeeze %dma_start3A_458 : memref<1x1x128xi32, #tpu.memory_space<vmem>> -> memref<128xi32, #tpu.memory_space<vmem>>
    %dma_start3A_460 = arith.constant 0 : i32
    %dma_start3A_461 = arith.constant 0 : i32
    %dma_start3A_462 = tpu.memref_slice %arg3[%dma_start3A_460, %dma_start3A_461] : memref<1000000x64xf32, #tpu.memory_space<hbm>> -> memref<1000000x64xf32, #tpu.memory_space<hbm>>
    tpu.enqueue_indirect_dma source(%dma_start3A_462 : memref<1000000x64xf32, #tpu.memory_space<hbm>>) target(%arg10 : memref<128x64xf32, #tpu.memory_space<vmem>>) offsets(%dma_start3A_459 : memref<128xi32, #tpu.memory_space<vmem>>) semaphore(%arg18 : memref<!tpu.dma_semaphore, #tpu.memory_space<semaphore_mem>>)
    %dma_wait3A_463 = arith.constant 0 : i32
    %dma_wait3A_464 = arith.constant 0 : i32
    %dma_wait3A_465 = arith.constant 0 : i32
    %dma_wait3A_466 = tpu.memref_slice %arg6[%dma_wait3A_463, %dma_wait3A_464, %dma_wait3A_465] : memref<50x4x128xi32, #tpu.memory_space<vmem>> -> memref<1x1x128xi32, #tpu.memory_space<vmem>>
    %dma_wait3A_467 = tpu.memref_squeeze %dma_wait3A_466 : memref<1x1x128xi32, #tpu.memory_space<vmem>> -> memref<128xi32, #tpu.memory_space<vmem>>
    %dma_wait3A_468 = arith.constant 0 : i32
    %dma_wait3A_469 = arith.constant 0 : i32
    %dma_wait3A_470 = tpu.memref_slice %arg3[%dma_wait3A_468, %dma_wait3A_469] : memref<1000000x64xf32, #tpu.memory_space<hbm>> -> memref<1000000x64xf32, #tpu.memory_space<hbm>>
    tpu.wait_indirect_dma semaphore(%arg15 : memref<!tpu.dma_semaphore, #tpu.memory_space<semaphore_mem>>) src(%dma_wait3A_470 : memref<1000000x64xf32, #tpu.memory_space<hbm>>) dst(%arg7 : memref<128x64xf32, #tpu.memory_space<vmem>>)
    %scan3A_471 = arith.constant 0 : i32
    %scan3A_472 = arith.constant 32 : i32
    %scan3A_473 = arith.addi %scan3A_471, %scan3A_472 : i32
    %scan3A_474 = arith.constant 1 : i32
    %scan3A_475 = scf.for %scan3A_760 = %scan3A_471 to %scan3A_473 step %scan3A_474 iter_args(%scan3A_761 = %mul3A_3) -> (vector<16xi32>)  : i32 {
      %mul3A_762 = arith.constant 4 : i32
      %mul3A_763 = arith.muli %scan3A_760, %mul3A_762 : i32
      %add3A_764 = arith.constant 0 : i32
      %add3A_765 = arith.addi %add3A_764, %mul3A_763 : i32
      %add3A_766 = arith.constant 0 : i32
      %add3A_767 = arith.addi %add3A_765, %add3A_766 : i32
      %get3A = arith.index_cast %add3A_767 : i32 to index
      %get3A_768 = arith.constant 0 : index
      %get3A_769 = tpu.vector_load %arg7[%get3A, %get3A_768] {strides = array<i32>} : memref<128x64xf32, #tpu.memory_space<vmem>>, vector<16xf32>,
      %add3A_770 = arith.constant 0 : i32
      %add3A_771 = arith.addi %add3A_765, %add3A_770 : i32
      %get3A_772 = arith.index_cast %add3A_771 : i32 to index
      %get3A_773 = arith.constant 16 : index
      %get3A_774 = tpu.vector_load %arg7[%get3A_772, %get3A_773] {strides = array<i32>} : memref<128x64xf32, #tpu.memory_space<vmem>>, vector<16xf32>,
      %add3A_775 = arith.constant 0 : i32
      %add3A_776 = arith.addi %add3A_765, %add3A_775 : i32
      %get3A_777 = arith.index_cast %add3A_776 : i32 to index
      %get3A_778 = arith.constant 32 : index
      %get3A_779 = tpu.vector_load %arg7[%get3A_777, %get3A_778] {strides = array<i32>} : memref<128x64xf32, #tpu.memory_space<vmem>>, vector<16xf32>,
      %add3A_780 = arith.constant 0 : i32
      %add3A_781 = arith.addi %add3A_765, %add3A_780 : i32
      %get3A_782 = arith.index_cast %add3A_781 : i32 to index
      %get3A_783 = arith.constant 48 : index
      %get3A_784 = tpu.vector_load %arg7[%get3A_782, %get3A_783] {strides = array<i32>} : memref<128x64xf32, #tpu.memory_space<vmem>>, vector<16xf32>,
      %add3A_785 = arith.constant 1 : i32
      %add3A_786 = arith.addi %add3A_765, %add3A_785 : i32
      %get3A_787 = arith.index_cast %add3A_786 : i32 to index
      %get3A_788 = arith.constant 0 : index
      %get3A_789 = tpu.vector_load %arg7[%get3A_787, %get3A_788] {strides = array<i32>} : memref<128x64xf32, #tpu.memory_space<vmem>>, vector<16xf32>,
      %add3A_790 = arith.constant 1 : i32
      %add3A_791 = arith.addi %add3A_765, %add3A_790 : i32
      %get3A_792 = arith.index_cast %add3A_791 : i32 to index
      %get3A_793 = arith.constant 16 : index
      %get3A_794 = tpu.vector_load %arg7[%get3A_792, %get3A_793] {strides = array<i32>} : memref<128x64xf32, #tpu.memory_space<vmem>>, vector<16xf32>,
      %add3A_795 = arith.constant 1 : i32
      %add3A_796 = arith.addi %add3A_765, %add3A_795 : i32
      %get3A_797 = arith.index_cast %add3A_796 : i32 to index
      %get3A_798 = arith.constant 32 : index
      %get3A_799 = tpu.vector_load %arg7[%get3A_797, %get3A_798] {strides = array<i32>} : memref<128x64xf32, #tpu.memory_space<vmem>>, vector<16xf32>,
      %add3A_800 = arith.constant 1 : i32
      %add3A_801 = arith.addi %add3A_765, %add3A_800 : i32
      %get3A_802 = arith.index_cast %add3A_801 : i32 to index
      %get3A_803 = arith.constant 48 : index
      %get3A_804 = tpu.vector_load %arg7[%get3A_802, %get3A_803] {strides = array<i32>} : memref<128x64xf32, #tpu.memory_space<vmem>>, vector<16xf32>,
      %add3A_805 = arith.constant 2 : i32
      %add3A_806 = arith.addi %add3A_765, %add3A_805 : i32
      %get3A_807 = arith.index_cast %add3A_806 : i32 to index
      %get3A_808 = arith.constant 0 : index
      %get3A_809 = tpu.vector_load %arg7[%get3A_807, %get3A_808] {strides = array<i32>} : memref<128x64xf32, #tpu.memory_space<vmem>>, vector<16xf32>,
      %add3A_810 = arith.constant 2 : i32
      %add3A_811 = arith.addi %add3A_765, %add3A_810 : i32
      %get3A_812 = arith.index_cast %add3A_811 : i32 to index
      %get3A_813 = arith.constant 16 : index
      %get3A_814 = tpu.vector_load %arg7[%get3A_812, %get3A_813] {strides = array<i32>} : memref<128x64xf32, #tpu.memory_space<vmem>>, vector<16xf32>,
      %add3A_815 = arith.constant 2 : i32
      %add3A_816 = arith.addi %add3A_765, %add3A_815 : i32
      %get3A_817 = arith.index_cast %add3A_816 : i32 to index
      %get3A_818 = arith.constant 32 : index
      %get3A_819 = tpu.vector_load %arg7[%get3A_817, %get3A_818] {strides = array<i32>} : memref<128x64xf32, #tpu.memory_space<vmem>>, vector<16xf32>,
      %add3A_820 = arith.constant 2 : i32
      %add3A_821 = arith.addi %add3A_765, %add3A_820 : i32
      %get3A_822 = arith.index_cast %add3A_821 : i32 to index
      %get3A_823 = arith.constant 48 : index
      %get3A_824 = tpu.vector_load %arg7[%get3A_822, %get3A_823] {strides = array<i32>} : memref<128x64xf32, #tpu.memory_space<vmem>>, vector<16xf32>,
      %add3A_825 = arith.constant 3 : i32
      %add3A_826 = arith.addi %add3A_765, %add3A_825 : i32
      %get3A_827 = arith.index_cast %add3A_826 : i32 to index
      %get3A_828 = arith.constant 0 : index
      %get3A_829 = tpu.vector_load %arg7[%get3A_827, %get3A_828] {strides = array<i32>} : memref<128x64xf32, #tpu.memory_space<vmem>>, vector<16xf32>,
      %add3A_830 = arith.constant 3 : i32
      %add3A_831 = arith.addi %add3A_765, %add3A_830 : i32
      %get3A_832 = arith.index_cast %add3A_831 : i32 to index
      %get3A_833 = arith.constant 16 : index
      %get3A_834 = tpu.vector_load %arg7[%get3A_832, %get3A_833] {strides = array<i32>} : memref<128x64xf32, #tpu.memory_space<vmem>>, vector<16xf32>,
      %add3A_835 = arith.constant 3 : i32
      %add3A_836 = arith.addi %add3A_765, %add3A_835 : i32
      %get3A_837 = arith.index_cast %add3A_836 : i32 to index
      %get3A_838 = arith.constant 32 : index
      %get3A_839 = tpu.vector_load %arg7[%get3A_837, %get3A_838] {strides = array<i32>} : memref<128x64xf32, #tpu.memory_space<vmem>>, vector<16xf32>,
      %add3A_840 = arith.constant 3 : i32
      %add3A_841 = arith.addi %add3A_765, %add3A_840 : i32
      %get3A_842 = arith.index_cast %add3A_841 : i32 to index
      %get3A_843 = arith.constant 48 : index
      %get3A_844 = tpu.vector_load %arg7[%get3A_842, %get3A_843] {strides = array<i32>} : memref<128x64xf32, #tpu.memory_space<vmem>>, vector<16xf32>,
      %add3A_845 = arith.constant 0 : i32
      %add3A_846 = vector.broadcast %add3A_845 : i32 to vector<16xi32>
      %add3A_847 = arith.addi %scan3A_761, %add3A_846 : vector<16xi32>
      tpu.vector_store_idx %arg11[%select_n3A, %select_n3A_355, %add3A_847], %get3A_769 : memref<8x8x129xf32, #tpu.memory_space<vmem>>[vector<16xi32>, vector<16xi32>, vector<16xi32>], vector<16xf32>,
      %add3A_848 = arith.constant 0 : i32
      %add3A_849 = vector.broadcast %add3A_848 : i32 to vector<16xi32>
      %add3A_850 = arith.addi %scan3A_761, %add3A_849 : vector<16xi32>
      tpu.vector_store_idx %arg11[%select_n3A_264, %select_n3A_380, %add3A_850], %get3A_774 : memref<8x8x129xf32, #tpu.memory_space<vmem>>[vector<16xi32>, vector<16xi32>, vector<16xi32>], vector<16xf32>,
      %add3A_851 = arith.constant 0 : i32
      %add3A_852 = vector.broadcast %add3A_851 : i32 to vector<16xi32>
      %add3A_853 = arith.addi %scan3A_761, %add3A_852 : vector<16xi32>
      tpu.vector_store_idx %arg11[%select_n3A_298, %select_n3A_405, %add3A_853], %get3A_779 : memref<8x8x129xf32, #tpu.memory_space<vmem>>[vector<16xi32>, vector<16xi32>, vector<16xi32>], vector<16xf32>,
      %add3A_854 = arith.constant 0 : i32
      %add3A_855 = vector.broadcast %add3A_854 : i32 to vector<16xi32>
      %add3A_856 = arith.addi %scan3A_761, %add3A_855 : vector<16xi32>
      tpu.vector_store_idx %arg11[%select_n3A_332, %select_n3A_430, %add3A_856], %get3A_784 : memref<8x8x129xf32, #tpu.memory_space<vmem>>[vector<16xi32>, vector<16xi32>, vector<16xi32>], vector<16xf32>,
      %add3A_857 = arith.constant 1 : i32
      %add3A_858 = vector.broadcast %add3A_857 : i32 to vector<16xi32>
      %add3A_859 = arith.addi %scan3A_761, %add3A_858 : vector<16xi32>
      tpu.vector_store_idx %arg11[%select_n3A, %select_n3A_355, %add3A_859], %get3A_789 : memref<8x8x129xf32, #tpu.memory_space<vmem>>[vector<16xi32>, vector<16xi32>, vector<16xi32>], vector<16xf32>,
      %add3A_860 = arith.constant 1 : i32
      %add3A_861 = vector.broadcast %add3A_860 : i32 to vector<16xi32>
      %add3A_862 = arith.addi %scan3A_761, %add3A_861 : vector<16xi32>
      tpu.vector_store_idx %arg11[%select_n3A_264, %select_n3A_380, %add3A_862], %get3A_794 : memref<8x8x129xf32, #tpu.memory_space<vmem>>[vector<16xi32>, vector<16xi32>, vector<16xi32>], vector<16xf32>,
      %add3A_863 = arith.constant 1 : i32
      %add3A_864 = vector.broadcast %add3A_863 : i32 to vector<16xi32>
      %add3A_865 = arith.addi %scan3A_761, %add3A_864 : vector<16xi32>
      tpu.vector_store_idx %arg11[%select_n3A_298, %select_n3A_405, %add3A_865], %get3A_799 : memref<8x8x129xf32, #tpu.memory_space<vmem>>[vector<16xi32>, vector<16xi32>, vector<16xi32>], vector<16xf32>,
      %add3A_866 = arith.constant 1 : i32
      %add3A_867 = vector.broadcast %add3A_866 : i32 to vector<16xi32>
      %add3A_868 = arith.addi %scan3A_761, %add3A_867 : vector<16xi32>
      tpu.vector_store_idx %arg11[%select_n3A_332, %select_n3A_430, %add3A_868], %get3A_804 : memref<8x8x129xf32, #tpu.memory_space<vmem>>[vector<16xi32>, vector<16xi32>, vector<16xi32>], vector<16xf32>,
      %add3A_869 = arith.constant 2 : i32
      %add3A_870 = vector.broadcast %add3A_869 : i32 to vector<16xi32>
      %add3A_871 = arith.addi %scan3A_761, %add3A_870 : vector<16xi32>
      tpu.vector_store_idx %arg11[%select_n3A, %select_n3A_355, %add3A_871], %get3A_809 : memref<8x8x129xf32, #tpu.memory_space<vmem>>[vector<16xi32>, vector<16xi32>, vector<16xi32>], vector<16xf32>,
      %add3A_872 = arith.constant 2 : i32
      %add3A_873 = vector.broadcast %add3A_872 : i32 to vector<16xi32>
      %add3A_874 = arith.addi %scan3A_761, %add3A_873 : vector<16xi32>
      tpu.vector_store_idx %arg11[%select_n3A_264, %select_n3A_380, %add3A_874], %get3A_814 : memref<8x8x129xf32, #tpu.memory_space<vmem>>[vector<16xi32>, vector<16xi32>, vector<16xi32>], vector<16xf32>,
      %add3A_875 = arith.constant 2 : i32
      %add3A_876 = vector.broadcast %add3A_875 : i32 to vector<16xi32>
      %add3A_877 = arith.addi %scan3A_761, %add3A_876 : vector<16xi32>
      tpu.vector_store_idx %arg11[%select_n3A_298, %select_n3A_405, %add3A_877], %get3A_819 : memref<8x8x129xf32, #tpu.memory_space<vmem>>[vector<16xi32>, vector<16xi32>, vector<16xi32>], vector<16xf32>,
      %add3A_878 = arith.constant 2 : i32
      %add3A_879 = vector.broadcast %add3A_878 : i32 to vector<16xi32>
      %add3A_880 = arith.addi %scan3A_761, %add3A_879 : vector<16xi32>
      tpu.vector_store_idx %arg11[%select_n3A_332, %select_n3A_430, %add3A_880], %get3A_824 : memref<8x8x129xf32, #tpu.memory_space<vmem>>[vector<16xi32>, vector<16xi32>, vector<16xi32>], vector<16xf32>,
      %add3A_881 = arith.constant 3 : i32
      %add3A_882 = vector.broadcast %add3A_881 : i32 to vector<16xi32>
      %add3A_883 = arith.addi %scan3A_761, %add3A_882 : vector<16xi32>
      tpu.vector_store_idx %arg11[%select_n3A, %select_n3A_355, %add3A_883], %get3A_829 : memref<8x8x129xf32, #tpu.memory_space<vmem>>[vector<16xi32>, vector<16xi32>, vector<16xi32>], vector<16xf32>,
      %add3A_884 = arith.constant 3 : i32
      %add3A_885 = vector.broadcast %add3A_884 : i32 to vector<16xi32>
      %add3A_886 = arith.addi %scan3A_761, %add3A_885 : vector<16xi32>
      tpu.vector_store_idx %arg11[%select_n3A_264, %select_n3A_380, %add3A_886], %get3A_834 : memref<8x8x129xf32, #tpu.memory_space<vmem>>[vector<16xi32>, vector<16xi32>, vector<16xi32>], vector<16xf32>,
      %add3A_887 = arith.constant 3 : i32
      %add3A_888 = vector.broadcast %add3A_887 : i32 to vector<16xi32>
      %add3A_889 = arith.addi %scan3A_761, %add3A_888 : vector<16xi32>
      tpu.vector_store_idx %arg11[%select_n3A_298, %select_n3A_405, %add3A_889], %get3A_839 : memref<8x8x129xf32, #tpu.memory_space<vmem>>[vector<16xi32>, vector<16xi32>, vector<16xi32>], vector<16xf32>,
      %add3A_890 = arith.constant 3 : i32
      %add3A_891 = vector.broadcast %add3A_890 : i32 to vector<16xi32>
      %add3A_892 = arith.addi %scan3A_761, %add3A_891 : vector<16xi32>
      tpu.vector_store_idx %arg11[%select_n3A_332, %select_n3A_430, %add3A_892], %get3A_844 : memref<8x8x129xf32, #tpu.memory_space<vmem>>[vector<16xi32>, vector<16xi32>, vector<16xi32>], vector<16xf32>,
      %add3A_893 = arith.constant 4 : i32
      %add3A_894 = vector.broadcast %add3A_893 : i32 to vector<16xi32>
      %add3A_895 = arith.addi %scan3A_761, %add3A_894 : vector<16xi32>
      scf.yield %add3A_895 : vector<16xi32>
    }
    %scan3A_476 = arith.constant 32 : i32
    %mul3A_477 = arith.constant 4 : i32
    %mul3A_478 = arith.muli %add3A, %mul3A_477 : i32
    %add3A_479 = arith.constant 0 : i32
    %add3A_480 = arith.addi %mul3A_478, %add3A_479 : i32
    %dma_start3A_481 = arith.constant 0 : i32
    %dma_start3A_482 = arith.constant 0 : i32
    %dma_start3A_483 = arith.constant 0 : i32
    %dma_start3A_484 = arith.constant 0 : i32
    %dma_start3A_485 = tpu.memref_slice %arg11[%dma_start3A_482, %dma_start3A_483, %dma_start3A_484] : memref<8x8x129xf32, #tpu.memory_space<vmem>> -> memref<8x8x128xf32, #tpu.memory_space<vmem>>
    %dma_start3A_486 = arith.constant 0 : i32
    %dma_start3A_487 = arith.constant 0 : i32
    %dma_start3A_488 = arith.constant 0 : i32
    %dma_start3A_489 = tpu.memref_slice %arg4[%dma_start3A_481, %dma_start3A_486, %add3A_480, %dma_start3A_487, %dma_start3A_488] : memref<50x8x128x8x128xf32, #tpu.memory_space<hbm>> -> memref<1x8x1x8x128xf32, #tpu.memory_space<hbm>>
    %dma_start3A_490 = tpu.memref_squeeze %dma_start3A_489 : memref<1x8x1x8x128xf32, #tpu.memory_space<hbm>> -> memref<8x8x128xf32, #tpu.memory_space<hbm>>
    %dma_start3A_491 = arith.constant 0 : i32
    %dma_start3A_492 = arith.constant 0 : i32
    %dma_start3A_493 = arith.constant 0 : i32
    %dma_start3A_494 = tpu.memref_slice %arg4[%dma_start3A_481, %dma_start3A_491, %add3A_480, %dma_start3A_492, %dma_start3A_493] : memref<50x8x128x8x128xf32, #tpu.memory_space<hbm>> -> memref<1x8x1x8x128xf32, #tpu.memory_space<hbm>>
    %dma_start3A_495 = tpu.memref_squeeze %dma_start3A_494 : memref<1x8x1x8x128xf32, #tpu.memory_space<hbm>> -> memref<8x8x128xf32, #tpu.memory_space<hbm>>
    %dma_start3A_496 = arith.constant 0 : i32
    %dma_start3A_497 = arith.constant 0 : i32
    %dma_start3A_498 = arith.constant 0 : i32
    %dma_start3A_499 = tpu.memref_slice %arg11[%dma_start3A_496, %dma_start3A_497, %dma_start3A_498] : memref<8x8x129xf32, #tpu.memory_space<vmem>> -> memref<8x8x128xf32, #tpu.memory_space<vmem>>
    tpu.enqueue_dma source(%dma_start3A_499 : memref<8x8x128xf32, #tpu.memory_space<vmem>>) target(%dma_start3A_495 : memref<8x8x128xf32, #tpu.memory_space<hbm>>) target_semaphore(%arg19 : memref<!tpu.dma_semaphore, #tpu.memory_space<semaphore_mem>>)
    %dma_start3A_500 = arith.constant 1 : i32
    %dma_start3A_501 = arith.constant 0 : i32
    %dma_start3A_502 = arith.constant 0 : i32
    %dma_start3A_503 = tpu.memref_slice %arg6[%dma_start3A_500, %dma_start3A_501, %dma_start3A_502] : memref<50x4x128xi32, #tpu.memory_space<vmem>> -> memref<1x1x128xi32, #tpu.memory_space<vmem>>
    %dma_start3A_504 = tpu.memref_squeeze %dma_start3A_503 : memref<1x1x128xi32, #tpu.memory_space<vmem>> -> memref<128xi32, #tpu.memory_space<vmem>>
    %dma_start3A_505 = arith.constant 0 : i32
    %dma_start3A_506 = arith.constant 0 : i32
    %dma_start3A_507 = tpu.memref_slice %arg3[%dma_start3A_505, %dma_start3A_506] : memref<1000000x64xf32, #tpu.memory_space<hbm>> -> memref<1000000x64xf32, #tpu.memory_space<hbm>>
    tpu.enqueue_indirect_dma source(%dma_start3A_507 : memref<1000000x64xf32, #tpu.memory_space<hbm>>) target(%arg7 : memref<128x64xf32, #tpu.memory_space<vmem>>) offsets(%dma_start3A_504 : memref<128xi32, #tpu.memory_space<vmem>>) semaphore(%arg15 : memref<!tpu.dma_semaphore, #tpu.memory_space<semaphore_mem>>)
    %dma_wait3A_508 = arith.constant 0 : i32
    %dma_wait3A_509 = arith.constant 1 : i32
    %dma_wait3A_510 = arith.constant 0 : i32
    %dma_wait3A_511 = tpu.memref_slice %arg6[%dma_wait3A_508, %dma_wait3A_509, %dma_wait3A_510] : memref<50x4x128xi32, #tpu.memory_space<vmem>> -> memref<1x1x128xi32, #tpu.memory_space<vmem>>
    %dma_wait3A_512 = tpu.memref_squeeze %dma_wait3A_511 : memref<1x1x128xi32, #tpu.memory_space<vmem>> -> memref<128xi32, #tpu.memory_space<vmem>>
    %dma_wait3A_513 = arith.constant 0 : i32
    %dma_wait3A_514 = arith.constant 0 : i32
    %dma_wait3A_515 = tpu.memref_slice %arg3[%dma_wait3A_513, %dma_wait3A_514] : memref<1000000x64xf32, #tpu.memory_space<hbm>> -> memref<1000000x64xf32, #tpu.memory_space<hbm>>
    tpu.wait_indirect_dma semaphore(%arg16 : memref<!tpu.dma_semaphore, #tpu.memory_space<semaphore_mem>>) src(%dma_wait3A_515 : memref<1000000x64xf32, #tpu.memory_space<hbm>>) dst(%arg8 : memref<128x64xf32, #tpu.memory_space<vmem>>)
    %scan3A_516 = arith.constant 0 : i32
    %scan3A_517 = arith.constant 32 : i32
    %scan3A_518 = arith.addi %scan3A_516, %scan3A_517 : i32
    %scan3A_519 = arith.constant 1 : i32
    %scan3A_520 = scf.for %scan3A_760 = %scan3A_516 to %scan3A_518 step %scan3A_519 iter_args(%scan3A_761 = %mul3A_3) -> (vector<16xi32>)  : i32 {
      %mul3A_762 = arith.constant 4 : i32
      %mul3A_763 = arith.muli %scan3A_760, %mul3A_762 : i32
      %add3A_764 = arith.constant 0 : i32
      %add3A_765 = arith.addi %add3A_764, %mul3A_763 : i32
      %add3A_766 = arith.constant 0 : i32
      %add3A_767 = arith.addi %add3A_765, %add3A_766 : i32
      %get3A = arith.index_cast %add3A_767 : i32 to index
      %get3A_768 = arith.constant 0 : index
      %get3A_769 = tpu.vector_load %arg8[%get3A, %get3A_768] {strides = array<i32>} : memref<128x64xf32, #tpu.memory_space<vmem>>, vector<16xf32>,
      %add3A_770 = arith.constant 0 : i32
      %add3A_771 = arith.addi %add3A_765, %add3A_770 : i32
      %get3A_772 = arith.index_cast %add3A_771 : i32 to index
      %get3A_773 = arith.constant 16 : index
      %get3A_774 = tpu.vector_load %arg8[%get3A_772, %get3A_773] {strides = array<i32>} : memref<128x64xf32, #tpu.memory_space<vmem>>, vector<16xf32>,
      %add3A_775 = arith.constant 0 : i32
      %add3A_776 = arith.addi %add3A_765, %add3A_775 : i32
      %get3A_777 = arith.index_cast %add3A_776 : i32 to index
      %get3A_778 = arith.constant 32 : index
      %get3A_779 = tpu.vector_load %arg8[%get3A_777, %get3A_778] {strides = array<i32>} : memref<128x64xf32, #tpu.memory_space<vmem>>, vector<16xf32>,
      %add3A_780 = arith.constant 0 : i32
      %add3A_781 = arith.addi %add3A_765, %add3A_780 : i32
      %get3A_782 = arith.index_cast %add3A_781 : i32 to index
      %get3A_783 = arith.constant 48 : index
      %get3A_784 = tpu.vector_load %arg8[%get3A_782, %get3A_783] {strides = array<i32>} : memref<128x64xf32, #tpu.memory_space<vmem>>, vector<16xf32>,
      %add3A_785 = arith.constant 1 : i32
      %add3A_786 = arith.addi %add3A_765, %add3A_785 : i32
      %get3A_787 = arith.index_cast %add3A_786 : i32 to index
      %get3A_788 = arith.constant 0 : index
      %get3A_789 = tpu.vector_load %arg8[%get3A_787, %get3A_788] {strides = array<i32>} : memref<128x64xf32, #tpu.memory_space<vmem>>, vector<16xf32>,
      %add3A_790 = arith.constant 1 : i32
      %add3A_791 = arith.addi %add3A_765, %add3A_790 : i32
      %get3A_792 = arith.index_cast %add3A_791 : i32 to index
      %get3A_793 = arith.constant 16 : index
      %get3A_794 = tpu.vector_load %arg8[%get3A_792, %get3A_793] {strides = array<i32>} : memref<128x64xf32, #tpu.memory_space<vmem>>, vector<16xf32>,
      %add3A_795 = arith.constant 1 : i32
      %add3A_796 = arith.addi %add3A_765, %add3A_795 : i32
      %get3A_797 = arith.index_cast %add3A_796 : i32 to index
      %get3A_798 = arith.constant 32 : index
      %get3A_799 = tpu.vector_load %arg8[%get3A_797, %get3A_798] {strides = array<i32>} : memref<128x64xf32, #tpu.memory_space<vmem>>, vector<16xf32>,
      %add3A_800 = arith.constant 1 : i32
      %add3A_801 = arith.addi %add3A_765, %add3A_800 : i32
      %get3A_802 = arith.index_cast %add3A_801 : i32 to index
      %get3A_803 = arith.constant 48 : index
      %get3A_804 = tpu.vector_load %arg8[%get3A_802, %get3A_803] {strides = array<i32>} : memref<128x64xf32, #tpu.memory_space<vmem>>, vector<16xf32>,
      %add3A_805 = arith.constant 2 : i32
      %add3A_806 = arith.addi %add3A_765, %add3A_805 : i32
      %get3A_807 = arith.index_cast %add3A_806 : i32 to index
      %get3A_808 = arith.constant 0 : index
      %get3A_809 = tpu.vector_load %arg8[%get3A_807, %get3A_808] {strides = array<i32>} : memref<128x64xf32, #tpu.memory_space<vmem>>, vector<16xf32>,
      %add3A_810 = arith.constant 2 : i32
      %add3A_811 = arith.addi %add3A_765, %add3A_810 : i32
      %get3A_812 = arith.index_cast %add3A_811 : i32 to index
      %get3A_813 = arith.constant 16 : index
      %get3A_814 = tpu.vector_load %arg8[%get3A_812, %get3A_813] {strides = array<i32>} : memref<128x64xf32, #tpu.memory_space<vmem>>, vector<16xf32>,
      %add3A_815 = arith.constant 2 : i32
      %add3A_816 = arith.addi %add3A_765, %add3A_815 : i32
      %get3A_817 = arith.index_cast %add3A_816 : i32 to index
      %get3A_818 = arith.constant 32 : index
      %get3A_819 = tpu.vector_load %arg8[%get3A_817, %get3A_818] {strides = array<i32>} : memref<128x64xf32, #tpu.memory_space<vmem>>, vector<16xf32>,
      %add3A_820 = arith.constant 2 : i32
      %add3A_821 = arith.addi %add3A_765, %add3A_820 : i32
      %get3A_822 = arith.index_cast %add3A_821 : i32 to index
      %get3A_823 = arith.constant 48 : index
      %get3A_824 = tpu.vector_load %arg8[%get3A_822, %get3A_823] {strides = array<i32>} : memref<128x64xf32, #tpu.memory_space<vmem>>, vector<16xf32>,
      %add3A_825 = arith.constant 3 : i32
      %add3A_826 = arith.addi %add3A_765, %add3A_825 : i32
      %get3A_827 = arith.index_cast %add3A_826 : i32 to index
      %get3A_828 = arith.constant 0 : index
      %get3A_829 = tpu.vector_load %arg8[%get3A_827, %get3A_828] {strides = array<i32>} : memref<128x64xf32, #tpu.memory_space<vmem>>, vector<16xf32>,
      %add3A_830 = arith.constant 3 : i32
      %add3A_831 = arith.addi %add3A_765, %add3A_830 : i32
      %get3A_832 = arith.index_cast %add3A_831 : i32 to index
      %get3A_833 = arith.constant 16 : index
      %get3A_834 = tpu.vector_load %arg8[%get3A_832, %get3A_833] {strides = array<i32>} : memref<128x64xf32, #tpu.memory_space<vmem>>, vector<16xf32>,
      %add3A_835 = arith.constant 3 : i32
      %add3A_836 = arith.addi %add3A_765, %add3A_835 : i32
      %get3A_837 = arith.index_cast %add3A_836 : i32 to index
      %get3A_838 = arith.constant 32 : index
      %get3A_839 = tpu.vector_load %arg8[%get3A_837, %get3A_838] {strides = array<i32>} : memref<128x64xf32, #tpu.memory_space<vmem>>, vector<16xf32>,
      %add3A_840 = arith.constant 3 : i32
      %add3A_841 = arith.addi %add3A_765, %add3A_840 : i32
      %get3A_842 = arith.index_cast %add3A_841 : i32 to index
      %get3A_843 = arith.constant 48 : index
      %get3A_844 = tpu.vector_load %arg8[%get3A_842, %get3A_843] {strides = array<i32>} : memref<128x64xf32, #tpu.memory_space<vmem>>, vector<16xf32>,
      %add3A_845 = arith.constant 0 : i32
      %add3A_846 = vector.broadcast %add3A_845 : i32 to vector<16xi32>
      %add3A_847 = arith.addi %scan3A_761, %add3A_846 : vector<16xi32>
      tpu.vector_store_idx %arg12[%select_n3A, %select_n3A_355, %add3A_847], %get3A_769 : memref<8x8x129xf32, #tpu.memory_space<vmem>>[vector<16xi32>, vector<16xi32>, vector<16xi32>], vector<16xf32>,
      %add3A_848 = arith.constant 0 : i32
      %add3A_849 = vector.broadcast %add3A_848 : i32 to vector<16xi32>
      %add3A_850 = arith.addi %scan3A_761, %add3A_849 : vector<16xi32>
      tpu.vector_store_idx %arg12[%select_n3A_264, %select_n3A_380, %add3A_850], %get3A_774 : memref<8x8x129xf32, #tpu.memory_space<vmem>>[vector<16xi32>, vector<16xi32>, vector<16xi32>], vector<16xf32>,
      %add3A_851 = arith.constant 0 : i32
      %add3A_852 = vector.broadcast %add3A_851 : i32 to vector<16xi32>
      %add3A_853 = arith.addi %scan3A_761, %add3A_852 : vector<16xi32>
      tpu.vector_store_idx %arg12[%select_n3A_298, %select_n3A_405, %add3A_853], %get3A_779 : memref<8x8x129xf32, #tpu.memory_space<vmem>>[vector<16xi32>, vector<16xi32>, vector<16xi32>], vector<16xf32>,
      %add3A_854 = arith.constant 0 : i32
      %add3A_855 = vector.broadcast %add3A_854 : i32 to vector<16xi32>
      %add3A_856 = arith.addi %scan3A_761, %add3A_855 : vector<16xi32>
      tpu.vector_store_idx %arg12[%select_n3A_332, %select_n3A_430, %add3A_856], %get3A_784 : memref<8x8x129xf32, #tpu.memory_space<vmem>>[vector<16xi32>, vector<16xi32>, vector<16xi32>], vector<16xf32>,
      %add3A_857 = arith.constant 1 : i32
      %add3A_858 = vector.broadcast %add3A_857 : i32 to vector<16xi32>
      %add3A_859 = arith.addi %scan3A_761, %add3A_858 : vector<16xi32>
      tpu.vector_store_idx %arg12[%select_n3A, %select_n3A_355, %add3A_859], %get3A_789 : memref<8x8x129xf32, #tpu.memory_space<vmem>>[vector<16xi32>, vector<16xi32>, vector<16xi32>], vector<16xf32>,
      %add3A_860 = arith.constant 1 : i32
      %add3A_861 = vector.broadcast %add3A_860 : i32 to vector<16xi32>
      %add3A_862 = arith.addi %scan3A_761, %add3A_861 : vector<16xi32>
      tpu.vector_store_idx %arg12[%select_n3A_264, %select_n3A_380, %add3A_862], %get3A_794 : memref<8x8x129xf32, #tpu.memory_space<vmem>>[vector<16xi32>, vector<16xi32>, vector<16xi32>], vector<16xf32>,
      %add3A_863 = arith.constant 1 : i32
      %add3A_864 = vector.broadcast %add3A_863 : i32 to vector<16xi32>
      %add3A_865 = arith.addi %scan3A_761, %add3A_864 : vector<16xi32>
      tpu.vector_store_idx %arg12[%select_n3A_298, %select_n3A_405, %add3A_865], %get3A_799 : memref<8x8x129xf32, #tpu.memory_space<vmem>>[vector<16xi32>, vector<16xi32>, vector<16xi32>], vector<16xf32>,
      %add3A_866 = arith.constant 1 : i32
      %add3A_867 = vector.broadcast %add3A_866 : i32 to vector<16xi32>
      %add3A_868 = arith.addi %scan3A_761, %add3A_867 : vector<16xi32>
      tpu.vector_store_idx %arg12[%select_n3A_332, %select_n3A_430, %add3A_868], %get3A_804 : memref<8x8x129xf32, #tpu.memory_space<vmem>>[vector<16xi32>, vector<16xi32>, vector<16xi32>], vector<16xf32>,
      %add3A_869 = arith.constant 2 : i32
      %add3A_870 = vector.broadcast %add3A_869 : i32 to vector<16xi32>
      %add3A_871 = arith.addi %scan3A_761, %add3A_870 : vector<16xi32>
      tpu.vector_store_idx %arg12[%select_n3A, %select_n3A_355, %add3A_871], %get3A_809 : memref<8x8x129xf32, #tpu.memory_space<vmem>>[vector<16xi32>, vector<16xi32>, vector<16xi32>], vector<16xf32>,
      %add3A_872 = arith.constant 2 : i32
      %add3A_873 = vector.broadcast %add3A_872 : i32 to vector<16xi32>
      %add3A_874 = arith.addi %scan3A_761, %add3A_873 : vector<16xi32>
      tpu.vector_store_idx %arg12[%select_n3A_264, %select_n3A_380, %add3A_874], %get3A_814 : memref<8x8x129xf32, #tpu.memory_space<vmem>>[vector<16xi32>, vector<16xi32>, vector<16xi32>], vector<16xf32>,
      %add3A_875 = arith.constant 2 : i32
      %add3A_876 = vector.broadcast %add3A_875 : i32 to vector<16xi32>
      %add3A_877 = arith.addi %scan3A_761, %add3A_876 : vector<16xi32>
      tpu.vector_store_idx %arg12[%select_n3A_298, %select_n3A_405, %add3A_877], %get3A_819 : memref<8x8x129xf32, #tpu.memory_space<vmem>>[vector<16xi32>, vector<16xi32>, vector<16xi32>], vector<16xf32>,
      %add3A_878 = arith.constant 2 : i32
      %add3A_879 = vector.broadcast %add3A_878 : i32 to vector<16xi32>
      %add3A_880 = arith.addi %scan3A_761, %add3A_879 : vector<16xi32>
      tpu.vector_store_idx %arg12[%select_n3A_332, %select_n3A_430, %add3A_880], %get3A_824 : memref<8x8x129xf32, #tpu.memory_space<vmem>>[vector<16xi32>, vector<16xi32>, vector<16xi32>], vector<16xf32>,
      %add3A_881 = arith.constant 3 : i32
      %add3A_882 = vector.broadcast %add3A_881 : i32 to vector<16xi32>
      %add3A_883 = arith.addi %scan3A_761, %add3A_882 : vector<16xi32>
      tpu.vector_store_idx %arg12[%select_n3A, %select_n3A_355, %add3A_883], %get3A_829 : memref<8x8x129xf32, #tpu.memory_space<vmem>>[vector<16xi32>, vector<16xi32>, vector<16xi32>], vector<16xf32>,
      %add3A_884 = arith.constant 3 : i32
      %add3A_885 = vector.broadcast %add3A_884 : i32 to vector<16xi32>
      %add3A_886 = arith.addi %scan3A_761, %add3A_885 : vector<16xi32>
      tpu.vector_store_idx %arg12[%select_n3A_264, %select_n3A_380, %add3A_886], %get3A_834 : memref<8x8x129xf32, #tpu.memory_space<vmem>>[vector<16xi32>, vector<16xi32>, vector<16xi32>], vector<16xf32>,
      %add3A_887 = arith.constant 3 : i32
      %add3A_888 = vector.broadcast %add3A_887 : i32 to vector<16xi32>
      %add3A_889 = arith.addi %scan3A_761, %add3A_888 : vector<16xi32>
      tpu.vector_store_idx %arg12[%select_n3A_298, %select_n3A_405, %add3A_889], %get3A_839 : memref<8x8x129xf32, #tpu.memory_space<vmem>>[vector<16xi32>, vector<16xi32>, vector<16xi32>], vector<16xf32>,
      %add3A_890 = arith.constant 3 : i32
      %add3A_891 = vector.broadcast %add3A_890 : i32 to vector<16xi32>
      %add3A_892 = arith.addi %scan3A_761, %add3A_891 : vector<16xi32>
      tpu.vector_store_idx %arg12[%select_n3A_332, %select_n3A_430, %add3A_892], %get3A_844 : memref<8x8x129xf32, #tpu.memory_space<vmem>>[vector<16xi32>, vector<16xi32>, vector<16xi32>], vector<16xf32>,
      %add3A_893 = arith.constant 4 : i32
      %add3A_894 = vector.broadcast %add3A_893 : i32 to vector<16xi32>
      %add3A_895 = arith.addi %scan3A_761, %add3A_894 : vector<16xi32>
      scf.yield %add3A_895 : vector<16xi32>
    }
    %scan3A_521 = arith.constant 32 : i32
    %mul3A_522 = arith.constant 4 : i32
    %mul3A_523 = arith.muli %add3A, %mul3A_522 : i32
    %add3A_524 = arith.constant 1 : i32
    %add3A_525 = arith.addi %mul3A_523, %add3A_524 : i32
    %dma_start3A_526 = arith.constant 0 : i32
    %dma_start3A_527 = arith.constant 0 : i32
    %dma_start3A_528 = arith.constant 0 : i32
    %dma_start3A_529 = arith.constant 0 : i32
    %dma_start3A_530 = tpu.memref_slice %arg12[%dma_start3A_527, %dma_start3A_528, %dma_start3A_529] : memref<8x8x129xf32, #tpu.memory_space<vmem>> -> memref<8x8x128xf32, #tpu.memory_space<vmem>>
    %dma_start3A_531 = arith.constant 0 : i32
    %dma_start3A_532 = arith.constant 0 : i32
    %dma_start3A_533 = arith.constant 0 : i32
    %dma_start3A_534 = tpu.memref_slice %arg4[%dma_start3A_526, %dma_start3A_531, %add3A_525, %dma_start3A_532, %dma_start3A_533] : memref<50x8x128x8x128xf32, #tpu.memory_space<hbm>> -> memref<1x8x1x8x128xf32, #tpu.memory_space<hbm>>
    %dma_start3A_535 = tpu.memref_squeeze %dma_start3A_534 : memref<1x8x1x8x128xf32, #tpu.memory_space<hbm>> -> memref<8x8x128xf32, #tpu.memory_space<hbm>>
    %dma_start3A_536 = arith.constant 0 : i32
    %dma_start3A_537 = arith.constant 0 : i32
    %dma_start3A_538 = arith.constant 0 : i32
    %dma_start3A_539 = tpu.memref_slice %arg4[%dma_start3A_526, %dma_start3A_536, %add3A_525, %dma_start3A_537, %dma_start3A_538] : memref<50x8x128x8x128xf32, #tpu.memory_space<hbm>> -> memref<1x8x1x8x128xf32, #tpu.memory_space<hbm>>
    %dma_start3A_540 = tpu.memref_squeeze %dma_start3A_539 : memref<1x8x1x8x128xf32, #tpu.memory_space<hbm>> -> memref<8x8x128xf32, #tpu.memory_space<hbm>>
    %dma_start3A_541 = arith.constant 0 : i32
    %dma_start3A_542 = arith.constant 0 : i32
    %dma_start3A_543 = arith.constant 0 : i32
    %dma_start3A_544 = tpu.memref_slice %arg12[%dma_start3A_541, %dma_start3A_542, %dma_start3A_543] : memref<8x8x129xf32, #tpu.memory_space<vmem>> -> memref<8x8x128xf32, #tpu.memory_space<vmem>>
    tpu.enqueue_dma source(%dma_start3A_544 : memref<8x8x128xf32, #tpu.memory_space<vmem>>) target(%dma_start3A_540 : memref<8x8x128xf32, #tpu.memory_space<hbm>>) target_semaphore(%arg20 : memref<!tpu.dma_semaphore, #tpu.memory_space<semaphore_mem>>)
    %dma_start3A_545 = arith.constant 1 : i32
    %dma_start3A_546 = arith.constant 1 : i32
    %dma_start3A_547 = arith.constant 0 : i32
    %dma_start3A_548 = tpu.memref_slice %arg6[%dma_start3A_545, %dma_start3A_546, %dma_start3A_547] : memref<50x4x128xi32, #tpu.memory_space<vmem>> -> memref<1x1x128xi32, #tpu.memory_space<vmem>>
    %dma_start3A_549 = tpu.memref_squeeze %dma_start3A_548 : memref<1x1x128xi32, #tpu.memory_space<vmem>> -> memref<128xi32, #tpu.memory_space<vmem>>
    %dma_start3A_550 = arith.constant 0 : i32
    %dma_start3A_551 = arith.constant 0 : i32
    %dma_start3A_552 = tpu.memref_slice %arg3[%dma_start3A_550, %dma_start3A_551] : memref<1000000x64xf32, #tpu.memory_space<hbm>> -> memref<1000000x64xf32, #tpu.memory_space<hbm>>
    tpu.enqueue_indirect_dma source(%dma_start3A_552 : memref<1000000x64xf32, #tpu.memory_space<hbm>>) target(%arg8 : memref<128x64xf32, #tpu.memory_space<vmem>>) offsets(%dma_start3A_549 : memref<128xi32, #tpu.memory_space<vmem>>) semaphore(%arg16 : memref<!tpu.dma_semaphore, #tpu.memory_space<semaphore_mem>>)
    %dma_wait3A_553 = arith.constant 0 : i32
    %dma_wait3A_554 = arith.constant 2 : i32
    %dma_wait3A_555 = arith.constant 0 : i32
    %dma_wait3A_556 = tpu.memref_slice %arg6[%dma_wait3A_553, %dma_wait3A_554, %dma_wait3A_555] : memref<50x4x128xi32, #tpu.memory_space<vmem>> -> memref<1x1x128xi32, #tpu.memory_space<vmem>>
    %dma_wait3A_557 = tpu.memref_squeeze %dma_wait3A_556 : memref<1x1x128xi32, #tpu.memory_space<vmem>> -> memref<128xi32, #tpu.memory_space<vmem>>
    %dma_wait3A_558 = arith.constant 0 : i32
    %dma_wait3A_559 = arith.constant 0 : i32
    %dma_wait3A_560 = tpu.memref_slice %arg3[%dma_wait3A_558, %dma_wait3A_559] : memref<1000000x64xf32, #tpu.memory_space<hbm>> -> memref<1000000x64xf32, #tpu.memory_space<hbm>>
    tpu.wait_indirect_dma semaphore(%arg17 : memref<!tpu.dma_semaphore, #tpu.memory_space<semaphore_mem>>) src(%dma_wait3A_560 : memref<1000000x64xf32, #tpu.memory_space<hbm>>) dst(%arg9 : memref<128x64xf32, #tpu.memory_space<vmem>>)
    %scan3A_561 = arith.constant 0 : i32
    %scan3A_562 = arith.constant 32 : i32
    %scan3A_563 = arith.addi %scan3A_561, %scan3A_562 : i32
    %scan3A_564 = arith.constant 1 : i32
    %scan3A_565 = scf.for %scan3A_760 = %scan3A_561 to %scan3A_563 step %scan3A_564 iter_args(%scan3A_761 = %mul3A_3) -> (vector<16xi32>)  : i32 {
      %mul3A_762 = arith.constant 4 : i32
      %mul3A_763 = arith.muli %scan3A_760, %mul3A_762 : i32
      %add3A_764 = arith.constant 0 : i32
      %add3A_765 = arith.addi %add3A_764, %mul3A_763 : i32
      %add3A_766 = arith.constant 0 : i32
      %add3A_767 = arith.addi %add3A_765, %add3A_766 : i32
      %get3A = arith.index_cast %add3A_767 : i32 to index
      %get3A_768 = arith.constant 0 : index
      %get3A_769 = tpu.vector_load %arg9[%get3A, %get3A_768] {strides = array<i32>} : memref<128x64xf32, #tpu.memory_space<vmem>>, vector<16xf32>,
      %add3A_770 = arith.constant 0 : i32
      %add3A_771 = arith.addi %add3A_765, %add3A_770 : i32
      %get3A_772 = arith.index_cast %add3A_771 : i32 to index
      %get3A_773 = arith.constant 16 : index
      %get3A_774 = tpu.vector_load %arg9[%get3A_772, %get3A_773] {strides = array<i32>} : memref<128x64xf32, #tpu.memory_space<vmem>>, vector<16xf32>,
      %add3A_775 = arith.constant 0 : i32
      %add3A_776 = arith.addi %add3A_765, %add3A_775 : i32
      %get3A_777 = arith.index_cast %add3A_776 : i32 to index
      %get3A_778 = arith.constant 32 : index
      %get3A_779 = tpu.vector_load %arg9[%get3A_777, %get3A_778] {strides = array<i32>} : memref<128x64xf32, #tpu.memory_space<vmem>>, vector<16xf32>,
      %add3A_780 = arith.constant 0 : i32
      %add3A_781 = arith.addi %add3A_765, %add3A_780 : i32
      %get3A_782 = arith.index_cast %add3A_781 : i32 to index
      %get3A_783 = arith.constant 48 : index
      %get3A_784 = tpu.vector_load %arg9[%get3A_782, %get3A_783] {strides = array<i32>} : memref<128x64xf32, #tpu.memory_space<vmem>>, vector<16xf32>,
      %add3A_785 = arith.constant 1 : i32
      %add3A_786 = arith.addi %add3A_765, %add3A_785 : i32
      %get3A_787 = arith.index_cast %add3A_786 : i32 to index
      %get3A_788 = arith.constant 0 : index
      %get3A_789 = tpu.vector_load %arg9[%get3A_787, %get3A_788] {strides = array<i32>} : memref<128x64xf32, #tpu.memory_space<vmem>>, vector<16xf32>,
      %add3A_790 = arith.constant 1 : i32
      %add3A_791 = arith.addi %add3A_765, %add3A_790 : i32
      %get3A_792 = arith.index_cast %add3A_791 : i32 to index
      %get3A_793 = arith.constant 16 : index
      %get3A_794 = tpu.vector_load %arg9[%get3A_792, %get3A_793] {strides = array<i32>} : memref<128x64xf32, #tpu.memory_space<vmem>>, vector<16xf32>,
      %add3A_795 = arith.constant 1 : i32
      %add3A_796 = arith.addi %add3A_765, %add3A_795 : i32
      %get3A_797 = arith.index_cast %add3A_796 : i32 to index
      %get3A_798 = arith.constant 32 : index
      %get3A_799 = tpu.vector_load %arg9[%get3A_797, %get3A_798] {strides = array<i32>} : memref<128x64xf32, #tpu.memory_space<vmem>>, vector<16xf32>,
      %add3A_800 = arith.constant 1 : i32
      %add3A_801 = arith.addi %add3A_765, %add3A_800 : i32
      %get3A_802 = arith.index_cast %add3A_801 : i32 to index
      %get3A_803 = arith.constant 48 : index
      %get3A_804 = tpu.vector_load %arg9[%get3A_802, %get3A_803] {strides = array<i32>} : memref<128x64xf32, #tpu.memory_space<vmem>>, vector<16xf32>,
      %add3A_805 = arith.constant 2 : i32
      %add3A_806 = arith.addi %add3A_765, %add3A_805 : i32
      %get3A_807 = arith.index_cast %add3A_806 : i32 to index
      %get3A_808 = arith.constant 0 : index
      %get3A_809 = tpu.vector_load %arg9[%get3A_807, %get3A_808] {strides = array<i32>} : memref<128x64xf32, #tpu.memory_space<vmem>>, vector<16xf32>,
      %add3A_810 = arith.constant 2 : i32
      %add3A_811 = arith.addi %add3A_765, %add3A_810 : i32
      %get3A_812 = arith.index_cast %add3A_811 : i32 to index
      %get3A_813 = arith.constant 16 : index
      %get3A_814 = tpu.vector_load %arg9[%get3A_812, %get3A_813] {strides = array<i32>} : memref<128x64xf32, #tpu.memory_space<vmem>>, vector<16xf32>,
      %add3A_815 = arith.constant 2 : i32
      %add3A_816 = arith.addi %add3A_765, %add3A_815 : i32
      %get3A_817 = arith.index_cast %add3A_816 : i32 to index
      %get3A_818 = arith.constant 32 : index
      %get3A_819 = tpu.vector_load %arg9[%get3A_817, %get3A_818] {strides = array<i32>} : memref<128x64xf32, #tpu.memory_space<vmem>>, vector<16xf32>,
      %add3A_820 = arith.constant 2 : i32
      %add3A_821 = arith.addi %add3A_765, %add3A_820 : i32
      %get3A_822 = arith.index_cast %add3A_821 : i32 to index
      %get3A_823 = arith.constant 48 : index
      %get3A_824 = tpu.vector_load %arg9[%get3A_822, %get3A_823] {strides = array<i32>} : memref<128x64xf32, #tpu.memory_space<vmem>>, vector<16xf32>,
      %add3A_825 = arith.constant 3 : i32
      %add3A_826 = arith.addi %add3A_765, %add3A_825 : i32
      %get3A_827 = arith.index_cast %add3A_826 : i32 to index
      %get3A_828 = arith.constant 0 : index
      %get3A_829 = tpu.vector_load %arg9[%get3A_827, %get3A_828] {strides = array<i32>} : memref<128x64xf32, #tpu.memory_space<vmem>>, vector<16xf32>,
      %add3A_830 = arith.constant 3 : i32
      %add3A_831 = arith.addi %add3A_765, %add3A_830 : i32
      %get3A_832 = arith.index_cast %add3A_831 : i32 to index
      %get3A_833 = arith.constant 16 : index
      %get3A_834 = tpu.vector_load %arg9[%get3A_832, %get3A_833] {strides = array<i32>} : memref<128x64xf32, #tpu.memory_space<vmem>>, vector<16xf32>,
      %add3A_835 = arith.constant 3 : i32
      %add3A_836 = arith.addi %add3A_765, %add3A_835 : i32
      %get3A_837 = arith.index_cast %add3A_836 : i32 to index
      %get3A_838 = arith.constant 32 : index
      %get3A_839 = tpu.vector_load %arg9[%get3A_837, %get3A_838] {strides = array<i32>} : memref<128x64xf32, #tpu.memory_space<vmem>>, vector<16xf32>,
      %add3A_840 = arith.constant 3 : i32
      %add3A_841 = arith.addi %add3A_765, %add3A_840 : i32
      %get3A_842 = arith.index_cast %add3A_841 : i32 to index
      %get3A_843 = arith.constant 48 : index
      %get3A_844 = tpu.vector_load %arg9[%get3A_842, %get3A_843] {strides = array<i32>} : memref<128x64xf32, #tpu.memory_space<vmem>>, vector<16xf32>,
      %add3A_845 = arith.constant 0 : i32
      %add3A_846 = vector.broadcast %add3A_845 : i32 to vector<16xi32>
      %add3A_847 = arith.addi %scan3A_761, %add3A_846 : vector<16xi32>
      tpu.vector_store_idx %arg13[%select_n3A, %select_n3A_355, %add3A_847], %get3A_769 : memref<8x8x129xf32, #tpu.memory_space<vmem>>[vector<16xi32>, vector<16xi32>, vector<16xi32>], vector<16xf32>,
      %add3A_848 = arith.constant 0 : i32
      %add3A_849 = vector.broadcast %add3A_848 : i32 to vector<16xi32>
      %add3A_850 = arith.addi %scan3A_761, %add3A_849 : vector<16xi32>
      tpu.vector_store_idx %arg13[%select_n3A_264, %select_n3A_380, %add3A_850], %get3A_774 : memref<8x8x129xf32, #tpu.memory_space<vmem>>[vector<16xi32>, vector<16xi32>, vector<16xi32>], vector<16xf32>,
      %add3A_851 = arith.constant 0 : i32
      %add3A_852 = vector.broadcast %add3A_851 : i32 to vector<16xi32>
      %add3A_853 = arith.addi %scan3A_761, %add3A_852 : vector<16xi32>
      tpu.vector_store_idx %arg13[%select_n3A_298, %select_n3A_405, %add3A_853], %get3A_779 : memref<8x8x129xf32, #tpu.memory_space<vmem>>[vector<16xi32>, vector<16xi32>, vector<16xi32>], vector<16xf32>,
      %add3A_854 = arith.constant 0 : i32
      %add3A_855 = vector.broadcast %add3A_854 : i32 to vector<16xi32>
      %add3A_856 = arith.addi %scan3A_761, %add3A_855 : vector<16xi32>
      tpu.vector_store_idx %arg13[%select_n3A_332, %select_n3A_430, %add3A_856], %get3A_784 : memref<8x8x129xf32, #tpu.memory_space<vmem>>[vector<16xi32>, vector<16xi32>, vector<16xi32>], vector<16xf32>,
      %add3A_857 = arith.constant 1 : i32
      %add3A_858 = vector.broadcast %add3A_857 : i32 to vector<16xi32>
      %add3A_859 = arith.addi %scan3A_761, %add3A_858 : vector<16xi32>
      tpu.vector_store_idx %arg13[%select_n3A, %select_n3A_355, %add3A_859], %get3A_789 : memref<8x8x129xf32, #tpu.memory_space<vmem>>[vector<16xi32>, vector<16xi32>, vector<16xi32>], vector<16xf32>,
      %add3A_860 = arith.constant 1 : i32
      %add3A_861 = vector.broadcast %add3A_860 : i32 to vector<16xi32>
      %add3A_862 = arith.addi %scan3A_761, %add3A_861 : vector<16xi32>
      tpu.vector_store_idx %arg13[%select_n3A_264, %select_n3A_380, %add3A_862], %get3A_794 : memref<8x8x129xf32, #tpu.memory_space<vmem>>[vector<16xi32>, vector<16xi32>, vector<16xi32>], vector<16xf32>,
      %add3A_863 = arith.constant 1 : i32
      %add3A_864 = vector.broadcast %add3A_863 : i32 to vector<16xi32>
      %add3A_865 = arith.addi %scan3A_761, %add3A_864 : vector<16xi32>
      tpu.vector_store_idx %arg13[%select_n3A_298, %select_n3A_405, %add3A_865], %get3A_799 : memref<8x8x129xf32, #tpu.memory_space<vmem>>[vector<16xi32>, vector<16xi32>, vector<16xi32>], vector<16xf32>,
      %add3A_866 = arith.constant 1 : i32
      %add3A_867 = vector.broadcast %add3A_866 : i32 to vector<16xi32>
      %add3A_868 = arith.addi %scan3A_761, %add3A_867 : vector<16xi32>
      tpu.vector_store_idx %arg13[%select_n3A_332, %select_n3A_430, %add3A_868], %get3A_804 : memref<8x8x129xf32, #tpu.memory_space<vmem>>[vector<16xi32>, vector<16xi32>, vector<16xi32>], vector<16xf32>,
      %add3A_869 = arith.constant 2 : i32
      %add3A_870 = vector.broadcast %add3A_869 : i32 to vector<16xi32>
      %add3A_871 = arith.addi %scan3A_761, %add3A_870 : vector<16xi32>
      tpu.vector_store_idx %arg13[%select_n3A, %select_n3A_355, %add3A_871], %get3A_809 : memref<8x8x129xf32, #tpu.memory_space<vmem>>[vector<16xi32>, vector<16xi32>, vector<16xi32>], vector<16xf32>,
      %add3A_872 = arith.constant 2 : i32
      %add3A_873 = vector.broadcast %add3A_872 : i32 to vector<16xi32>
      %add3A_874 = arith.addi %scan3A_761, %add3A_873 : vector<16xi32>
      tpu.vector_store_idx %arg13[%select_n3A_264, %select_n3A_380, %add3A_874], %get3A_814 : memref<8x8x129xf32, #tpu.memory_space<vmem>>[vector<16xi32>, vector<16xi32>, vector<16xi32>], vector<16xf32>,
      %add3A_875 = arith.constant 2 : i32
      %add3A_876 = vector.broadcast %add3A_875 : i32 to vector<16xi32>
      %add3A_877 = arith.addi %scan3A_761, %add3A_876 : vector<16xi32>
      tpu.vector_store_idx %arg13[%select_n3A_298, %select_n3A_405, %add3A_877], %get3A_819 : memref<8x8x129xf32, #tpu.memory_space<vmem>>[vector<16xi32>, vector<16xi32>, vector<16xi32>], vector<16xf32>,
      %add3A_878 = arith.constant 2 : i32
      %add3A_879 = vector.broadcast %add3A_878 : i32 to vector<16xi32>
      %add3A_880 = arith.addi %scan3A_761, %add3A_879 : vector<16xi32>
      tpu.vector_store_idx %arg13[%select_n3A_332, %select_n3A_430, %add3A_880], %get3A_824 : memref<8x8x129xf32, #tpu.memory_space<vmem>>[vector<16xi32>, vector<16xi32>, vector<16xi32>], vector<16xf32>,
      %add3A_881 = arith.constant 3 : i32
      %add3A_882 = vector.broadcast %add3A_881 : i32 to vector<16xi32>
      %add3A_883 = arith.addi %scan3A_761, %add3A_882 : vector<16xi32>
      tpu.vector_store_idx %arg13[%select_n3A, %select_n3A_355, %add3A_883], %get3A_829 : memref<8x8x129xf32, #tpu.memory_space<vmem>>[vector<16xi32>, vector<16xi32>, vector<16xi32>], vector<16xf32>,
      %add3A_884 = arith.constant 3 : i32
      %add3A_885 = vector.broadcast %add3A_884 : i32 to vector<16xi32>
      %add3A_886 = arith.addi %scan3A_761, %add3A_885 : vector<16xi32>
      tpu.vector_store_idx %arg13[%select_n3A_264, %select_n3A_380, %add3A_886], %get3A_834 : memref<8x8x129xf32, #tpu.memory_space<vmem>>[vector<16xi32>, vector<16xi32>, vector<16xi32>], vector<16xf32>,
      %add3A_887 = arith.constant 3 : i32
      %add3A_888 = vector.broadcast %add3A_887 : i32 to vector<16xi32>
      %add3A_889 = arith.addi %scan3A_761, %add3A_888 : vector<16xi32>
      tpu.vector_store_idx %arg13[%select_n3A_298, %select_n3A_405, %add3A_889], %get3A_839 : memref<8x8x129xf32, #tpu.memory_space<vmem>>[vector<16xi32>, vector<16xi32>, vector<16xi32>], vector<16xf32>,
      %add3A_890 = arith.constant 3 : i32
      %add3A_891 = vector.broadcast %add3A_890 : i32 to vector<16xi32>
      %add3A_892 = arith.addi %scan3A_761, %add3A_891 : vector<16xi32>
      tpu.vector_store_idx %arg13[%select_n3A_332, %select_n3A_430, %add3A_892], %get3A_844 : memref<8x8x129xf32, #tpu.memory_space<vmem>>[vector<16xi32>, vector<16xi32>, vector<16xi32>], vector<16xf32>,
      %add3A_893 = arith.constant 4 : i32
      %add3A_894 = vector.broadcast %add3A_893 : i32 to vector<16xi32>
      %add3A_895 = arith.addi %scan3A_761, %add3A_894 : vector<16xi32>
      scf.yield %add3A_895 : vector<16xi32>
    }
    %scan3A_566 = arith.constant 32 : i32
    %mul3A_567 = arith.constant 4 : i32
    %mul3A_568 = arith.muli %add3A, %mul3A_567 : i32
    %add3A_569 = arith.constant 2 : i32
    %add3A_570 = arith.addi %mul3A_568, %add3A_569 : i32
    %dma_start3A_571 = arith.constant 0 : i32
    %dma_start3A_572 = arith.constant 0 : i32
    %dma_start3A_573 = arith.constant 0 : i32
    %dma_start3A_574 = arith.constant 0 : i32
    %dma_start3A_575 = tpu.memref_slice %arg13[%dma_start3A_572, %dma_start3A_573, %dma_start3A_574] : memref<8x8x129xf32, #tpu.memory_space<vmem>> -> memref<8x8x128xf32, #tpu.memory_space<vmem>>
    %dma_start3A_576 = arith.constant 0 : i32
    %dma_start3A_577 = arith.constant 0 : i32
    %dma_start3A_578 = arith.constant 0 : i32
    %dma_start3A_579 = tpu.memref_slice %arg4[%dma_start3A_571, %dma_start3A_576, %add3A_570, %dma_start3A_577, %dma_start3A_578] : memref<50x8x128x8x128xf32, #tpu.memory_space<hbm>> -> memref<1x8x1x8x128xf32, #tpu.memory_space<hbm>>
    %dma_start3A_580 = tpu.memref_squeeze %dma_start3A_579 : memref<1x8x1x8x128xf32, #tpu.memory_space<hbm>> -> memref<8x8x128xf32, #tpu.memory_space<hbm>>
    %dma_start3A_581 = arith.constant 0 : i32
    %dma_start3A_582 = arith.constant 0 : i32
    %dma_start3A_583 = arith.constant 0 : i32
    %dma_start3A_584 = tpu.memref_slice %arg4[%dma_start3A_571, %dma_start3A_581, %add3A_570, %dma_start3A_582, %dma_start3A_583] : memref<50x8x128x8x128xf32, #tpu.memory_space<hbm>> -> memref<1x8x1x8x128xf32, #tpu.memory_space<hbm>>
    %dma_start3A_585 = tpu.memref_squeeze %dma_start3A_584 : memref<1x8x1x8x128xf32, #tpu.memory_space<hbm>> -> memref<8x8x128xf32, #tpu.memory_space<hbm>>
    %dma_start3A_586 = arith.constant 0 : i32
    %dma_start3A_587 = arith.constant 0 : i32
    %dma_start3A_588 = arith.constant 0 : i32
    %dma_start3A_589 = tpu.memref_slice %arg13[%dma_start3A_586, %dma_start3A_587, %dma_start3A_588] : memref<8x8x129xf32, #tpu.memory_space<vmem>> -> memref<8x8x128xf32, #tpu.memory_space<vmem>>
    tpu.enqueue_dma source(%dma_start3A_589 : memref<8x8x128xf32, #tpu.memory_space<vmem>>) target(%dma_start3A_585 : memref<8x8x128xf32, #tpu.memory_space<hbm>>) target_semaphore(%arg21 : memref<!tpu.dma_semaphore, #tpu.memory_space<semaphore_mem>>)
    %dma_start3A_590 = arith.constant 1 : i32
    %dma_start3A_591 = arith.constant 2 : i32
    %dma_start3A_592 = arith.constant 0 : i32
    %dma_start3A_593 = tpu.memref_slice %arg6[%dma_start3A_590, %dma_start3A_591, %dma_start3A_592] : memref<50x4x128xi32, #tpu.memory_space<vmem>> -> memref<1x1x128xi32, #tpu.memory_space<vmem>>
    %dma_start3A_594 = tpu.memref_squeeze %dma_start3A_593 : memref<1x1x128xi32, #tpu.memory_space<vmem>> -> memref<128xi32, #tpu.memory_space<vmem>>
    %dma_start3A_595 = arith.constant 0 : i32
    %dma_start3A_596 = arith.constant 0 : i32
    %dma_start3A_597 = tpu.memref_slice %arg3[%dma_start3A_595, %dma_start3A_596] : memref<1000000x64xf32, #tpu.memory_space<hbm>> -> memref<1000000x64xf32, #tpu.memory_space<hbm>>
    tpu.enqueue_indirect_dma source(%dma_start3A_597 : memref<1000000x64xf32, #tpu.memory_space<hbm>>) target(%arg9 : memref<128x64xf32, #tpu.memory_space<vmem>>) offsets(%dma_start3A_594 : memref<128xi32, #tpu.memory_space<vmem>>) semaphore(%arg17 : memref<!tpu.dma_semaphore, #tpu.memory_space<semaphore_mem>>)
    %dma_wait3A_598 = arith.constant 0 : i32
    %dma_wait3A_599 = arith.constant 3 : i32
    %dma_wait3A_600 = arith.constant 0 : i32
    %dma_wait3A_601 = tpu.memref_slice %arg6[%dma_wait3A_598, %dma_wait3A_599, %dma_wait3A_600] : memref<50x4x128xi32, #tpu.memory_space<vmem>> -> memref<1x1x128xi32, #tpu.memory_space<vmem>>
    %dma_wait3A_602 = tpu.memref_squeeze %dma_wait3A_601 : memref<1x1x128xi32, #tpu.memory_space<vmem>> -> memref<128xi32, #tpu.memory_space<vmem>>
    %dma_wait3A_603 = arith.constant 0 : i32
    %dma_wait3A_604 = arith.constant 0 : i32
    %dma_wait3A_605 = tpu.memref_slice %arg3[%dma_wait3A_603, %dma_wait3A_604] : memref<1000000x64xf32, #tpu.memory_space<hbm>> -> memref<1000000x64xf32, #tpu.memory_space<hbm>>
    tpu.wait_indirect_dma semaphore(%arg18 : memref<!tpu.dma_semaphore, #tpu.memory_space<semaphore_mem>>) src(%dma_wait3A_605 : memref<1000000x64xf32, #tpu.memory_space<hbm>>) dst(%arg10 : memref<128x64xf32, #tpu.memory_space<vmem>>)
    %scan3A_606 = arith.constant 0 : i32
    %scan3A_607 = arith.constant 32 : i32
    %scan3A_608 = arith.addi %scan3A_606, %scan3A_607 : i32
    %scan3A_609 = arith.constant 1 : i32
    %scan3A_610 = scf.for %scan3A_760 = %scan3A_606 to %scan3A_608 step %scan3A_609 iter_args(%scan3A_761 = %mul3A_3) -> (vector<16xi32>)  : i32 {
      %mul3A_762 = arith.constant 4 : i32
      %mul3A_763 = arith.muli %scan3A_760, %mul3A_762 : i32
      %add3A_764 = arith.constant 0 : i32
      %add3A_765 = arith.addi %add3A_764, %mul3A_763 : i32
      %add3A_766 = arith.constant 0 : i32
      %add3A_767 = arith.addi %add3A_765, %add3A_766 : i32
      %get3A = arith.index_cast %add3A_767 : i32 to index
      %get3A_768 = arith.constant 0 : index
      %get3A_769 = tpu.vector_load %arg10[%get3A, %get3A_768] {strides = array<i32>} : memref<128x64xf32, #tpu.memory_space<vmem>>, vector<16xf32>,
      %add3A_770 = arith.constant 0 : i32
      %add3A_771 = arith.addi %add3A_765, %add3A_770 : i32
      %get3A_772 = arith.index_cast %add3A_771 : i32 to index
      %get3A_773 = arith.constant 16 : index
      %get3A_774 = tpu.vector_load %arg10[%get3A_772, %get3A_773] {strides = array<i32>} : memref<128x64xf32, #tpu.memory_space<vmem>>, vector<16xf32>,
      %add3A_775 = arith.constant 0 : i32
      %add3A_776 = arith.addi %add3A_765, %add3A_775 : i32
      %get3A_777 = arith.index_cast %add3A_776 : i32 to index
      %get3A_778 = arith.constant 32 : index
      %get3A_779 = tpu.vector_load %arg10[%get3A_777, %get3A_778] {strides = array<i32>} : memref<128x64xf32, #tpu.memory_space<vmem>>, vector<16xf32>,
      %add3A_780 = arith.constant 0 : i32
      %add3A_781 = arith.addi %add3A_765, %add3A_780 : i32
      %get3A_782 = arith.index_cast %add3A_781 : i32 to index
      %get3A_783 = arith.constant 48 : index
      %get3A_784 = tpu.vector_load %arg10[%get3A_782, %get3A_783] {strides = array<i32>} : memref<128x64xf32, #tpu.memory_space<vmem>>, vector<16xf32>,
      %add3A_785 = arith.constant 1 : i32
      %add3A_786 = arith.addi %add3A_765, %add3A_785 : i32
      %get3A_787 = arith.index_cast %add3A_786 : i32 to index
      %get3A_788 = arith.constant 0 : index
      %get3A_789 = tpu.vector_load %arg10[%get3A_787, %get3A_788] {strides = array<i32>} : memref<128x64xf32, #tpu.memory_space<vmem>>, vector<16xf32>,
      %add3A_790 = arith.constant 1 : i32
      %add3A_791 = arith.addi %add3A_765, %add3A_790 : i32
      %get3A_792 = arith.index_cast %add3A_791 : i32 to index
      %get3A_793 = arith.constant 16 : index
      %get3A_794 = tpu.vector_load %arg10[%get3A_792, %get3A_793] {strides = array<i32>} : memref<128x64xf32, #tpu.memory_space<vmem>>, vector<16xf32>,
      %add3A_795 = arith.constant 1 : i32
      %add3A_796 = arith.addi %add3A_765, %add3A_795 : i32
      %get3A_797 = arith.index_cast %add3A_796 : i32 to index
      %get3A_798 = arith.constant 32 : index
      %get3A_799 = tpu.vector_load %arg10[%get3A_797, %get3A_798] {strides = array<i32>} : memref<128x64xf32, #tpu.memory_space<vmem>>, vector<16xf32>,
      %add3A_800 = arith.constant 1 : i32
      %add3A_801 = arith.addi %add3A_765, %add3A_800 : i32
      %get3A_802 = arith.index_cast %add3A_801 : i32 to index
      %get3A_803 = arith.constant 48 : index
      %get3A_804 = tpu.vector_load %arg10[%get3A_802, %get3A_803] {strides = array<i32>} : memref<128x64xf32, #tpu.memory_space<vmem>>, vector<16xf32>,
      %add3A_805 = arith.constant 2 : i32
      %add3A_806 = arith.addi %add3A_765, %add3A_805 : i32
      %get3A_807 = arith.index_cast %add3A_806 : i32 to index
      %get3A_808 = arith.constant 0 : index
      %get3A_809 = tpu.vector_load %arg10[%get3A_807, %get3A_808] {strides = array<i32>} : memref<128x64xf32, #tpu.memory_space<vmem>>, vector<16xf32>,
      %add3A_810 = arith.constant 2 : i32
      %add3A_811 = arith.addi %add3A_765, %add3A_810 : i32
      %get3A_812 = arith.index_cast %add3A_811 : i32 to index
      %get3A_813 = arith.constant 16 : index
      %get3A_814 = tpu.vector_load %arg10[%get3A_812, %get3A_813] {strides = array<i32>} : memref<128x64xf32, #tpu.memory_space<vmem>>, vector<16xf32>,
      %add3A_815 = arith.constant 2 : i32
      %add3A_816 = arith.addi %add3A_765, %add3A_815 : i32
      %get3A_817 = arith.index_cast %add3A_816 : i32 to index
      %get3A_818 = arith.constant 32 : index
      %get3A_819 = tpu.vector_load %arg10[%get3A_817, %get3A_818] {strides = array<i32>} : memref<128x64xf32, #tpu.memory_space<vmem>>, vector<16xf32>,
      %add3A_820 = arith.constant 2 : i32
      %add3A_821 = arith.addi %add3A_765, %add3A_820 : i32
      %get3A_822 = arith.index_cast %add3A_821 : i32 to index
      %get3A_823 = arith.constant 48 : index
      %get3A_824 = tpu.vector_load %arg10[%get3A_822, %get3A_823] {strides = array<i32>} : memref<128x64xf32, #tpu.memory_space<vmem>>, vector<16xf32>,
      %add3A_825 = arith.constant 3 : i32
      %add3A_826 = arith.addi %add3A_765, %add3A_825 : i32
      %get3A_827 = arith.index_cast %add3A_826 : i32 to index
      %get3A_828 = arith.constant 0 : index
      %get3A_829 = tpu.vector_load %arg10[%get3A_827, %get3A_828] {strides = array<i32>} : memref<128x64xf32, #tpu.memory_space<vmem>>, vector<16xf32>,
      %add3A_830 = arith.constant 3 : i32
      %add3A_831 = arith.addi %add3A_765, %add3A_830 : i32
      %get3A_832 = arith.index_cast %add3A_831 : i32 to index
      %get3A_833 = arith.constant 16 : index
      %get3A_834 = tpu.vector_load %arg10[%get3A_832, %get3A_833] {strides = array<i32>} : memref<128x64xf32, #tpu.memory_space<vmem>>, vector<16xf32>,
      %add3A_835 = arith.constant 3 : i32
      %add3A_836 = arith.addi %add3A_765, %add3A_835 : i32
      %get3A_837 = arith.index_cast %add3A_836 : i32 to index
      %get3A_838 = arith.constant 32 : index
      %get3A_839 = tpu.vector_load %arg10[%get3A_837, %get3A_838] {strides = array<i32>} : memref<128x64xf32, #tpu.memory_space<vmem>>, vector<16xf32>,
      %add3A_840 = arith.constant 3 : i32
      %add3A_841 = arith.addi %add3A_765, %add3A_840 : i32
      %get3A_842 = arith.index_cast %add3A_841 : i32 to index
      %get3A_843 = arith.constant 48 : index
      %get3A_844 = tpu.vector_load %arg10[%get3A_842, %get3A_843] {strides = array<i32>} : memref<128x64xf32, #tpu.memory_space<vmem>>, vector<16xf32>,
      %add3A_845 = arith.constant 0 : i32
      %add3A_846 = vector.broadcast %add3A_845 : i32 to vector<16xi32>
      %add3A_847 = arith.addi %scan3A_761, %add3A_846 : vector<16xi32>
      tpu.vector_store_idx %arg14[%select_n3A, %select_n3A_355, %add3A_847], %get3A_769 : memref<8x8x129xf32, #tpu.memory_space<vmem>>[vector<16xi32>, vector<16xi32>, vector<16xi32>], vector<16xf32>,
      %add3A_848 = arith.constant 0 : i32
      %add3A_849 = vector.broadcast %add3A_848 : i32 to vector<16xi32>
      %add3A_850 = arith.addi %scan3A_761, %add3A_849 : vector<16xi32>
      tpu.vector_store_idx %arg14[%select_n3A_264, %select_n3A_380, %add3A_850], %get3A_774 : memref<8x8x129xf32, #tpu.memory_space<vmem>>[vector<16xi32>, vector<16xi32>, vector<16xi32>], vector<16xf32>,
      %add3A_851 = arith.constant 0 : i32
      %add3A_852 = vector.broadcast %add3A_851 : i32 to vector<16xi32>
      %add3A_853 = arith.addi %scan3A_761, %add3A_852 : vector<16xi32>
      tpu.vector_store_idx %arg14[%select_n3A_298, %select_n3A_405, %add3A_853], %get3A_779 : memref<8x8x129xf32, #tpu.memory_space<vmem>>[vector<16xi32>, vector<16xi32>, vector<16xi32>], vector<16xf32>,
      %add3A_854 = arith.constant 0 : i32
      %add3A_855 = vector.broadcast %add3A_854 : i32 to vector<16xi32>
      %add3A_856 = arith.addi %scan3A_761, %add3A_855 : vector<16xi32>
      tpu.vector_store_idx %arg14[%select_n3A_332, %select_n3A_430, %add3A_856], %get3A_784 : memref<8x8x129xf32, #tpu.memory_space<vmem>>[vector<16xi32>, vector<16xi32>, vector<16xi32>], vector<16xf32>,
      %add3A_857 = arith.constant 1 : i32
      %add3A_858 = vector.broadcast %add3A_857 : i32 to vector<16xi32>
      %add3A_859 = arith.addi %scan3A_761, %add3A_858 : vector<16xi32>
      tpu.vector_store_idx %arg14[%select_n3A, %select_n3A_355, %add3A_859], %get3A_789 : memref<8x8x129xf32, #tpu.memory_space<vmem>>[vector<16xi32>, vector<16xi32>, vector<16xi32>], vector<16xf32>,
      %add3A_860 = arith.constant 1 : i32
      %add3A_861 = vector.broadcast %add3A_860 : i32 to vector<16xi32>
      %add3A_862 = arith.addi %scan3A_761, %add3A_861 : vector<16xi32>
      tpu.vector_store_idx %arg14[%select_n3A_264, %select_n3A_380, %add3A_862], %get3A_794 : memref<8x8x129xf32, #tpu.memory_space<vmem>>[vector<16xi32>, vector<16xi32>, vector<16xi32>], vector<16xf32>,
      %add3A_863 = arith.constant 1 : i32
      %add3A_864 = vector.broadcast %add3A_863 : i32 to vector<16xi32>
      %add3A_865 = arith.addi %scan3A_761, %add3A_864 : vector<16xi32>
      tpu.vector_store_idx %arg14[%select_n3A_298, %select_n3A_405, %add3A_865], %get3A_799 : memref<8x8x129xf32, #tpu.memory_space<vmem>>[vector<16xi32>, vector<16xi32>, vector<16xi32>], vector<16xf32>,
      %add3A_866 = arith.constant 1 : i32
      %add3A_867 = vector.broadcast %add3A_866 : i32 to vector<16xi32>
      %add3A_868 = arith.addi %scan3A_761, %add3A_867 : vector<16xi32>
      tpu.vector_store_idx %arg14[%select_n3A_332, %select_n3A_430, %add3A_868], %get3A_804 : memref<8x8x129xf32, #tpu.memory_space<vmem>>[vector<16xi32>, vector<16xi32>, vector<16xi32>], vector<16xf32>,
      %add3A_869 = arith.constant 2 : i32
      %add3A_870 = vector.broadcast %add3A_869 : i32 to vector<16xi32>
      %add3A_871 = arith.addi %scan3A_761, %add3A_870 : vector<16xi32>
      tpu.vector_store_idx %arg14[%select_n3A, %select_n3A_355, %add3A_871], %get3A_809 : memref<8x8x129xf32, #tpu.memory_space<vmem>>[vector<16xi32>, vector<16xi32>, vector<16xi32>], vector<16xf32>,
      %add3A_872 = arith.constant 2 : i32
      %add3A_873 = vector.broadcast %add3A_872 : i32 to vector<16xi32>
      %add3A_874 = arith.addi %scan3A_761, %add3A_873 : vector<16xi32>
      tpu.vector_store_idx %arg14[%select_n3A_264, %select_n3A_380, %add3A_874], %get3A_814 : memref<8x8x129xf32, #tpu.memory_space<vmem>>[vector<16xi32>, vector<16xi32>, vector<16xi32>], vector<16xf32>,
      %add3A_875 = arith.constant 2 : i32
      %add3A_876 = vector.broadcast %add3A_875 : i32 to vector<16xi32>
      %add3A_877 = arith.addi %scan3A_761, %add3A_876 : vector<16xi32>
      tpu.vector_store_idx %arg14[%select_n3A_298, %select_n3A_405, %add3A_877], %get3A_819 : memref<8x8x129xf32, #tpu.memory_space<vmem>>[vector<16xi32>, vector<16xi32>, vector<16xi32>], vector<16xf32>,
      %add3A_878 = arith.constant 2 : i32
      %add3A_879 = vector.broadcast %add3A_878 : i32 to vector<16xi32>
      %add3A_880 = arith.addi %scan3A_761, %add3A_879 : vector<16xi32>
      tpu.vector_store_idx %arg14[%select_n3A_332, %select_n3A_430, %add3A_880], %get3A_824 : memref<8x8x129xf32, #tpu.memory_space<vmem>>[vector<16xi32>, vector<16xi32>, vector<16xi32>], vector<16xf32>,
      %add3A_881 = arith.constant 3 : i32
      %add3A_882 = vector.broadcast %add3A_881 : i32 to vector<16xi32>
      %add3A_883 = arith.addi %scan3A_761, %add3A_882 : vector<16xi32>
      tpu.vector_store_idx %arg14[%select_n3A, %select_n3A_355, %add3A_883], %get3A_829 : memref<8x8x129xf32, #tpu.memory_space<vmem>>[vector<16xi32>, vector<16xi32>, vector<16xi32>], vector<16xf32>,
      %add3A_884 = arith.constant 3 : i32
      %add3A_885 = vector.broadcast %add3A_884 : i32 to vector<16xi32>
      %add3A_886 = arith.addi %scan3A_761, %add3A_885 : vector<16xi32>
      tpu.vector_store_idx %arg14[%select_n3A_264, %select_n3A_380, %add3A_886], %get3A_834 : memref<8x8x129xf32, #tpu.memory_space<vmem>>[vector<16xi32>, vector<16xi32>, vector<16xi32>], vector<16xf32>,
      %add3A_887 = arith.constant 3 : i32
      %add3A_888 = vector.broadcast %add3A_887 : i32 to vector<16xi32>
      %add3A_889 = arith.addi %scan3A_761, %add3A_888 : vector<16xi32>
      tpu.vector_store_idx %arg14[%select_n3A_298, %select_n3A_405, %add3A_889], %get3A_839 : memref<8x8x129xf32, #tpu.memory_space<vmem>>[vector<16xi32>, vector<16xi32>, vector<16xi32>], vector<16xf32>,
      %add3A_890 = arith.constant 3 : i32
      %add3A_891 = vector.broadcast %add3A_890 : i32 to vector<16xi32>
      %add3A_892 = arith.addi %scan3A_761, %add3A_891 : vector<16xi32>
      tpu.vector_store_idx %arg14[%select_n3A_332, %select_n3A_430, %add3A_892], %get3A_844 : memref<8x8x129xf32, #tpu.memory_space<vmem>>[vector<16xi32>, vector<16xi32>, vector<16xi32>], vector<16xf32>,
      %add3A_893 = arith.constant 4 : i32
      %add3A_894 = vector.broadcast %add3A_893 : i32 to vector<16xi32>
      %add3A_895 = arith.addi %scan3A_761, %add3A_894 : vector<16xi32>
      scf.yield %add3A_895 : vector<16xi32>
    }
    %scan3A_611 = arith.constant 32 : i32
    %mul3A_612 = arith.constant 4 : i32
    %mul3A_613 = arith.muli %add3A, %mul3A_612 : i32
    %add3A_614 = arith.constant 3 : i32
    %add3A_615 = arith.addi %mul3A_613, %add3A_614 : i32
    %dma_start3A_616 = arith.constant 0 : i32
    %dma_start3A_617 = arith.constant 0 : i32
    %dma_start3A_618 = arith.constant 0 : i32
    %dma_start3A_619 = arith.constant 0 : i32
    %dma_start3A_620 = tpu.memref_slice %arg14[%dma_start3A_617, %dma_start3A_618, %dma_start3A_619] : memref<8x8x129xf32, #tpu.memory_space<vmem>> -> memref<8x8x128xf32, #tpu.memory_space<vmem>>
    %dma_start3A_621 = arith.constant 0 : i32
    %dma_start3A_622 = arith.constant 0 : i32
    %dma_start3A_623 = arith.constant 0 : i32
    %dma_start3A_624 = tpu.memref_slice %arg4[%dma_start3A_616, %dma_start3A_621, %add3A_615, %dma_start3A_622, %dma_start3A_623] : memref<50x8x128x8x128xf32, #tpu.memory_space<hbm>> -> memref<1x8x1x8x128xf32, #tpu.memory_space<hbm>>
    %dma_start3A_625 = tpu.memref_squeeze %dma_start3A_624 : memref<1x8x1x8x128xf32, #tpu.memory_space<hbm>> -> memref<8x8x128xf32, #tpu.memory_space<hbm>>
    %dma_start3A_626 = arith.constant 0 : i32
    %dma_start3A_627 = arith.constant 0 : i32
    %dma_start3A_628 = arith.constant 0 : i32
    %dma_start3A_629 = tpu.memref_slice %arg4[%dma_start3A_616, %dma_start3A_626, %add3A_615, %dma_start3A_627, %dma_start3A_628] : memref<50x8x128x8x128xf32, #tpu.memory_space<hbm>> -> memref<1x8x1x8x128xf32, #tpu.memory_space<hbm>>
    %dma_start3A_630 = tpu.memref_squeeze %dma_start3A_629 : memref<1x8x1x8x128xf32, #tpu.memory_space<hbm>> -> memref<8x8x128xf32, #tpu.memory_space<hbm>>
    %dma_start3A_631 = arith.constant 0 : i32
    %dma_start3A_632 = arith.constant 0 : i32
    %dma_start3A_633 = arith.constant 0 : i32
    %dma_start3A_634 = tpu.memref_slice %arg14[%dma_start3A_631, %dma_start3A_632, %dma_start3A_633] : memref<8x8x129xf32, #tpu.memory_space<vmem>> -> memref<8x8x128xf32, #tpu.memory_space<vmem>>
    tpu.enqueue_dma source(%dma_start3A_634 : memref<8x8x128xf32, #tpu.memory_space<vmem>>) target(%dma_start3A_630 : memref<8x8x128xf32, #tpu.memory_space<hbm>>) target_semaphore(%arg22 : memref<!tpu.dma_semaphore, #tpu.memory_space<semaphore_mem>>)
    %dma_start3A_635 = arith.constant 1 : i32
    %dma_start3A_636 = arith.constant 3 : i32
    %dma_start3A_637 = arith.constant 0 : i32
    %dma_start3A_638 = tpu.memref_slice %arg6[%dma_start3A_635, %dma_start3A_636, %dma_start3A_637] : memref<50x4x128xi32, #tpu.memory_space<vmem>> -> memref<1x1x128xi32, #tpu.memory_space<vmem>>
    %dma_start3A_639 = tpu.memref_squeeze %dma_start3A_638 : memref<1x1x128xi32, #tpu.memory_space<vmem>> -> memref<128xi32, #tpu.memory_space<vmem>>
    %dma_start3A_640 = arith.constant 0 : i32
    %dma_start3A_641 = arith.constant 0 : i32
    %dma_start3A_642 = tpu.memref_slice %arg3[%dma_start3A_640, %dma_start3A_641] : memref<1000000x64xf32, #tpu.memory_space<hbm>> -> memref<1000000x64xf32, #tpu.memory_space<hbm>>
    tpu.enqueue_indirect_dma source(%dma_start3A_642 : memref<1000000x64xf32, #tpu.memory_space<hbm>>) target(%arg10 : memref<128x64xf32, #tpu.memory_space<vmem>>) offsets(%dma_start3A_639 : memref<128xi32, #tpu.memory_space<vmem>>) semaphore(%arg18 : memref<!tpu.dma_semaphore, #tpu.memory_space<semaphore_mem>>)
    %scan3A_643 = arith.constant 0 : i32
    %scan3A_644 = arith.constant 49 : i32
    %scan3A_645 = arith.addi %scan3A_643, %scan3A_644 : i32
    %scan3A_646 = arith.constant 1 : i32
    scf.for %scan3A_760 = %scan3A_643 to %scan3A_645 step %scan3A_646  : i32 {
      %mul3A_761 = arith.constant 1 : i32
      %mul3A_762 = arith.muli %scan3A_760, %mul3A_761 : i32
      %add3A_763 = arith.constant 1 : i32
      %add3A_764 = arith.addi %add3A_763, %mul3A_762 : i32
      %add3A_765 = arith.constant 1 : i32
      %add3A_766 = arith.addi %add3A_764, %add3A_765 : i32
      %min3A = arith.constant 49 : i32
      %min3A_767 = arith.minsi %add3A_766, %min3A : i32
      %dma_wait3A_768 = arith.constant 0 : i32
      %dma_wait3A_769 = arith.constant 0 : i32
      %dma_wait3A_770 = arith.constant 0 : i32
      %dma_wait3A_771 = tpu.memref_slice %arg6[%dma_wait3A_768, %dma_wait3A_769, %dma_wait3A_770] : memref<50x4x128xi32, #tpu.memory_space<vmem>> -> memref<1x1x128xi32, #tpu.memory_space<vmem>>
      %dma_wait3A_772 = tpu.memref_squeeze %dma_wait3A_771 : memref<1x1x128xi32, #tpu.memory_space<vmem>> -> memref<128xi32, #tpu.memory_space<vmem>>
      %dma_wait3A_773 = arith.constant 0 : i32
      %dma_wait3A_774 = arith.constant 0 : i32
      %dma_wait3A_775 = tpu.memref_slice %arg3[%dma_wait3A_773, %dma_wait3A_774] : memref<1000000x64xf32, #tpu.memory_space<hbm>> -> memref<1000000x64xf32, #tpu.memory_space<hbm>>
      tpu.wait_indirect_dma semaphore(%arg15 : memref<!tpu.dma_semaphore, #tpu.memory_space<semaphore_mem>>) src(%dma_wait3A_775 : memref<1000000x64xf32, #tpu.memory_space<hbm>>) dst(%arg7 : memref<128x64xf32, #tpu.memory_space<vmem>>)
      %dma_wait3A_776 = arith.constant 0 : i32
      %dma_wait3A_777 = arith.constant 0 : i32
      %dma_wait3A_778 = arith.constant 0 : i32
      %dma_wait3A_779 = arith.constant 0 : i32
      %dma_wait3A_780 = arith.constant 0 : i32
      %dma_wait3A_781 = tpu.memref_slice %arg11[%dma_wait3A_778, %dma_wait3A_779, %dma_wait3A_780] : memref<8x8x129xf32, #tpu.memory_space<vmem>> -> memref<8x8x128xf32, #tpu.memory_space<vmem>>
      %dma_wait3A_782 = arith.constant 0 : i32
      %dma_wait3A_783 = arith.constant 0 : i32
      %dma_wait3A_784 = arith.constant 0 : i32
      %dma_wait3A_785 = tpu.memref_slice %arg4[%dma_wait3A_776, %dma_wait3A_782, %dma_wait3A_777, %dma_wait3A_783, %dma_wait3A_784] : memref<50x8x128x8x128xf32, #tpu.memory_space<hbm>> -> memref<1x8x1x8x128xf32, #tpu.memory_space<hbm>>
      %dma_wait3A_786 = tpu.memref_squeeze %dma_wait3A_785 : memref<1x8x1x8x128xf32, #tpu.memory_space<hbm>> -> memref<8x8x128xf32, #tpu.memory_space<hbm>>
      %dma_wait3A_787 = arith.constant 0 : i32
      %dma_wait3A_788 = arith.constant 0 : i32
      %dma_wait3A_789 = arith.constant 0 : i32
      %dma_wait3A_790 = tpu.memref_slice %arg4[%dma_wait3A_776, %dma_wait3A_787, %dma_wait3A_777, %dma_wait3A_788, %dma_wait3A_789] : memref<50x8x128x8x128xf32, #tpu.memory_space<hbm>> -> memref<1x8x1x8x128xf32, #tpu.memory_space<hbm>>
      %dma_wait3A_791 = tpu.memref_squeeze %dma_wait3A_790 : memref<1x8x1x8x128xf32, #tpu.memory_space<hbm>> -> memref<8x8x128xf32, #tpu.memory_space<hbm>>
      %dma_wait3A_792 = arith.constant 0 : i32
      %dma_wait3A_793 = arith.constant 0 : i32
      %dma_wait3A_794 = arith.constant 0 : i32
      %dma_wait3A_795 = tpu.memref_slice %arg11[%dma_wait3A_792, %dma_wait3A_793, %dma_wait3A_794] : memref<8x8x129xf32, #tpu.memory_space<vmem>> -> memref<8x8x128xf32, #tpu.memory_space<vmem>>
      tpu.wait_dma2 semaphore(%arg19 : memref<!tpu.dma_semaphore, #tpu.memory_space<semaphore_mem>>) src(%dma_wait3A_795 : memref<8x8x128xf32, #tpu.memory_space<vmem>>) dst(%dma_wait3A_791 : memref<8x8x128xf32, #tpu.memory_space<hbm>>)
      %scan3A_796 = arith.constant 0 : i32
      %scan3A_797 = arith.constant 32 : i32
      %scan3A_798 = arith.addi %scan3A_796, %scan3A_797 : i32
      %scan3A_799 = arith.constant 1 : i32
      %scan3A_800 = scf.for %scan3A_1020 = %scan3A_796 to %scan3A_798 step %scan3A_799 iter_args(%scan3A_1021 = %mul3A_3) -> (vector<16xi32>)  : i32 {
        %mul3A_1022 = arith.constant 4 : i32
        %mul3A_1023 = arith.muli %scan3A_1020, %mul3A_1022 : i32
        %add3A_1024 = arith.constant 0 : i32
        %add3A_1025 = arith.addi %add3A_1024, %mul3A_1023 : i32
        %add3A_1026 = arith.constant 0 : i32
        %add3A_1027 = arith.addi %add3A_1025, %add3A_1026 : i32
        %get3A = arith.index_cast %add3A_1027 : i32 to index
        %get3A_1028 = arith.constant 0 : index
        %get3A_1029 = tpu.vector_load %arg7[%get3A, %get3A_1028] {strides = array<i32>} : memref<128x64xf32, #tpu.memory_space<vmem>>, vector<16xf32>,
        %add3A_1030 = arith.constant 0 : i32
        %add3A_1031 = arith.addi %add3A_1025, %add3A_1030 : i32
        %get3A_1032 = arith.index_cast %add3A_1031 : i32 to index
        %get3A_1033 = arith.constant 16 : index
        %get3A_1034 = tpu.vector_load %arg7[%get3A_1032, %get3A_1033] {strides = array<i32>} : memref<128x64xf32, #tpu.memory_space<vmem>>, vector<16xf32>,
        %add3A_1035 = arith.constant 0 : i32
        %add3A_1036 = arith.addi %add3A_1025, %add3A_1035 : i32
        %get3A_1037 = arith.index_cast %add3A_1036 : i32 to index
        %get3A_1038 = arith.constant 32 : index
        %get3A_1039 = tpu.vector_load %arg7[%get3A_1037, %get3A_1038] {strides = array<i32>} : memref<128x64xf32, #tpu.memory_space<vmem>>, vector<16xf32>,
        %add3A_1040 = arith.constant 0 : i32
        %add3A_1041 = arith.addi %add3A_1025, %add3A_1040 : i32
        %get3A_1042 = arith.index_cast %add3A_1041 : i32 to index
        %get3A_1043 = arith.constant 48 : index
        %get3A_1044 = tpu.vector_load %arg7[%get3A_1042, %get3A_1043] {strides = array<i32>} : memref<128x64xf32, #tpu.memory_space<vmem>>, vector<16xf32>,
        %add3A_1045 = arith.constant 1 : i32
        %add3A_1046 = arith.addi %add3A_1025, %add3A_1045 : i32
        %get3A_1047 = arith.index_cast %add3A_1046 : i32 to index
        %get3A_1048 = arith.constant 0 : index
        %get3A_1049 = tpu.vector_load %arg7[%get3A_1047, %get3A_1048] {strides = array<i32>} : memref<128x64xf32, #tpu.memory_space<vmem>>, vector<16xf32>,
        %add3A_1050 = arith.constant 1 : i32
        %add3A_1051 = arith.addi %add3A_1025, %add3A_1050 : i32
        %get3A_1052 = arith.index_cast %add3A_1051 : i32 to index
        %get3A_1053 = arith.constant 16 : index
        %get3A_1054 = tpu.vector_load %arg7[%get3A_1052, %get3A_1053] {strides = array<i32>} : memref<128x64xf32, #tpu.memory_space<vmem>>, vector<16xf32>,
        %add3A_1055 = arith.constant 1 : i32
        %add3A_1056 = arith.addi %add3A_1025, %add3A_1055 : i32
        %get3A_1057 = arith.index_cast %add3A_1056 : i32 to index
        %get3A_1058 = arith.constant 32 : index
        %get3A_1059 = tpu.vector_load %arg7[%get3A_1057, %get3A_1058] {strides = array<i32>} : memref<128x64xf32, #tpu.memory_space<vmem>>, vector<16xf32>,
        %add3A_1060 = arith.constant 1 : i32
        %add3A_1061 = arith.addi %add3A_1025, %add3A_1060 : i32
        %get3A_1062 = arith.index_cast %add3A_1061 : i32 to index
        %get3A_1063 = arith.constant 48 : index
        %get3A_1064 = tpu.vector_load %arg7[%get3A_1062, %get3A_1063] {strides = array<i32>} : memref<128x64xf32, #tpu.memory_space<vmem>>, vector<16xf32>,
        %add3A_1065 = arith.constant 2 : i32
        %add3A_1066 = arith.addi %add3A_1025, %add3A_1065 : i32
        %get3A_1067 = arith.index_cast %add3A_1066 : i32 to index
        %get3A_1068 = arith.constant 0 : index
        %get3A_1069 = tpu.vector_load %arg7[%get3A_1067, %get3A_1068] {strides = array<i32>} : memref<128x64xf32, #tpu.memory_space<vmem>>, vector<16xf32>,
        %add3A_1070 = arith.constant 2 : i32
        %add3A_1071 = arith.addi %add3A_1025, %add3A_1070 : i32
        %get3A_1072 = arith.index_cast %add3A_1071 : i32 to index
        %get3A_1073 = arith.constant 16 : index
        %get3A_1074 = tpu.vector_load %arg7[%get3A_1072, %get3A_1073] {strides = array<i32>} : memref<128x64xf32, #tpu.memory_space<vmem>>, vector<16xf32>,
        %add3A_1075 = arith.constant 2 : i32
        %add3A_1076 = arith.addi %add3A_1025, %add3A_1075 : i32
        %get3A_1077 = arith.index_cast %add3A_1076 : i32 to index
        %get3A_1078 = arith.constant 32 : index
        %get3A_1079 = tpu.vector_load %arg7[%get3A_1077, %get3A_1078] {strides = array<i32>} : memref<128x64xf32, #tpu.memory_space<vmem>>, vector<16xf32>,
        %add3A_1080 = arith.constant 2 : i32
        %add3A_1081 = arith.addi %add3A_1025, %add3A_1080 : i32
        %get3A_1082 = arith.index_cast %add3A_1081 : i32 to index
        %get3A_1083 = arith.constant 48 : index
        %get3A_1084 = tpu.vector_load %arg7[%get3A_1082, %get3A_1083] {strides = array<i32>} : memref<128x64xf32, #tpu.memory_space<vmem>>, vector<16xf32>,
        %add3A_1085 = arith.constant 3 : i32
        %add3A_1086 = arith.addi %add3A_1025, %add3A_1085 : i32
        %get3A_1087 = arith.index_cast %add3A_1086 : i32 to index
        %get3A_1088 = arith.constant 0 : index
        %get3A_1089 = tpu.vector_load %arg7[%get3A_1087, %get3A_1088] {strides = array<i32>} : memref<128x64xf32, #tpu.memory_space<vmem>>, vector<16xf32>,
        %add3A_1090 = arith.constant 3 : i32
        %add3A_1091 = arith.addi %add3A_1025, %add3A_1090 : i32
        %get3A_1092 = arith.index_cast %add3A_1091 : i32 to index
        %get3A_1093 = arith.constant 16 : index
        %get3A_1094 = tpu.vector_load %arg7[%get3A_1092, %get3A_1093] {strides = array<i32>} : memref<128x64xf32, #tpu.memory_space<vmem>>, vector<16xf32>,
        %add3A_1095 = arith.constant 3 : i32
        %add3A_1096 = arith.addi %add3A_1025, %add3A_1095 : i32
        %get3A_1097 = arith.index_cast %add3A_1096 : i32 to index
        %get3A_1098 = arith.constant 32 : index
        %get3A_1099 = tpu.vector_load %arg7[%get3A_1097, %get3A_1098] {strides = array<i32>} : memref<128x64xf32, #tpu.memory_space<vmem>>, vector<16xf32>,
        %add3A_1100 = arith.constant 3 : i32
        %add3A_1101 = arith.addi %add3A_1025, %add3A_1100 : i32
        %get3A_1102 = arith.index_cast %add3A_1101 : i32 to index
        %get3A_1103 = arith.constant 48 : index
        %get3A_1104 = tpu.vector_load %arg7[%get3A_1102, %get3A_1103] {strides = array<i32>} : memref<128x64xf32, #tpu.memory_space<vmem>>, vector<16xf32>,
        %add3A_1105 = arith.constant 0 : i32
        %add3A_1106 = vector.broadcast %add3A_1105 : i32 to vector<16xi32>
        %add3A_1107 = arith.addi %scan3A_1021, %add3A_1106 : vector<16xi32>
        tpu.vector_store_idx %arg11[%select_n3A, %select_n3A_355, %add3A_1107], %get3A_1029 : memref<8x8x129xf32, #tpu.memory_space<vmem>>[vector<16xi32>, vector<16xi32>, vector<16xi32>], vector<16xf32>,
        %add3A_1108 = arith.constant 0 : i32
        %add3A_1109 = vector.broadcast %add3A_1108 : i32 to vector<16xi32>
        %add3A_1110 = arith.addi %scan3A_1021, %add3A_1109 : vector<16xi32>
        tpu.vector_store_idx %arg11[%select_n3A_264, %select_n3A_380, %add3A_1110], %get3A_1034 : memref<8x8x129xf32, #tpu.memory_space<vmem>>[vector<16xi32>, vector<16xi32>, vector<16xi32>], vector<16xf32>,
        %add3A_1111 = arith.constant 0 : i32
        %add3A_1112 = vector.broadcast %add3A_1111 : i32 to vector<16xi32>
        %add3A_1113 = arith.addi %scan3A_1021, %add3A_1112 : vector<16xi32>
        tpu.vector_store_idx %arg11[%select_n3A_298, %select_n3A_405, %add3A_1113], %get3A_1039 : memref<8x8x129xf32, #tpu.memory_space<vmem>>[vector<16xi32>, vector<16xi32>, vector<16xi32>], vector<16xf32>,
        %add3A_1114 = arith.constant 0 : i32
        %add3A_1115 = vector.broadcast %add3A_1114 : i32 to vector<16xi32>
        %add3A_1116 = arith.addi %scan3A_1021, %add3A_1115 : vector<16xi32>
        tpu.vector_store_idx %arg11[%select_n3A_332, %select_n3A_430, %add3A_1116], %get3A_1044 : memref<8x8x129xf32, #tpu.memory_space<vmem>>[vector<16xi32>, vector<16xi32>, vector<16xi32>], vector<16xf32>,
        %add3A_1117 = arith.constant 1 : i32
        %add3A_1118 = vector.broadcast %add3A_1117 : i32 to vector<16xi32>
        %add3A_1119 = arith.addi %scan3A_1021, %add3A_1118 : vector<16xi32>
        tpu.vector_store_idx %arg11[%select_n3A, %select_n3A_355, %add3A_1119], %get3A_1049 : memref<8x8x129xf32, #tpu.memory_space<vmem>>[vector<16xi32>, vector<16xi32>, vector<16xi32>], vector<16xf32>,
        %add3A_1120 = arith.constant 1 : i32
        %add3A_1121 = vector.broadcast %add3A_1120 : i32 to vector<16xi32>
        %add3A_1122 = arith.addi %scan3A_1021, %add3A_1121 : vector<16xi32>
        tpu.vector_store_idx %arg11[%select_n3A_264, %select_n3A_380, %add3A_1122], %get3A_1054 : memref<8x8x129xf32, #tpu.memory_space<vmem>>[vector<16xi32>, vector<16xi32>, vector<16xi32>], vector<16xf32>,
        %add3A_1123 = arith.constant 1 : i32
        %add3A_1124 = vector.broadcast %add3A_1123 : i32 to vector<16xi32>
        %add3A_1125 = arith.addi %scan3A_1021, %add3A_1124 : vector<16xi32>
        tpu.vector_store_idx %arg11[%select_n3A_298, %select_n3A_405, %add3A_1125], %get3A_1059 : memref<8x8x129xf32, #tpu.memory_space<vmem>>[vector<16xi32>, vector<16xi32>, vector<16xi32>], vector<16xf32>,
        %add3A_1126 = arith.constant 1 : i32
        %add3A_1127 = vector.broadcast %add3A_1126 : i32 to vector<16xi32>
        %add3A_1128 = arith.addi %scan3A_1021, %add3A_1127 : vector<16xi32>
        tpu.vector_store_idx %arg11[%select_n3A_332, %select_n3A_430, %add3A_1128], %get3A_1064 : memref<8x8x129xf32, #tpu.memory_space<vmem>>[vector<16xi32>, vector<16xi32>, vector<16xi32>], vector<16xf32>,
        %add3A_1129 = arith.constant 2 : i32
        %add3A_1130 = vector.broadcast %add3A_1129 : i32 to vector<16xi32>
        %add3A_1131 = arith.addi %scan3A_1021, %add3A_1130 : vector<16xi32>
        tpu.vector_store_idx %arg11[%select_n3A, %select_n3A_355, %add3A_1131], %get3A_1069 : memref<8x8x129xf32, #tpu.memory_space<vmem>>[vector<16xi32>, vector<16xi32>, vector<16xi32>], vector<16xf32>,
        %add3A_1132 = arith.constant 2 : i32
        %add3A_1133 = vector.broadcast %add3A_1132 : i32 to vector<16xi32>
        %add3A_1134 = arith.addi %scan3A_1021, %add3A_1133 : vector<16xi32>
        tpu.vector_store_idx %arg11[%select_n3A_264, %select_n3A_380, %add3A_1134], %get3A_1074 : memref<8x8x129xf32, #tpu.memory_space<vmem>>[vector<16xi32>, vector<16xi32>, vector<16xi32>], vector<16xf32>,
        %add3A_1135 = arith.constant 2 : i32
        %add3A_1136 = vector.broadcast %add3A_1135 : i32 to vector<16xi32>
        %add3A_1137 = arith.addi %scan3A_1021, %add3A_1136 : vector<16xi32>
        tpu.vector_store_idx %arg11[%select_n3A_298, %select_n3A_405, %add3A_1137], %get3A_1079 : memref<8x8x129xf32, #tpu.memory_space<vmem>>[vector<16xi32>, vector<16xi32>, vector<16xi32>], vector<16xf32>,
        %add3A_1138 = arith.constant 2 : i32
        %add3A_1139 = vector.broadcast %add3A_1138 : i32 to vector<16xi32>
        %add3A_1140 = arith.addi %scan3A_1021, %add3A_1139 : vector<16xi32>
        tpu.vector_store_idx %arg11[%select_n3A_332, %select_n3A_430, %add3A_1140], %get3A_1084 : memref<8x8x129xf32, #tpu.memory_space<vmem>>[vector<16xi32>, vector<16xi32>, vector<16xi32>], vector<16xf32>,
        %add3A_1141 = arith.constant 3 : i32
        %add3A_1142 = vector.broadcast %add3A_1141 : i32 to vector<16xi32>
        %add3A_1143 = arith.addi %scan3A_1021, %add3A_1142 : vector<16xi32>
        tpu.vector_store_idx %arg11[%select_n3A, %select_n3A_355, %add3A_1143], %get3A_1089 : memref<8x8x129xf32, #tpu.memory_space<vmem>>[vector<16xi32>, vector<16xi32>, vector<16xi32>], vector<16xf32>,
        %add3A_1144 = arith.constant 3 : i32
        %add3A_1145 = vector.broadcast %add3A_1144 : i32 to vector<16xi32>
        %add3A_1146 = arith.addi %scan3A_1021, %add3A_1145 : vector<16xi32>
        tpu.vector_store_idx %arg11[%select_n3A_264, %select_n3A_380, %add3A_1146], %get3A_1094 : memref<8x8x129xf32, #tpu.memory_space<vmem>>[vector<16xi32>, vector<16xi32>, vector<16xi32>], vector<16xf32>,
        %add3A_1147 = arith.constant 3 : i32
        %add3A_1148 = vector.broadcast %add3A_1147 : i32 to vector<16xi32>
        %add3A_1149 = arith.addi %scan3A_1021, %add3A_1148 : vector<16xi32>
        tpu.vector_store_idx %arg11[%select_n3A_298, %select_n3A_405, %add3A_1149], %get3A_1099 : memref<8x8x129xf32, #tpu.memory_space<vmem>>[vector<16xi32>, vector<16xi32>, vector<16xi32>], vector<16xf32>,
        %add3A_1150 = arith.constant 3 : i32
        %add3A_1151 = vector.broadcast %add3A_1150 : i32 to vector<16xi32>
        %add3A_1152 = arith.addi %scan3A_1021, %add3A_1151 : vector<16xi32>
        tpu.vector_store_idx %arg11[%select_n3A_332, %select_n3A_430, %add3A_1152], %get3A_1104 : memref<8x8x129xf32, #tpu.memory_space<vmem>>[vector<16xi32>, vector<16xi32>, vector<16xi32>], vector<16xf32>,
        %add3A_1153 = arith.constant 4 : i32
        %add3A_1154 = vector.broadcast %add3A_1153 : i32 to vector<16xi32>
        %add3A_1155 = arith.addi %scan3A_1021, %add3A_1154 : vector<16xi32>
        scf.yield %add3A_1155 : vector<16xi32>
      }
      %scan3A_801 = arith.constant 32 : i32
      %mul3A_802 = arith.constant 4 : i32
      %mul3A_803 = arith.muli %add3A, %mul3A_802 : i32
      %add3A_804 = arith.constant 0 : i32
      %add3A_805 = arith.addi %mul3A_803, %add3A_804 : i32
      %dma_start3A_806 = arith.constant 0 : i32
      %dma_start3A_807 = arith.constant 0 : i32
      %dma_start3A_808 = arith.constant 0 : i32
      %dma_start3A_809 = tpu.memref_slice %arg11[%dma_start3A_806, %dma_start3A_807, %dma_start3A_808] : memref<8x8x129xf32, #tpu.memory_space<vmem>> -> memref<8x8x128xf32, #tpu.memory_space<vmem>>
      %dma_start3A_810 = arith.constant 0 : i32
      %dma_start3A_811 = arith.constant 0 : i32
      %dma_start3A_812 = arith.constant 0 : i32
      %dma_start3A_813 = tpu.memref_slice %arg4[%add3A_764, %dma_start3A_810, %add3A_805, %dma_start3A_811, %dma_start3A_812] : memref<50x8x128x8x128xf32, #tpu.memory_space<hbm>> -> memref<1x8x1x8x128xf32, #tpu.memory_space<hbm>>
      %dma_start3A_814 = tpu.memref_squeeze %dma_start3A_813 : memref<1x8x1x8x128xf32, #tpu.memory_space<hbm>> -> memref<8x8x128xf32, #tpu.memory_space<hbm>>
      %dma_start3A_815 = arith.constant 0 : i32
      %dma_start3A_816 = arith.constant 0 : i32
      %dma_start3A_817 = arith.constant 0 : i32
      %dma_start3A_818 = tpu.memref_slice %arg4[%add3A_764, %dma_start3A_815, %add3A_805, %dma_start3A_816, %dma_start3A_817] : memref<50x8x128x8x128xf32, #tpu.memory_space<hbm>> -> memref<1x8x1x8x128xf32, #tpu.memory_space<hbm>>
      %dma_start3A_819 = tpu.memref_squeeze %dma_start3A_818 : memref<1x8x1x8x128xf32, #tpu.memory_space<hbm>> -> memref<8x8x128xf32, #tpu.memory_space<hbm>>
      %dma_start3A_820 = arith.constant 0 : i32
      %dma_start3A_821 = arith.constant 0 : i32
      %dma_start3A_822 = arith.constant 0 : i32
      %dma_start3A_823 = tpu.memref_slice %arg11[%dma_start3A_820, %dma_start3A_821, %dma_start3A_822] : memref<8x8x129xf32, #tpu.memory_space<vmem>> -> memref<8x8x128xf32, #tpu.memory_space<vmem>>
      tpu.enqueue_dma source(%dma_start3A_823 : memref<8x8x128xf32, #tpu.memory_space<vmem>>) target(%dma_start3A_819 : memref<8x8x128xf32, #tpu.memory_space<hbm>>) target_semaphore(%arg19 : memref<!tpu.dma_semaphore, #tpu.memory_space<semaphore_mem>>)
      %dma_start3A_824 = arith.constant 0 : i32
      %dma_start3A_825 = arith.constant 0 : i32
      %dma_start3A_826 = tpu.memref_slice %arg6[%min3A_767, %dma_start3A_824, %dma_start3A_825] : memref<50x4x128xi32, #tpu.memory_space<vmem>> -> memref<1x1x128xi32, #tpu.memory_space<vmem>>
      %dma_start3A_827 = tpu.memref_squeeze %dma_start3A_826 : memref<1x1x128xi32, #tpu.memory_space<vmem>> -> memref<128xi32, #tpu.memory_space<vmem>>
      %dma_start3A_828 = arith.constant 0 : i32
      %dma_start3A_829 = arith.constant 0 : i32
      %dma_start3A_830 = tpu.memref_slice %arg3[%dma_start3A_828, %dma_start3A_829] : memref<1000000x64xf32, #tpu.memory_space<hbm>> -> memref<1000000x64xf32, #tpu.memory_space<hbm>>
      tpu.enqueue_indirect_dma source(%dma_start3A_830 : memref<1000000x64xf32, #tpu.memory_space<hbm>>) target(%arg7 : memref<128x64xf32, #tpu.memory_space<vmem>>) offsets(%dma_start3A_827 : memref<128xi32, #tpu.memory_space<vmem>>) semaphore(%arg15 : memref<!tpu.dma_semaphore, #tpu.memory_space<semaphore_mem>>)
      %dma_wait3A_831 = arith.constant 0 : i32
      %dma_wait3A_832 = arith.constant 1 : i32
      %dma_wait3A_833 = arith.constant 0 : i32
      %dma_wait3A_834 = tpu.memref_slice %arg6[%dma_wait3A_831, %dma_wait3A_832, %dma_wait3A_833] : memref<50x4x128xi32, #tpu.memory_space<vmem>> -> memref<1x1x128xi32, #tpu.memory_space<vmem>>
      %dma_wait3A_835 = tpu.memref_squeeze %dma_wait3A_834 : memref<1x1x128xi32, #tpu.memory_space<vmem>> -> memref<128xi32, #tpu.memory_space<vmem>>
      %dma_wait3A_836 = arith.constant 0 : i32
      %dma_wait3A_837 = arith.constant 0 : i32
      %dma_wait3A_838 = tpu.memref_slice %arg3[%dma_wait3A_836, %dma_wait3A_837] : memref<1000000x64xf32, #tpu.memory_space<hbm>> -> memref<1000000x64xf32, #tpu.memory_space<hbm>>
      tpu.wait_indirect_dma semaphore(%arg16 : memref<!tpu.dma_semaphore, #tpu.memory_space<semaphore_mem>>) src(%dma_wait3A_838 : memref<1000000x64xf32, #tpu.memory_space<hbm>>) dst(%arg8 : memref<128x64xf32, #tpu.memory_space<vmem>>)
      %dma_wait3A_839 = arith.constant 0 : i32
      %dma_wait3A_840 = arith.constant 0 : i32
      %dma_wait3A_841 = arith.constant 0 : i32
      %dma_wait3A_842 = arith.constant 0 : i32
      %dma_wait3A_843 = arith.constant 0 : i32
      %dma_wait3A_844 = tpu.memref_slice %arg12[%dma_wait3A_841, %dma_wait3A_842, %dma_wait3A_843] : memref<8x8x129xf32, #tpu.memory_space<vmem>> -> memref<8x8x128xf32, #tpu.memory_space<vmem>>
      %dma_wait3A_845 = arith.constant 0 : i32
      %dma_wait3A_846 = arith.constant 0 : i32
      %dma_wait3A_847 = arith.constant 0 : i32
      %dma_wait3A_848 = tpu.memref_slice %arg4[%dma_wait3A_839, %dma_wait3A_845, %dma_wait3A_840, %dma_wait3A_846, %dma_wait3A_847] : memref<50x8x128x8x128xf32, #tpu.memory_space<hbm>> -> memref<1x8x1x8x128xf32, #tpu.memory_space<hbm>>
      %dma_wait3A_849 = tpu.memref_squeeze %dma_wait3A_848 : memref<1x8x1x8x128xf32, #tpu.memory_space<hbm>> -> memref<8x8x128xf32, #tpu.memory_space<hbm>>
      %dma_wait3A_850 = arith.constant 0 : i32
      %dma_wait3A_851 = arith.constant 0 : i32
      %dma_wait3A_852 = arith.constant 0 : i32
      %dma_wait3A_853 = tpu.memref_slice %arg4[%dma_wait3A_839, %dma_wait3A_850, %dma_wait3A_840, %dma_wait3A_851, %dma_wait3A_852] : memref<50x8x128x8x128xf32, #tpu.memory_space<hbm>> -> memref<1x8x1x8x128xf32, #tpu.memory_space<hbm>>
      %dma_wait3A_854 = tpu.memref_squeeze %dma_wait3A_853 : memref<1x8x1x8x128xf32, #tpu.memory_space<hbm>> -> memref<8x8x128xf32, #tpu.memory_space<hbm>>
      %dma_wait3A_855 = arith.constant 0 : i32
      %dma_wait3A_856 = arith.constant 0 : i32
      %dma_wait3A_857 = arith.constant 0 : i32
      %dma_wait3A_858 = tpu.memref_slice %arg12[%dma_wait3A_855, %dma_wait3A_856, %dma_wait3A_857] : memref<8x8x129xf32, #tpu.memory_space<vmem>> -> memref<8x8x128xf32, #tpu.memory_space<vmem>>
      tpu.wait_dma2 semaphore(%arg20 : memref<!tpu.dma_semaphore, #tpu.memory_space<semaphore_mem>>) src(%dma_wait3A_858 : memref<8x8x128xf32, #tpu.memory_space<vmem>>) dst(%dma_wait3A_854 : memref<8x8x128xf32, #tpu.memory_space<hbm>>)
      %scan3A_859 = arith.constant 0 : i32
      %scan3A_860 = arith.constant 32 : i32
      %scan3A_861 = arith.addi %scan3A_859, %scan3A_860 : i32
      %scan3A_862 = arith.constant 1 : i32
      %scan3A_863 = scf.for %scan3A_1020 = %scan3A_859 to %scan3A_861 step %scan3A_862 iter_args(%scan3A_1021 = %mul3A_3) -> (vector<16xi32>)  : i32 {
        %mul3A_1022 = arith.constant 4 : i32
        %mul3A_1023 = arith.muli %scan3A_1020, %mul3A_1022 : i32
        %add3A_1024 = arith.constant 0 : i32
        %add3A_1025 = arith.addi %add3A_1024, %mul3A_1023 : i32
        %add3A_1026 = arith.constant 0 : i32
        %add3A_1027 = arith.addi %add3A_1025, %add3A_1026 : i32
        %get3A = arith.index_cast %add3A_1027 : i32 to index
        %get3A_1028 = arith.constant 0 : index
        %get3A_1029 = tpu.vector_load %arg8[%get3A, %get3A_1028] {strides = array<i32>} : memref<128x64xf32, #tpu.memory_space<vmem>>, vector<16xf32>,
        %add3A_1030 = arith.constant 0 : i32
        %add3A_1031 = arith.addi %add3A_1025, %add3A_1030 : i32
        %get3A_1032 = arith.index_cast %add3A_1031 : i32 to index
        %get3A_1033 = arith.constant 16 : index
        %get3A_1034 = tpu.vector_load %arg8[%get3A_1032, %get3A_1033] {strides = array<i32>} : memref<128x64xf32, #tpu.memory_space<vmem>>, vector<16xf32>,
        %add3A_1035 = arith.constant 0 : i32
        %add3A_1036 = arith.addi %add3A_1025, %add3A_1035 : i32
        %get3A_1037 = arith.index_cast %add3A_1036 : i32 to index
        %get3A_1038 = arith.constant 32 : index
        %get3A_1039 = tpu.vector_load %arg8[%get3A_1037, %get3A_1038] {strides = array<i32>} : memref<128x64xf32, #tpu.memory_space<vmem>>, vector<16xf32>,
        %add3A_1040 = arith.constant 0 : i32
        %add3A_1041 = arith.addi %add3A_1025, %add3A_1040 : i32
        %get3A_1042 = arith.index_cast %add3A_1041 : i32 to index
        %get3A_1043 = arith.constant 48 : index
        %get3A_1044 = tpu.vector_load %arg8[%get3A_1042, %get3A_1043] {strides = array<i32>} : memref<128x64xf32, #tpu.memory_space<vmem>>, vector<16xf32>,
        %add3A_1045 = arith.constant 1 : i32
        %add3A_1046 = arith.addi %add3A_1025, %add3A_1045 : i32
        %get3A_1047 = arith.index_cast %add3A_1046 : i32 to index
        %get3A_1048 = arith.constant 0 : index
        %get3A_1049 = tpu.vector_load %arg8[%get3A_1047, %get3A_1048] {strides = array<i32>} : memref<128x64xf32, #tpu.memory_space<vmem>>, vector<16xf32>,
        %add3A_1050 = arith.constant 1 : i32
        %add3A_1051 = arith.addi %add3A_1025, %add3A_1050 : i32
        %get3A_1052 = arith.index_cast %add3A_1051 : i32 to index
        %get3A_1053 = arith.constant 16 : index
        %get3A_1054 = tpu.vector_load %arg8[%get3A_1052, %get3A_1053] {strides = array<i32>} : memref<128x64xf32, #tpu.memory_space<vmem>>, vector<16xf32>,
        %add3A_1055 = arith.constant 1 : i32
        %add3A_1056 = arith.addi %add3A_1025, %add3A_1055 : i32
        %get3A_1057 = arith.index_cast %add3A_1056 : i32 to index
        %get3A_1058 = arith.constant 32 : index
        %get3A_1059 = tpu.vector_load %arg8[%get3A_1057, %get3A_1058] {strides = array<i32>} : memref<128x64xf32, #tpu.memory_space<vmem>>, vector<16xf32>,
        %add3A_1060 = arith.constant 1 : i32
        %add3A_1061 = arith.addi %add3A_1025, %add3A_1060 : i32
        %get3A_1062 = arith.index_cast %add3A_1061 : i32 to index
        %get3A_1063 = arith.constant 48 : index
        %get3A_1064 = tpu.vector_load %arg8[%get3A_1062, %get3A_1063] {strides = array<i32>} : memref<128x64xf32, #tpu.memory_space<vmem>>, vector<16xf32>,
        %add3A_1065 = arith.constant 2 : i32
        %add3A_1066 = arith.addi %add3A_1025, %add3A_1065 : i32
        %get3A_1067 = arith.index_cast %add3A_1066 : i32 to index
        %get3A_1068 = arith.constant 0 : index
        %get3A_1069 = tpu.vector_load %arg8[%get3A_1067, %get3A_1068] {strides = array<i32>} : memref<128x64xf32, #tpu.memory_space<vmem>>, vector<16xf32>,
        %add3A_1070 = arith.constant 2 : i32
        %add3A_1071 = arith.addi %add3A_1025, %add3A_1070 : i32
        %get3A_1072 = arith.index_cast %add3A_1071 : i32 to index
        %get3A_1073 = arith.constant 16 : index
        %get3A_1074 = tpu.vector_load %arg8[%get3A_1072, %get3A_1073] {strides = array<i32>} : memref<128x64xf32, #tpu.memory_space<vmem>>, vector<16xf32>,
        %add3A_1075 = arith.constant 2 : i32
        %add3A_1076 = arith.addi %add3A_1025, %add3A_1075 : i32
        %get3A_1077 = arith.index_cast %add3A_1076 : i32 to index
        %get3A_1078 = arith.constant 32 : index
        %get3A_1079 = tpu.vector_load %arg8[%get3A_1077, %get3A_1078] {strides = array<i32>} : memref<128x64xf32, #tpu.memory_space<vmem>>, vector<16xf32>,
        %add3A_1080 = arith.constant 2 : i32
        %add3A_1081 = arith.addi %add3A_1025, %add3A_1080 : i32
        %get3A_1082 = arith.index_cast %add3A_1081 : i32 to index
        %get3A_1083 = arith.constant 48 : index
        %get3A_1084 = tpu.vector_load %arg8[%get3A_1082, %get3A_1083] {strides = array<i32>} : memref<128x64xf32, #tpu.memory_space<vmem>>, vector<16xf32>,
        %add3A_1085 = arith.constant 3 : i32
        %add3A_1086 = arith.addi %add3A_1025, %add3A_1085 : i32
        %get3A_1087 = arith.index_cast %add3A_1086 : i32 to index
        %get3A_1088 = arith.constant 0 : index
        %get3A_1089 = tpu.vector_load %arg8[%get3A_1087, %get3A_1088] {strides = array<i32>} : memref<128x64xf32, #tpu.memory_space<vmem>>, vector<16xf32>,
        %add3A_1090 = arith.constant 3 : i32
        %add3A_1091 = arith.addi %add3A_1025, %add3A_1090 : i32
        %get3A_1092 = arith.index_cast %add3A_1091 : i32 to index
        %get3A_1093 = arith.constant 16 : index
        %get3A_1094 = tpu.vector_load %arg8[%get3A_1092, %get3A_1093] {strides = array<i32>} : memref<128x64xf32, #tpu.memory_space<vmem>>, vector<16xf32>,
        %add3A_1095 = arith.constant 3 : i32
        %add3A_1096 = arith.addi %add3A_1025, %add3A_1095 : i32
        %get3A_1097 = arith.index_cast %add3A_1096 : i32 to index
        %get3A_1098 = arith.constant 32 : index
        %get3A_1099 = tpu.vector_load %arg8[%get3A_1097, %get3A_1098] {strides = array<i32>} : memref<128x64xf32, #tpu.memory_space<vmem>>, vector<16xf32>,
        %add3A_1100 = arith.constant 3 : i32
        %add3A_1101 = arith.addi %add3A_1025, %add3A_1100 : i32
        %get3A_1102 = arith.index_cast %add3A_1101 : i32 to index
        %get3A_1103 = arith.constant 48 : index
        %get3A_1104 = tpu.vector_load %arg8[%get3A_1102, %get3A_1103] {strides = array<i32>} : memref<128x64xf32, #tpu.memory_space<vmem>>, vector<16xf32>,
        %add3A_1105 = arith.constant 0 : i32
        %add3A_1106 = vector.broadcast %add3A_1105 : i32 to vector<16xi32>
        %add3A_1107 = arith.addi %scan3A_1021, %add3A_1106 : vector<16xi32>
        tpu.vector_store_idx %arg12[%select_n3A, %select_n3A_355, %add3A_1107], %get3A_1029 : memref<8x8x129xf32, #tpu.memory_space<vmem>>[vector<16xi32>, vector<16xi32>, vector<16xi32>], vector<16xf32>,
        %add3A_1108 = arith.constant 0 : i32
        %add3A_1109 = vector.broadcast %add3A_1108 : i32 to vector<16xi32>
        %add3A_1110 = arith.addi %scan3A_1021, %add3A_1109 : vector<16xi32>
        tpu.vector_store_idx %arg12[%select_n3A_264, %select_n3A_380, %add3A_1110], %get3A_1034 : memref<8x8x129xf32, #tpu.memory_space<vmem>>[vector<16xi32>, vector<16xi32>, vector<16xi32>], vector<16xf32>,
        %add3A_1111 = arith.constant 0 : i32
        %add3A_1112 = vector.broadcast %add3A_1111 : i32 to vector<16xi32>
        %add3A_1113 = arith.addi %scan3A_1021, %add3A_1112 : vector<16xi32>
        tpu.vector_store_idx %arg12[%select_n3A_298, %select_n3A_405, %add3A_1113], %get3A_1039 : memref<8x8x129xf32, #tpu.memory_space<vmem>>[vector<16xi32>, vector<16xi32>, vector<16xi32>], vector<16xf32>,
        %add3A_1114 = arith.constant 0 : i32
        %add3A_1115 = vector.broadcast %add3A_1114 : i32 to vector<16xi32>
        %add3A_1116 = arith.addi %scan3A_1021, %add3A_1115 : vector<16xi32>
        tpu.vector_store_idx %arg12[%select_n3A_332, %select_n3A_430, %add3A_1116], %get3A_1044 : memref<8x8x129xf32, #tpu.memory_space<vmem>>[vector<16xi32>, vector<16xi32>, vector<16xi32>], vector<16xf32>,
        %add3A_1117 = arith.constant 1 : i32
        %add3A_1118 = vector.broadcast %add3A_1117 : i32 to vector<16xi32>
        %add3A_1119 = arith.addi %scan3A_1021, %add3A_1118 : vector<16xi32>
        tpu.vector_store_idx %arg12[%select_n3A, %select_n3A_355, %add3A_1119], %get3A_1049 : memref<8x8x129xf32, #tpu.memory_space<vmem>>[vector<16xi32>, vector<16xi32>, vector<16xi32>], vector<16xf32>,
        %add3A_1120 = arith.constant 1 : i32
        %add3A_1121 = vector.broadcast %add3A_1120 : i32 to vector<16xi32>
        %add3A_1122 = arith.addi %scan3A_1021, %add3A_1121 : vector<16xi32>
        tpu.vector_store_idx %arg12[%select_n3A_264, %select_n3A_380, %add3A_1122], %get3A_1054 : memref<8x8x129xf32, #tpu.memory_space<vmem>>[vector<16xi32>, vector<16xi32>, vector<16xi32>], vector<16xf32>,
        %add3A_1123 = arith.constant 1 : i32
        %add3A_1124 = vector.broadcast %add3A_1123 : i32 to vector<16xi32>
        %add3A_1125 = arith.addi %scan3A_1021, %add3A_1124 : vector<16xi32>
        tpu.vector_store_idx %arg12[%select_n3A_298, %select_n3A_405, %add3A_1125], %get3A_1059 : memref<8x8x129xf32, #tpu.memory_space<vmem>>[vector<16xi32>, vector<16xi32>, vector<16xi32>], vector<16xf32>,
        %add3A_1126 = arith.constant 1 : i32
        %add3A_1127 = vector.broadcast %add3A_1126 : i32 to vector<16xi32>
        %add3A_1128 = arith.addi %scan3A_1021, %add3A_1127 : vector<16xi32>
        tpu.vector_store_idx %arg12[%select_n3A_332, %select_n3A_430, %add3A_1128], %get3A_1064 : memref<8x8x129xf32, #tpu.memory_space<vmem>>[vector<16xi32>, vector<16xi32>, vector<16xi32>], vector<16xf32>,
        %add3A_1129 = arith.constant 2 : i32
        %add3A_1130 = vector.broadcast %add3A_1129 : i32 to vector<16xi32>
        %add3A_1131 = arith.addi %scan3A_1021, %add3A_1130 : vector<16xi32>
        tpu.vector_store_idx %arg12[%select_n3A, %select_n3A_355, %add3A_1131], %get3A_1069 : memref<8x8x129xf32, #tpu.memory_space<vmem>>[vector<16xi32>, vector<16xi32>, vector<16xi32>], vector<16xf32>,
        %add3A_1132 = arith.constant 2 : i32
        %add3A_1133 = vector.broadcast %add3A_1132 : i32 to vector<16xi32>
        %add3A_1134 = arith.addi %scan3A_1021, %add3A_1133 : vector<16xi32>
        tpu.vector_store_idx %arg12[%select_n3A_264, %select_n3A_380, %add3A_1134], %get3A_1074 : memref<8x8x129xf32, #tpu.memory_space<vmem>>[vector<16xi32>, vector<16xi32>, vector<16xi32>], vector<16xf32>,
        %add3A_1135 = arith.constant 2 : i32
        %add3A_1136 = vector.broadcast %add3A_1135 : i32 to vector<16xi32>
        %add3A_1137 = arith.addi %scan3A_1021, %add3A_1136 : vector<16xi32>
        tpu.vector_store_idx %arg12[%select_n3A_298, %select_n3A_405, %add3A_1137], %get3A_1079 : memref<8x8x129xf32, #tpu.memory_space<vmem>>[vector<16xi32>, vector<16xi32>, vector<16xi32>], vector<16xf32>,
        %add3A_1138 = arith.constant 2 : i32
        %add3A_1139 = vector.broadcast %add3A_1138 : i32 to vector<16xi32>
        %add3A_1140 = arith.addi %scan3A_1021, %add3A_1139 : vector<16xi32>
        tpu.vector_store_idx %arg12[%select_n3A_332, %select_n3A_430, %add3A_1140], %get3A_1084 : memref<8x8x129xf32, #tpu.memory_space<vmem>>[vector<16xi32>, vector<16xi32>, vector<16xi32>], vector<16xf32>,
        %add3A_1141 = arith.constant 3 : i32
        %add3A_1142 = vector.broadcast %add3A_1141 : i32 to vector<16xi32>
        %add3A_1143 = arith.addi %scan3A_1021, %add3A_1142 : vector<16xi32>
        tpu.vector_store_idx %arg12[%select_n3A, %select_n3A_355, %add3A_1143], %get3A_1089 : memref<8x8x129xf32, #tpu.memory_space<vmem>>[vector<16xi32>, vector<16xi32>, vector<16xi32>], vector<16xf32>,
        %add3A_1144 = arith.constant 3 : i32
        %add3A_1145 = vector.broadcast %add3A_1144 : i32 to vector<16xi32>
        %add3A_1146 = arith.addi %scan3A_1021, %add3A_1145 : vector<16xi32>
        tpu.vector_store_idx %arg12[%select_n3A_264, %select_n3A_380, %add3A_1146], %get3A_1094 : memref<8x8x129xf32, #tpu.memory_space<vmem>>[vector<16xi32>, vector<16xi32>, vector<16xi32>], vector<16xf32>,
        %add3A_1147 = arith.constant 3 : i32
        %add3A_1148 = vector.broadcast %add3A_1147 : i32 to vector<16xi32>
        %add3A_1149 = arith.addi %scan3A_1021, %add3A_1148 : vector<16xi32>
        tpu.vector_store_idx %arg12[%select_n3A_298, %select_n3A_405, %add3A_1149], %get3A_1099 : memref<8x8x129xf32, #tpu.memory_space<vmem>>[vector<16xi32>, vector<16xi32>, vector<16xi32>], vector<16xf32>,
        %add3A_1150 = arith.constant 3 : i32
        %add3A_1151 = vector.broadcast %add3A_1150 : i32 to vector<16xi32>
        %add3A_1152 = arith.addi %scan3A_1021, %add3A_1151 : vector<16xi32>
        tpu.vector_store_idx %arg12[%select_n3A_332, %select_n3A_430, %add3A_1152], %get3A_1104 : memref<8x8x129xf32, #tpu.memory_space<vmem>>[vector<16xi32>, vector<16xi32>, vector<16xi32>], vector<16xf32>,
        %add3A_1153 = arith.constant 4 : i32
        %add3A_1154 = vector.broadcast %add3A_1153 : i32 to vector<16xi32>
        %add3A_1155 = arith.addi %scan3A_1021, %add3A_1154 : vector<16xi32>
        scf.yield %add3A_1155 : vector<16xi32>
      }
      %scan3A_864 = arith.constant 32 : i32
      %mul3A_865 = arith.constant 4 : i32
      %mul3A_866 = arith.muli %add3A, %mul3A_865 : i32
      %add3A_867 = arith.constant 1 : i32
      %add3A_868 = arith.addi %mul3A_866, %add3A_867 : i32
      %dma_start3A_869 = arith.constant 0 : i32
      %dma_start3A_870 = arith.constant 0 : i32
      %dma_start3A_871 = arith.constant 0 : i32
      %dma_start3A_872 = tpu.memref_slice %arg12[%dma_start3A_869, %dma_start3A_870, %dma_start3A_871] : memref<8x8x129xf32, #tpu.memory_space<vmem>> -> memref<8x8x128xf32, #tpu.memory_space<vmem>>
      %dma_start3A_873 = arith.constant 0 : i32
      %dma_start3A_874 = arith.constant 0 : i32
      %dma_start3A_875 = arith.constant 0 : i32
      %dma_start3A_876 = tpu.memref_slice %arg4[%add3A_764, %dma_start3A_873, %add3A_868, %dma_start3A_874, %dma_start3A_875] : memref<50x8x128x8x128xf32, #tpu.memory_space<hbm>> -> memref<1x8x1x8x128xf32, #tpu.memory_space<hbm>>
      %dma_start3A_877 = tpu.memref_squeeze %dma_start3A_876 : memref<1x8x1x8x128xf32, #tpu.memory_space<hbm>> -> memref<8x8x128xf32, #tpu.memory_space<hbm>>
      %dma_start3A_878 = arith.constant 0 : i32
      %dma_start3A_879 = arith.constant 0 : i32
      %dma_start3A_880 = arith.constant 0 : i32
      %dma_start3A_881 = tpu.memref_slice %arg4[%add3A_764, %dma_start3A_878, %add3A_868, %dma_start3A_879, %dma_start3A_880] : memref<50x8x128x8x128xf32, #tpu.memory_space<hbm>> -> memref<1x8x1x8x128xf32, #tpu.memory_space<hbm>>
      %dma_start3A_882 = tpu.memref_squeeze %dma_start3A_881 : memref<1x8x1x8x128xf32, #tpu.memory_space<hbm>> -> memref<8x8x128xf32, #tpu.memory_space<hbm>>
      %dma_start3A_883 = arith.constant 0 : i32
      %dma_start3A_884 = arith.constant 0 : i32
      %dma_start3A_885 = arith.constant 0 : i32
      %dma_start3A_886 = tpu.memref_slice %arg12[%dma_start3A_883, %dma_start3A_884, %dma_start3A_885] : memref<8x8x129xf32, #tpu.memory_space<vmem>> -> memref<8x8x128xf32, #tpu.memory_space<vmem>>
      tpu.enqueue_dma source(%dma_start3A_886 : memref<8x8x128xf32, #tpu.memory_space<vmem>>) target(%dma_start3A_882 : memref<8x8x128xf32, #tpu.memory_space<hbm>>) target_semaphore(%arg20 : memref<!tpu.dma_semaphore, #tpu.memory_space<semaphore_mem>>)
      %dma_start3A_887 = arith.constant 1 : i32
      %dma_start3A_888 = arith.constant 0 : i32
      %dma_start3A_889 = tpu.memref_slice %arg6[%min3A_767, %dma_start3A_887, %dma_start3A_888] : memref<50x4x128xi32, #tpu.memory_space<vmem>> -> memref<1x1x128xi32, #tpu.memory_space<vmem>>
      %dma_start3A_890 = tpu.memref_squeeze %dma_start3A_889 : memref<1x1x128xi32, #tpu.memory_space<vmem>> -> memref<128xi32, #tpu.memory_space<vmem>>
      %dma_start3A_891 = arith.constant 0 : i32
      %dma_start3A_892 = arith.constant 0 : i32
      %dma_start3A_893 = tpu.memref_slice %arg3[%dma_start3A_891, %dma_start3A_892] : memref<1000000x64xf32, #tpu.memory_space<hbm>> -> memref<1000000x64xf32, #tpu.memory_space<hbm>>
      tpu.enqueue_indirect_dma source(%dma_start3A_893 : memref<1000000x64xf32, #tpu.memory_space<hbm>>) target(%arg8 : memref<128x64xf32, #tpu.memory_space<vmem>>) offsets(%dma_start3A_890 : memref<128xi32, #tpu.memory_space<vmem>>) semaphore(%arg16 : memref<!tpu.dma_semaphore, #tpu.memory_space<semaphore_mem>>)
      %dma_wait3A_894 = arith.constant 0 : i32
      %dma_wait3A_895 = arith.constant 2 : i32
      %dma_wait3A_896 = arith.constant 0 : i32
      %dma_wait3A_897 = tpu.memref_slice %arg6[%dma_wait3A_894, %dma_wait3A_895, %dma_wait3A_896] : memref<50x4x128xi32, #tpu.memory_space<vmem>> -> memref<1x1x128xi32, #tpu.memory_space<vmem>>
      %dma_wait3A_898 = tpu.memref_squeeze %dma_wait3A_897 : memref<1x1x128xi32, #tpu.memory_space<vmem>> -> memref<128xi32, #tpu.memory_space<vmem>>
      %dma_wait3A_899 = arith.constant 0 : i32
      %dma_wait3A_900 = arith.constant 0 : i32
      %dma_wait3A_901 = tpu.memref_slice %arg3[%dma_wait3A_899, %dma_wait3A_900] : memref<1000000x64xf32, #tpu.memory_space<hbm>> -> memref<1000000x64xf32, #tpu.memory_space<hbm>>
      tpu.wait_indirect_dma semaphore(%arg17 : memref<!tpu.dma_semaphore, #tpu.memory_space<semaphore_mem>>) src(%dma_wait3A_901 : memref<1000000x64xf32, #tpu.memory_space<hbm>>) dst(%arg9 : memref<128x64xf32, #tpu.memory_space<vmem>>)
      %dma_wait3A_902 = arith.constant 0 : i32
      %dma_wait3A_903 = arith.constant 0 : i32
      %dma_wait3A_904 = arith.constant 0 : i32
      %dma_wait3A_905 = arith.constant 0 : i32
      %dma_wait3A_906 = arith.constant 0 : i32
      %dma_wait3A_907 = tpu.memref_slice %arg13[%dma_wait3A_904, %dma_wait3A_905, %dma_wait3A_906] : memref<8x8x129xf32, #tpu.memory_space<vmem>> -> memref<8x8x128xf32, #tpu.memory_space<vmem>>
      %dma_wait3A_908 = arith.constant 0 : i32
      %dma_wait3A_909 = arith.constant 0 : i32
      %dma_wait3A_910 = arith.constant 0 : i32
      %dma_wait3A_911 = tpu.memref_slice %arg4[%dma_wait3A_902, %dma_wait3A_908, %dma_wait3A_903, %dma_wait3A_909, %dma_wait3A_910] : memref<50x8x128x8x128xf32, #tpu.memory_space<hbm>> -> memref<1x8x1x8x128xf32, #tpu.memory_space<hbm>>
      %dma_wait3A_912 = tpu.memref_squeeze %dma_wait3A_911 : memref<1x8x1x8x128xf32, #tpu.memory_space<hbm>> -> memref<8x8x128xf32, #tpu.memory_space<hbm>>
      %dma_wait3A_913 = arith.constant 0 : i32
      %dma_wait3A_914 = arith.constant 0 : i32
      %dma_wait3A_915 = arith.constant 0 : i32
      %dma_wait3A_916 = tpu.memref_slice %arg4[%dma_wait3A_902, %dma_wait3A_913, %dma_wait3A_903, %dma_wait3A_914, %dma_wait3A_915] : memref<50x8x128x8x128xf32, #tpu.memory_space<hbm>> -> memref<1x8x1x8x128xf32, #tpu.memory_space<hbm>>
      %dma_wait3A_917 = tpu.memref_squeeze %dma_wait3A_916 : memref<1x8x1x8x128xf32, #tpu.memory_space<hbm>> -> memref<8x8x128xf32, #tpu.memory_space<hbm>>
      %dma_wait3A_918 = arith.constant 0 : i32
      %dma_wait3A_919 = arith.constant 0 : i32
      %dma_wait3A_920 = arith.constant 0 : i32
      %dma_wait3A_921 = tpu.memref_slice %arg13[%dma_wait3A_918, %dma_wait3A_919, %dma_wait3A_920] : memref<8x8x129xf32, #tpu.memory_space<vmem>> -> memref<8x8x128xf32, #tpu.memory_space<vmem>>
      tpu.wait_dma2 semaphore(%arg21 : memref<!tpu.dma_semaphore, #tpu.memory_space<semaphore_mem>>) src(%dma_wait3A_921 : memref<8x8x128xf32, #tpu.memory_space<vmem>>) dst(%dma_wait3A_917 : memref<8x8x128xf32, #tpu.memory_space<hbm>>)
      %scan3A_922 = arith.constant 0 : i32
      %scan3A_923 = arith.constant 32 : i32
      %scan3A_924 = arith.addi %scan3A_922, %scan3A_923 : i32
      %scan3A_925 = arith.constant 1 : i32
      %scan3A_926 = scf.for %scan3A_1020 = %scan3A_922 to %scan3A_924 step %scan3A_925 iter_args(%scan3A_1021 = %mul3A_3) -> (vector<16xi32>)  : i32 {
        %mul3A_1022 = arith.constant 4 : i32
        %mul3A_1023 = arith.muli %scan3A_1020, %mul3A_1022 : i32
        %add3A_1024 = arith.constant 0 : i32
        %add3A_1025 = arith.addi %add3A_1024, %mul3A_1023 : i32
        %add3A_1026 = arith.constant 0 : i32
        %add3A_1027 = arith.addi %add3A_1025, %add3A_1026 : i32
        %get3A = arith.index_cast %add3A_1027 : i32 to index
        %get3A_1028 = arith.constant 0 : index
        %get3A_1029 = tpu.vector_load %arg9[%get3A, %get3A_1028] {strides = array<i32>} : memref<128x64xf32, #tpu.memory_space<vmem>>, vector<16xf32>,
        %add3A_1030 = arith.constant 0 : i32
        %add3A_1031 = arith.addi %add3A_1025, %add3A_1030 : i32
        %get3A_1032 = arith.index_cast %add3A_1031 : i32 to index
        %get3A_1033 = arith.constant 16 : index
        %get3A_1034 = tpu.vector_load %arg9[%get3A_1032, %get3A_1033] {strides = array<i32>} : memref<128x64xf32, #tpu.memory_space<vmem>>, vector<16xf32>,
        %add3A_1035 = arith.constant 0 : i32
        %add3A_1036 = arith.addi %add3A_1025, %add3A_1035 : i32
        %get3A_1037 = arith.index_cast %add3A_1036 : i32 to index
        %get3A_1038 = arith.constant 32 : index
        %get3A_1039 = tpu.vector_load %arg9[%get3A_1037, %get3A_1038] {strides = array<i32>} : memref<128x64xf32, #tpu.memory_space<vmem>>, vector<16xf32>,
        %add3A_1040 = arith.constant 0 : i32
        %add3A_1041 = arith.addi %add3A_1025, %add3A_1040 : i32
        %get3A_1042 = arith.index_cast %add3A_1041 : i32 to index
        %get3A_1043 = arith.constant 48 : index
        %get3A_1044 = tpu.vector_load %arg9[%get3A_1042, %get3A_1043] {strides = array<i32>} : memref<128x64xf32, #tpu.memory_space<vmem>>, vector<16xf32>,
        %add3A_1045 = arith.constant 1 : i32
        %add3A_1046 = arith.addi %add3A_1025, %add3A_1045 : i32
        %get3A_1047 = arith.index_cast %add3A_1046 : i32 to index
        %get3A_1048 = arith.constant 0 : index
        %get3A_1049 = tpu.vector_load %arg9[%get3A_1047, %get3A_1048] {strides = array<i32>} : memref<128x64xf32, #tpu.memory_space<vmem>>, vector<16xf32>,
        %add3A_1050 = arith.constant 1 : i32
        %add3A_1051 = arith.addi %add3A_1025, %add3A_1050 : i32
        %get3A_1052 = arith.index_cast %add3A_1051 : i32 to index
        %get3A_1053 = arith.constant 16 : index
        %get3A_1054 = tpu.vector_load %arg9[%get3A_1052, %get3A_1053] {strides = array<i32>} : memref<128x64xf32, #tpu.memory_space<vmem>>, vector<16xf32>,
        %add3A_1055 = arith.constant 1 : i32
        %add3A_1056 = arith.addi %add3A_1025, %add3A_1055 : i32
        %get3A_1057 = arith.index_cast %add3A_1056 : i32 to index
        %get3A_1058 = arith.constant 32 : index
        %get3A_1059 = tpu.vector_load %arg9[%get3A_1057, %get3A_1058] {strides = array<i32>} : memref<128x64xf32, #tpu.memory_space<vmem>>, vector<16xf32>,
        %add3A_1060 = arith.constant 1 : i32
        %add3A_1061 = arith.addi %add3A_1025, %add3A_1060 : i32
        %get3A_1062 = arith.index_cast %add3A_1061 : i32 to index
        %get3A_1063 = arith.constant 48 : index
        %get3A_1064 = tpu.vector_load %arg9[%get3A_1062, %get3A_1063] {strides = array<i32>} : memref<128x64xf32, #tpu.memory_space<vmem>>, vector<16xf32>,
        %add3A_1065 = arith.constant 2 : i32
        %add3A_1066 = arith.addi %add3A_1025, %add3A_1065 : i32
        %get3A_1067 = arith.index_cast %add3A_1066 : i32 to index
        %get3A_1068 = arith.constant 0 : index
        %get3A_1069 = tpu.vector_load %arg9[%get3A_1067, %get3A_1068] {strides = array<i32>} : memref<128x64xf32, #tpu.memory_space<vmem>>, vector<16xf32>,
        %add3A_1070 = arith.constant 2 : i32
        %add3A_1071 = arith.addi %add3A_1025, %add3A_1070 : i32
        %get3A_1072 = arith.index_cast %add3A_1071 : i32 to index
        %get3A_1073 = arith.constant 16 : index
        %get3A_1074 = tpu.vector_load %arg9[%get3A_1072, %get3A_1073] {strides = array<i32>} : memref<128x64xf32, #tpu.memory_space<vmem>>, vector<16xf32>,
        %add3A_1075 = arith.constant 2 : i32
        %add3A_1076 = arith.addi %add3A_1025, %add3A_1075 : i32
        %get3A_1077 = arith.index_cast %add3A_1076 : i32 to index
        %get3A_1078 = arith.constant 32 : index
        %get3A_1079 = tpu.vector_load %arg9[%get3A_1077, %get3A_1078] {strides = array<i32>} : memref<128x64xf32, #tpu.memory_space<vmem>>, vector<16xf32>,
        %add3A_1080 = arith.constant 2 : i32
        %add3A_1081 = arith.addi %add3A_1025, %add3A_1080 : i32
        %get3A_1082 = arith.index_cast %add3A_1081 : i32 to index
        %get3A_1083 = arith.constant 48 : index
        %get3A_1084 = tpu.vector_load %arg9[%get3A_1082, %get3A_1083] {strides = array<i32>} : memref<128x64xf32, #tpu.memory_space<vmem>>, vector<16xf32>,
        %add3A_1085 = arith.constant 3 : i32
        %add3A_1086 = arith.addi %add3A_1025, %add3A_1085 : i32
        %get3A_1087 = arith.index_cast %add3A_1086 : i32 to index
        %get3A_1088 = arith.constant 0 : index
        %get3A_1089 = tpu.vector_load %arg9[%get3A_1087, %get3A_1088] {strides = array<i32>} : memref<128x64xf32, #tpu.memory_space<vmem>>, vector<16xf32>,
        %add3A_1090 = arith.constant 3 : i32
        %add3A_1091 = arith.addi %add3A_1025, %add3A_1090 : i32
        %get3A_1092 = arith.index_cast %add3A_1091 : i32 to index
        %get3A_1093 = arith.constant 16 : index
        %get3A_1094 = tpu.vector_load %arg9[%get3A_1092, %get3A_1093] {strides = array<i32>} : memref<128x64xf32, #tpu.memory_space<vmem>>, vector<16xf32>,
        %add3A_1095 = arith.constant 3 : i32
        %add3A_1096 = arith.addi %add3A_1025, %add3A_1095 : i32
        %get3A_1097 = arith.index_cast %add3A_1096 : i32 to index
        %get3A_1098 = arith.constant 32 : index
        %get3A_1099 = tpu.vector_load %arg9[%get3A_1097, %get3A_1098] {strides = array<i32>} : memref<128x64xf32, #tpu.memory_space<vmem>>, vector<16xf32>,
        %add3A_1100 = arith.constant 3 : i32
        %add3A_1101 = arith.addi %add3A_1025, %add3A_1100 : i32
        %get3A_1102 = arith.index_cast %add3A_1101 : i32 to index
        %get3A_1103 = arith.constant 48 : index
        %get3A_1104 = tpu.vector_load %arg9[%get3A_1102, %get3A_1103] {strides = array<i32>} : memref<128x64xf32, #tpu.memory_space<vmem>>, vector<16xf32>,
        %add3A_1105 = arith.constant 0 : i32
        %add3A_1106 = vector.broadcast %add3A_1105 : i32 to vector<16xi32>
        %add3A_1107 = arith.addi %scan3A_1021, %add3A_1106 : vector<16xi32>
        tpu.vector_store_idx %arg13[%select_n3A, %select_n3A_355, %add3A_1107], %get3A_1029 : memref<8x8x129xf32, #tpu.memory_space<vmem>>[vector<16xi32>, vector<16xi32>, vector<16xi32>], vector<16xf32>,
        %add3A_1108 = arith.constant 0 : i32
        %add3A_1109 = vector.broadcast %add3A_1108 : i32 to vector<16xi32>
        %add3A_1110 = arith.addi %scan3A_1021, %add3A_1109 : vector<16xi32>
        tpu.vector_store_idx %arg13[%select_n3A_264, %select_n3A_380, %add3A_1110], %get3A_1034 : memref<8x8x129xf32, #tpu.memory_space<vmem>>[vector<16xi32>, vector<16xi32>, vector<16xi32>], vector<16xf32>,
        %add3A_1111 = arith.constant 0 : i32
        %add3A_1112 = vector.broadcast %add3A_1111 : i32 to vector<16xi32>
        %add3A_1113 = arith.addi %scan3A_1021, %add3A_1112 : vector<16xi32>
        tpu.vector_store_idx %arg13[%select_n3A_298, %select_n3A_405, %add3A_1113], %get3A_1039 : memref<8x8x129xf32, #tpu.memory_space<vmem>>[vector<16xi32>, vector<16xi32>, vector<16xi32>], vector<16xf32>,
        %add3A_1114 = arith.constant 0 : i32
        %add3A_1115 = vector.broadcast %add3A_1114 : i32 to vector<16xi32>
        %add3A_1116 = arith.addi %scan3A_1021, %add3A_1115 : vector<16xi32>
        tpu.vector_store_idx %arg13[%select_n3A_332, %select_n3A_430, %add3A_1116], %get3A_1044 : memref<8x8x129xf32, #tpu.memory_space<vmem>>[vector<16xi32>, vector<16xi32>, vector<16xi32>], vector<16xf32>,
        %add3A_1117 = arith.constant 1 : i32
        %add3A_1118 = vector.broadcast %add3A_1117 : i32 to vector<16xi32>
        %add3A_1119 = arith.addi %scan3A_1021, %add3A_1118 : vector<16xi32>
        tpu.vector_store_idx %arg13[%select_n3A, %select_n3A_355, %add3A_1119], %get3A_1049 : memref<8x8x129xf32, #tpu.memory_space<vmem>>[vector<16xi32>, vector<16xi32>, vector<16xi32>], vector<16xf32>,
        %add3A_1120 = arith.constant 1 : i32
        %add3A_1121 = vector.broadcast %add3A_1120 : i32 to vector<16xi32>
        %add3A_1122 = arith.addi %scan3A_1021, %add3A_1121 : vector<16xi32>
        tpu.vector_store_idx %arg13[%select_n3A_264, %select_n3A_380, %add3A_1122], %get3A_1054 : memref<8x8x129xf32, #tpu.memory_space<vmem>>[vector<16xi32>, vector<16xi32>, vector<16xi32>], vector<16xf32>,
        %add3A_1123 = arith.constant 1 : i32
        %add3A_1124 = vector.broadcast %add3A_1123 : i32 to vector<16xi32>
        %add3A_1125 = arith.addi %scan3A_1021, %add3A_1124 : vector<16xi32>
        tpu.vector_store_idx %arg13[%select_n3A_298, %select_n3A_405, %add3A_1125], %get3A_1059 : memref<8x8x129xf32, #tpu.memory_space<vmem>>[vector<16xi32>, vector<16xi32>, vector<16xi32>], vector<16xf32>,
        %add3A_1126 = arith.constant 1 : i32
        %add3A_1127 = vector.broadcast %add3A_1126 : i32 to vector<16xi32>
        %add3A_1128 = arith.addi %scan3A_1021, %add3A_1127 : vector<16xi32>
        tpu.vector_store_idx %arg13[%select_n3A_332, %select_n3A_430, %add3A_1128], %get3A_1064 : memref<8x8x129xf32, #tpu.memory_space<vmem>>[vector<16xi32>, vector<16xi32>, vector<16xi32>], vector<16xf32>,
        %add3A_1129 = arith.constant 2 : i32
        %add3A_1130 = vector.broadcast %add3A_1129 : i32 to vector<16xi32>
        %add3A_1131 = arith.addi %scan3A_1021, %add3A_1130 : vector<16xi32>
        tpu.vector_store_idx %arg13[%select_n3A, %select_n3A_355, %add3A_1131], %get3A_1069 : memref<8x8x129xf32, #tpu.memory_space<vmem>>[vector<16xi32>, vector<16xi32>, vector<16xi32>], vector<16xf32>,
        %add3A_1132 = arith.constant 2 : i32
        %add3A_1133 = vector.broadcast %add3A_1132 : i32 to vector<16xi32>
        %add3A_1134 = arith.addi %scan3A_1021, %add3A_1133 : vector<16xi32>
        tpu.vector_store_idx %arg13[%select_n3A_264, %select_n3A_380, %add3A_1134], %get3A_1074 : memref<8x8x129xf32, #tpu.memory_space<vmem>>[vector<16xi32>, vector<16xi32>, vector<16xi32>], vector<16xf32>,
        %add3A_1135 = arith.constant 2 : i32
        %add3A_1136 = vector.broadcast %add3A_1135 : i32 to vector<16xi32>
        %add3A_1137 = arith.addi %scan3A_1021, %add3A_1136 : vector<16xi32>
        tpu.vector_store_idx %arg13[%select_n3A_298, %select_n3A_405, %add3A_1137], %get3A_1079 : memref<8x8x129xf32, #tpu.memory_space<vmem>>[vector<16xi32>, vector<16xi32>, vector<16xi32>], vector<16xf32>,
        %add3A_1138 = arith.constant 2 : i32
        %add3A_1139 = vector.broadcast %add3A_1138 : i32 to vector<16xi32>
        %add3A_1140 = arith.addi %scan3A_1021, %add3A_1139 : vector<16xi32>
        tpu.vector_store_idx %arg13[%select_n3A_332, %select_n3A_430, %add3A_1140], %get3A_1084 : memref<8x8x129xf32, #tpu.memory_space<vmem>>[vector<16xi32>, vector<16xi32>, vector<16xi32>], vector<16xf32>,
        %add3A_1141 = arith.constant 3 : i32
        %add3A_1142 = vector.broadcast %add3A_1141 : i32 to vector<16xi32>
        %add3A_1143 = arith.addi %scan3A_1021, %add3A_1142 : vector<16xi32>
        tpu.vector_store_idx %arg13[%select_n3A, %select_n3A_355, %add3A_1143], %get3A_1089 : memref<8x8x129xf32, #tpu.memory_space<vmem>>[vector<16xi32>, vector<16xi32>, vector<16xi32>], vector<16xf32>,
        %add3A_1144 = arith.constant 3 : i32
        %add3A_1145 = vector.broadcast %add3A_1144 : i32 to vector<16xi32>
        %add3A_1146 = arith.addi %scan3A_1021, %add3A_1145 : vector<16xi32>
        tpu.vector_store_idx %arg13[%select_n3A_264, %select_n3A_380, %add3A_1146], %get3A_1094 : memref<8x8x129xf32, #tpu.memory_space<vmem>>[vector<16xi32>, vector<16xi32>, vector<16xi32>], vector<16xf32>,
        %add3A_1147 = arith.constant 3 : i32
        %add3A_1148 = vector.broadcast %add3A_1147 : i32 to vector<16xi32>
        %add3A_1149 = arith.addi %scan3A_1021, %add3A_1148 : vector<16xi32>
        tpu.vector_store_idx %arg13[%select_n3A_298, %select_n3A_405, %add3A_1149], %get3A_1099 : memref<8x8x129xf32, #tpu.memory_space<vmem>>[vector<16xi32>, vector<16xi32>, vector<16xi32>], vector<16xf32>,
        %add3A_1150 = arith.constant 3 : i32
        %add3A_1151 = vector.broadcast %add3A_1150 : i32 to vector<16xi32>
        %add3A_1152 = arith.addi %scan3A_1021, %add3A_1151 : vector<16xi32>
        tpu.vector_store_idx %arg13[%select_n3A_332, %select_n3A_430, %add3A_1152], %get3A_1104 : memref<8x8x129xf32, #tpu.memory_space<vmem>>[vector<16xi32>, vector<16xi32>, vector<16xi32>], vector<16xf32>,
        %add3A_1153 = arith.constant 4 : i32
        %add3A_1154 = vector.broadcast %add3A_1153 : i32 to vector<16xi32>
        %add3A_1155 = arith.addi %scan3A_1021, %add3A_1154 : vector<16xi32>
        scf.yield %add3A_1155 : vector<16xi32>
      }
      %scan3A_927 = arith.constant 32 : i32
      %mul3A_928 = arith.constant 4 : i32
      %mul3A_929 = arith.muli %add3A, %mul3A_928 : i32
      %add3A_930 = arith.constant 2 : i32
      %add3A_931 = arith.addi %mul3A_929, %add3A_930 : i32
      %dma_start3A_932 = arith.constant 0 : i32
      %dma_start3A_933 = arith.constant 0 : i32
      %dma_start3A_934 = arith.constant 0 : i32
      %dma_start3A_935 = tpu.memref_slice %arg13[%dma_start3A_932, %dma_start3A_933, %dma_start3A_934] : memref<8x8x129xf32, #tpu.memory_space<vmem>> -> memref<8x8x128xf32, #tpu.memory_space<vmem>>
      %dma_start3A_936 = arith.constant 0 : i32
      %dma_start3A_937 = arith.constant 0 : i32
      %dma_start3A_938 = arith.constant 0 : i32
      %dma_start3A_939 = tpu.memref_slice %arg4[%add3A_764, %dma_start3A_936, %add3A_931, %dma_start3A_937, %dma_start3A_938] : memref<50x8x128x8x128xf32, #tpu.memory_space<hbm>> -> memref<1x8x1x8x128xf32, #tpu.memory_space<hbm>>
      %dma_start3A_940 = tpu.memref_squeeze %dma_start3A_939 : memref<1x8x1x8x128xf32, #tpu.memory_space<hbm>> -> memref<8x8x128xf32, #tpu.memory_space<hbm>>
      %dma_start3A_941 = arith.constant 0 : i32
      %dma_start3A_942 = arith.constant 0 : i32
      %dma_start3A_943 = arith.constant 0 : i32
      %dma_start3A_944 = tpu.memref_slice %arg4[%add3A_764, %dma_start3A_941, %add3A_931, %dma_start3A_942, %dma_start3A_943] : memref<50x8x128x8x128xf32, #tpu.memory_space<hbm>> -> memref<1x8x1x8x128xf32, #tpu.memory_space<hbm>>
      %dma_start3A_945 = tpu.memref_squeeze %dma_start3A_944 : memref<1x8x1x8x128xf32, #tpu.memory_space<hbm>> -> memref<8x8x128xf32, #tpu.memory_space<hbm>>
      %dma_start3A_946 = arith.constant 0 : i32
      %dma_start3A_947 = arith.constant 0 : i32
      %dma_start3A_948 = arith.constant 0 : i32
      %dma_start3A_949 = tpu.memref_slice %arg13[%dma_start3A_946, %dma_start3A_947, %dma_start3A_948] : memref<8x8x129xf32, #tpu.memory_space<vmem>> -> memref<8x8x128xf32, #tpu.memory_space<vmem>>
      tpu.enqueue_dma source(%dma_start3A_949 : memref<8x8x128xf32, #tpu.memory_space<vmem>>) target(%dma_start3A_945 : memref<8x8x128xf32, #tpu.memory_space<hbm>>) target_semaphore(%arg21 : memref<!tpu.dma_semaphore, #tpu.memory_space<semaphore_mem>>)
      %dma_start3A_950 = arith.constant 2 : i32
      %dma_start3A_951 = arith.constant 0 : i32
      %dma_start3A_952 = tpu.memref_slice %arg6[%min3A_767, %dma_start3A_950, %dma_start3A_951] : memref<50x4x128xi32, #tpu.memory_space<vmem>> -> memref<1x1x128xi32, #tpu.memory_space<vmem>>
      %dma_start3A_953 = tpu.memref_squeeze %dma_start3A_952 : memref<1x1x128xi32, #tpu.memory_space<vmem>> -> memref<128xi32, #tpu.memory_space<vmem>>
      %dma_start3A_954 = arith.constant 0 : i32
      %dma_start3A_955 = arith.constant 0 : i32
      %dma_start3A_956 = tpu.memref_slice %arg3[%dma_start3A_954, %dma_start3A_955] : memref<1000000x64xf32, #tpu.memory_space<hbm>> -> memref<1000000x64xf32, #tpu.memory_space<hbm>>
      tpu.enqueue_indirect_dma source(%dma_start3A_956 : memref<1000000x64xf32, #tpu.memory_space<hbm>>) target(%arg9 : memref<128x64xf32, #tpu.memory_space<vmem>>) offsets(%dma_start3A_953 : memref<128xi32, #tpu.memory_space<vmem>>) semaphore(%arg17 : memref<!tpu.dma_semaphore, #tpu.memory_space<semaphore_mem>>)
      %dma_wait3A_957 = arith.constant 0 : i32
      %dma_wait3A_958 = arith.constant 3 : i32
      %dma_wait3A_959 = arith.constant 0 : i32
      %dma_wait3A_960 = tpu.memref_slice %arg6[%dma_wait3A_957, %dma_wait3A_958, %dma_wait3A_959] : memref<50x4x128xi32, #tpu.memory_space<vmem>> -> memref<1x1x128xi32, #tpu.memory_space<vmem>>
      %dma_wait3A_961 = tpu.memref_squeeze %dma_wait3A_960 : memref<1x1x128xi32, #tpu.memory_space<vmem>> -> memref<128xi32, #tpu.memory_space<vmem>>
      %dma_wait3A_962 = arith.constant 0 : i32
      %dma_wait3A_963 = arith.constant 0 : i32
      %dma_wait3A_964 = tpu.memref_slice %arg3[%dma_wait3A_962, %dma_wait3A_963] : memref<1000000x64xf32, #tpu.memory_space<hbm>> -> memref<1000000x64xf32, #tpu.memory_space<hbm>>
      tpu.wait_indirect_dma semaphore(%arg18 : memref<!tpu.dma_semaphore, #tpu.memory_space<semaphore_mem>>) src(%dma_wait3A_964 : memref<1000000x64xf32, #tpu.memory_space<hbm>>) dst(%arg10 : memref<128x64xf32, #tpu.memory_space<vmem>>)
      %dma_wait3A_965 = arith.constant 0 : i32
      %dma_wait3A_966 = arith.constant 0 : i32
      %dma_wait3A_967 = arith.constant 0 : i32
      %dma_wait3A_968 = arith.constant 0 : i32
      %dma_wait3A_969 = arith.constant 0 : i32
      %dma_wait3A_970 = tpu.memref_slice %arg14[%dma_wait3A_967, %dma_wait3A_968, %dma_wait3A_969] : memref<8x8x129xf32, #tpu.memory_space<vmem>> -> memref<8x8x128xf32, #tpu.memory_space<vmem>>
      %dma_wait3A_971 = arith.constant 0 : i32
      %dma_wait3A_972 = arith.constant 0 : i32
      %dma_wait3A_973 = arith.constant 0 : i32
      %dma_wait3A_974 = tpu.memref_slice %arg4[%dma_wait3A_965, %dma_wait3A_971, %dma_wait3A_966, %dma_wait3A_972, %dma_wait3A_973] : memref<50x8x128x8x128xf32, #tpu.memory_space<hbm>> -> memref<1x8x1x8x128xf32, #tpu.memory_space<hbm>>
      %dma_wait3A_975 = tpu.memref_squeeze %dma_wait3A_974 : memref<1x8x1x8x128xf32, #tpu.memory_space<hbm>> -> memref<8x8x128xf32, #tpu.memory_space<hbm>>
      %dma_wait3A_976 = arith.constant 0 : i32
      %dma_wait3A_977 = arith.constant 0 : i32
      %dma_wait3A_978 = arith.constant 0 : i32
      %dma_wait3A_979 = tpu.memref_slice %arg4[%dma_wait3A_965, %dma_wait3A_976, %dma_wait3A_966, %dma_wait3A_977, %dma_wait3A_978] : memref<50x8x128x8x128xf32, #tpu.memory_space<hbm>> -> memref<1x8x1x8x128xf32, #tpu.memory_space<hbm>>
      %dma_wait3A_980 = tpu.memref_squeeze %dma_wait3A_979 : memref<1x8x1x8x128xf32, #tpu.memory_space<hbm>> -> memref<8x8x128xf32, #tpu.memory_space<hbm>>
      %dma_wait3A_981 = arith.constant 0 : i32
      %dma_wait3A_982 = arith.constant 0 : i32
      %dma_wait3A_983 = arith.constant 0 : i32
      %dma_wait3A_984 = tpu.memref_slice %arg14[%dma_wait3A_981, %dma_wait3A_982, %dma_wait3A_983] : memref<8x8x129xf32, #tpu.memory_space<vmem>> -> memref<8x8x128xf32, #tpu.memory_space<vmem>>
      tpu.wait_dma2 semaphore(%arg22 : memref<!tpu.dma_semaphore, #tpu.memory_space<semaphore_mem>>) src(%dma_wait3A_984 : memref<8x8x128xf32, #tpu.memory_space<vmem>>) dst(%dma_wait3A_980 : memref<8x8x128xf32, #tpu.memory_space<hbm>>)
      %scan3A_985 = arith.constant 0 : i32
      %scan3A_986 = arith.constant 32 : i32
      %scan3A_987 = arith.addi %scan3A_985, %scan3A_986 : i32
      %scan3A_988 = arith.constant 1 : i32
      %scan3A_989 = scf.for %scan3A_1020 = %scan3A_985 to %scan3A_987 step %scan3A_988 iter_args(%scan3A_1021 = %mul3A_3) -> (vector<16xi32>)  : i32 {
        %mul3A_1022 = arith.constant 4 : i32
        %mul3A_1023 = arith.muli %scan3A_1020, %mul3A_1022 : i32
        %add3A_1024 = arith.constant 0 : i32
        %add3A_1025 = arith.addi %add3A_1024, %mul3A_1023 : i32
        %add3A_1026 = arith.constant 0 : i32
        %add3A_1027 = arith.addi %add3A_1025, %add3A_1026 : i32
        %get3A = arith.index_cast %add3A_1027 : i32 to index
        %get3A_1028 = arith.constant 0 : index
        %get3A_1029 = tpu.vector_load %arg10[%get3A, %get3A_1028] {strides = array<i32>} : memref<128x64xf32, #tpu.memory_space<vmem>>, vector<16xf32>,
        %add3A_1030 = arith.constant 0 : i32
        %add3A_1031 = arith.addi %add3A_1025, %add3A_1030 : i32
        %get3A_1032 = arith.index_cast %add3A_1031 : i32 to index
        %get3A_1033 = arith.constant 16 : index
        %get3A_1034 = tpu.vector_load %arg10[%get3A_1032, %get3A_1033] {strides = array<i32>} : memref<128x64xf32, #tpu.memory_space<vmem>>, vector<16xf32>,
        %add3A_1035 = arith.constant 0 : i32
        %add3A_1036 = arith.addi %add3A_1025, %add3A_1035 : i32
        %get3A_1037 = arith.index_cast %add3A_1036 : i32 to index
        %get3A_1038 = arith.constant 32 : index
        %get3A_1039 = tpu.vector_load %arg10[%get3A_1037, %get3A_1038] {strides = array<i32>} : memref<128x64xf32, #tpu.memory_space<vmem>>, vector<16xf32>,
        %add3A_1040 = arith.constant 0 : i32
        %add3A_1041 = arith.addi %add3A_1025, %add3A_1040 : i32
        %get3A_1042 = arith.index_cast %add3A_1041 : i32 to index
        %get3A_1043 = arith.constant 48 : index
        %get3A_1044 = tpu.vector_load %arg10[%get3A_1042, %get3A_1043] {strides = array<i32>} : memref<128x64xf32, #tpu.memory_space<vmem>>, vector<16xf32>,
        %add3A_1045 = arith.constant 1 : i32
        %add3A_1046 = arith.addi %add3A_1025, %add3A_1045 : i32
        %get3A_1047 = arith.index_cast %add3A_1046 : i32 to index
        %get3A_1048 = arith.constant 0 : index
        %get3A_1049 = tpu.vector_load %arg10[%get3A_1047, %get3A_1048] {strides = array<i32>} : memref<128x64xf32, #tpu.memory_space<vmem>>, vector<16xf32>,
        %add3A_1050 = arith.constant 1 : i32
        %add3A_1051 = arith.addi %add3A_1025, %add3A_1050 : i32
        %get3A_1052 = arith.index_cast %add3A_1051 : i32 to index
        %get3A_1053 = arith.constant 16 : index
        %get3A_1054 = tpu.vector_load %arg10[%get3A_1052, %get3A_1053] {strides = array<i32>} : memref<128x64xf32, #tpu.memory_space<vmem>>, vector<16xf32>,
        %add3A_1055 = arith.constant 1 : i32
        %add3A_1056 = arith.addi %add3A_1025, %add3A_1055 : i32
        %get3A_1057 = arith.index_cast %add3A_1056 : i32 to index
        %get3A_1058 = arith.constant 32 : index
        %get3A_1059 = tpu.vector_load %arg10[%get3A_1057, %get3A_1058] {strides = array<i32>} : memref<128x64xf32, #tpu.memory_space<vmem>>, vector<16xf32>,
        %add3A_1060 = arith.constant 1 : i32
        %add3A_1061 = arith.addi %add3A_1025, %add3A_1060 : i32
        %get3A_1062 = arith.index_cast %add3A_1061 : i32 to index
        %get3A_1063 = arith.constant 48 : index
        %get3A_1064 = tpu.vector_load %arg10[%get3A_1062, %get3A_1063] {strides = array<i32>} : memref<128x64xf32, #tpu.memory_space<vmem>>, vector<16xf32>,
        %add3A_1065 = arith.constant 2 : i32
        %add3A_1066 = arith.addi %add3A_1025, %add3A_1065 : i32
        %get3A_1067 = arith.index_cast %add3A_1066 : i32 to index
        %get3A_1068 = arith.constant 0 : index
        %get3A_1069 = tpu.vector_load %arg10[%get3A_1067, %get3A_1068] {strides = array<i32>} : memref<128x64xf32, #tpu.memory_space<vmem>>, vector<16xf32>,
        %add3A_1070 = arith.constant 2 : i32
        %add3A_1071 = arith.addi %add3A_1025, %add3A_1070 : i32
        %get3A_1072 = arith.index_cast %add3A_1071 : i32 to index
        %get3A_1073 = arith.constant 16 : index
        %get3A_1074 = tpu.vector_load %arg10[%get3A_1072, %get3A_1073] {strides = array<i32>} : memref<128x64xf32, #tpu.memory_space<vmem>>, vector<16xf32>,
        %add3A_1075 = arith.constant 2 : i32
        %add3A_1076 = arith.addi %add3A_1025, %add3A_1075 : i32
        %get3A_1077 = arith.index_cast %add3A_1076 : i32 to index
        %get3A_1078 = arith.constant 32 : index
        %get3A_1079 = tpu.vector_load %arg10[%get3A_1077, %get3A_1078] {strides = array<i32>} : memref<128x64xf32, #tpu.memory_space<vmem>>, vector<16xf32>,
        %add3A_1080 = arith.constant 2 : i32
        %add3A_1081 = arith.addi %add3A_1025, %add3A_1080 : i32
        %get3A_1082 = arith.index_cast %add3A_1081 : i32 to index
        %get3A_1083 = arith.constant 48 : index
        %get3A_1084 = tpu.vector_load %arg10[%get3A_1082, %get3A_1083] {strides = array<i32>} : memref<128x64xf32, #tpu.memory_space<vmem>>, vector<16xf32>,
        %add3A_1085 = arith.constant 3 : i32
        %add3A_1086 = arith.addi %add3A_1025, %add3A_1085 : i32
        %get3A_1087 = arith.index_cast %add3A_1086 : i32 to index
        %get3A_1088 = arith.constant 0 : index
        %get3A_1089 = tpu.vector_load %arg10[%get3A_1087, %get3A_1088] {strides = array<i32>} : memref<128x64xf32, #tpu.memory_space<vmem>>, vector<16xf32>,
        %add3A_1090 = arith.constant 3 : i32
        %add3A_1091 = arith.addi %add3A_1025, %add3A_1090 : i32
        %get3A_1092 = arith.index_cast %add3A_1091 : i32 to index
        %get3A_1093 = arith.constant 16 : index
        %get3A_1094 = tpu.vector_load %arg10[%get3A_1092, %get3A_1093] {strides = array<i32>} : memref<128x64xf32, #tpu.memory_space<vmem>>, vector<16xf32>,
        %add3A_1095 = arith.constant 3 : i32
        %add3A_1096 = arith.addi %add3A_1025, %add3A_1095 : i32
        %get3A_1097 = arith.index_cast %add3A_1096 : i32 to index
        %get3A_1098 = arith.constant 32 : index
        %get3A_1099 = tpu.vector_load %arg10[%get3A_1097, %get3A_1098] {strides = array<i32>} : memref<128x64xf32, #tpu.memory_space<vmem>>, vector<16xf32>,
        %add3A_1100 = arith.constant 3 : i32
        %add3A_1101 = arith.addi %add3A_1025, %add3A_1100 : i32
        %get3A_1102 = arith.index_cast %add3A_1101 : i32 to index
        %get3A_1103 = arith.constant 48 : index
        %get3A_1104 = tpu.vector_load %arg10[%get3A_1102, %get3A_1103] {strides = array<i32>} : memref<128x64xf32, #tpu.memory_space<vmem>>, vector<16xf32>,
        %add3A_1105 = arith.constant 0 : i32
        %add3A_1106 = vector.broadcast %add3A_1105 : i32 to vector<16xi32>
        %add3A_1107 = arith.addi %scan3A_1021, %add3A_1106 : vector<16xi32>
        tpu.vector_store_idx %arg14[%select_n3A, %select_n3A_355, %add3A_1107], %get3A_1029 : memref<8x8x129xf32, #tpu.memory_space<vmem>>[vector<16xi32>, vector<16xi32>, vector<16xi32>], vector<16xf32>,
        %add3A_1108 = arith.constant 0 : i32
        %add3A_1109 = vector.broadcast %add3A_1108 : i32 to vector<16xi32>
        %add3A_1110 = arith.addi %scan3A_1021, %add3A_1109 : vector<16xi32>
        tpu.vector_store_idx %arg14[%select_n3A_264, %select_n3A_380, %add3A_1110], %get3A_1034 : memref<8x8x129xf32, #tpu.memory_space<vmem>>[vector<16xi32>, vector<16xi32>, vector<16xi32>], vector<16xf32>,
        %add3A_1111 = arith.constant 0 : i32
        %add3A_1112 = vector.broadcast %add3A_1111 : i32 to vector<16xi32>
        %add3A_1113 = arith.addi %scan3A_1021, %add3A_1112 : vector<16xi32>
        tpu.vector_store_idx %arg14[%select_n3A_298, %select_n3A_405, %add3A_1113], %get3A_1039 : memref<8x8x129xf32, #tpu.memory_space<vmem>>[vector<16xi32>, vector<16xi32>, vector<16xi32>], vector<16xf32>,
        %add3A_1114 = arith.constant 0 : i32
        %add3A_1115 = vector.broadcast %add3A_1114 : i32 to vector<16xi32>
        %add3A_1116 = arith.addi %scan3A_1021, %add3A_1115 : vector<16xi32>
        tpu.vector_store_idx %arg14[%select_n3A_332, %select_n3A_430, %add3A_1116], %get3A_1044 : memref<8x8x129xf32, #tpu.memory_space<vmem>>[vector<16xi32>, vector<16xi32>, vector<16xi32>], vector<16xf32>,
        %add3A_1117 = arith.constant 1 : i32
        %add3A_1118 = vector.broadcast %add3A_1117 : i32 to vector<16xi32>
        %add3A_1119 = arith.addi %scan3A_1021, %add3A_1118 : vector<16xi32>
        tpu.vector_store_idx %arg14[%select_n3A, %select_n3A_355, %add3A_1119], %get3A_1049 : memref<8x8x129xf32, #tpu.memory_space<vmem>>[vector<16xi32>, vector<16xi32>, vector<16xi32>], vector<16xf32>,
        %add3A_1120 = arith.constant 1 : i32
        %add3A_1121 = vector.broadcast %add3A_1120 : i32 to vector<16xi32>
        %add3A_1122 = arith.addi %scan3A_1021, %add3A_1121 : vector<16xi32>
        tpu.vector_store_idx %arg14[%select_n3A_264, %select_n3A_380, %add3A_1122], %get3A_1054 : memref<8x8x129xf32, #tpu.memory_space<vmem>>[vector<16xi32>, vector<16xi32>, vector<16xi32>], vector<16xf32>,
        %add3A_1123 = arith.constant 1 : i32
        %add3A_1124 = vector.broadcast %add3A_1123 : i32 to vector<16xi32>
        %add3A_1125 = arith.addi %scan3A_1021, %add3A_1124 : vector<16xi32>
        tpu.vector_store_idx %arg14[%select_n3A_298, %select_n3A_405, %add3A_1125], %get3A_1059 : memref<8x8x129xf32, #tpu.memory_space<vmem>>[vector<16xi32>, vector<16xi32>, vector<16xi32>], vector<16xf32>,
        %add3A_1126 = arith.constant 1 : i32
        %add3A_1127 = vector.broadcast %add3A_1126 : i32 to vector<16xi32>
        %add3A_1128 = arith.addi %scan3A_1021, %add3A_1127 : vector<16xi32>
        tpu.vector_store_idx %arg14[%select_n3A_332, %select_n3A_430, %add3A_1128], %get3A_1064 : memref<8x8x129xf32, #tpu.memory_space<vmem>>[vector<16xi32>, vector<16xi32>, vector<16xi32>], vector<16xf32>,
        %add3A_1129 = arith.constant 2 : i32
        %add3A_1130 = vector.broadcast %add3A_1129 : i32 to vector<16xi32>
        %add3A_1131 = arith.addi %scan3A_1021, %add3A_1130 : vector<16xi32>
        tpu.vector_store_idx %arg14[%select_n3A, %select_n3A_355, %add3A_1131], %get3A_1069 : memref<8x8x129xf32, #tpu.memory_space<vmem>>[vector<16xi32>, vector<16xi32>, vector<16xi32>], vector<16xf32>,
        %add3A_1132 = arith.constant 2 : i32
        %add3A_1133 = vector.broadcast %add3A_1132 : i32 to vector<16xi32>
        %add3A_1134 = arith.addi %scan3A_1021, %add3A_1133 : vector<16xi32>
        tpu.vector_store_idx %arg14[%select_n3A_264, %select_n3A_380, %add3A_1134], %get3A_1074 : memref<8x8x129xf32, #tpu.memory_space<vmem>>[vector<16xi32>, vector<16xi32>, vector<16xi32>], vector<16xf32>,
        %add3A_1135 = arith.constant 2 : i32
        %add3A_1136 = vector.broadcast %add3A_1135 : i32 to vector<16xi32>
        %add3A_1137 = arith.addi %scan3A_1021, %add3A_1136 : vector<16xi32>
        tpu.vector_store_idx %arg14[%select_n3A_298, %select_n3A_405, %add3A_1137], %get3A_1079 : memref<8x8x129xf32, #tpu.memory_space<vmem>>[vector<16xi32>, vector<16xi32>, vector<16xi32>], vector<16xf32>,
        %add3A_1138 = arith.constant 2 : i32
        %add3A_1139 = vector.broadcast %add3A_1138 : i32 to vector<16xi32>
        %add3A_1140 = arith.addi %scan3A_1021, %add3A_1139 : vector<16xi32>
        tpu.vector_store_idx %arg14[%select_n3A_332, %select_n3A_430, %add3A_1140], %get3A_1084 : memref<8x8x129xf32, #tpu.memory_space<vmem>>[vector<16xi32>, vector<16xi32>, vector<16xi32>], vector<16xf32>,
        %add3A_1141 = arith.constant 3 : i32
        %add3A_1142 = vector.broadcast %add3A_1141 : i32 to vector<16xi32>
        %add3A_1143 = arith.addi %scan3A_1021, %add3A_1142 : vector<16xi32>
        tpu.vector_store_idx %arg14[%select_n3A, %select_n3A_355, %add3A_1143], %get3A_1089 : memref<8x8x129xf32, #tpu.memory_space<vmem>>[vector<16xi32>, vector<16xi32>, vector<16xi32>], vector<16xf32>,
        %add3A_1144 = arith.constant 3 : i32
        %add3A_1145 = vector.broadcast %add3A_1144 : i32 to vector<16xi32>
        %add3A_1146 = arith.addi %scan3A_1021, %add3A_1145 : vector<16xi32>
        tpu.vector_store_idx %arg14[%select_n3A_264, %select_n3A_380, %add3A_1146], %get3A_1094 : memref<8x8x129xf32, #tpu.memory_space<vmem>>[vector<16xi32>, vector<16xi32>, vector<16xi32>], vector<16xf32>,
        %add3A_1147 = arith.constant 3 : i32
        %add3A_1148 = vector.broadcast %add3A_1147 : i32 to vector<16xi32>
        %add3A_1149 = arith.addi %scan3A_1021, %add3A_1148 : vector<16xi32>
        tpu.vector_store_idx %arg14[%select_n3A_298, %select_n3A_405, %add3A_1149], %get3A_1099 : memref<8x8x129xf32, #tpu.memory_space<vmem>>[vector<16xi32>, vector<16xi32>, vector<16xi32>], vector<16xf32>,
        %add3A_1150 = arith.constant 3 : i32
        %add3A_1151 = vector.broadcast %add3A_1150 : i32 to vector<16xi32>
        %add3A_1152 = arith.addi %scan3A_1021, %add3A_1151 : vector<16xi32>
        tpu.vector_store_idx %arg14[%select_n3A_332, %select_n3A_430, %add3A_1152], %get3A_1104 : memref<8x8x129xf32, #tpu.memory_space<vmem>>[vector<16xi32>, vector<16xi32>, vector<16xi32>], vector<16xf32>,
        %add3A_1153 = arith.constant 4 : i32
        %add3A_1154 = vector.broadcast %add3A_1153 : i32 to vector<16xi32>
        %add3A_1155 = arith.addi %scan3A_1021, %add3A_1154 : vector<16xi32>
        scf.yield %add3A_1155 : vector<16xi32>
      }
      %scan3A_990 = arith.constant 32 : i32
      %mul3A_991 = arith.constant 4 : i32
      %mul3A_992 = arith.muli %add3A, %mul3A_991 : i32
      %add3A_993 = arith.constant 3 : i32
      %add3A_994 = arith.addi %mul3A_992, %add3A_993 : i32
      %dma_start3A_995 = arith.constant 0 : i32
      %dma_start3A_996 = arith.constant 0 : i32
      %dma_start3A_997 = arith.constant 0 : i32
      %dma_start3A_998 = tpu.memref_slice %arg14[%dma_start3A_995, %dma_start3A_996, %dma_start3A_997] : memref<8x8x129xf32, #tpu.memory_space<vmem>> -> memref<8x8x128xf32, #tpu.memory_space<vmem>>
      %dma_start3A_999 = arith.constant 0 : i32
      %dma_start3A_1000 = arith.constant 0 : i32
      %dma_start3A_1001 = arith.constant 0 : i32
      %dma_start3A_1002 = tpu.memref_slice %arg4[%add3A_764, %dma_start3A_999, %add3A_994, %dma_start3A_1000, %dma_start3A_1001] : memref<50x8x128x8x128xf32, #tpu.memory_space<hbm>> -> memref<1x8x1x8x128xf32, #tpu.memory_space<hbm>>
      %dma_start3A_1003 = tpu.memref_squeeze %dma_start3A_1002 : memref<1x8x1x8x128xf32, #tpu.memory_space<hbm>> -> memref<8x8x128xf32, #tpu.memory_space<hbm>>
      %dma_start3A_1004 = arith.constant 0 : i32
      %dma_start3A_1005 = arith.constant 0 : i32
      %dma_start3A_1006 = arith.constant 0 : i32
      %dma_start3A_1007 = tpu.memref_slice %arg4[%add3A_764, %dma_start3A_1004, %add3A_994, %dma_start3A_1005, %dma_start3A_1006] : memref<50x8x128x8x128xf32, #tpu.memory_space<hbm>> -> memref<1x8x1x8x128xf32, #tpu.memory_space<hbm>>
      %dma_start3A_1008 = tpu.memref_squeeze %dma_start3A_1007 : memref<1x8x1x8x128xf32, #tpu.memory_space<hbm>> -> memref<8x8x128xf32, #tpu.memory_space<hbm>>
      %dma_start3A_1009 = arith.constant 0 : i32
      %dma_start3A_1010 = arith.constant 0 : i32
      %dma_start3A_1011 = arith.constant 0 : i32
      %dma_start3A_1012 = tpu.memref_slice %arg14[%dma_start3A_1009, %dma_start3A_1010, %dma_start3A_1011] : memref<8x8x129xf32, #tpu.memory_space<vmem>> -> memref<8x8x128xf32, #tpu.memory_space<vmem>>
      tpu.enqueue_dma source(%dma_start3A_1012 : memref<8x8x128xf32, #tpu.memory_space<vmem>>) target(%dma_start3A_1008 : memref<8x8x128xf32, #tpu.memory_space<hbm>>) target_semaphore(%arg22 : memref<!tpu.dma_semaphore, #tpu.memory_space<semaphore_mem>>)
      %dma_start3A_1013 = arith.constant 3 : i32
      %dma_start3A_1014 = arith.constant 0 : i32
      %dma_start3A_1015 = tpu.memref_slice %arg6[%min3A_767, %dma_start3A_1013, %dma_start3A_1014] : memref<50x4x128xi32, #tpu.memory_space<vmem>> -> memref<1x1x128xi32, #tpu.memory_space<vmem>>
      %dma_start3A_1016 = tpu.memref_squeeze %dma_start3A_1015 : memref<1x1x128xi32, #tpu.memory_space<vmem>> -> memref<128xi32, #tpu.memory_space<vmem>>
      %dma_start3A_1017 = arith.constant 0 : i32
      %dma_start3A_1018 = arith.constant 0 : i32
      %dma_start3A_1019 = tpu.memref_slice %arg3[%dma_start3A_1017, %dma_start3A_1018] : memref<1000000x64xf32, #tpu.memory_space<hbm>> -> memref<1000000x64xf32, #tpu.memory_space<hbm>>
      tpu.enqueue_indirect_dma source(%dma_start3A_1019 : memref<1000000x64xf32, #tpu.memory_space<hbm>>) target(%arg10 : memref<128x64xf32, #tpu.memory_space<vmem>>) offsets(%dma_start3A_1016 : memref<128xi32, #tpu.memory_space<vmem>>) semaphore(%arg18 : memref<!tpu.dma_semaphore, #tpu.memory_space<semaphore_mem>>)
    }
    %scan3A_647 = arith.constant 49 : i32
    %dma_wait3A_648 = arith.constant 0 : i32
    %dma_wait3A_649 = arith.constant 0 : i32
    %dma_wait3A_650 = arith.constant 0 : i32
    %dma_wait3A_651 = tpu.memref_slice %arg6[%dma_wait3A_648, %dma_wait3A_649, %dma_wait3A_650] : memref<50x4x128xi32, #tpu.memory_space<vmem>> -> memref<1x1x128xi32, #tpu.memory_space<vmem>>
    %dma_wait3A_652 = tpu.memref_squeeze %dma_wait3A_651 : memref<1x1x128xi32, #tpu.memory_space<vmem>> -> memref<128xi32, #tpu.memory_space<vmem>>
    %dma_wait3A_653 = arith.constant 0 : i32
    %dma_wait3A_654 = arith.constant 0 : i32
    %dma_wait3A_655 = tpu.memref_slice %arg3[%dma_wait3A_653, %dma_wait3A_654] : memref<1000000x64xf32, #tpu.memory_space<hbm>> -> memref<1000000x64xf32, #tpu.memory_space<hbm>>
    tpu.wait_indirect_dma semaphore(%arg15 : memref<!tpu.dma_semaphore, #tpu.memory_space<semaphore_mem>>) src(%dma_wait3A_655 : memref<1000000x64xf32, #tpu.memory_space<hbm>>) dst(%arg7 : memref<128x64xf32, #tpu.memory_space<vmem>>)
    %dma_wait3A_656 = arith.constant 0 : i32
    %dma_wait3A_657 = arith.constant 0 : i32
    %dma_wait3A_658 = arith.constant 0 : i32
    %dma_wait3A_659 = arith.constant 0 : i32
    %dma_wait3A_660 = arith.constant 0 : i32
    %dma_wait3A_661 = tpu.memref_slice %arg11[%dma_wait3A_658, %dma_wait3A_659, %dma_wait3A_660] : memref<8x8x129xf32, #tpu.memory_space<vmem>> -> memref<8x8x128xf32, #tpu.memory_space<vmem>>
    %dma_wait3A_662 = arith.constant 0 : i32
    %dma_wait3A_663 = arith.constant 0 : i32
    %dma_wait3A_664 = arith.constant 0 : i32
    %dma_wait3A_665 = tpu.memref_slice %arg4[%dma_wait3A_656, %dma_wait3A_662, %dma_wait3A_657, %dma_wait3A_663, %dma_wait3A_664] : memref<50x8x128x8x128xf32, #tpu.memory_space<hbm>> -> memref<1x8x1x8x128xf32, #tpu.memory_space<hbm>>
    %dma_wait3A_666 = tpu.memref_squeeze %dma_wait3A_665 : memref<1x8x1x8x128xf32, #tpu.memory_space<hbm>> -> memref<8x8x128xf32, #tpu.memory_space<hbm>>
    %dma_wait3A_667 = arith.constant 0 : i32
    %dma_wait3A_668 = arith.constant 0 : i32
    %dma_wait3A_669 = arith.constant 0 : i32
    %dma_wait3A_670 = tpu.memref_slice %arg4[%dma_wait3A_656, %dma_wait3A_667, %dma_wait3A_657, %dma_wait3A_668, %dma_wait3A_669] : memref<50x8x128x8x128xf32, #tpu.memory_space<hbm>> -> memref<1x8x1x8x128xf32, #tpu.memory_space<hbm>>
    %dma_wait3A_671 = tpu.memref_squeeze %dma_wait3A_670 : memref<1x8x1x8x128xf32, #tpu.memory_space<hbm>> -> memref<8x8x128xf32, #tpu.memory_space<hbm>>
    %dma_wait3A_672 = arith.constant 0 : i32
    %dma_wait3A_673 = arith.constant 0 : i32
    %dma_wait3A_674 = arith.constant 0 : i32
    %dma_wait3A_675 = tpu.memref_slice %arg11[%dma_wait3A_672, %dma_wait3A_673, %dma_wait3A_674] : memref<8x8x129xf32, #tpu.memory_space<vmem>> -> memref<8x8x128xf32, #tpu.memory_space<vmem>>
    tpu.wait_dma2 semaphore(%arg19 : memref<!tpu.dma_semaphore, #tpu.memory_space<semaphore_mem>>) src(%dma_wait3A_675 : memref<8x8x128xf32, #tpu.memory_space<vmem>>) dst(%dma_wait3A_671 : memref<8x8x128xf32, #tpu.memory_space<hbm>>)
    %dma_wait3A_676 = arith.constant 0 : i32
    %dma_wait3A_677 = arith.constant 1 : i32
    %dma_wait3A_678 = arith.constant 0 : i32
    %dma_wait3A_679 = tpu.memref_slice %arg6[%dma_wait3A_676, %dma_wait3A_677, %dma_wait3A_678] : memref<50x4x128xi32, #tpu.memory_space<vmem>> -> memref<1x1x128xi32, #tpu.memory_space<vmem>>
    %dma_wait3A_680 = tpu.memref_squeeze %dma_wait3A_679 : memref<1x1x128xi32, #tpu.memory_space<vmem>> -> memref<128xi32, #tpu.memory_space<vmem>>
    %dma_wait3A_681 = arith.constant 0 : i32
    %dma_wait3A_682 = arith.constant 0 : i32
    %dma_wait3A_683 = tpu.memref_slice %arg3[%dma_wait3A_681, %dma_wait3A_682] : memref<1000000x64xf32, #tpu.memory_space<hbm>> -> memref<1000000x64xf32, #tpu.memory_space<hbm>>
    tpu.wait_indirect_dma semaphore(%arg16 : memref<!tpu.dma_semaphore, #tpu.memory_space<semaphore_mem>>) src(%dma_wait3A_683 : memref<1000000x64xf32, #tpu.memory_space<hbm>>) dst(%arg8 : memref<128x64xf32, #tpu.memory_space<vmem>>)
    %dma_wait3A_684 = arith.constant 0 : i32
    %dma_wait3A_685 = arith.constant 0 : i32
    %dma_wait3A_686 = arith.constant 0 : i32
    %dma_wait3A_687 = arith.constant 0 : i32
    %dma_wait3A_688 = arith.constant 0 : i32
    %dma_wait3A_689 = tpu.memref_slice %arg12[%dma_wait3A_686, %dma_wait3A_687, %dma_wait3A_688] : memref<8x8x129xf32, #tpu.memory_space<vmem>> -> memref<8x8x128xf32, #tpu.memory_space<vmem>>
    %dma_wait3A_690 = arith.constant 0 : i32
    %dma_wait3A_691 = arith.constant 0 : i32
    %dma_wait3A_692 = arith.constant 0 : i32
    %dma_wait3A_693 = tpu.memref_slice %arg4[%dma_wait3A_684, %dma_wait3A_690, %dma_wait3A_685, %dma_wait3A_691, %dma_wait3A_692] : memref<50x8x128x8x128xf32, #tpu.memory_space<hbm>> -> memref<1x8x1x8x128xf32, #tpu.memory_space<hbm>>
    %dma_wait3A_694 = tpu.memref_squeeze %dma_wait3A_693 : memref<1x8x1x8x128xf32, #tpu.memory_space<hbm>> -> memref<8x8x128xf32, #tpu.memory_space<hbm>>
    %dma_wait3A_695 = arith.constant 0 : i32
    %dma_wait3A_696 = arith.constant 0 : i32
    %dma_wait3A_697 = arith.constant 0 : i32
    %dma_wait3A_698 = tpu.memref_slice %arg4[%dma_wait3A_684, %dma_wait3A_695, %dma_wait3A_685, %dma_wait3A_696, %dma_wait3A_697] : memref<50x8x128x8x128xf32, #tpu.memory_space<hbm>> -> memref<1x8x1x8x128xf32, #tpu.memory_space<hbm>>
    %dma_wait3A_699 = tpu.memref_squeeze %dma_wait3A_698 : memref<1x8x1x8x128xf32, #tpu.memory_space<hbm>> -> memref<8x8x128xf32, #tpu.memory_space<hbm>>
    %dma_wait3A_700 = arith.constant 0 : i32
    %dma_wait3A_701 = arith.constant 0 : i32
    %dma_wait3A_702 = arith.constant 0 : i32
    %dma_wait3A_703 = tpu.memref_slice %arg12[%dma_wait3A_700, %dma_wait3A_701, %dma_wait3A_702] : memref<8x8x129xf32, #tpu.memory_space<vmem>> -> memref<8x8x128xf32, #tpu.memory_space<vmem>>
    tpu.wait_dma2 semaphore(%arg20 : memref<!tpu.dma_semaphore, #tpu.memory_space<semaphore_mem>>) src(%dma_wait3A_703 : memref<8x8x128xf32, #tpu.memory_space<vmem>>) dst(%dma_wait3A_699 : memref<8x8x128xf32, #tpu.memory_space<hbm>>)
    %dma_wait3A_704 = arith.constant 0 : i32
    %dma_wait3A_705 = arith.constant 2 : i32
    %dma_wait3A_706 = arith.constant 0 : i32
    %dma_wait3A_707 = tpu.memref_slice %arg6[%dma_wait3A_704, %dma_wait3A_705, %dma_wait3A_706] : memref<50x4x128xi32, #tpu.memory_space<vmem>> -> memref<1x1x128xi32, #tpu.memory_space<vmem>>
    %dma_wait3A_708 = tpu.memref_squeeze %dma_wait3A_707 : memref<1x1x128xi32, #tpu.memory_space<vmem>> -> memref<128xi32, #tpu.memory_space<vmem>>
    %dma_wait3A_709 = arith.constant 0 : i32
    %dma_wait3A_710 = arith.constant 0 : i32
    %dma_wait3A_711 = tpu.memref_slice %arg3[%dma_wait3A_709, %dma_wait3A_710] : memref<1000000x64xf32, #tpu.memory_space<hbm>> -> memref<1000000x64xf32, #tpu.memory_space<hbm>>
    tpu.wait_indirect_dma semaphore(%arg17 : memref<!tpu.dma_semaphore, #tpu.memory_space<semaphore_mem>>) src(%dma_wait3A_711 : memref<1000000x64xf32, #tpu.memory_space<hbm>>) dst(%arg9 : memref<128x64xf32, #tpu.memory_space<vmem>>)
    %dma_wait3A_712 = arith.constant 0 : i32
    %dma_wait3A_713 = arith.constant 0 : i32
    %dma_wait3A_714 = arith.constant 0 : i32
    %dma_wait3A_715 = arith.constant 0 : i32
    %dma_wait3A_716 = arith.constant 0 : i32
    %dma_wait3A_717 = tpu.memref_slice %arg13[%dma_wait3A_714, %dma_wait3A_715, %dma_wait3A_716] : memref<8x8x129xf32, #tpu.memory_space<vmem>> -> memref<8x8x128xf32, #tpu.memory_space<vmem>>
    %dma_wait3A_718 = arith.constant 0 : i32
    %dma_wait3A_719 = arith.constant 0 : i32
    %dma_wait3A_720 = arith.constant 0 : i32
    %dma_wait3A_721 = tpu.memref_slice %arg4[%dma_wait3A_712, %dma_wait3A_718, %dma_wait3A_713, %dma_wait3A_719, %dma_wait3A_720] : memref<50x8x128x8x128xf32, #tpu.memory_space<hbm>> -> memref<1x8x1x8x128xf32, #tpu.memory_space<hbm>>
    %dma_wait3A_722 = tpu.memref_squeeze %dma_wait3A_721 : memref<1x8x1x8x128xf32, #tpu.memory_space<hbm>> -> memref<8x8x128xf32, #tpu.memory_space<hbm>>
    %dma_wait3A_723 = arith.constant 0 : i32
    %dma_wait3A_724 = arith.constant 0 : i32
    %dma_wait3A_725 = arith.constant 0 : i32
    %dma_wait3A_726 = tpu.memref_slice %arg4[%dma_wait3A_712, %dma_wait3A_723, %dma_wait3A_713, %dma_wait3A_724, %dma_wait3A_725] : memref<50x8x128x8x128xf32, #tpu.memory_space<hbm>> -> memref<1x8x1x8x128xf32, #tpu.memory_space<hbm>>
    %dma_wait3A_727 = tpu.memref_squeeze %dma_wait3A_726 : memref<1x8x1x8x128xf32, #tpu.memory_space<hbm>> -> memref<8x8x128xf32, #tpu.memory_space<hbm>>
    %dma_wait3A_728 = arith.constant 0 : i32
    %dma_wait3A_729 = arith.constant 0 : i32
    %dma_wait3A_730 = arith.constant 0 : i32
    %dma_wait3A_731 = tpu.memref_slice %arg13[%dma_wait3A_728, %dma_wait3A_729, %dma_wait3A_730] : memref<8x8x129xf32, #tpu.memory_space<vmem>> -> memref<8x8x128xf32, #tpu.memory_space<vmem>>
    tpu.wait_dma2 semaphore(%arg21 : memref<!tpu.dma_semaphore, #tpu.memory_space<semaphore_mem>>) src(%dma_wait3A_731 : memref<8x8x128xf32, #tpu.memory_space<vmem>>) dst(%dma_wait3A_727 : memref<8x8x128xf32, #tpu.memory_space<hbm>>)
    %dma_wait3A_732 = arith.constant 0 : i32
    %dma_wait3A_733 = arith.constant 3 : i32
    %dma_wait3A_734 = arith.constant 0 : i32
    %dma_wait3A_735 = tpu.memref_slice %arg6[%dma_wait3A_732, %dma_wait3A_733, %dma_wait3A_734] : memref<50x4x128xi32, #tpu.memory_space<vmem>> -> memref<1x1x128xi32, #tpu.memory_space<vmem>>
    %dma_wait3A_736 = tpu.memref_squeeze %dma_wait3A_735 : memref<1x1x128xi32, #tpu.memory_space<vmem>> -> memref<128xi32, #tpu.memory_space<vmem>>
    %dma_wait3A_737 = arith.constant 0 : i32
    %dma_wait3A_738 = arith.constant 0 : i32
    %dma_wait3A_739 = tpu.memref_slice %arg3[%dma_wait3A_737, %dma_wait3A_738] : memref<1000000x64xf32, #tpu.memory_space<hbm>> -> memref<1000000x64xf32, #tpu.memory_space<hbm>>
    tpu.wait_indirect_dma semaphore(%arg18 : memref<!tpu.dma_semaphore, #tpu.memory_space<semaphore_mem>>) src(%dma_wait3A_739 : memref<1000000x64xf32, #tpu.memory_space<hbm>>) dst(%arg10 : memref<128x64xf32, #tpu.memory_space<vmem>>)
    %dma_wait3A_740 = arith.constant 0 : i32
    %dma_wait3A_741 = arith.constant 0 : i32
    %dma_wait3A_742 = arith.constant 0 : i32
    %dma_wait3A_743 = arith.constant 0 : i32
    %dma_wait3A_744 = arith.constant 0 : i32
    %dma_wait3A_745 = tpu.memref_slice %arg14[%dma_wait3A_742, %dma_wait3A_743, %dma_wait3A_744] : memref<8x8x129xf32, #tpu.memory_space<vmem>> -> memref<8x8x128xf32, #tpu.memory_space<vmem>>
    %dma_wait3A_746 = arith.constant 0 : i32
    %dma_wait3A_747 = arith.constant 0 : i32
    %dma_wait3A_748 = arith.constant 0 : i32
    %dma_wait3A_749 = tpu.memref_slice %arg4[%dma_wait3A_740, %dma_wait3A_746, %dma_wait3A_741, %dma_wait3A_747, %dma_wait3A_748] : memref<50x8x128x8x128xf32, #tpu.memory_space<hbm>> -> memref<1x8x1x8x128xf32, #tpu.memory_space<hbm>>
    %dma_wait3A_750 = tpu.memref_squeeze %dma_wait3A_749 : memref<1x8x1x8x128xf32, #tpu.memory_space<hbm>> -> memref<8x8x128xf32, #tpu.memory_space<hbm>>
    %dma_wait3A_751 = arith.constant 0 : i32
    %dma_wait3A_752 = arith.constant 0 : i32
    %dma_wait3A_753 = arith.constant 0 : i32
    %dma_wait3A_754 = tpu.memref_slice %arg4[%dma_wait3A_740, %dma_wait3A_751, %dma_wait3A_741, %dma_wait3A_752, %dma_wait3A_753] : memref<50x8x128x8x128xf32, #tpu.memory_space<hbm>> -> memref<1x8x1x8x128xf32, #tpu.memory_space<hbm>>
    %dma_wait3A_755 = tpu.memref_squeeze %dma_wait3A_754 : memref<1x8x1x8x128xf32, #tpu.memory_space<hbm>> -> memref<8x8x128xf32, #tpu.memory_space<hbm>>
    %dma_wait3A_756 = arith.constant 0 : i32
    %dma_wait3A_757 = arith.constant 0 : i32
    %dma_wait3A_758 = arith.constant 0 : i32
    %dma_wait3A_759 = tpu.memref_slice %arg14[%dma_wait3A_756, %dma_wait3A_757, %dma_wait3A_758] : memref<8x8x129xf32, #tpu.memory_space<vmem>> -> memref<8x8x128xf32, #tpu.memory_space<vmem>>
    tpu.wait_dma2 semaphore(%arg22 : memref<!tpu.dma_semaphore, #tpu.memory_space<semaphore_mem>>) src(%dma_wait3A_759 : memref<8x8x128xf32, #tpu.memory_space<vmem>>) dst(%dma_wait3A_755 : memref<8x8x128xf32, #tpu.memory_space<hbm>>)
    return
  }
}

</mosaic_0001>

<sc_bundles>
// kernel: kernel.3.cloned.1.call-start
scs
__scs_entry_jumppad:
0x0: {  	(pc) =	sbr.rel $0x88, $3  }
0x1: {  	(tag) =	ssettag $0x0;
	lr =	simm.s32 $0x1  }
0x2: {  	[smem:$0x3F9F] =	sst lr;
	_ =	strace $0xD0000000  }
0x3: {  	_ = 	snop  }
0x4: {  	_ = 	snop  }
0x5: {  	_ = 	snop  }
0x6: {  	_ = 	snop  }
0x7: {  	_ = 	snop  }
__scs_overlays_trampoline_lowered:
0x8: {  	[smem:$0x3FAE] =	sst s0  }
0x9: {  	[smem:$0x3FAF] =	sst s1  }
0xa: {  	[smem:$0x3FB0] =	sst s2  }
0xb: {  	[smem:$0x3FB1] =	sst s3  }
0xc: {  	[smem:$0x3FB2] =	sst s4  }
0xd: {  	[smem:$0x3FB3] =	sst s5  }
0xe: {  	[smem:$0x3FB4] =	sst s6  }
0xf: {  	[smem:$0x3FB5] =	sst s7  }
0x10: {  	[smem:$0x3FB6] =	sst s8  }
0x11: {  	[smem:$0x3FB7] =	sst s9;
	s0 =	simm.s32 @!p0 $0x0  }
0x12: {  	s1 =	sld [smem:$0x3F9D];
	s0 =	simm.s32 @p0 $0x1  }
0x13: {  	[smem:$0x3FB8] =	sst s0;
	s0 =	simm.s32 @!p1 $0x0  }
0x14: {  	s2 =	sld [smem:$0x3F9C];
	s0 =	simm.s32 @p1 $0x1  }
0x15: {  	[smem:$0x3FB9] =	sst s0;
	s0 =	simm.s32 @!p2 $0x0  }
0x16: {  	s3 =	sld [smem:$0x3FDB];
	s0 =	simm.s32 @p2 $0x1  }
0x17: {  	s4 =	simm.s32 $0x1BF5;
	[smem:$0x3FBB] =	sst s0  }
0x18: {  	s0 =	sld [smem:$0x3F9E];
	_ =	swait.ge [sflag:s4], $0x0  }
0x19: {  	s7 =	sld [smem:$0x3F9F]  }
0x1a: {  	s8 =	sadd.s32 $0xFFFFE003, lr  }
0x1b: {  	s9 =	sadd.s32 $0xFFFFFEF7, lr;
	s5 =	simm.s32 $0xFFFFFFFF;
	p2 =	slt.u32 s8, $0xFFFFF086  }
0x1c: {  	p1 =	slt.u32 s9, $0xF7A;
	s5 =	simm.s32 @!p2 $0x0  }
0x1d: {  	s5 =	simm.s32 @p1 $0x1;
	p0 =	seq.s32 s7, s2  }
0x1e: {  	s7 =	smul.u32 @!p0 $0xF7A, s2;
	p2 =	seq.s32 @!p0 s5, $0x0  }
0x1f: {  	s9 =	smul.u32 $0xF7A, s1;
	s8 =	simm.s32 @!p0 $0x1BF5;
	p2 =	por !p2, p0  }
0x20: {  	[sflag:s8] =	ssyncset.s32 @!p0 $0xFFFFF086;
	s6 =	sadd.s32 @!p0 s3, s7;
	s7 =	simm.s32 @!p0 $0x108  }
0x21: {  	s3 =	sadd.s32 s3, s9;
	s6 =	sadd.s32 @!p0 $0x88, s6;
	s7 =	simm.s32 @p2 $0x1082  }
0x22: {  	[simem:s7], [sflag:s8] =	dma.local @!p0 [hbm:s6], $0xF7A  }
0x23: {  	s9 =	sor.u32 $0xD0000000, s2;
	s6 =	simm.s32 $0x108;
	_ =	swait.ge @!p0 [sflag:s8], $0x0  }
0x24: {  	s3 =	sadd.s32 $0x88, s3;
	s6 =	simm.s32 @!p1 $0x1082;
	[sflag:s4] =	ssyncset.s32 $0xFFFFF086  }
0x25: {  	[simem:s6], [sflag:s4] =	dma.local [hbm:s3], $0xF7A  }
0x26: {  	[smem:$0x3F9F] =	sst s1;
	(tag) =	ssettag s2;
	_ =	strace s9  }
0x27: {  	s1 =	sld [smem:$0x3FAF]  }
0x28: {  	s2 =	sld [smem:$0x3FB0]  }
0x29: {  	s4 =	sld [smem:$0x3FB2]  }
0x2a: {  	p0 =	seq.s32 s5, $0x0;
	s5 =	sld [smem:$0x3FB3]  }
0x2b: {  	s6 =	sld [smem:$0x3FB4]  }
0x2c: {  	s7 =	sld [smem:$0x3FB5]  }
0x2d: {  	s3 =	simm.s32 $0x108;
	s8 =	sld [smem:$0x3FB6]  }
0x2e: {  	s3 =	simm.s32 @!p0 $0x1082;
	s9 =	sld [smem:$0x3FB7]  }
0x2f: {  	lr =	sadd.s32 s0, s3;
	s0 =	sld [smem:$0x3FAE]  }
0x30: {  	s3 =	sld [smem:$0x3FB1]  }
0x31: {  	[smem:$0x3FBA] =	sst s10  }
0x32: {  	s10 =	sld [smem:$0x3FB8];
	_ =	sdelay $0x3  }
0x33: {  	p0 =	seq.s32 s10, $0x1;
	s10 =	sld [smem:$0x3FBA];
	_ =	sdelay $0x3  }
0x34: {  	[smem:$0x3FBA] =	sst s10  }
0x35: {  	s10 =	sld [smem:$0x3FB9];
	_ =	sdelay $0x3  }
0x36: {  	p1 =	seq.s32 s10, $0x1;
	s10 =	sld [smem:$0x3FBA];
	_ =	sdelay $0x3  }
0x37: {  	[smem:$0x3FBA] =	sst s10  }
0x38: {  	s10 =	sld [smem:$0x3FBB]  }
0x39: {  	_ = 	snop;
	(pc) =	sbr.ind lr, $3  }
0x3a: {  	_ = 	snop  }
0x3b: {  	_ = 	snop  }
0x3c: {  	p2 =	seq.s32 s10, $0x1;
	s10 =	sld [smem:$0x3FBA]  }
0x3d: {  	_ =	shalt  }
0x3e: {  	_ =	shalt  }
0x3f: {  	_ =	shalt  }
0x40: {  	_ =	shalt  }
0x41: {  	_ =	shalt  }
0x42: {  	_ =	shalt  }
0x43: {  	_ =	shalt  }
0x44: {  	_ =	shalt  }
0x45: {  	_ =	shalt  }
0x46: {  	_ =	shalt  }
0x47: {  	_ =	shalt  }
0x48: {  	_ =	shalt  }
0x49: {  	_ =	shalt  }
0x4a: {  	_ =	shalt  }
0x4b: {  	_ =	shalt  }
0x4c: {  	_ =	shalt  }
0x4d: {  	_ =	shalt  }
0x4e: {  	_ =	shalt  }
0x4f: {  	_ =	shalt  }
0x50: {  	_ =	shalt  }
0x51: {  	_ =	shalt  }
0x52: {  	_ =	shalt  }
0x53: {  	_ =	shalt  }
0x54: {  	_ =	shalt  }
0x55: {  	_ =	shalt  }
0x56: {  	_ =	shalt  }
0x57: {  	_ =	shalt  }
0x58: {  	_ =	shalt  }
0x59: {  	_ =	shalt  }
0x5a: {  	_ =	shalt  }
0x5b: {  	_ =	shalt  }
0x5c: {  	_ =	shalt  }
0x5d: {  	_ =	shalt  }
0x5e: {  	_ =	shalt  }
0x5f: {  	_ =	shalt  }
0x60: {  	_ =	shalt  }
0x61: {  	_ =	shalt  }
0x62: {  	_ =	shalt  }
0x63: {  	_ =	shalt  }
0x64: {  	_ =	shalt  }
0x65: {  	_ =	shalt  }
0x66: {  	_ =	shalt  }
0x67: {  	_ =	shalt  }
0x68: {  	_ =	shalt  }
0x69: {  	_ =	shalt  }
0x6a: {  	_ =	shalt  }
0x6b: {  	_ =	shalt  }
0x6c: {  	_ =	shalt  }
0x6d: {  	_ =	shalt  }
0x6e: {  	_ =	shalt  }
0x6f: {  	_ =	shalt  }
0x70: {  	_ =	shalt  }
0x71: {  	_ =	shalt  }
0x72: {  	_ =	shalt  }
0x73: {  	_ =	shalt  }
0x74: {  	_ =	shalt  }
0x75: {  	_ =	shalt  }
0x76: {  	_ =	shalt  }
0x77: {  	_ =	shalt  }
0x78: {  	_ =	shalt  }
0x79: {  	_ =	shalt  }
0x7a: {  	_ =	shalt  }
0x7b: {  	_ =	shalt  }
0x7c: {  	_ =	shalt  }
0x7d: {  	_ =	shalt  }
0x7e: {  	_ =	shalt  }
0x7f: {  	_ =	shalt  }
0x80: {  	_ =	shalt  }
0x81: {  	_ =	shalt  }
0x82: {  	_ =	shalt  }
0x83: {  	_ =	shalt  }
0x84: {  	_ =	shalt  }
0x85: {  	_ =	shalt  }
0x86: {  	_ =	shalt  }
0x87: {  	_ =	shalt  }
.Lfunc_end0:
.L_simem_size_0:
called_computation_lowered:
.L_overlay_start_0:
0x88: {  	s2 =	sld [smem:$0x3FD9]  }
0x89: {  	s3 =	sld [smem:$0x3FFE];
	_ =	sdelay $0x1  }
0x8a: {  	s1 =	srdreg.scid  }
0x8b: {  	s0 =	sand.u32 $0x1, s1  }
0x8c: {  	s17 =	sshll.u32 s0, $0xA;
	s2 =	sadd.s32 s3, s2  }
0x8d: {  	s2 =	sadd.s32 s2, s17  }
0x8e: {  	[smem:$0x3FC6] =	sst s2  }
0x8f: {  	_ = 	snop  }
0x90: {  	s2 =	sld [smem:$0x3FD0];
	(tm) =	ssettm $0x1  }
0x91: {  	s18 =	sld [smem:$0x3FFB];
	_ =	sdelay $0x3  }
0x92: {  	_ =	strace s18  }
0x93: {  	s3 =	sld [smem:$0x3FFC];
	_ =	sdelay $0x3  }
0x94: {  	_ =	strace s3  }
0x95: {  	s3 =	sld [smem:$0x3FFD];
	_ =	sdelay $0x3  }
0x96: {  	_ =	strace s3  }
0x97: {  	_ =	strace $0x8FFFFFFF  }
0x98: {  	s19 =	sld [smem:$0x3FDB];
	_ =	sdelay $0x1  }
0x99: {  	s4 =	simm.s32 $_scs_section_size  }
0x9a: {  	s5 =	simm.s32 $_size__tile_overlayer_lowered;
	s6 =	simm.s32 $_tile_overlayer_lowered  }
0x9b: {  	s22 =	simm.s32 $0x1BFF;
	s21 =	sshll.u32 s6, $0x1;
	s3 =	sadd.s32 s4, s19  }
0x9c: {  	s7 =	simm.s32 $0x0;
	s20 =	sshll.u32 s5, $0x1;
	s5 =	sadd.s32 s21, s3  }
0x9d: {  	[timem:s7], [sflag:s22] =	dma.local [hbm:s5], s20  }
0x9e: {  	_ =	swait.ge [sflag:s22], s20  }
0x9f: {  	s4 =	ssub.s32 $0x0, s20;
	[sflag:s22] =	ssyncset.done $0x0  }
0xa0: {  	[sflag:s22] =	ssyncadd.s32 s4;
	_ =	sdelay $0x1  }
0xa1: {  	s23 =	simm.s32 $0x1B8B  }
0xa2: {  	_ =	swait.ge [sflag:s23], $0x1  }
0xa3: {  	[sflag:s23] =	ssyncset.done $0x0  }
0xa4: {  	s25 =	simm.s32 $0x1B8E;
	s24 =	sld [smem:$0x3FFE];
	[sflag:s23] =	ssyncadd.s32 $0xFFFFFFFF  }
0xa5: {  	s26 =	simm.s32 $execute0_lowered;
	[smem:$0x3FD2] =	sst s25  }
0xa6: {  	s5 =	sshll.u32 s26, $0x1;
	_ =	strace $0x80000046;
	[dreg:$0x1] =	wrdreg $0xFFFFFFFF  }
0xa7: {  	s28 =	simm.s32 $_size_execute0_lowered;
	s3 =	sadd.s32 s3, s5;
	[dreg:$0x0] =	wrdreg $0x0  }
0xa8: {  	s5 =	sshll.u32 s28, $0x1;
	[dreg:$0x2] =	wrdreg s3  }
0xa9: {  	[dreg:$0x3] =	wrdreg s5  }
0xaa: {  	[dreg:$0x4] =	wrdreg $0xC0  }
0xab: {  	_ =	task [dreg:s7], $0x5FFFF  }
0xac: {  	[dreg:$0x1] =	wrdreg $0xFFFFFFFF  }
0xad: {  	[dreg:$0x0] =	wrdreg $0x60  }
0xae: {  	[dreg:$0x2] =	wrdreg s24  }
0xaf: {  	[dreg:$0x3] =	wrdreg s2  }
0xb0: {  	[dreg:$0x4] =	wrdreg $0x9  }
0xb1: {  	_ =	task.clear_ibuf [dreg:s7], $0x5FFFF;
	_ =	strace $0x90000046  }
0xb2: {  	s29 =	simm.s32 $0x9;
	_ =	strace $0x80000048  }
0xb3: {  	_ =	swait.ge [sflag:s29], $0x1  }
0xb4: {  	[sflag:s29] =	ssyncadd.s32 $0xFFFFFFFF  }
0xb5: {  	_ =	strace $0x90000048  }
0xb6: {  	_ =	sfence  }
0xb7: {  	s30 =	sld [smem:$0x0];
	_ =	sdelay $0x2  }
0xb8: {  	s31 =	sshll.u32 s1, $0xD;
	s1 =	sshrl.u32 s1, $0x2  }
0xb9: {  	s3 =	sand.u32 $0x4000, s31;
	s1 =	sadd.s32 s1, s30  }
0xba: {  	s0 =	sor.u32 s3, s0;
	s1 =	sshll.u32 s1, $0x11  }
0xbb: {  	s0 =	sor.u32 s1, s0  }
0xbc: {  	s0 =	sadd.s32 $0x8F2B, s0  }
0xbd: {  	[sflag:s0] =	ssyncadd.remote.s32 $0x1  }
0xbe: {  	_ =	sfence.sel $0xFFFF  }
0xbf: {  	[dreg:$0x0] =	wrdreg $0xFFFFFFFF;
	(pc) =	sbr.abs _section_cstart, $3  }
0xc0: {  	[dreg:$0x1] =	wrdreg $0xFFFFFFFF  }
0xc1: {  	_ =	task.clear_ibuf [dreg:s7], $0x2FFFF;
	_ =	strace $0x9FFFFFFF  }
0xc2: {  	(tm) =	ssettm $0x7FFFFFFF  }
0xc3: {  	_ =	shalt  }
tec
execute0_lowered:
.L_overlay_start_1:
0x0: {  	(tag) =	ssettag $0x1  }
0x1: {  	s0 =	rddreg [dreg:$0x0];
	s1 =	srdreg.scid  }
0x2: {  	s3 =	stileid.u32;
	s2 =	rddreg [dreg:$0x1]  }
0x3: {  	s16 =	simm.s32 $0x80;
	s29 =	simm.s32 $0x2;
	s30 =	simm.s32 $0x16A00  }
0x4: {  	v29 =	vlaneseq.u32;
	s19 =	simm.s32 $0x4;
	s28 =	simm.s32 $0x5;
	s31 =	simm.s32 $0x6  }
0x5: {  	s1 =	sand.u32 $0x1, s1;
	s4 =	sshll.u32 s3, $0x1;
	s3 =	simm.s32 $0x0;
	v0 =	vmul.u32 $0x32, v29  }
0x6: {  	s17 =	simm.s32 $0x7;
	s6 =	sor.u32 s1, s4;
	[smem:$0x7FF] =	sst s3  }
0x7: {  	v29 =	vmul.u32 $0x88, v29;
	s1 =	ssub.s32 $0x2, s1;
	s4 =	smul.u32 $0xC80, s6;
	_ =	strace $0x80000047;
	v1 =	vadd.s32 $0x320, v0;
	v2 =	vadd.s32 $0x640, v0  }
0x8: {  	s20 =	sshrl.u32 s1, $0x1;
	s5 =	sshll.u32 s6, $0xC;
	s21 =	sshll.u32 s6, $0x9;
	v3 =	vadd.s32 $0x960, v0;
	v4 =	vadd.s32 $0xC80, v0;
	v5 =	vadd.s32 $0xFA0, v0  }
0x9: {  	v6 =	vadd.s32 $0x12C0, v0;
	v7 =	vadd.s32 $0x15E0, v0;
	v8 =	vadd.s32 $0x1900, v0;
	s8 =	sor.u32 $0x400, s5;
	s9 =	sor.u32 $0x800, s5;
	s10 =	sor.u32 $0xC00, s5  }
0xa: {  	v9 =	vadd.s32 $0x1C20, v0;
	v10 =	vadd.s32 $0x1F40, v0;
	v11 =	vadd.s32 $0x2260, v0;
	s7 =	sadd.s32 s4, s0;
	s4 =	sadd.s32 $0xF42A00, s0;
	s0 =	ssub.s32 s1, s20  }
0xb: {  	v12 =	vadd.s32 $0x2580, v0;
	v13 =	vadd.s32 $0x28A0, v0;
	v14 =	vadd.s32 $0x2BC0, v0;
	s1 =	sadd.s32 s2, s21;
	s23 =	sshrl.u32 s8, $0x3;
	s24 =	sshrl.u32 s9, $0x3  }
0xc: {  	v15 =	vadd.s32 $0x2EE0, v0;
	v16 =	vadd.s32 $0x3200, v0;
	v17 =	vadd.s32 $0x3520, v0;
	s25 =	sshrl.u32 s10, $0x3;
	s22 =	sadd.s32 $0x600, s7;
	[dreg:$0x4] =	wrdreg s1  }
0xd: {  	v18 =	vadd.s32 $0x3840, v0;
	v19 =	vadd.s32 $0x3B60, v0;
	v20 =	vadd.s32 $0x3E80, v0;
	[tilespmem:$0x1FFA0] =	vst v0;
	s21 =	simm.s32 $0x1AE00;
	s1 =	sadd.s32 s2, s23;
	[dreg:$0x3] =	wrdreg s22  }
0xe: {  	v21 =	vadd.s32 $0x41A0, v0;
	v22 =	vadd.s32 $0x44C0, v0;
	v23 =	vadd.s32 $0x47E0, v0;
	[tilespmem:$0x1FFB0] =	vst v1;
	s26 =	sadd.s32 s2, s25;
	s0 =	smax.u32 s0, $0x1;
	[dreg:$0x5] =	wrdreg s1  }
0xf: {  	v24 =	vadd.s32 $0x4B00, v0;
	v25 =	vadd.s32 $0x4E20, v0;
	v26 =	vadd.s32 $0x5140, v0;
	[tilespmem:$0x1FFC0] =	vst v2;
	s25 =	simm.s32 $0x1;
	s23 =	simm.s32 $0x8;
	[dreg:$0x7] =	wrdreg s26  }
0x10: {  	v27 =	vadd.s32 $0x5460, v0;
	v28 =	vadd.s32 $0x5780, v0;
	v30 =	vadd.s32 $0x5AA0, v0;
	[tilespmem:$0x1FFD0] =	vst v3;
	s7 =	simm.s32 $0x0;
	s1 =	sadd.s32 s2, s24;
	[dreg:$0x8] =	wrdreg s0  }
0x11: {  	v31 =	vadd.s32 $0x5DC0, v0;
	v32 =	vadd.s32 $0x60E0, v0;
	[tilespmem:$0x1FFE0] =	vst v4;
	s22 =	simm.s32 $0x10800;
	s24 =	simm.s32 $0x12800;
	s26 =	simm.s32 $0x14800  }
0x12: {  	v33 =	vadd.s32 $0x880, v29;
	v34 =	vadd.s32 $0x1100, v29;
	v35 =	vadd.s32 $0x1980, v29;
	[tilespmem:$0x1FFF0] =	vst v5;
	s0 =	simm.s32 $0x18C00;
	[dreg:$0x6] =	wrdreg s1;
	s1 =	simm.s32 $0x3  }
.LBB2_1:
0x13: {  	[dreg:$0x9] =	wrdreg s7;
	v36 =	vimm.s32 $0x0  }
0x14: {  	s6 =	rddreg [dreg:$0x3];
	s20 =	simm.s32 $0x9;
	v37 =	vadd.s32 v0, v36  }
0x15: {  	[tilespmem:s3], [sflag:$0x9] =	stream.linear.gather [hbm4b:s6+s3], $0x6400, $0x38;
	[tilespmem:$0x1D000] =	vst v63  }
0x16: {  	_ =	swait.ge [sflag:s20], $0x6400  }
0x17: {  	[sflag:s20] =	ssyncset.done $0x0  }
0x18: {  	[sflag:s20] =	ssyncadd.s32 $0xFFFF9C00  }
0x19: {  	v37 =	vld.idx.msk [tilespmem:v37+s3+$0x0], $0xffff  }
0x1a: {  	v38 =	vadd.s32 v1, v36;
	_ =	sdelay $0x2  }
0x1b: {  	s6 =	simm.s32 $0x0  }
0x1c: {  	[tilespmem:s6+$0x6400] =	vst v37  }
0x1d: {  	v37 =	vld.idx.msk [tilespmem:v38+s3+$0x0], $0xffff  }
0x1e: {  	v58 =	vadd.s32 v2, v36;
	_ =	sdelay $0x3  }
0x1f: {  	[tilespmem:s6+$0x6410] =	vst v37  }
0x20: {  	v37 =	vld.idx.msk [tilespmem:v58+s3+$0x0], $0xffff  }
0x21: {  	v59 =	vadd.s32 v3, v36;
	_ =	sdelay $0x3  }
0x22: {  	[tilespmem:s6+$0x6420] =	vst v37  }
0x23: {  	v37 =	vld.idx.msk [tilespmem:v59+s3+$0x0], $0xffff  }
0x24: {  	v60 =	vadd.s32 v4, v36;
	_ =	sdelay $0x3  }
0x25: {  	[tilespmem:s6+$0x6430] =	vst v37  }
0x26: {  	v37 =	vld.idx.msk [tilespmem:v60+s3+$0x0], $0xffff  }
0x27: {  	v61 =	vadd.s32 v5, v36;
	_ =	sdelay $0x3  }
0x28: {  	[tilespmem:s6+$0x6440] =	vst v37  }
0x29: {  	v37 =	vld.idx.msk [tilespmem:v61+s3+$0x0], $0xffff  }
0x2a: {  	v62 =	vadd.s32 v6, v36;
	_ =	sdelay $0x3  }
0x2b: {  	[tilespmem:s6+$0x6450] =	vst v37  }
0x2c: {  	v37 =	vld.idx.msk [tilespmem:v62+s3+$0x0], $0xffff  }
0x2d: {  	v63 =	vadd.s32 v7, v36;
	_ =	sdelay $0x3  }
0x2e: {  	[tilespmem:s6+$0x6460] =	vst v37  }
0x2f: {  	v37 =	vld.idx.msk [tilespmem:v63+s3+$0x0], $0xffff  }
0x30: {  	v40 =	vadd.s32 v8, v36;
	_ =	sdelay $0x3  }
0x31: {  	[tilespmem:s6+$0x6470] =	vst v37  }
0x32: {  	v37 =	vld.idx.msk [tilespmem:v40+s3+$0x0], $0xffff  }
0x33: {  	v41 =	vadd.s32 v9, v36;
	_ =	sdelay $0x3  }
0x34: {  	[tilespmem:s6+$0x6480] =	vst v37  }
0x35: {  	v37 =	vld.idx.msk [tilespmem:v41+s3+$0x0], $0xffff  }
0x36: {  	v42 =	vadd.s32 v10, v36;
	_ =	sdelay $0x3  }
0x37: {  	[tilespmem:s6+$0x6490] =	vst v37  }
0x38: {  	v37 =	vld.idx.msk [tilespmem:v42+s3+$0x0], $0xffff  }
0x39: {  	v43 =	vadd.s32 v11, v36;
	_ =	sdelay $0x3  }
0x3a: {  	[tilespmem:s6+$0x64A0] =	vst v37  }
0x3b: {  	v37 =	vld.idx.msk [tilespmem:v43+s3+$0x0], $0xffff  }
0x3c: {  	v44 =	vadd.s32 v12, v36;
	_ =	sdelay $0x3  }
0x3d: {  	[tilespmem:s6+$0x64B0] =	vst v37  }
0x3e: {  	v37 =	vld.idx.msk [tilespmem:v44+s3+$0x0], $0xffff  }
0x3f: {  	v45 =	vadd.s32 v13, v36;
	_ =	sdelay $0x3  }
0x40: {  	[tilespmem:s6+$0x64C0] =	vst v37  }
0x41: {  	v37 =	vld.idx.msk [tilespmem:v45+s3+$0x0], $0xffff  }
0x42: {  	v46 =	vadd.s32 v14, v36;
	_ =	sdelay $0x3  }
0x43: {  	[tilespmem:s6+$0x64D0] =	vst v37  }
0x44: {  	v37 =	vld.idx.msk [tilespmem:v46+s3+$0x0], $0xffff  }
0x45: {  	v47 =	vadd.s32 v15, v36;
	_ =	sdelay $0x3  }
0x46: {  	[tilespmem:s6+$0x64E0] =	vst v37  }
0x47: {  	v37 =	vld.idx.msk [tilespmem:v47+s3+$0x0], $0xffff  }
0x48: {  	v48 =	vadd.s32 v16, v36;
	_ =	sdelay $0x3  }
0x49: {  	[tilespmem:s6+$0x64F0] =	vst v37  }
0x4a: {  	v37 =	vld.idx.msk [tilespmem:v48+s3+$0x0], $0xffff  }
0x4b: {  	v49 =	vadd.s32 v17, v36;
	_ =	sdelay $0x3  }
0x4c: {  	[tilespmem:s6+$0x6500] =	vst v37  }
0x4d: {  	v37 =	vld.idx.msk [tilespmem:v49+s3+$0x0], $0xffff  }
0x4e: {  	v50 =	vadd.s32 v18, v36;
	_ =	sdelay $0x3  }
0x4f: {  	[tilespmem:s6+$0x6510] =	vst v37  }
0x50: {  	v37 =	vld.idx.msk [tilespmem:v50+s3+$0x0], $0xffff  }
0x51: {  	v51 =	vadd.s32 v19, v36;
	_ =	sdelay $0x3  }
0x52: {  	[tilespmem:s6+$0x6520] =	vst v37  }
0x53: {  	v37 =	vld.idx.msk [tilespmem:v51+s3+$0x0], $0xffff  }
0x54: {  	v52 =	vadd.s32 v20, v36;
	_ =	sdelay $0x3  }
0x55: {  	[tilespmem:s6+$0x6530] =	vst v37  }
0x56: {  	v37 =	vld.idx.msk [tilespmem:v52+s3+$0x0], $0xffff  }
0x57: {  	v53 =	vadd.s32 v21, v36;
	_ =	sdelay $0x3  }
0x58: {  	[tilespmem:s6+$0x6540] =	vst v37  }
0x59: {  	v37 =	vld.idx.msk [tilespmem:v53+s3+$0x0], $0xffff  }
0x5a: {  	v54 =	vadd.s32 v22, v36;
	_ =	sdelay $0x3  }
0x5b: {  	[tilespmem:s6+$0x6550] =	vst v37  }
0x5c: {  	v37 =	vld.idx.msk [tilespmem:v54+s3+$0x0], $0xffff  }
0x5d: {  	v55 =	vadd.s32 v23, v36;
	_ =	sdelay $0x3  }
0x5e: {  	[tilespmem:s6+$0x6560] =	vst v37  }
0x5f: {  	v37 =	vld.idx.msk [tilespmem:v55+s3+$0x0], $0xffff  }
0x60: {  	v56 =	vadd.s32 v24, v36;
	_ =	sdelay $0x3  }
0x61: {  	[tilespmem:s6+$0x6570] =	vst v37  }
0x62: {  	v37 =	vld.idx.msk [tilespmem:v56+s3+$0x0], $0xffff  }
0x63: {  	v57 =	vadd.s32 v25, v36;
	_ =	sdelay $0x3  }
0x64: {  	[tilespmem:s6+$0x6580] =	vst v37  }
0x65: {  	v37 =	vld.idx.msk [tilespmem:v57+s3+$0x0], $0xffff  }
0x66: {  	v58 =	vadd.s32 v26, v36;
	_ =	sdelay $0x3  }
0x67: {  	[tilespmem:s6+$0x6590] =	vst v37  }
0x68: {  	v37 =	vld.idx.msk [tilespmem:v58+s3+$0x0], $0xffff  }
0x69: {  	v59 =	vadd.s32 v27, v36;
	_ =	sdelay $0x3  }
0x6a: {  	[tilespmem:s6+$0x65A0] =	vst v37  }
0x6b: {  	v37 =	vld.idx.msk [tilespmem:v59+s3+$0x0], $0xffff  }
0x6c: {  	v60 =	vadd.s32 v28, v36;
	_ =	sdelay $0x3  }
0x6d: {  	[tilespmem:s6+$0x65B0] =	vst v37  }
0x6e: {  	v37 =	vld.idx.msk [tilespmem:v60+s3+$0x0], $0xffff  }
0x6f: {  	v61 =	vadd.s32 v30, v36;
	_ =	sdelay $0x3  }
0x70: {  	[tilespmem:s6+$0x65C0] =	vst v37  }
0x71: {  	v37 =	vld.idx.msk [tilespmem:v61+s3+$0x0], $0xffff  }
0x72: {  	v62 =	vadd.s32 v31, v36;
	_ =	sdelay $0x3  }
0x73: {  	[tilespmem:s6+$0x65D0] =	vst v37  }
0x74: {  	v37 =	vld.idx.msk [tilespmem:v62+s3+$0x0], $0xffff  }
0x75: {  	v63 =	vadd.s32 v32, v36;
	_ =	sdelay $0x3  }
0x76: {  	[tilespmem:s6+$0x65E0] =	vst v37  }
0x77: {  	v36 =	vadd.s32 $0x1, v36;
	v37 =	vld.idx.msk [tilespmem:v63+s3+$0x0], $0xffff  }
0x78: {  	s14 =	simm.s32 $0x800;
	s15 =	simm.s32 $0x1000;
	v38 =	vadd.s32 v0, v36  }
.LBB2_2:
0x79: {  	p0 =	sne.s32 s15, $0x18800;
	_ =	sdelay $0x2  }
0x7a: {  	[tilespmem:s6+$0x65F0] =	vst v37  }
0x7b: {  	v37 =	vld.idx.msk [tilespmem:v38+s3+$0x0], $0xffff;
	_ =	sdelay $0x1  }
0x7c: {  	v38 =	vadd.s32 v1, v36;
	_ =	sdelay $0x2  }
0x7d: {  	s6 =	sshra.s32 s14, $0x2;
	s14 =	smov.u32 s15  }
0x7e: {  	[tilespmem:s6+$0x6400] =	vst v37  }
0x7f: {  	v37 =	vld.idx.msk [tilespmem:v38+s3+$0x0], $0xffff;
	_ =	sdelay $0x1  }
0x80: {  	v38 =	vadd.s32 v2, v36;
	_ =	sdelay $0x3  }
0x81: {  	[tilespmem:s6+$0x6410] =	vst v37  }
0x82: {  	v37 =	vld.idx.msk [tilespmem:v38+s3+$0x0], $0xffff;
	_ =	sdelay $0x1  }
0x83: {  	v38 =	vadd.s32 v3, v36;
	_ =	sdelay $0x3  }
0x84: {  	[tilespmem:s6+$0x6420] =	vst v37  }
0x85: {  	v37 =	vld.idx.msk [tilespmem:v38+s3+$0x0], $0xffff;
	_ =	sdelay $0x1  }
0x86: {  	v38 =	vadd.s32 v4, v36;
	_ =	sdelay $0x3  }
0x87: {  	[tilespmem:s6+$0x6430] =	vst v37  }
0x88: {  	v37 =	vld.idx.msk [tilespmem:v38+s3+$0x0], $0xffff;
	_ =	sdelay $0x1  }
0x89: {  	v38 =	vadd.s32 v5, v36;
	_ =	sdelay $0x3  }
0x8a: {  	[tilespmem:s6+$0x6440] =	vst v37  }
0x8b: {  	v37 =	vld.idx.msk [tilespmem:v38+s3+$0x0], $0xffff;
	_ =	sdelay $0x1  }
0x8c: {  	v38 =	vadd.s32 v6, v36;
	_ =	sdelay $0x3  }
0x8d: {  	[tilespmem:s6+$0x6450] =	vst v37  }
0x8e: {  	v37 =	vld.idx.msk [tilespmem:v38+s3+$0x0], $0xffff;
	_ =	sdelay $0x1  }
0x8f: {  	v38 =	vadd.s32 v7, v36;
	_ =	sdelay $0x3  }
0x90: {  	[tilespmem:s6+$0x6460] =	vst v37  }
0x91: {  	v37 =	vld.idx.msk [tilespmem:v38+s3+$0x0], $0xffff;
	_ =	sdelay $0x1  }
0x92: {  	v38 =	vadd.s32 v8, v36;
	_ =	sdelay $0x3  }
0x93: {  	[tilespmem:s6+$0x6470] =	vst v37  }
0x94: {  	v37 =	vld.idx.msk [tilespmem:v38+s3+$0x0], $0xffff;
	_ =	sdelay $0x1  }
0x95: {  	v38 =	vadd.s32 v9, v36;
	_ =	sdelay $0x3  }
0x96: {  	[tilespmem:s6+$0x6480] =	vst v37  }
0x97: {  	v37 =	vld.idx.msk [tilespmem:v38+s3+$0x0], $0xffff;
	_ =	sdelay $0x1  }
0x98: {  	v38 =	vadd.s32 v10, v36;
	_ =	sdelay $0x3  }
0x99: {  	[tilespmem:s6+$0x6490] =	vst v37  }
0x9a: {  	v37 =	vld.idx.msk [tilespmem:v38+s3+$0x0], $0xffff;
	_ =	sdelay $0x1  }
0x9b: {  	v38 =	vadd.s32 v11, v36;
	_ =	sdelay $0x3  }
0x9c: {  	[tilespmem:s6+$0x64A0] =	vst v37  }
0x9d: {  	v37 =	vld.idx.msk [tilespmem:v38+s3+$0x0], $0xffff;
	_ =	sdelay $0x1  }
0x9e: {  	v38 =	vadd.s32 v12, v36;
	_ =	sdelay $0x3  }
0x9f: {  	[tilespmem:s6+$0x64B0] =	vst v37  }
0xa0: {  	v37 =	vld.idx.msk [tilespmem:v38+s3+$0x0], $0xffff;
	_ =	sdelay $0x1  }
0xa1: {  	v38 =	vadd.s32 v13, v36;
	_ =	sdelay $0x3  }
0xa2: {  	[tilespmem:s6+$0x64C0] =	vst v37  }
0xa3: {  	v37 =	vld.idx.msk [tilespmem:v38+s3+$0x0], $0xffff;
	_ =	sdelay $0x1  }
0xa4: {  	v38 =	vadd.s32 v14, v36;
	_ =	sdelay $0x3  }
0xa5: {  	[tilespmem:s6+$0x64D0] =	vst v37  }
0xa6: {  	v37 =	vld.idx.msk [tilespmem:v38+s3+$0x0], $0xffff;
	_ =	sdelay $0x1  }
0xa7: {  	v38 =	vadd.s32 v15, v36;
	_ =	sdelay $0x3  }
0xa8: {  	[tilespmem:s6+$0x64E0] =	vst v37  }
0xa9: {  	v37 =	vld.idx.msk [tilespmem:v38+s3+$0x0], $0xffff;
	_ =	sdelay $0x1  }
0xaa: {  	v38 =	vadd.s32 v16, v36;
	_ =	sdelay $0x3  }
0xab: {  	[tilespmem:s6+$0x64F0] =	vst v37  }
0xac: {  	v37 =	vld.idx.msk [tilespmem:v38+s3+$0x0], $0xffff;
	_ =	sdelay $0x1  }
0xad: {  	v38 =	vadd.s32 v17, v36;
	_ =	sdelay $0x3  }
0xae: {  	[tilespmem:s6+$0x6500] =	vst v37  }
0xaf: {  	v37 =	vld.idx.msk [tilespmem:v38+s3+$0x0], $0xffff;
	_ =	sdelay $0x1  }
0xb0: {  	v38 =	vadd.s32 v18, v36;
	_ =	sdelay $0x3  }
0xb1: {  	[tilespmem:s6+$0x6510] =	vst v37  }
0xb2: {  	v37 =	vld.idx.msk [tilespmem:v38+s3+$0x0], $0xffff;
	_ =	sdelay $0x1  }
0xb3: {  	v38 =	vadd.s32 v19, v36;
	_ =	sdelay $0x3  }
0xb4: {  	[tilespmem:s6+$0x6520] =	vst v37  }
0xb5: {  	v37 =	vld.idx.msk [tilespmem:v38+s3+$0x0], $0xffff;
	_ =	sdelay $0x1  }
0xb6: {  	v38 =	vadd.s32 v20, v36;
	_ =	sdelay $0x3  }
0xb7: {  	[tilespmem:s6+$0x6530] =	vst v37  }
0xb8: {  	v37 =	vld.idx.msk [tilespmem:v38+s3+$0x0], $0xffff;
	_ =	sdelay $0x1  }
0xb9: {  	v38 =	vadd.s32 v21, v36;
	_ =	sdelay $0x3  }
0xba: {  	[tilespmem:s6+$0x6540] =	vst v37  }
0xbb: {  	v37 =	vld.idx.msk [tilespmem:v38+s3+$0x0], $0xffff;
	_ =	sdelay $0x1  }
0xbc: {  	v38 =	vadd.s32 v22, v36;
	_ =	sdelay $0x3  }
0xbd: {  	[tilespmem:s6+$0x6550] =	vst v37  }
0xbe: {  	v37 =	vld.idx.msk [tilespmem:v38+s3+$0x0], $0xffff;
	_ =	sdelay $0x1  }
0xbf: {  	v38 =	vadd.s32 v23, v36;
	_ =	sdelay $0x3  }
0xc0: {  	[tilespmem:s6+$0x6560] =	vst v37  }
0xc1: {  	v37 =	vld.idx.msk [tilespmem:v38+s3+$0x0], $0xffff;
	_ =	sdelay $0x1  }
0xc2: {  	v38 =	vadd.s32 v24, v36;
	_ =	sdelay $0x3  }
0xc3: {  	[tilespmem:s6+$0x6570] =	vst v37  }
0xc4: {  	v37 =	vld.idx.msk [tilespmem:v38+s3+$0x0], $0xffff;
	_ =	sdelay $0x1  }
0xc5: {  	v38 =	vadd.s32 v25, v36;
	_ =	sdelay $0x3  }
0xc6: {  	[tilespmem:s6+$0x6580] =	vst v37  }
0xc7: {  	v37 =	vld.idx.msk [tilespmem:v38+s3+$0x0], $0xffff;
	_ =	sdelay $0x1  }
0xc8: {  	v38 =	vadd.s32 v26, v36;
	_ =	sdelay $0x3  }
0xc9: {  	[tilespmem:s6+$0x6590] =	vst v37  }
0xca: {  	v37 =	vld.idx.msk [tilespmem:v38+s3+$0x0], $0xffff;
	_ =	sdelay $0x1  }
0xcb: {  	v38 =	vadd.s32 v27, v36;
	_ =	sdelay $0x3  }
0xcc: {  	[tilespmem:s6+$0x65A0] =	vst v37  }
0xcd: {  	v37 =	vld.idx.msk [tilespmem:v38+s3+$0x0], $0xffff;
	_ =	sdelay $0x1  }
0xce: {  	v38 =	vadd.s32 v28, v36;
	_ =	sdelay $0x3  }
0xcf: {  	[tilespmem:s6+$0x65B0] =	vst v37  }
0xd0: {  	v37 =	vld.idx.msk [tilespmem:v38+s3+$0x0], $0xffff;
	_ =	sdelay $0x1  }
0xd1: {  	v38 =	vadd.s32 v30, v36;
	_ =	sdelay $0x3  }
0xd2: {  	[tilespmem:s6+$0x65C0] =	vst v37  }
0xd3: {  	v37 =	vld.idx.msk [tilespmem:v38+s3+$0x0], $0xffff;
	_ =	sdelay $0x1  }
0xd4: {  	v38 =	vadd.s32 v31, v36;
	_ =	sdelay $0x3  }
0xd5: {  	[tilespmem:s6+$0x65D0] =	vst v37  }
0xd6: {  	v37 =	vld.idx.msk [tilespmem:v38+s3+$0x0], $0xffff;
	_ =	sdelay $0x1  }
0xd7: {  	v38 =	vadd.s32 v32, v36;
	_ =	sdelay $0x2  }
.Ltmp0:
0xd8: {  	(pc) =	sbr.rel @p0 .LBB2_2-.Ltmp0, $4  }
0xd9: {  	[tilespmem:s6+$0x65E0] =	vst v37  }
0xda: {  	v37 =	vld.idx.msk [tilespmem:v38+s3+$0x0], $0xffff  }
0xdb: {  	v36 =	vadd.s32 $0x1, v36  }
0xdc: {  	s15 =	sadd.s32 $0x800, s15;
	v38 =	vadd.s32 v0, v36  }
0xdd: {  	_ =	sdelay $0x2  }
0xde: {  	[tilespmem:s6+$0x65F0] =	vst v37  }
0xdf: {  	v37 =	vld.idx.msk [tilespmem:v38+s3+$0x0], $0xffff  }
0xe0: {  	v62 =	vadd.s32 v1, v36;
	_ =	sdelay $0x2  }
0xe1: {  	s11 =	sshra.s32 s14, $0x2  }
0xe2: {  	[tilespmem:s11+$0x6400] =	vst v37  }
0xe3: {  	v37 =	vld.idx.msk [tilespmem:v62+s3+$0x0], $0xffff  }
0xe4: {  	v63 =	vadd.s32 v2, v36;
	_ =	sdelay $0x3  }
0xe5: {  	[tilespmem:s11+$0x6410] =	vst v37  }
0xe6: {  	v37 =	vld.idx.msk [tilespmem:v63+s3+$0x0], $0xffff  }
0xe7: {  	v0 =	vadd.s32 v3, v36;
	_ =	sdelay $0x3  }
0xe8: {  	[tilespmem:s11+$0x6420] =	vst v37  }
0xe9: {  	v37 =	vld.idx.msk [tilespmem:v0+s3+$0x0], $0xffff  }
0xea: {  	v1 =	vadd.s32 v4, v36;
	_ =	sdelay $0x3  }
0xeb: {  	[tilespmem:s11+$0x6430] =	vst v37  }
0xec: {  	v37 =	vld.idx.msk [tilespmem:v1+s3+$0x0], $0xffff  }
0xed: {  	v2 =	vadd.s32 v5, v36;
	_ =	sdelay $0x3  }
0xee: {  	[tilespmem:s11+$0x6440] =	vst v37  }
0xef: {  	v37 =	vld.idx.msk [tilespmem:v2+s3+$0x0], $0xffff  }
0xf0: {  	v3 =	vadd.s32 v6, v36;
	_ =	sdelay $0x3  }
0xf1: {  	[tilespmem:s11+$0x6450] =	vst v37  }
0xf2: {  	v37 =	vld.idx.msk [tilespmem:v3+s3+$0x0], $0xffff  }
0xf3: {  	v40 =	vadd.s32 v7, v36;
	_ =	sdelay $0x3  }
0xf4: {  	[tilespmem:s11+$0x6460] =	vst v37  }
0xf5: {  	v37 =	vld.idx.msk [tilespmem:v40+s3+$0x0], $0xffff  }
0xf6: {  	v41 =	vadd.s32 v8, v36;
	_ =	sdelay $0x3  }
0xf7: {  	[tilespmem:s11+$0x6470] =	vst v37  }
0xf8: {  	v37 =	vld.idx.msk [tilespmem:v41+s3+$0x0], $0xffff  }
0xf9: {  	v42 =	vadd.s32 v9, v36;
	_ =	sdelay $0x3  }
0xfa: {  	[tilespmem:s11+$0x6480] =	vst v37  }
0xfb: {  	v37 =	vld.idx.msk [tilespmem:v42+s3+$0x0], $0xffff  }
0xfc: {  	v43 =	vadd.s32 v10, v36;
	_ =	sdelay $0x3  }
0xfd: {  	[tilespmem:s11+$0x6490] =	vst v37  }
0xfe: {  	v37 =	vld.idx.msk [tilespmem:v43+s3+$0x0], $0xffff  }
0xff: {  	v44 =	vadd.s32 v11, v36;
	_ =	sdelay $0x3  }
0x100: {  	[tilespmem:s11+$0x64A0] =	vst v37  }
0x101: {  	v37 =	vld.idx.msk [tilespmem:v44+s3+$0x0], $0xffff  }
0x102: {  	v45 =	vadd.s32 v12, v36;
	_ =	sdelay $0x3  }
0x103: {  	[tilespmem:s11+$0x64B0] =	vst v37  }
0x104: {  	v37 =	vld.idx.msk [tilespmem:v45+s3+$0x0], $0xffff  }
0x105: {  	v46 =	vadd.s32 v13, v36;
	_ =	sdelay $0x3  }
0x106: {  	[tilespmem:s11+$0x64C0] =	vst v37  }
0x107: {  	v37 =	vld.idx.msk [tilespmem:v46+s3+$0x0], $0xffff  }
0x108: {  	v47 =	vadd.s32 v14, v36;
	_ =	sdelay $0x3  }
0x109: {  	[tilespmem:s11+$0x64D0] =	vst v37  }
0x10a: {  	v37 =	vld.idx.msk [tilespmem:v47+s3+$0x0], $0xffff  }
0x10b: {  	v48 =	vadd.s32 v15, v36;
	_ =	sdelay $0x3  }
0x10c: {  	[tilespmem:s11+$0x64E0] =	vst v37  }
0x10d: {  	v37 =	vld.idx.msk [tilespmem:v48+s3+$0x0], $0xffff  }
0x10e: {  	v49 =	vadd.s32 v16, v36;
	_ =	sdelay $0x3  }
0x10f: {  	[tilespmem:s11+$0x64F0] =	vst v37  }
0x110: {  	v37 =	vld.idx.msk [tilespmem:v49+s3+$0x0], $0xffff  }
0x111: {  	v50 =	vadd.s32 v17, v36;
	_ =	sdelay $0x3  }
0x112: {  	[tilespmem:s11+$0x6500] =	vst v37  }
0x113: {  	v37 =	vld.idx.msk [tilespmem:v50+s3+$0x0], $0xffff  }
0x114: {  	v51 =	vadd.s32 v18, v36;
	_ =	sdelay $0x3  }
0x115: {  	[tilespmem:s11+$0x6510] =	vst v37  }
0x116: {  	v37 =	vld.idx.msk [tilespmem:v51+s3+$0x0], $0xffff  }
0x117: {  	v52 =	vadd.s32 v19, v36;
	_ =	sdelay $0x3  }
0x118: {  	[tilespmem:s11+$0x6520] =	vst v37  }
0x119: {  	v37 =	vld.idx.msk [tilespmem:v52+s3+$0x0], $0xffff  }
0x11a: {  	v53 =	vadd.s32 v20, v36;
	_ =	sdelay $0x3  }
0x11b: {  	[tilespmem:s11+$0x6530] =	vst v37  }
0x11c: {  	v37 =	vld.idx.msk [tilespmem:v53+s3+$0x0], $0xffff  }
0x11d: {  	v54 =	vadd.s32 v21, v36;
	_ =	sdelay $0x3  }
0x11e: {  	[tilespmem:s11+$0x6540] =	vst v37  }
0x11f: {  	v37 =	vld.idx.msk [tilespmem:v54+s3+$0x0], $0xffff  }
0x120: {  	v55 =	vadd.s32 v22, v36;
	_ =	sdelay $0x3  }
0x121: {  	[tilespmem:s11+$0x6550] =	vst v37  }
0x122: {  	v37 =	vld.idx.msk [tilespmem:v55+s3+$0x0], $0xffff  }
0x123: {  	v56 =	vadd.s32 v23, v36;
	_ =	sdelay $0x3  }
0x124: {  	[tilespmem:s11+$0x6560] =	vst v37  }
0x125: {  	v37 =	vld.idx.msk [tilespmem:v56+s3+$0x0], $0xffff  }
0x126: {  	v57 =	vadd.s32 v24, v36;
	_ =	sdelay $0x3  }
0x127: {  	[tilespmem:s11+$0x6570] =	vst v37  }
0x128: {  	v37 =	vld.idx.msk [tilespmem:v57+s3+$0x0], $0xffff  }
0x129: {  	v58 =	vadd.s32 v25, v36;
	_ =	sdelay $0x3  }
0x12a: {  	[tilespmem:s11+$0x6580] =	vst v37  }
0x12b: {  	v37 =	vld.idx.msk [tilespmem:v58+s3+$0x0], $0xffff  }
0x12c: {  	v59 =	vadd.s32 v26, v36;
	_ =	sdelay $0x3  }
0x12d: {  	[tilespmem:s11+$0x6590] =	vst v37  }
0x12e: {  	v37 =	vld.idx.msk [tilespmem:v59+s3+$0x0], $0xffff  }
0x12f: {  	v60 =	vadd.s32 v27, v36;
	_ =	sdelay $0x3  }
0x130: {  	[tilespmem:s11+$0x65A0] =	vst v37  }
0x131: {  	v37 =	vld.idx.msk [tilespmem:v60+s3+$0x0], $0xffff  }
0x132: {  	v61 =	vadd.s32 v28, v36;
	_ =	sdelay $0x3  }
0x133: {  	[tilespmem:s11+$0x65B0] =	vst v37  }
0x134: {  	v37 =	vld.idx.msk [tilespmem:v61+s3+$0x0], $0xffff  }
0x135: {  	v62 =	vadd.s32 v30, v36;
	_ =	sdelay $0x3  }
0x136: {  	[tilespmem:s11+$0x65C0] =	vst v37  }
0x137: {  	v37 =	vld.idx.msk [tilespmem:v62+s3+$0x0], $0xffff  }
0x138: {  	v63 =	vadd.s32 v31, v36;
	_ =	sdelay $0x3  }
0x139: {  	[tilespmem:s11+$0x65D0] =	vst v37  }
0x13a: {  	v37 =	vld.idx.msk [tilespmem:v63+s3+$0x0], $0xffff  }
0x13b: {  	v0 =	vadd.s32 v32, v36;
	_ =	sdelay $0x3  }
0x13c: {  	[tilespmem:s11+$0x65E0] =	vst v37  }
0x13d: {  	v36 =	vld.idx.msk [tilespmem:v0+s3+$0x0], $0xffff;
	_ =	sdelay $0x4  }
0x13e: {  	s12 =	simm.s32 $0x6400;
	s7 =	simm.s32 $0xC800;
	[tilespmem:s11+$0x65F0] =	vst v36  }
0x13f: {  	[tilespmem:s7], [sflag:$0x1] =	stream.indirect.gather [hbm4b:s4+s16], $0x40, s12, s16, $0xb8;
	[tilespmem:$0x1D000] =	vst v63  }
0x140: {  	s13 =	simm.s32 $0x6480;
	s14 =	simm.s32 $0xE800  }
0x141: {  	[tilespmem:s14], [sflag:$0x2] =	stream.indirect.gather [hbm4b:s4+s16], $0x40, s13, s16, $0xb8;
	[tilespmem:$0x1D000] =	vst v63  }
0x142: {  	s15 =	simm.s32 $0x6500  }
0x143: {  	[tilespmem:s22], [sflag:$0x3] =	stream.indirect.gather [hbm4b:s4+s16], $0x40, s15, s16, $0xb8;
	[tilespmem:$0x1D000] =	vst v63  }
0x144: {  	s18 =	simm.s32 $0x6580  }
0x145: {  	[tilespmem:s24], [sflag:$0x4] =	stream.indirect.gather [hbm4b:s4+s16], $0x40, s18, s16, $0xb8;
	[tilespmem:$0x1D000] =	vst v63  }
0x146: {  	_ =	swait.ge [sflag:s25], $0x2000  }
0x147: {  	[sflag:s25] =	ssyncset.done $0x0  }
0x148: {  	s20 =	simm.s32 $0x0;
	[sflag:s25] =	ssyncadd.s32 $0xFFFFE000  }
0x149: {  	v36 =	vld [tilespmem:s20+$0xC8F0]  }
0x14a: {  	v38 =	vld [tilespmem:s20+$0xC880]  }
0x14b: {  	v43 =	vld [tilespmem:s20+$0xC850]  }
0x14c: {  	v44 =	vld [tilespmem:s20+$0xC870]  }
0x14d: {  	v39 =	vld [tilespmem:s20+$0xC8D0]  }
0x14e: {  	v40 =	vld [tilespmem:s20+$0xC8C0]  }
0x14f: {  	v47 =	vld [tilespmem:s20+$0xC8A0]  }
0x150: {  	v37 =	vimm.s32 $0x0;
	v48 =	vld [tilespmem:s20+$0xC890]  }
0x151: {  	v41 =	vand.u32 $0xFFFFFFF8, v37;
	v51 =	vld [tilespmem:s20+$0xC830]  }
0x152: {  	v54 =	vand.u32 $0x4, v37;
	v56 =	vadd.s32 v29, v41;
	v53 =	vld [tilespmem:s20+$0xC820]  }
0x153: {  	v57 =	vadd.s32 v33, v41;
	v42 =	vor.u32 v54, v56;
	v46 =	vld [tilespmem:s20+$0xC800]  }
0x154: {  	v58 =	vadd.s32 v34, v41;
	v55 =	vor.u32 v54, v57;
	v45 =	vld [tilespmem:s20+$0xC810]  }
0x155: {  	v61 =	vor.u32 v54, v58;
	v52 =	vld [tilespmem:s20+$0xC860]  }
0x156: {  	v59 =	vadd.s32 v35, v41;
	v60 =	vld [tilespmem:s20+$0xC840]  }
0x157: {  	v62 =	vor.u32 v54, v59;
	v50 =	vld [tilespmem:s20+$0xC8B0]  }
0x158: {  	v49 =	vld [tilespmem:s20+$0xC8E0];
	[tilespmem:v42+s26+$0x0] =	vst.idx.msk $0xffff, v46  }
0x159: {  	v2 =	vor.u32 $0x1, v54;
	[tilespmem:v55+s26+$0x0] =	vst.idx.msk $0xffff, v45  }
0x15a: {  	v1 =	vor.u32 $0x3, v54;
	v3 =	vor.u32 $0x2, v54;
	[tilespmem:v61+s26+$0x0] =	vst.idx.msk $0xffff, v53;
	v53 =	vor.u32 v2, v56  }
0x15b: {  	v41 =	vor.u32 v1, v59;
	v54 =	vor.u32 v2, v57;
	v42 =	vor.u32 v1, v56  }
0x15c: {  	v46 =	vor.u32 v1, v58;
	[tilespmem:v62+s26+$0x0] =	vst.idx.msk $0xffff, v51;
	v51 =	vor.u32 v2, v58  }
0x15d: {  	v45 =	vor.u32 v1, v57;
	v55 =	vor.u32 v2, v59;
	v57 =	vor.u32 v3, v57  }
0x15e: {  	s6 =	simm.s32 $0x400;
	v59 =	vor.u32 v3, v59;
	v56 =	vor.u32 v3, v56;
	v58 =	vor.u32 v3, v58  }
.LBB2_4:
0x15f: {  	p0 =	sne.s32 s6, $0x7C00;
	[tilespmem:v53+s26+$0x0] =	vst.idx.msk $0xffff, v60;
	v37 =	vadd.s32 $0x4, v37;
	s7 =	smov.u32 s6;
	s6 =	sadd.s32 $0x400, s6  }
0x160: {  	[tilespmem:v54+s26+$0x0] =	vst.idx.msk $0xffff, v43  }
0x161: {  	[tilespmem:v51+s26+$0x0] =	vst.idx.msk $0xffff, v52  }
0x162: {  	[tilespmem:v55+s26+$0x0] =	vst.idx.msk $0xffff, v44  }
0x163: {  	[tilespmem:v56+s26+$0x0] =	vst.idx.msk $0xffff, v38  }
0x164: {  	[tilespmem:v57+s26+$0x0] =	vst.idx.msk $0xffff, v48  }
0x165: {  	[tilespmem:v58+s26+$0x0] =	vst.idx.msk $0xffff, v47  }
0x166: {  	[tilespmem:v59+s26+$0x0] =	vst.idx.msk $0xffff, v50  }
0x167: {  	[tilespmem:v42+s26+$0x0] =	vst.idx.msk $0xffff, v40  }
0x168: {  	[tilespmem:v45+s26+$0x0] =	vst.idx.msk $0xffff, v39  }
0x169: {  	v50 =	vand.u32 $0x4, v37;
	v39 =	vand.u32 $0xFFFFFFF8, v37;
	[tilespmem:v46+s26+$0x0] =	vst.idx.msk $0xffff, v49  }
0x16a: {  	s7 =	sshra.s32 s7, $0x2;
	v40 =	vor.u32 $0x3, v50;
	v49 =	vadd.s32 v29, v39;
	v52 =	vadd.s32 v33, v39;
	[tilespmem:v41+s26+$0x0] =	vst.idx.msk $0xffff, v36  }
0x16b: {  	v59 =	vadd.s32 v35, v39;
	v61 =	vor.u32 v50, v49;
	v42 =	vor.u32 v40, v49;
	v36 =	vld [tilespmem:s7+$0xC8F0]  }
0x16c: {  	v58 =	vadd.s32 v34, v39;
	v62 =	vor.u32 v50, v52;
	v45 =	vor.u32 v40, v52;
	v38 =	vld [tilespmem:s7+$0xC880]  }
0x16d: {  	v63 =	vor.u32 v50, v58;
	v46 =	vor.u32 v40, v58;
	v41 =	vor.u32 v40, v59;
	v43 =	vld [tilespmem:s7+$0xC850]  }
0x16e: {  	v55 =	vor.u32 $0x1, v50;
	v0 =	vor.u32 v50, v59;
	v44 =	vld [tilespmem:s7+$0xC870]  }
0x16f: {  	v53 =	vor.u32 v55, v49;
	v51 =	vor.u32 v55, v58;
	v39 =	vld [tilespmem:s7+$0xC8D0]  }
0x170: {  	v54 =	vor.u32 v55, v52;
	v40 =	vld [tilespmem:s7+$0xC8C0]  }
0x171: {  	v47 =	vld [tilespmem:s7+$0xC8A0]  }
0x172: {  	v55 =	vor.u32 v55, v59;
	v50 =	vor.u32 $0x2, v50;
	v48 =	vld [tilespmem:s7+$0xC890]  }
0x173: {  	v56 =	vor.u32 v50, v49;
	v1 =	vld [tilespmem:s7+$0xC830]  }
0x174: {  	v57 =	vor.u32 v50, v52;
	v2 =	vld [tilespmem:s7+$0xC820]  }
0x175: {  	v58 =	vor.u32 v50, v58;
	v3 =	vld [tilespmem:s7+$0xC810]  }
0x176: {  	v59 =	vor.u32 v50, v59;
	v4 =	vld [tilespmem:s7+$0xC800]  }
0x177: {  	v52 =	vld [tilespmem:s7+$0xC860]  }
0x178: {  	v60 =	vld [tilespmem:s7+$0xC840]  }
0x179: {  	v50 =	vld [tilespmem:s7+$0xC8B0]  }
.Ltmp1:
0x17a: {  	v49 =	vld [tilespmem:s7+$0xC8E0];
	(pc) =	sbr.rel @p0 .LBB2_4-.Ltmp1, $4  }
0x17b: {  	[tilespmem:v61+s26+$0x0] =	vst.idx.msk $0xffff, v4  }
0x17c: {  	[tilespmem:v62+s26+$0x0] =	vst.idx.msk $0xffff, v3  }
0x17d: {  	[tilespmem:v63+s26+$0x0] =	vst.idx.msk $0xffff, v2  }
0x17e: {  	[tilespmem:v0+s26+$0x0] =	vst.idx.msk $0xffff, v1  }
0x17f: {  	_ =	sdelay $0x3  }
0x180: {  	[tilespmem:v53+s26+$0x0] =	vst.idx.msk $0xffff, v60  }
0x181: {  	[tilespmem:v54+s26+$0x0] =	vst.idx.msk $0xffff, v43  }
0x182: {  	[tilespmem:v51+s26+$0x0] =	vst.idx.msk $0xffff, v52  }
0x183: {  	[tilespmem:v55+s26+$0x0] =	vst.idx.msk $0xffff, v44  }
0x184: {  	[tilespmem:v56+s26+$0x0] =	vst.idx.msk $0xffff, v38  }
0x185: {  	[tilespmem:v57+s26+$0x0] =	vst.idx.msk $0xffff, v48  }
0x186: {  	[tilespmem:v58+s26+$0x0] =	vst.idx.msk $0xffff, v47  }
0x187: {  	[tilespmem:v59+s26+$0x0] =	vst.idx.msk $0xffff, v50  }
0x188: {  	[tilespmem:v42+s26+$0x0] =	vst.idx.msk $0xffff, v40  }
0x189: {  	[tilespmem:v45+s26+$0x0] =	vst.idx.msk $0xffff, v39  }
0x18a: {  	[tilespmem:v46+s26+$0x0] =	vst.idx.msk $0xffff, v49  }
0x18b: {  	s6 =	simm.s32 $0x14800;
	s14 =	rddreg [dreg:$0x4];
	[tilespmem:v41+s26+$0x0] =	vst.idx.msk $0xffff, v36  }
0x18c: {  	[hbm4b:s14+s3] =	stream.linear.scatter [tilespmem:s6], [sflag:$0x5], $0x80, $0x38;
	[tilespmem:$0x1D000] =	vst v63  }
0x18d: {  	s12 =	simm.s32 $0x14888;
	s7 =	sadd.s32 $0x10, s14  }
0x18e: {  	[hbm4b:s7+s3] =	stream.linear.scatter [tilespmem:s12], [sflag:$0x5], $0x80, $0x38;
	[tilespmem:$0x1D000] =	vst v63  }
0x18f: {  	s13 =	simm.s32 $0x14910;
	s18 =	simm.s32 $0x14998;
	s15 =	sadd.s32 $0x20, s14  }
0x190: {  	[hbm4b:s15+s3] =	stream.linear.scatter [tilespmem:s13], [sflag:$0x5], $0x80, $0x38;
	[tilespmem:$0x1D000] =	vst v63  }
0x191: {  	s11 =	simm.s32 $0x14A20;
	s20 =	sadd.s32 $0x30, s14;
	s6 =	simm.s32 $0x440  }
0x192: {  	[hbm4b:s20+s3] =	stream.linear.scatter [tilespmem:s18], [sflag:$0x5], $0x80, $0x38;
	[tilespmem:$0x1D000] =	vst v63  }
0x193: {  	s12 =	sadd.s32 $0x40, s14;
	s7 =	sadd.s32 $0x4000, s14;
	s13 =	simm.s32 $0x14AA8  }
0x194: {  	[hbm4b:s12+s3] =	stream.linear.scatter [tilespmem:s11], [sflag:$0x5], $0x80, $0x38;
	[tilespmem:$0x1D000] =	vst v63  }
0x195: {  	s15 =	sadd.s32 $0x50, s14;
	s18 =	simm.s32 $0x14B30;
	s20 =	sadd.s32 $0x60, s14  }
0x196: {  	[hbm4b:s15+s3] =	stream.linear.scatter [tilespmem:s13], [sflag:$0x5], $0x80, $0x38;
	[tilespmem:$0x1D000] =	vst v63  }
0x197: {  	s11 =	simm.s32 $0x2200;
	s12 =	simm.s32 $0x14BB8;
	s13 =	sadd.s32 $0x70, s14  }
0x198: {  	[hbm4b:s20+s3] =	stream.linear.scatter [tilespmem:s18], [sflag:$0x5], $0x80, $0x38;
	[tilespmem:$0x1D000] =	vst v63  }
.LBB2_6:
0x199: {  	[hbm4b:s13+s3] =	stream.linear.scatter [tilespmem:s12], [sflag:$0x5], $0x80, $0x38;
	[tilespmem:$0x1D000] =	vst v63  }
0x19a: {  	s12 =	smov.u32 s6;
	s6 =	smov.u32 s11  }
0x19b: {  	s14 =	sadd.s32 $0x1100, s11;
	s6 =	sshra.s32 s6, $0x2;
	s13 =	sadd.s32 $0x14800, s12  }
0x19c: {  	[hbm4b:s7+s3] =	stream.linear.scatter [tilespmem:s13], [sflag:$0x5], $0x80, $0x38;
	[tilespmem:$0x1D000] =	vst v63  }
0x19d: {  	p0 =	sne.s32 s11, $0x7700;
	s11 =	sadd.s32 $0x14888, s12;
	s13 =	sadd.s32 $0x10, s7  }
0x19e: {  	[hbm4b:s13+s3] =	stream.linear.scatter [tilespmem:s11], [sflag:$0x5], $0x80, $0x38;
	[tilespmem:$0x1D000] =	vst v63  }
0x19f: {  	s11 =	sadd.s32 $0x14910, s12;
	s13 =	sadd.s32 $0x20, s7  }
0x1a0: {  	[hbm4b:s13+s3] =	stream.linear.scatter [tilespmem:s11], [sflag:$0x5], $0x80, $0x38;
	[tilespmem:$0x1D000] =	vst v63  }
0x1a1: {  	s11 =	sadd.s32 $0x14998, s12;
	s13 =	sadd.s32 $0x30, s7  }
0x1a2: {  	[hbm4b:s13+s3] =	stream.linear.scatter [tilespmem:s11], [sflag:$0x5], $0x80, $0x38;
	[tilespmem:$0x1D000] =	vst v63  }
0x1a3: {  	s11 =	sadd.s32 $0x14A20, s12;
	s13 =	sadd.s32 $0x40, s7  }
0x1a4: {  	[hbm4b:s13+s3] =	stream.linear.scatter [tilespmem:s11], [sflag:$0x5], $0x80, $0x38;
	[tilespmem:$0x1D000] =	vst v63  }
.Ltmp2:
0x1a5: {  	s11 =	sadd.s32 $0x14AA8, s12;
	s13 =	sadd.s32 $0x50, s7;
	(pc) =	sbr.rel @p0 .LBB2_6-.Ltmp2, $4  }
0x1a6: {  	[hbm4b:s13+s3] =	stream.linear.scatter [tilespmem:s11], [sflag:$0x5], $0x80, $0x38;
	[tilespmem:$0x1D000] =	vst v63  }
0x1a7: {  	s11 =	sadd.s32 $0x14B30, s12;
	s13 =	sadd.s32 $0x60, s7;
	s12 =	sadd.s32 $0x14BB8, s12  }
0x1a8: {  	[hbm4b:s13+s3] =	stream.linear.scatter [tilespmem:s11], [sflag:$0x5], $0x80, $0x38;
	[tilespmem:$0x1D000] =	vst v63  }
0x1a9: {  	s13 =	sadd.s32 $0x70, s7;
	s7 =	sadd.s32 $0x4000, s7;
	s11 =	smov.u32 s14  }
0x1aa: {  	[hbm4b:s13+s3] =	stream.linear.scatter [tilespmem:s12], [sflag:$0x5], $0x80, $0x38;
	[tilespmem:$0x1D000] =	vst v63  }
0x1ab: {  	s11 =	sadd.s32 $0x14800, s6  }
0x1ac: {  	[hbm4b:s7+s3] =	stream.linear.scatter [tilespmem:s11], [sflag:$0x5], $0x80, $0x38;
	[tilespmem:$0x1D000] =	vst v63  }
0x1ad: {  	s12 =	sadd.s32 $0x14888, s6;
	s13 =	sadd.s32 $0x10, s7  }
0x1ae: {  	[hbm4b:s13+s3] =	stream.linear.scatter [tilespmem:s12], [sflag:$0x5], $0x80, $0x38;
	[tilespmem:$0x1D000] =	vst v63  }
0x1af: {  	s14 =	sadd.s32 $0x14910, s6;
	s15 =	sadd.s32 $0x20, s7  }
0x1b0: {  	[hbm4b:s15+s3] =	stream.linear.scatter [tilespmem:s14], [sflag:$0x5], $0x80, $0x38;
	[tilespmem:$0x1D000] =	vst v63  }
0x1b1: {  	s18 =	sadd.s32 $0x14998, s6;
	s20 =	sadd.s32 $0x30, s7  }
0x1b2: {  	[hbm4b:s20+s3] =	stream.linear.scatter [tilespmem:s18], [sflag:$0x5], $0x80, $0x38;
	[tilespmem:$0x1D000] =	vst v63  }
0x1b3: {  	s12 =	sadd.s32 $0x14A20, s6;
	s13 =	sadd.s32 $0x40, s7  }
0x1b4: {  	[hbm4b:s13+s3] =	stream.linear.scatter [tilespmem:s12], [sflag:$0x5], $0x80, $0x38;
	[tilespmem:$0x1D000] =	vst v63  }
0x1b5: {  	s14 =	sadd.s32 $0x14AA8, s6;
	s15 =	sadd.s32 $0x50, s7  }
0x1b6: {  	[hbm4b:s15+s3] =	stream.linear.scatter [tilespmem:s14], [sflag:$0x5], $0x80, $0x38;
	[tilespmem:$0x1D000] =	vst v63  }
0x1b7: {  	s18 =	sadd.s32 $0x14B30, s6;
	s20 =	sadd.s32 $0x60, s7  }
0x1b8: {  	[hbm4b:s20+s3] =	stream.linear.scatter [tilespmem:s18], [sflag:$0x5], $0x80, $0x38;
	[tilespmem:$0x1D000] =	vst v63  }
0x1b9: {  	s13 =	sadd.s32 $0x14BB8, s6;
	s14 =	sadd.s32 $0x70, s7  }
0x1ba: {  	[hbm4b:s14+s3] =	stream.linear.scatter [tilespmem:s13], [sflag:$0x5], $0x80, $0x38;
	[tilespmem:$0x1D000] =	vst v63  }
0x1bb: {  	s15 =	simm.s32 $0xC800;
	s18 =	simm.s32 $0x6600  }
0x1bc: {  	[tilespmem:s15], [sflag:$0x1] =	stream.indirect.gather [hbm4b:s4+s16], $0x40, s18, s16, $0xb8;
	[tilespmem:$0x1D000] =	vst v63  }
0x1bd: {  	_ =	swait.ge [sflag:s29], $0x2000  }
0x1be: {  	[sflag:s29] =	ssyncset.done $0x0  }
0x1bf: {  	s20 =	simm.s32 $0x0;
	[sflag:s29] =	ssyncadd.s32 $0xFFFFE000  }
0x1c0: {  	v36 =	vld [tilespmem:s20+$0xE8F0]  }
0x1c1: {  	v38 =	vld [tilespmem:s20+$0xE880]  }
0x1c2: {  	v44 =	vld [tilespmem:s20+$0xE850]  }
0x1c3: {  	v45 =	vld [tilespmem:s20+$0xE870]  }
0x1c4: {  	v39 =	vld [tilespmem:s20+$0xE8D0]  }
0x1c5: {  	v40 =	vld [tilespmem:s20+$0xE8C0]  }
0x1c6: {  	v47 =	vld [tilespmem:s20+$0xE8A0]  }
0x1c7: {  	v37 =	vimm.s32 $0x0;
	v48 =	vld [tilespmem:s20+$0xE890]  }
0x1c8: {  	v1 =	vand.u32 $0xFFFFFFF8, v37;
	v0 =	vld [tilespmem:s20+$0xE830]  }
0x1c9: {  	v3 =	vand.u32 $0x4, v37;
	v4 =	vadd.s32 v29, v1;
	v2 =	vld [tilespmem:s20+$0xE820]  }
0x1ca: {  	v57 =	vadd.s32 v33, v1;
	v53 =	vor.u32 v3, v4;
	v54 =	vld [tilespmem:s20+$0xE800]  }
0x1cb: {  	v59 =	vadd.s32 v34, v1;
	v58 =	vor.u32 v3, v57;
	v56 =	vld [tilespmem:s20+$0xE810]  }
0x1cc: {  	v42 =	vor.u32 $0x3, v3;
	v1 =	vadd.s32 v35, v1;
	v61 =	vor.u32 v3, v59;
	v55 =	vld [tilespmem:s20+$0xE860]  }
0x1cd: {  	v63 =	vor.u32 $0x1, v3;
	v41 =	vor.u32 v42, v4;
	v62 =	vor.u32 v3, v1;
	v60 =	vld [tilespmem:s20+$0xE840]  }
0x1ce: {  	v43 =	vor.u32 v42, v57;
	v46 =	vor.u32 v42, v59;
	v52 =	vor.u32 v63, v4;
	v51 =	vld [tilespmem:s20+$0xE8B0]  }
0x1cf: {  	v42 =	vor.u32 v42, v1;
	v50 =	vld [tilespmem:s20+$0xE8E0];
	[tilespmem:v53+s30+$0x0] =	vst.idx.msk $0xffff, v54;
	v53 =	vor.u32 v63, v57  }
0x1d0: {  	v49 =	vor.u32 v63, v59;
	v3 =	vor.u32 $0x2, v3;
	v54 =	vor.u32 v63, v1;
	[tilespmem:v58+s30+$0x0] =	vst.idx.msk $0xffff, v56  }
0x1d1: {  	v57 =	vor.u32 v3, v57;
	v56 =	vor.u32 v3, v4;
	[tilespmem:v61+s30+$0x0] =	vst.idx.msk $0xffff, v2  }
0x1d2: {  	s6 =	simm.s32 $0x400;
	v58 =	vor.u32 v3, v59;
	v59 =	vor.u32 v3, v1;
	[tilespmem:v62+s30+$0x0] =	vst.idx.msk $0xffff, v0  }
.LBB2_8:
0x1d3: {  	p0 =	sne.s32 s6, $0x7C00;
	[tilespmem:v52+s30+$0x0] =	vst.idx.msk $0xffff, v60;
	v37 =	vadd.s32 $0x4, v37;
	s7 =	smov.u32 s6;
	s6 =	sadd.s32 $0x400, s6  }
0x1d4: {  	[tilespmem:v53+s30+$0x0] =	vst.idx.msk $0xffff, v44  }
0x1d5: {  	[tilespmem:v49+s30+$0x0] =	vst.idx.msk $0xffff, v55  }
0x1d6: {  	[tilespmem:v54+s30+$0x0] =	vst.idx.msk $0xffff, v45  }
0x1d7: {  	[tilespmem:v56+s30+$0x0] =	vst.idx.msk $0xffff, v38  }
0x1d8: {  	[tilespmem:v57+s30+$0x0] =	vst.idx.msk $0xffff, v48  }
0x1d9: {  	[tilespmem:v58+s30+$0x0] =	vst.idx.msk $0xffff, v47  }
0x1da: {  	[tilespmem:v59+s30+$0x0] =	vst.idx.msk $0xffff, v51  }
0x1db: {  	[tilespmem:v41+s30+$0x0] =	vst.idx.msk $0xffff, v40  }
0x1dc: {  	[tilespmem:v43+s30+$0x0] =	vst.idx.msk $0xffff, v39  }
0x1dd: {  	v0 =	vand.u32 $0xFFFFFFF8, v37;
	v1 =	vand.u32 $0x4, v37;
	[tilespmem:v46+s30+$0x0] =	vst.idx.msk $0xffff, v50  }
0x1de: {  	s7 =	sshra.s32 s7, $0x2;
	v2 =	vadd.s32 v29, v0;
	v3 =	vadd.s32 v33, v0;
	v4 =	vor.u32 $0x3, v1;
	[tilespmem:v42+s30+$0x0] =	vst.idx.msk $0xffff, v36  }
0x1df: {  	v61 =	vor.u32 v1, v2;
	v41 =	vor.u32 v4, v2;
	v50 =	vadd.s32 v35, v0;
	v36 =	vld [tilespmem:s7+$0xE8F0]  }
0x1e0: {  	v62 =	vor.u32 v1, v3;
	v43 =	vor.u32 v4, v3;
	v0 =	vadd.s32 v34, v0;
	v38 =	vld [tilespmem:s7+$0xE880]  }
0x1e1: {  	v63 =	vor.u32 v1, v0;
	v46 =	vor.u32 v4, v0;
	v42 =	vor.u32 v4, v50;
	v44 =	vld [tilespmem:s7+$0xE850]  }
0x1e2: {  	v51 =	vor.u32 $0x1, v1;
	v4 =	vor.u32 v1, v50;
	v45 =	vld [tilespmem:s7+$0xE870]  }
0x1e3: {  	v52 =	vor.u32 v51, v2;
	v49 =	vor.u32 v51, v0;
	v39 =	vld [tilespmem:s7+$0xE8D0]  }
0x1e4: {  	v53 =	vor.u32 v51, v3;
	v40 =	vld [tilespmem:s7+$0xE8C0]  }
0x1e5: {  	v47 =	vld [tilespmem:s7+$0xE8A0]  }
0x1e6: {  	v54 =	vor.u32 v51, v50;
	v1 =	vor.u32 $0x2, v1;
	v48 =	vld [tilespmem:s7+$0xE890]  }
0x1e7: {  	v56 =	vor.u32 v1, v2;
	v5 =	vld [tilespmem:s7+$0xE830]  }
0x1e8: {  	v57 =	vor.u32 v1, v3;
	v2 =	vld [tilespmem:s7+$0xE820]  }
0x1e9: {  	v58 =	vor.u32 v1, v0;
	v3 =	vld [tilespmem:s7+$0xE810]  }
0x1ea: {  	v59 =	vor.u32 v1, v50;
	v0 =	vld [tilespmem:s7+$0xE800]  }
0x1eb: {  	v55 =	vld [tilespmem:s7+$0xE860]  }
0x1ec: {  	v60 =	vld [tilespmem:s7+$0xE840]  }
0x1ed: {  	v51 =	vld [tilespmem:s7+$0xE8B0]  }
.Ltmp3:
0x1ee: {  	v50 =	vld [tilespmem:s7+$0xE8E0];
	(pc) =	sbr.rel @p0 .LBB2_8-.Ltmp3, $4  }
0x1ef: {  	[tilespmem:v61+s30+$0x0] =	vst.idx.msk $0xffff, v0  }
0x1f0: {  	[tilespmem:v62+s30+$0x0] =	vst.idx.msk $0xffff, v3  }
0x1f1: {  	[tilespmem:v63+s30+$0x0] =	vst.idx.msk $0xffff, v2  }
0x1f2: {  	[tilespmem:v4+s30+$0x0] =	vst.idx.msk $0xffff, v5  }
0x1f3: {  	_ =	sdelay $0x3  }
0x1f4: {  	[tilespmem:v52+s30+$0x0] =	vst.idx.msk $0xffff, v60  }
0x1f5: {  	[tilespmem:v53+s30+$0x0] =	vst.idx.msk $0xffff, v44  }
0x1f6: {  	[tilespmem:v49+s30+$0x0] =	vst.idx.msk $0xffff, v55  }
0x1f7: {  	[tilespmem:v54+s30+$0x0] =	vst.idx.msk $0xffff, v45  }
0x1f8: {  	[tilespmem:v56+s30+$0x0] =	vst.idx.msk $0xffff, v38  }
0x1f9: {  	[tilespmem:v57+s30+$0x0] =	vst.idx.msk $0xffff, v48  }
0x1fa: {  	[tilespmem:v58+s30+$0x0] =	vst.idx.msk $0xffff, v47  }
0x1fb: {  	[tilespmem:v59+s30+$0x0] =	vst.idx.msk $0xffff, v51  }
0x1fc: {  	[tilespmem:v41+s30+$0x0] =	vst.idx.msk $0xffff, v40  }
0x1fd: {  	[tilespmem:v43+s30+$0x0] =	vst.idx.msk $0xffff, v39  }
0x1fe: {  	[tilespmem:v46+s30+$0x0] =	vst.idx.msk $0xffff, v50  }
0x1ff: {  	s6 =	simm.s32 $0x16A00;
	s14 =	rddreg [dreg:$0x5];
	[tilespmem:v42+s30+$0x0] =	vst.idx.msk $0xffff, v36  }
0x200: {  	[hbm4b:s14+s3] =	stream.linear.scatter [tilespmem:s6], [sflag:$0x6], $0x80, $0x38;
	[tilespmem:$0x1D000] =	vst v63  }
0x201: {  	s12 =	simm.s32 $0x16A88;
	s7 =	sadd.s32 $0x10, s14  }
0x202: {  	[hbm4b:s7+s3] =	stream.linear.scatter [tilespmem:s12], [sflag:$0x6], $0x80, $0x38;
	[tilespmem:$0x1D000] =	vst v63  }
0x203: {  	s13 =	simm.s32 $0x16B10;
	s18 =	simm.s32 $0x16B98;
	s15 =	sadd.s32 $0x20, s14  }
0x204: {  	[hbm4b:s15+s3] =	stream.linear.scatter [tilespmem:s13], [sflag:$0x6], $0x80, $0x38;
	[tilespmem:$0x1D000] =	vst v63  }
0x205: {  	s11 =	simm.s32 $0x16C20;
	s20 =	sadd.s32 $0x30, s14;
	s6 =	simm.s32 $0x440  }
0x206: {  	[hbm4b:s20+s3] =	stream.linear.scatter [tilespmem:s18], [sflag:$0x6], $0x80, $0x38;
	[tilespmem:$0x1D000] =	vst v63  }
0x207: {  	s12 =	sadd.s32 $0x40, s14;
	s7 =	sadd.s32 $0x4000, s14;
	s13 =	simm.s32 $0x16CA8  }
0x208: {  	[hbm4b:s12+s3] =	stream.linear.scatter [tilespmem:s11], [sflag:$0x6], $0x80, $0x38;
	[tilespmem:$0x1D000] =	vst v63  }
0x209: {  	s15 =	sadd.s32 $0x50, s14;
	s18 =	simm.s32 $0x16D30;
	s20 =	sadd.s32 $0x60, s14  }
0x20a: {  	[hbm4b:s15+s3] =	stream.linear.scatter [tilespmem:s13], [sflag:$0x6], $0x80, $0x38;
	[tilespmem:$0x1D000] =	vst v63  }
0x20b: {  	s11 =	simm.s32 $0x2200;
	s12 =	simm.s32 $0x16DB8;
	s13 =	sadd.s32 $0x70, s14  }
0x20c: {  	[hbm4b:s20+s3] =	stream.linear.scatter [tilespmem:s18], [sflag:$0x6], $0x80, $0x38;
	[tilespmem:$0x1D000] =	vst v63  }
.LBB2_10:
0x20d: {  	[hbm4b:s13+s3] =	stream.linear.scatter [tilespmem:s12], [sflag:$0x6], $0x80, $0x38;
	[tilespmem:$0x1D000] =	vst v63  }
0x20e: {  	s12 =	smov.u32 s6;
	s6 =	smov.u32 s11  }
0x20f: {  	s14 =	sadd.s32 $0x1100, s11;
	s6 =	sshra.s32 s6, $0x2;
	s13 =	sadd.s32 $0x16A00, s12  }
0x210: {  	[hbm4b:s7+s3] =	stream.linear.scatter [tilespmem:s13], [sflag:$0x6], $0x80, $0x38;
	[tilespmem:$0x1D000] =	vst v63  }
0x211: {  	p0 =	sne.s32 s11, $0x7700;
	s11 =	sadd.s32 $0x16A88, s12;
	s13 =	sadd.s32 $0x10, s7  }
0x212: {  	[hbm4b:s13+s3] =	stream.linear.scatter [tilespmem:s11], [sflag:$0x6], $0x80, $0x38;
	[tilespmem:$0x1D000] =	vst v63  }
0x213: {  	s11 =	sadd.s32 $0x16B10, s12;
	s13 =	sadd.s32 $0x20, s7  }
0x214: {  	[hbm4b:s13+s3] =	stream.linear.scatter [tilespmem:s11], [sflag:$0x6], $0x80, $0x38;
	[tilespmem:$0x1D000] =	vst v63  }
0x215: {  	s11 =	sadd.s32 $0x16B98, s12;
	s13 =	sadd.s32 $0x30, s7  }
0x216: {  	[hbm4b:s13+s3] =	stream.linear.scatter [tilespmem:s11], [sflag:$0x6], $0x80, $0x38;
	[tilespmem:$0x1D000] =	vst v63  }
0x217: {  	s11 =	sadd.s32 $0x16C20, s12;
	s13 =	sadd.s32 $0x40, s7  }
0x218: {  	[hbm4b:s13+s3] =	stream.linear.scatter [tilespmem:s11], [sflag:$0x6], $0x80, $0x38;
	[tilespmem:$0x1D000] =	vst v63  }
.Ltmp4:
0x219: {  	s11 =	sadd.s32 $0x16CA8, s12;
	s13 =	sadd.s32 $0x50, s7;
	(pc) =	sbr.rel @p0 .LBB2_10-.Ltmp4, $4  }
0x21a: {  	[hbm4b:s13+s3] =	stream.linear.scatter [tilespmem:s11], [sflag:$0x6], $0x80, $0x38;
	[tilespmem:$0x1D000] =	vst v63  }
0x21b: {  	s11 =	sadd.s32 $0x16D30, s12;
	s13 =	sadd.s32 $0x60, s7;
	s12 =	sadd.s32 $0x16DB8, s12  }
0x21c: {  	[hbm4b:s13+s3] =	stream.linear.scatter [tilespmem:s11], [sflag:$0x6], $0x80, $0x38;
	[tilespmem:$0x1D000] =	vst v63  }
0x21d: {  	s13 =	sadd.s32 $0x70, s7;
	s7 =	sadd.s32 $0x4000, s7;
	s11 =	smov.u32 s14  }
0x21e: {  	[hbm4b:s13+s3] =	stream.linear.scatter [tilespmem:s12], [sflag:$0x6], $0x80, $0x38;
	[tilespmem:$0x1D000] =	vst v63  }
0x21f: {  	s11 =	sadd.s32 $0x16A00, s6  }
0x220: {  	[hbm4b:s7+s3] =	stream.linear.scatter [tilespmem:s11], [sflag:$0x6], $0x80, $0x38;
	[tilespmem:$0x1D000] =	vst v63  }
0x221: {  	s12 =	sadd.s32 $0x16A88, s6;
	s13 =	sadd.s32 $0x10, s7  }
0x222: {  	[hbm4b:s13+s3] =	stream.linear.scatter [tilespmem:s12], [sflag:$0x6], $0x80, $0x38;
	[tilespmem:$0x1D000] =	vst v63  }
0x223: {  	s14 =	sadd.s32 $0x16B10, s6;
	s15 =	sadd.s32 $0x20, s7  }
0x224: {  	[hbm4b:s15+s3] =	stream.linear.scatter [tilespmem:s14], [sflag:$0x6], $0x80, $0x38;
	[tilespmem:$0x1D000] =	vst v63  }
0x225: {  	s18 =	sadd.s32 $0x16B98, s6;
	s20 =	sadd.s32 $0x30, s7  }
0x226: {  	[hbm4b:s20+s3] =	stream.linear.scatter [tilespmem:s18], [sflag:$0x6], $0x80, $0x38;
	[tilespmem:$0x1D000] =	vst v63  }
0x227: {  	s12 =	sadd.s32 $0x16C20, s6;
	s13 =	sadd.s32 $0x40, s7  }
0x228: {  	[hbm4b:s13+s3] =	stream.linear.scatter [tilespmem:s12], [sflag:$0x6], $0x80, $0x38;
	[tilespmem:$0x1D000] =	vst v63  }
0x229: {  	s14 =	sadd.s32 $0x16CA8, s6;
	s15 =	sadd.s32 $0x50, s7  }
0x22a: {  	[hbm4b:s15+s3] =	stream.linear.scatter [tilespmem:s14], [sflag:$0x6], $0x80, $0x38;
	[tilespmem:$0x1D000] =	vst v63  }
0x22b: {  	s18 =	sadd.s32 $0x16D30, s6;
	s20 =	sadd.s32 $0x60, s7  }
0x22c: {  	[hbm4b:s20+s3] =	stream.linear.scatter [tilespmem:s18], [sflag:$0x6], $0x80, $0x38;
	[tilespmem:$0x1D000] =	vst v63  }
0x22d: {  	s13 =	sadd.s32 $0x16DB8, s6;
	s14 =	sadd.s32 $0x70, s7  }
0x22e: {  	[hbm4b:s14+s3] =	stream.linear.scatter [tilespmem:s13], [sflag:$0x6], $0x80, $0x38;
	[tilespmem:$0x1D000] =	vst v63  }
0x22f: {  	s15 =	simm.s32 $0xE800;
	s18 =	simm.s32 $0x6680  }
0x230: {  	[tilespmem:s15], [sflag:$0x2] =	stream.indirect.gather [hbm4b:s4+s16], $0x40, s18, s16, $0xb8;
	[tilespmem:$0x1D000] =	vst v63  }
0x231: {  	_ =	swait.ge [sflag:s1], $0x2000  }
0x232: {  	[sflag:s1] =	ssyncset.done $0x0  }
0x233: {  	s20 =	simm.s32 $0x0;
	[sflag:s1] =	ssyncadd.s32 $0xFFFFE000  }
0x234: {  	v36 =	vld [tilespmem:s20+$0x108F0]  }
0x235: {  	v38 =	vld [tilespmem:s20+$0x10880]  }
0x236: {  	v44 =	vld [tilespmem:s20+$0x10850]  }
0x237: {  	v45 =	vld [tilespmem:s20+$0x10870]  }
0x238: {  	v39 =	vld [tilespmem:s20+$0x108D0]  }
0x239: {  	v40 =	vld [tilespmem:s20+$0x108C0]  }
0x23a: {  	v47 =	vld [tilespmem:s20+$0x108A0]  }
0x23b: {  	v37 =	vimm.s32 $0x0;
	v48 =	vld [tilespmem:s20+$0x10890]  }
0x23c: {  	v1 =	vand.u32 $0xFFFFFFF8, v37;
	v0 =	vld [tilespmem:s20+$0x10830]  }
0x23d: {  	v3 =	vand.u32 $0x4, v37;
	v4 =	vadd.s32 v29, v1;
	v2 =	vld [tilespmem:s20+$0x10820]  }
0x23e: {  	v57 =	vadd.s32 v33, v1;
	v53 =	vor.u32 v3, v4;
	v54 =	vld [tilespmem:s20+$0x10800]  }
0x23f: {  	v58 =	vadd.s32 v34, v1;
	v56 =	vor.u32 v3, v57;
	v5 =	vld [tilespmem:s20+$0x10810]  }
0x240: {  	v42 =	vor.u32 $0x3, v3;
	v1 =	vadd.s32 v35, v1;
	v59 =	vor.u32 v3, v58;
	v55 =	vld [tilespmem:s20+$0x10860]  }
0x241: {  	v62 =	vor.u32 $0x1, v3;
	v41 =	vor.u32 v42, v4;
	v61 =	vor.u32 v3, v1;
	v60 =	vld [tilespmem:s20+$0x10840]  }
0x242: {  	v43 =	vor.u32 v42, v57;
	v46 =	vor.u32 v42, v58;
	v52 =	vor.u32 v62, v4;
	v51 =	vld [tilespmem:s20+$0x108B0]  }
0x243: {  	v42 =	vor.u32 v42, v1;
	v3 =	vor.u32 $0x2, v3;
	v50 =	vld [tilespmem:s20+$0x108E0];
	[tilespmem:v53+s0+$0x0] =	vst.idx.msk $0xffff, v54;
	v53 =	vor.u32 v62, v57  }
0x244: {  	v49 =	vor.u32 v62, v58;
	v58 =	vor.u32 v3, v58;
	[tilespmem:v56+s0+$0x0] =	vst.idx.msk $0xffff, v5  }
0x245: {  	v54 =	vor.u32 v62, v1;
	v57 =	vor.u32 v3, v57;
	[tilespmem:v59+s0+$0x0] =	vst.idx.msk $0xffff, v2  }
0x246: {  	s6 =	simm.s32 $0x400;
	v56 =	vor.u32 v3, v4;
	v59 =	vor.u32 v3, v1;
	[tilespmem:v61+s0+$0x0] =	vst.idx.msk $0xffff, v0  }
.LBB2_12:
0x247: {  	p0 =	sne.s32 s6, $0x7C00;
	[tilespmem:v52+s0+$0x0] =	vst.idx.msk $0xffff, v60;
	v37 =	vadd.s32 $0x4, v37;
	s7 =	smov.u32 s6;
	s6 =	sadd.s32 $0x400, s6  }
0x248: {  	[tilespmem:v53+s0+$0x0] =	vst.idx.msk $0xffff, v44  }
0x249: {  	[tilespmem:v49+s0+$0x0] =	vst.idx.msk $0xffff, v55  }
0x24a: {  	[tilespmem:v54+s0+$0x0] =	vst.idx.msk $0xffff, v45  }
0x24b: {  	[tilespmem:v56+s0+$0x0] =	vst.idx.msk $0xffff, v38  }
0x24c: {  	[tilespmem:v57+s0+$0x0] =	vst.idx.msk $0xffff, v48  }
0x24d: {  	[tilespmem:v58+s0+$0x0] =	vst.idx.msk $0xffff, v47  }
0x24e: {  	[tilespmem:v59+s0+$0x0] =	vst.idx.msk $0xffff, v51  }
0x24f: {  	[tilespmem:v41+s0+$0x0] =	vst.idx.msk $0xffff, v40  }
0x250: {  	[tilespmem:v43+s0+$0x0] =	vst.idx.msk $0xffff, v39  }
0x251: {  	v0 =	vand.u32 $0xFFFFFFF8, v37;
	v1 =	vand.u32 $0x4, v37;
	[tilespmem:v46+s0+$0x0] =	vst.idx.msk $0xffff, v50  }
0x252: {  	s7 =	sshra.s32 s7, $0x2;
	v2 =	vadd.s32 v29, v0;
	v3 =	vadd.s32 v33, v0;
	v4 =	vor.u32 $0x3, v1;
	[tilespmem:v42+s0+$0x0] =	vst.idx.msk $0xffff, v36  }
0x253: {  	v5 =	vor.u32 v1, v2;
	v41 =	vor.u32 v4, v2;
	v50 =	vadd.s32 v35, v0;
	v36 =	vld [tilespmem:s7+$0x108F0]  }
0x254: {  	v61 =	vor.u32 v1, v3;
	v43 =	vor.u32 v4, v3;
	v0 =	vadd.s32 v34, v0;
	v38 =	vld [tilespmem:s7+$0x10880]  }
0x255: {  	v62 =	vor.u32 v1, v0;
	v46 =	vor.u32 v4, v0;
	v42 =	vor.u32 v4, v50;
	v44 =	vld [tilespmem:s7+$0x10850]  }
0x256: {  	v51 =	vor.u32 $0x1, v1;
	v4 =	vor.u32 v1, v50;
	v45 =	vld [tilespmem:s7+$0x10870]  }
0x257: {  	v52 =	vor.u32 v51, v2;
	v49 =	vor.u32 v51, v0;
	v39 =	vld [tilespmem:s7+$0x108D0]  }
0x258: {  	v53 =	vor.u32 v51, v3;
	v40 =	vld [tilespmem:s7+$0x108C0]  }
0x259: {  	v47 =	vld [tilespmem:s7+$0x108A0]  }
0x25a: {  	v54 =	vor.u32 v51, v50;
	v1 =	vor.u32 $0x2, v1;
	v48 =	vld [tilespmem:s7+$0x10890]  }
0x25b: {  	v56 =	vor.u32 v1, v2;
	v63 =	vld [tilespmem:s7+$0x10830]  }
0x25c: {  	v57 =	vor.u32 v1, v3;
	v2 =	vld [tilespmem:s7+$0x10820]  }
0x25d: {  	v58 =	vor.u32 v1, v0;
	v3 =	vld [tilespmem:s7+$0x10810]  }
0x25e: {  	v59 =	vor.u32 v1, v50;
	v0 =	vld [tilespmem:s7+$0x10800]  }
0x25f: {  	v55 =	vld [tilespmem:s7+$0x10860]  }
0x260: {  	v60 =	vld [tilespmem:s7+$0x10840]  }
0x261: {  	v51 =	vld [tilespmem:s7+$0x108B0]  }
.Ltmp5:
0x262: {  	v50 =	vld [tilespmem:s7+$0x108E0];
	(pc) =	sbr.rel @p0 .LBB2_12-.Ltmp5, $4  }
0x263: {  	[tilespmem:v5+s0+$0x0] =	vst.idx.msk $0xffff, v0  }
0x264: {  	[tilespmem:v61+s0+$0x0] =	vst.idx.msk $0xffff, v3  }
0x265: {  	[tilespmem:v62+s0+$0x0] =	vst.idx.msk $0xffff, v2  }
0x266: {  	[tilespmem:v4+s0+$0x0] =	vst.idx.msk $0xffff, v63  }
0x267: {  	_ =	sdelay $0x3  }
0x268: {  	[tilespmem:v52+s0+$0x0] =	vst.idx.msk $0xffff, v60  }
0x269: {  	[tilespmem:v53+s0+$0x0] =	vst.idx.msk $0xffff, v44  }
0x26a: {  	[tilespmem:v49+s0+$0x0] =	vst.idx.msk $0xffff, v55  }
0x26b: {  	[tilespmem:v54+s0+$0x0] =	vst.idx.msk $0xffff, v45  }
0x26c: {  	[tilespmem:v56+s0+$0x0] =	vst.idx.msk $0xffff, v38  }
0x26d: {  	[tilespmem:v57+s0+$0x0] =	vst.idx.msk $0xffff, v48  }
0x26e: {  	[tilespmem:v58+s0+$0x0] =	vst.idx.msk $0xffff, v47  }
0x26f: {  	[tilespmem:v59+s0+$0x0] =	vst.idx.msk $0xffff, v51  }
0x270: {  	[tilespmem:v41+s0+$0x0] =	vst.idx.msk $0xffff, v40  }
0x271: {  	[tilespmem:v43+s0+$0x0] =	vst.idx.msk $0xffff, v39  }
0x272: {  	[tilespmem:v46+s0+$0x0] =	vst.idx.msk $0xffff, v50  }
0x273: {  	s6 =	simm.s32 $0x18C00;
	s14 =	rddreg [dreg:$0x6];
	[tilespmem:v42+s0+$0x0] =	vst.idx.msk $0xffff, v36  }
0x274: {  	[hbm4b:s14+s3] =	stream.linear.scatter [tilespmem:s6], [sflag:$0x7], $0x80, $0x38;
	[tilespmem:$0x1D000] =	vst v63  }
0x275: {  	s12 =	simm.s32 $0x18C88;
	s7 =	sadd.s32 $0x10, s14  }
0x276: {  	[hbm4b:s7+s3] =	stream.linear.scatter [tilespmem:s12], [sflag:$0x7], $0x80, $0x38;
	[tilespmem:$0x1D000] =	vst v63  }
0x277: {  	s13 =	simm.s32 $0x18D10;
	s18 =	simm.s32 $0x18D98;
	s15 =	sadd.s32 $0x20, s14  }
0x278: {  	[hbm4b:s15+s3] =	stream.linear.scatter [tilespmem:s13], [sflag:$0x7], $0x80, $0x38;
	[tilespmem:$0x1D000] =	vst v63  }
0x279: {  	s11 =	simm.s32 $0x18E20;
	s20 =	sadd.s32 $0x30, s14;
	s6 =	simm.s32 $0x440  }
0x27a: {  	[hbm4b:s20+s3] =	stream.linear.scatter [tilespmem:s18], [sflag:$0x7], $0x80, $0x38;
	[tilespmem:$0x1D000] =	vst v63  }
0x27b: {  	s12 =	sadd.s32 $0x40, s14;
	s7 =	sadd.s32 $0x4000, s14;
	s13 =	simm.s32 $0x18EA8  }
0x27c: {  	[hbm4b:s12+s3] =	stream.linear.scatter [tilespmem:s11], [sflag:$0x7], $0x80, $0x38;
	[tilespmem:$0x1D000] =	vst v63  }
0x27d: {  	s15 =	sadd.s32 $0x50, s14;
	s18 =	simm.s32 $0x18F30;
	s20 =	sadd.s32 $0x60, s14  }
0x27e: {  	[hbm4b:s15+s3] =	stream.linear.scatter [tilespmem:s13], [sflag:$0x7], $0x80, $0x38;
	[tilespmem:$0x1D000] =	vst v63  }
0x27f: {  	s11 =	simm.s32 $0x2200;
	s12 =	simm.s32 $0x18FB8;
	s13 =	sadd.s32 $0x70, s14  }
0x280: {  	[hbm4b:s20+s3] =	stream.linear.scatter [tilespmem:s18], [sflag:$0x7], $0x80, $0x38;
	[tilespmem:$0x1D000] =	vst v63  }
.LBB2_14:
0x281: {  	[hbm4b:s13+s3] =	stream.linear.scatter [tilespmem:s12], [sflag:$0x7], $0x80, $0x38;
	[tilespmem:$0x1D000] =	vst v63  }
0x282: {  	s12 =	smov.u32 s6;
	s6 =	smov.u32 s11  }
0x283: {  	s14 =	sadd.s32 $0x1100, s11;
	s6 =	sshra.s32 s6, $0x2;
	s13 =	sadd.s32 $0x18C00, s12  }
0x284: {  	[hbm4b:s7+s3] =	stream.linear.scatter [tilespmem:s13], [sflag:$0x7], $0x80, $0x38;
	[tilespmem:$0x1D000] =	vst v63  }
0x285: {  	p0 =	sne.s32 s11, $0x7700;
	s11 =	sadd.s32 $0x18C88, s12;
	s13 =	sadd.s32 $0x10, s7  }
0x286: {  	[hbm4b:s13+s3] =	stream.linear.scatter [tilespmem:s11], [sflag:$0x7], $0x80, $0x38;
	[tilespmem:$0x1D000] =	vst v63  }
0x287: {  	s11 =	sadd.s32 $0x18D10, s12;
	s13 =	sadd.s32 $0x20, s7  }
0x288: {  	[hbm4b:s13+s3] =	stream.linear.scatter [tilespmem:s11], [sflag:$0x7], $0x80, $0x38;
	[tilespmem:$0x1D000] =	vst v63  }
0x289: {  	s11 =	sadd.s32 $0x18D98, s12;
	s13 =	sadd.s32 $0x30, s7  }
0x28a: {  	[hbm4b:s13+s3] =	stream.linear.scatter [tilespmem:s11], [sflag:$0x7], $0x80, $0x38;
	[tilespmem:$0x1D000] =	vst v63  }
0x28b: {  	s11 =	sadd.s32 $0x18E20, s12;
	s13 =	sadd.s32 $0x40, s7  }
0x28c: {  	[hbm4b:s13+s3] =	stream.linear.scatter [tilespmem:s11], [sflag:$0x7], $0x80, $0x38;
	[tilespmem:$0x1D000] =	vst v63  }
.Ltmp6:
0x28d: {  	s11 =	sadd.s32 $0x18EA8, s12;
	s13 =	sadd.s32 $0x50, s7;
	(pc) =	sbr.rel @p0 .LBB2_14-.Ltmp6, $4  }
0x28e: {  	[hbm4b:s13+s3] =	stream.linear.scatter [tilespmem:s11], [sflag:$0x7], $0x80, $0x38;
	[tilespmem:$0x1D000] =	vst v63  }
0x28f: {  	s11 =	sadd.s32 $0x18F30, s12;
	s13 =	sadd.s32 $0x60, s7;
	s12 =	sadd.s32 $0x18FB8, s12  }
0x290: {  	[hbm4b:s13+s3] =	stream.linear.scatter [tilespmem:s11], [sflag:$0x7], $0x80, $0x38;
	[tilespmem:$0x1D000] =	vst v63  }
0x291: {  	s13 =	sadd.s32 $0x70, s7;
	s7 =	sadd.s32 $0x4000, s7;
	s11 =	smov.u32 s14  }
0x292: {  	[hbm4b:s13+s3] =	stream.linear.scatter [tilespmem:s12], [sflag:$0x7], $0x80, $0x38;
	[tilespmem:$0x1D000] =	vst v63  }
0x293: {  	s11 =	sadd.s32 $0x18C00, s6  }
0x294: {  	[hbm4b:s7+s3] =	stream.linear.scatter [tilespmem:s11], [sflag:$0x7], $0x80, $0x38;
	[tilespmem:$0x1D000] =	vst v63  }
0x295: {  	s14 =	sadd.s32 $0x18C88, s6;
	s15 =	sadd.s32 $0x10, s7  }
0x296: {  	[hbm4b:s15+s3] =	stream.linear.scatter [tilespmem:s14], [sflag:$0x7], $0x80, $0x38;
	[tilespmem:$0x1D000] =	vst v63  }
0x297: {  	s18 =	sadd.s32 $0x18D10, s6;
	s20 =	sadd.s32 $0x20, s7  }
0x298: {  	[hbm4b:s20+s3] =	stream.linear.scatter [tilespmem:s18], [sflag:$0x7], $0x80, $0x38;
	[tilespmem:$0x1D000] =	vst v63  }
0x299: {  	s12 =	sadd.s32 $0x18D98, s6;
	s13 =	sadd.s32 $0x30, s7  }
0x29a: {  	[hbm4b:s13+s3] =	stream.linear.scatter [tilespmem:s12], [sflag:$0x7], $0x80, $0x38;
	[tilespmem:$0x1D000] =	vst v63  }
0x29b: {  	s14 =	sadd.s32 $0x18E20, s6;
	s15 =	sadd.s32 $0x40, s7  }
0x29c: {  	[hbm4b:s15+s3] =	stream.linear.scatter [tilespmem:s14], [sflag:$0x7], $0x80, $0x38;
	[tilespmem:$0x1D000] =	vst v63  }
0x29d: {  	s18 =	sadd.s32 $0x18EA8, s6;
	s20 =	sadd.s32 $0x50, s7  }
0x29e: {  	[hbm4b:s20+s3] =	stream.linear.scatter [tilespmem:s18], [sflag:$0x7], $0x80, $0x38;
	[tilespmem:$0x1D000] =	vst v63  }
0x29f: {  	s12 =	sadd.s32 $0x18F30, s6;
	s13 =	sadd.s32 $0x60, s7  }
0x2a0: {  	[hbm4b:s13+s3] =	stream.linear.scatter [tilespmem:s12], [sflag:$0x7], $0x80, $0x38;
	[tilespmem:$0x1D000] =	vst v63  }
0x2a1: {  	s14 =	sadd.s32 $0x18FB8, s6;
	s15 =	sadd.s32 $0x70, s7  }
0x2a2: {  	[hbm4b:s15+s3] =	stream.linear.scatter [tilespmem:s14], [sflag:$0x7], $0x80, $0x38;
	[tilespmem:$0x1D000] =	vst v63  }
0x2a3: {  	s18 =	simm.s32 $0x6700  }
0x2a4: {  	[tilespmem:s22], [sflag:$0x3] =	stream.indirect.gather [hbm4b:s4+s16], $0x40, s18, s16, $0xb8;
	[tilespmem:$0x1D000] =	vst v63  }
0x2a5: {  	_ =	swait.ge [sflag:s19], $0x2000  }
0x2a6: {  	[sflag:s19] =	ssyncset.done $0x0  }
0x2a7: {  	s20 =	simm.s32 $0x0;
	[sflag:s19] =	ssyncadd.s32 $0xFFFFE000  }
0x2a8: {  	v36 =	vld [tilespmem:s20+$0x128F0]  }
0x2a9: {  	v38 =	vld [tilespmem:s20+$0x12880]  }
0x2aa: {  	v44 =	vld [tilespmem:s20+$0x12850]  }
0x2ab: {  	v45 =	vld [tilespmem:s20+$0x12870]  }
0x2ac: {  	v39 =	vld [tilespmem:s20+$0x128D0]  }
0x2ad: {  	v40 =	vld [tilespmem:s20+$0x128C0]  }
0x2ae: {  	v47 =	vld [tilespmem:s20+$0x128A0]  }
0x2af: {  	v37 =	vimm.s32 $0x0;
	v48 =	vld [tilespmem:s20+$0x12890]  }
0x2b0: {  	v1 =	vand.u32 $0xFFFFFFF8, v37;
	v0 =	vld [tilespmem:s20+$0x12830]  }
0x2b1: {  	v3 =	vand.u32 $0x4, v37;
	v4 =	vadd.s32 v29, v1;
	v2 =	vld [tilespmem:s20+$0x12820]  }
0x2b2: {  	v57 =	vadd.s32 v33, v1;
	v53 =	vor.u32 v3, v4;
	v54 =	vld [tilespmem:s20+$0x12800]  }
0x2b3: {  	v58 =	vadd.s32 v34, v1;
	v56 =	vor.u32 v3, v57;
	v5 =	vld [tilespmem:s20+$0x12810]  }
0x2b4: {  	v42 =	vor.u32 $0x3, v3;
	v1 =	vadd.s32 v35, v1;
	v59 =	vor.u32 v3, v58;
	v55 =	vld [tilespmem:s20+$0x12860]  }
0x2b5: {  	v62 =	vor.u32 $0x1, v3;
	v41 =	vor.u32 v42, v4;
	v61 =	vor.u32 v3, v1;
	v60 =	vld [tilespmem:s20+$0x12840]  }
0x2b6: {  	v43 =	vor.u32 v42, v57;
	v46 =	vor.u32 v42, v58;
	v52 =	vor.u32 v62, v4;
	v51 =	vld [tilespmem:s20+$0x128B0]  }
0x2b7: {  	v42 =	vor.u32 v42, v1;
	v3 =	vor.u32 $0x2, v3;
	v50 =	vld [tilespmem:s20+$0x128E0];
	[tilespmem:v53+s21+$0x0] =	vst.idx.msk $0xffff, v54;
	v53 =	vor.u32 v62, v57  }
0x2b8: {  	v49 =	vor.u32 v62, v58;
	v58 =	vor.u32 v3, v58;
	[tilespmem:v56+s21+$0x0] =	vst.idx.msk $0xffff, v5  }
0x2b9: {  	v54 =	vor.u32 v62, v1;
	v57 =	vor.u32 v3, v57;
	[tilespmem:v59+s21+$0x0] =	vst.idx.msk $0xffff, v2  }
0x2ba: {  	s6 =	simm.s32 $0x400;
	v56 =	vor.u32 v3, v4;
	v59 =	vor.u32 v3, v1;
	[tilespmem:v61+s21+$0x0] =	vst.idx.msk $0xffff, v0  }
.LBB2_16:
0x2bb: {  	p0 =	sne.s32 s6, $0x7C00;
	[tilespmem:v52+s21+$0x0] =	vst.idx.msk $0xffff, v60;
	v37 =	vadd.s32 $0x4, v37;
	s7 =	smov.u32 s6;
	s6 =	sadd.s32 $0x400, s6  }
0x2bc: {  	[tilespmem:v53+s21+$0x0] =	vst.idx.msk $0xffff, v44  }
0x2bd: {  	[tilespmem:v49+s21+$0x0] =	vst.idx.msk $0xffff, v55  }
0x2be: {  	[tilespmem:v54+s21+$0x0] =	vst.idx.msk $0xffff, v45  }
0x2bf: {  	[tilespmem:v56+s21+$0x0] =	vst.idx.msk $0xffff, v38  }
0x2c0: {  	[tilespmem:v57+s21+$0x0] =	vst.idx.msk $0xffff, v48  }
0x2c1: {  	[tilespmem:v58+s21+$0x0] =	vst.idx.msk $0xffff, v47  }
0x2c2: {  	[tilespmem:v59+s21+$0x0] =	vst.idx.msk $0xffff, v51  }
0x2c3: {  	[tilespmem:v41+s21+$0x0] =	vst.idx.msk $0xffff, v40  }
0x2c4: {  	[tilespmem:v43+s21+$0x0] =	vst.idx.msk $0xffff, v39  }
0x2c5: {  	v0 =	vand.u32 $0xFFFFFFF8, v37;
	v1 =	vand.u32 $0x4, v37;
	[tilespmem:v46+s21+$0x0] =	vst.idx.msk $0xffff, v50  }
0x2c6: {  	s7 =	sshra.s32 s7, $0x2;
	v2 =	vadd.s32 v29, v0;
	v3 =	vadd.s32 v33, v0;
	v4 =	vor.u32 $0x3, v1;
	[tilespmem:v42+s21+$0x0] =	vst.idx.msk $0xffff, v36  }
0x2c7: {  	v5 =	vor.u32 v1, v2;
	v41 =	vor.u32 v4, v2;
	v50 =	vadd.s32 v35, v0;
	v36 =	vld [tilespmem:s7+$0x128F0]  }
0x2c8: {  	v61 =	vor.u32 v1, v3;
	v43 =	vor.u32 v4, v3;
	v0 =	vadd.s32 v34, v0;
	v38 =	vld [tilespmem:s7+$0x12880]  }
0x2c9: {  	v62 =	vor.u32 v1, v0;
	v46 =	vor.u32 v4, v0;
	v42 =	vor.u32 v4, v50;
	v44 =	vld [tilespmem:s7+$0x12850]  }
0x2ca: {  	v51 =	vor.u32 $0x1, v1;
	v4 =	vor.u32 v1, v50;
	v45 =	vld [tilespmem:s7+$0x12870]  }
0x2cb: {  	v52 =	vor.u32 v51, v2;
	v49 =	vor.u32 v51, v0;
	v39 =	vld [tilespmem:s7+$0x128D0]  }
0x2cc: {  	v53 =	vor.u32 v51, v3;
	v40 =	vld [tilespmem:s7+$0x128C0]  }
0x2cd: {  	v47 =	vld [tilespmem:s7+$0x128A0]  }
0x2ce: {  	v54 =	vor.u32 v51, v50;
	v1 =	vor.u32 $0x2, v1;
	v48 =	vld [tilespmem:s7+$0x12890]  }
0x2cf: {  	v56 =	vor.u32 v1, v2;
	v63 =	vld [tilespmem:s7+$0x12830]  }
0x2d0: {  	v57 =	vor.u32 v1, v3;
	v2 =	vld [tilespmem:s7+$0x12820]  }
0x2d1: {  	v58 =	vor.u32 v1, v0;
	v3 =	vld [tilespmem:s7+$0x12810]  }
0x2d2: {  	v59 =	vor.u32 v1, v50;
	v0 =	vld [tilespmem:s7+$0x12800]  }
0x2d3: {  	v55 =	vld [tilespmem:s7+$0x12860]  }
0x2d4: {  	v60 =	vld [tilespmem:s7+$0x12840]  }
0x2d5: {  	v51 =	vld [tilespmem:s7+$0x128B0]  }
.Ltmp7:
0x2d6: {  	v50 =	vld [tilespmem:s7+$0x128E0];
	(pc) =	sbr.rel @p0 .LBB2_16-.Ltmp7, $4  }
0x2d7: {  	[tilespmem:v5+s21+$0x0] =	vst.idx.msk $0xffff, v0  }
0x2d8: {  	[tilespmem:v61+s21+$0x0] =	vst.idx.msk $0xffff, v3  }
0x2d9: {  	[tilespmem:v62+s21+$0x0] =	vst.idx.msk $0xffff, v2  }
0x2da: {  	[tilespmem:v4+s21+$0x0] =	vst.idx.msk $0xffff, v63  }
0x2db: {  	_ =	sdelay $0x3  }
0x2dc: {  	[tilespmem:v52+s21+$0x0] =	vst.idx.msk $0xffff, v60  }
0x2dd: {  	[tilespmem:v53+s21+$0x0] =	vst.idx.msk $0xffff, v44  }
0x2de: {  	[tilespmem:v49+s21+$0x0] =	vst.idx.msk $0xffff, v55  }
0x2df: {  	[tilespmem:v54+s21+$0x0] =	vst.idx.msk $0xffff, v45  }
0x2e0: {  	[tilespmem:v56+s21+$0x0] =	vst.idx.msk $0xffff, v38  }
0x2e1: {  	[tilespmem:v57+s21+$0x0] =	vst.idx.msk $0xffff, v48  }
0x2e2: {  	[tilespmem:v58+s21+$0x0] =	vst.idx.msk $0xffff, v47  }
0x2e3: {  	[tilespmem:v59+s21+$0x0] =	vst.idx.msk $0xffff, v51  }
0x2e4: {  	[tilespmem:v41+s21+$0x0] =	vst.idx.msk $0xffff, v40  }
0x2e5: {  	[tilespmem:v43+s21+$0x0] =	vst.idx.msk $0xffff, v39  }
0x2e6: {  	[tilespmem:v46+s21+$0x0] =	vst.idx.msk $0xffff, v50  }
0x2e7: {  	s6 =	simm.s32 $0x1AE00;
	s14 =	rddreg [dreg:$0x7];
	[tilespmem:v42+s21+$0x0] =	vst.idx.msk $0xffff, v36  }
0x2e8: {  	[hbm4b:s14+s3] =	stream.linear.scatter [tilespmem:s6], [sflag:$0x8], $0x80, $0x38;
	[tilespmem:$0x1D000] =	vst v63  }
0x2e9: {  	s12 =	simm.s32 $0x1AE88;
	s7 =	sadd.s32 $0x10, s14  }
0x2ea: {  	[hbm4b:s7+s3] =	stream.linear.scatter [tilespmem:s12], [sflag:$0x8], $0x80, $0x38;
	[tilespmem:$0x1D000] =	vst v63  }
0x2eb: {  	s13 =	simm.s32 $0x1AF10;
	s18 =	simm.s32 $0x1AF98;
	s15 =	sadd.s32 $0x20, s14  }
0x2ec: {  	[hbm4b:s15+s3] =	stream.linear.scatter [tilespmem:s13], [sflag:$0x8], $0x80, $0x38;
	[tilespmem:$0x1D000] =	vst v63  }
0x2ed: {  	s11 =	simm.s32 $0x1B020;
	s20 =	sadd.s32 $0x30, s14;
	s6 =	simm.s32 $0x440  }
0x2ee: {  	[hbm4b:s20+s3] =	stream.linear.scatter [tilespmem:s18], [sflag:$0x8], $0x80, $0x38;
	[tilespmem:$0x1D000] =	vst v63  }
0x2ef: {  	s12 =	sadd.s32 $0x40, s14;
	s7 =	sadd.s32 $0x4000, s14;
	s13 =	simm.s32 $0x1B0A8  }
0x2f0: {  	[hbm4b:s12+s3] =	stream.linear.scatter [tilespmem:s11], [sflag:$0x8], $0x80, $0x38;
	[tilespmem:$0x1D000] =	vst v63  }
0x2f1: {  	s15 =	sadd.s32 $0x50, s14;
	s18 =	simm.s32 $0x1B130;
	s20 =	sadd.s32 $0x60, s14  }
0x2f2: {  	[hbm4b:s15+s3] =	stream.linear.scatter [tilespmem:s13], [sflag:$0x8], $0x80, $0x38;
	[tilespmem:$0x1D000] =	vst v63  }
0x2f3: {  	s11 =	simm.s32 $0x2200;
	s12 =	simm.s32 $0x1B1B8;
	s13 =	sadd.s32 $0x70, s14  }
0x2f4: {  	[hbm4b:s20+s3] =	stream.linear.scatter [tilespmem:s18], [sflag:$0x8], $0x80, $0x38;
	[tilespmem:$0x1D000] =	vst v63  }
.LBB2_18:
0x2f5: {  	[hbm4b:s13+s3] =	stream.linear.scatter [tilespmem:s12], [sflag:$0x8], $0x80, $0x38;
	[tilespmem:$0x1D000] =	vst v63  }
0x2f6: {  	s12 =	smov.u32 s6;
	s6 =	smov.u32 s11  }
0x2f7: {  	s14 =	sadd.s32 $0x1100, s11;
	s6 =	sshra.s32 s6, $0x2;
	s13 =	sadd.s32 $0x1AE00, s12  }
0x2f8: {  	[hbm4b:s7+s3] =	stream.linear.scatter [tilespmem:s13], [sflag:$0x8], $0x80, $0x38;
	[tilespmem:$0x1D000] =	vst v63  }
0x2f9: {  	p0 =	sne.s32 s11, $0x7700;
	s11 =	sadd.s32 $0x1AE88, s12;
	s13 =	sadd.s32 $0x10, s7  }
0x2fa: {  	[hbm4b:s13+s3] =	stream.linear.scatter [tilespmem:s11], [sflag:$0x8], $0x80, $0x38;
	[tilespmem:$0x1D000] =	vst v63  }
0x2fb: {  	s11 =	sadd.s32 $0x1AF10, s12;
	s13 =	sadd.s32 $0x20, s7  }
0x2fc: {  	[hbm4b:s13+s3] =	stream.linear.scatter [tilespmem:s11], [sflag:$0x8], $0x80, $0x38;
	[tilespmem:$0x1D000] =	vst v63  }
0x2fd: {  	s11 =	sadd.s32 $0x1AF98, s12;
	s13 =	sadd.s32 $0x30, s7  }
0x2fe: {  	[hbm4b:s13+s3] =	stream.linear.scatter [tilespmem:s11], [sflag:$0x8], $0x80, $0x38;
	[tilespmem:$0x1D000] =	vst v63  }
0x2ff: {  	s11 =	sadd.s32 $0x1B020, s12;
	s13 =	sadd.s32 $0x40, s7  }
0x300: {  	[hbm4b:s13+s3] =	stream.linear.scatter [tilespmem:s11], [sflag:$0x8], $0x80, $0x38;
	[tilespmem:$0x1D000] =	vst v63  }
.Ltmp8:
0x301: {  	s11 =	sadd.s32 $0x1B0A8, s12;
	s13 =	sadd.s32 $0x50, s7;
	(pc) =	sbr.rel @p0 .LBB2_18-.Ltmp8, $4  }
0x302: {  	[hbm4b:s13+s3] =	stream.linear.scatter [tilespmem:s11], [sflag:$0x8], $0x80, $0x38;
	[tilespmem:$0x1D000] =	vst v63  }
0x303: {  	s11 =	sadd.s32 $0x1B130, s12;
	s13 =	sadd.s32 $0x60, s7;
	s12 =	sadd.s32 $0x1B1B8, s12  }
0x304: {  	[hbm4b:s13+s3] =	stream.linear.scatter [tilespmem:s11], [sflag:$0x8], $0x80, $0x38;
	[tilespmem:$0x1D000] =	vst v63  }
0x305: {  	s13 =	sadd.s32 $0x70, s7;
	s7 =	sadd.s32 $0x4000, s7;
	s11 =	smov.u32 s14  }
0x306: {  	[hbm4b:s13+s3] =	stream.linear.scatter [tilespmem:s12], [sflag:$0x8], $0x80, $0x38;
	[tilespmem:$0x1D000] =	vst v63  }
0x307: {  	s11 =	sadd.s32 $0x1AE00, s6  }
0x308: {  	[hbm4b:s7+s3] =	stream.linear.scatter [tilespmem:s11], [sflag:$0x8], $0x80, $0x38;
	[tilespmem:$0x1D000] =	vst v63  }
0x309: {  	s14 =	sadd.s32 $0x1AE88, s6;
	s15 =	sadd.s32 $0x10, s7  }
0x30a: {  	[hbm4b:s15+s3] =	stream.linear.scatter [tilespmem:s14], [sflag:$0x8], $0x80, $0x38;
	[tilespmem:$0x1D000] =	vst v63  }
0x30b: {  	s18 =	sadd.s32 $0x1AF10, s6;
	s20 =	sadd.s32 $0x20, s7  }
0x30c: {  	[hbm4b:s20+s3] =	stream.linear.scatter [tilespmem:s18], [sflag:$0x8], $0x80, $0x38;
	[tilespmem:$0x1D000] =	vst v63  }
0x30d: {  	s12 =	sadd.s32 $0x1AF98, s6;
	s13 =	sadd.s32 $0x30, s7  }
0x30e: {  	[hbm4b:s13+s3] =	stream.linear.scatter [tilespmem:s12], [sflag:$0x8], $0x80, $0x38;
	[tilespmem:$0x1D000] =	vst v63  }
0x30f: {  	s14 =	sadd.s32 $0x1B020, s6;
	s15 =	sadd.s32 $0x40, s7  }
0x310: {  	[hbm4b:s15+s3] =	stream.linear.scatter [tilespmem:s14], [sflag:$0x8], $0x80, $0x38;
	[tilespmem:$0x1D000] =	vst v63  }
0x311: {  	s18 =	sadd.s32 $0x1B0A8, s6;
	s20 =	sadd.s32 $0x50, s7  }
0x312: {  	[hbm4b:s20+s3] =	stream.linear.scatter [tilespmem:s18], [sflag:$0x8], $0x80, $0x38;
	[tilespmem:$0x1D000] =	vst v63  }
0x313: {  	s13 =	sadd.s32 $0x1B130, s6;
	s14 =	sadd.s32 $0x60, s7  }
0x314: {  	[hbm4b:s14+s3] =	stream.linear.scatter [tilespmem:s13], [sflag:$0x8], $0x80, $0x38;
	[tilespmem:$0x1D000] =	vst v63  }
0x315: {  	s15 =	sadd.s32 $0x1B1B8, s6;
	s18 =	sadd.s32 $0x70, s7  }
0x316: {  	[hbm4b:s18+s3] =	stream.linear.scatter [tilespmem:s15], [sflag:$0x8], $0x80, $0x38;
	[tilespmem:$0x1D000] =	vst v63  }
0x317: {  	s6 =	simm.s32 $0x0;
	s20 =	simm.s32 $0x6780  }
0x318: {  	[tilespmem:s24], [sflag:$0x4] =	stream.indirect.gather [hbm4b:s4+s16], $0x40, s20, s16, $0xb8;
	[tilespmem:$0x1D000] =	vst v63  }
.LBB2_20:
0x319: {  	_ =	swait.ge [sflag:s25], $0x2000  }
0x31a: {  	[sflag:s25] =	ssyncset.done $0x0  }
0x31b: {  	[sflag:s25] =	ssyncadd.s32 $0xFFFFE000  }
0x31c: {  	_ =	swait.ge [sflag:s28], $0x2000  }
0x31d: {  	[sflag:s28] =	ssyncset.done $0x0  }
0x31e: {  	s7 =	simm.s32 $0x0;
	[sflag:s28] =	ssyncadd.s32 $0xFFFFE000  }
0x31f: {  	v36 =	vld [tilespmem:s7+$0xC8F0]  }
0x320: {  	v38 =	vld [tilespmem:s7+$0xC880]  }
0x321: {  	v45 =	vld [tilespmem:s7+$0xC850]  }
0x322: {  	v46 =	vld [tilespmem:s7+$0xC870]  }
0x323: {  	v39 =	vld [tilespmem:s7+$0xC8D0]  }
0x324: {  	v41 =	vld [tilespmem:s7+$0xC8C0]  }
0x325: {  	v47 =	vld [tilespmem:s7+$0xC8A0]  }
0x326: {  	v37 =	vimm.s32 $0x0;
	v48 =	vld [tilespmem:s7+$0xC890]  }
0x327: {  	v1 =	vand.u32 $0xFFFFFFF8, v37;
	v0 =	vld [tilespmem:s7+$0xC830]  }
0x328: {  	v3 =	vand.u32 $0x4, v37;
	v4 =	vadd.s32 v29, v1;
	v2 =	vld [tilespmem:s7+$0xC820]  }
0x329: {  	v57 =	vadd.s32 v33, v1;
	v53 =	vor.u32 v3, v4;
	v54 =	vld [tilespmem:s7+$0xC800]  }
0x32a: {  	v58 =	vadd.s32 v34, v1;
	v56 =	vor.u32 v3, v57;
	v5 =	vld [tilespmem:s7+$0xC810]  }
0x32b: {  	v40 =	vor.u32 $0x3, v3;
	v1 =	vadd.s32 v35, v1;
	v59 =	vor.u32 v3, v58;
	v55 =	vld [tilespmem:s7+$0xC860]  }
0x32c: {  	v62 =	vor.u32 $0x1, v3;
	v42 =	vor.u32 v40, v4;
	v61 =	vor.u32 v3, v1;
	v60 =	vld [tilespmem:s7+$0xC840]  }
0x32d: {  	v43 =	vor.u32 v40, v57;
	v44 =	vor.u32 v40, v58;
	v52 =	vor.u32 v62, v4;
	v51 =	vld [tilespmem:s7+$0xC8B0]  }
0x32e: {  	v40 =	vor.u32 v40, v1;
	v3 =	vor.u32 $0x2, v3;
	v49 =	vld [tilespmem:s7+$0xC8E0];
	[tilespmem:v53+s26+$0x0] =	vst.idx.msk $0xffff, v54;
	v53 =	vor.u32 v62, v57  }
0x32f: {  	v50 =	vor.u32 v62, v58;
	v58 =	vor.u32 v3, v58;
	[tilespmem:v56+s26+$0x0] =	vst.idx.msk $0xffff, v5  }
0x330: {  	v54 =	vor.u32 v62, v1;
	v57 =	vor.u32 v3, v57;
	[tilespmem:v59+s26+$0x0] =	vst.idx.msk $0xffff, v2  }
0x331: {  	s14 =	simm.s32 $0x400;
	v56 =	vor.u32 v3, v4;
	v59 =	vor.u32 v3, v1;
	[tilespmem:v61+s26+$0x0] =	vst.idx.msk $0xffff, v0  }
.LBB2_21:
0x332: {  	p0 =	sne.s32 s14, $0x7C00;
	[tilespmem:v52+s26+$0x0] =	vst.idx.msk $0xffff, v60;
	v37 =	vadd.s32 $0x4, v37;
	s7 =	smov.u32 s14;
	s14 =	sadd.s32 $0x400, s14  }
0x333: {  	[tilespmem:v53+s26+$0x0] =	vst.idx.msk $0xffff, v45  }
0x334: {  	[tilespmem:v50+s26+$0x0] =	vst.idx.msk $0xffff, v55  }
0x335: {  	[tilespmem:v54+s26+$0x0] =	vst.idx.msk $0xffff, v46  }
0x336: {  	[tilespmem:v56+s26+$0x0] =	vst.idx.msk $0xffff, v38  }
0x337: {  	[tilespmem:v57+s26+$0x0] =	vst.idx.msk $0xffff, v48  }
0x338: {  	[tilespmem:v58+s26+$0x0] =	vst.idx.msk $0xffff, v47  }
0x339: {  	[tilespmem:v59+s26+$0x0] =	vst.idx.msk $0xffff, v51  }
0x33a: {  	[tilespmem:v42+s26+$0x0] =	vst.idx.msk $0xffff, v41  }
0x33b: {  	[tilespmem:v43+s26+$0x0] =	vst.idx.msk $0xffff, v39  }
0x33c: {  	v0 =	vand.u32 $0xFFFFFFF8, v37;
	v1 =	vand.u32 $0x4, v37;
	[tilespmem:v44+s26+$0x0] =	vst.idx.msk $0xffff, v49  }
0x33d: {  	s7 =	sshra.s32 s7, $0x2;
	v2 =	vadd.s32 v29, v0;
	v3 =	vadd.s32 v33, v0;
	v4 =	vor.u32 $0x3, v1;
	[tilespmem:v40+s26+$0x0] =	vst.idx.msk $0xffff, v36  }
0x33e: {  	v5 =	vor.u32 v1, v2;
	v42 =	vor.u32 v4, v2;
	v49 =	vadd.s32 v35, v0;
	v36 =	vld [tilespmem:s7+$0xC8F0]  }
0x33f: {  	v61 =	vor.u32 v1, v3;
	v43 =	vor.u32 v4, v3;
	v0 =	vadd.s32 v34, v0;
	v38 =	vld [tilespmem:s7+$0xC880]  }
0x340: {  	v62 =	vor.u32 v1, v0;
	v44 =	vor.u32 v4, v0;
	v40 =	vor.u32 v4, v49;
	v45 =	vld [tilespmem:s7+$0xC850]  }
0x341: {  	v51 =	vor.u32 $0x1, v1;
	v4 =	vor.u32 v1, v49;
	v46 =	vld [tilespmem:s7+$0xC870]  }
0x342: {  	v52 =	vor.u32 v51, v2;
	v50 =	vor.u32 v51, v0;
	v39 =	vld [tilespmem:s7+$0xC8D0]  }
0x343: {  	v53 =	vor.u32 v51, v3;
	v41 =	vld [tilespmem:s7+$0xC8C0]  }
0x344: {  	v47 =	vld [tilespmem:s7+$0xC8A0]  }
0x345: {  	v54 =	vor.u32 v51, v49;
	v1 =	vor.u32 $0x2, v1;
	v48 =	vld [tilespmem:s7+$0xC890]  }
0x346: {  	v56 =	vor.u32 v1, v2;
	v63 =	vld [tilespmem:s7+$0xC830]  }
0x347: {  	v57 =	vor.u32 v1, v3;
	v2 =	vld [tilespmem:s7+$0xC820]  }
0x348: {  	v58 =	vor.u32 v1, v0;
	v3 =	vld [tilespmem:s7+$0xC810]  }
0x349: {  	v59 =	vor.u32 v1, v49;
	v0 =	vld [tilespmem:s7+$0xC800]  }
0x34a: {  	v55 =	vld [tilespmem:s7+$0xC860]  }
0x34b: {  	v60 =	vld [tilespmem:s7+$0xC840]  }
0x34c: {  	v51 =	vld [tilespmem:s7+$0xC8B0]  }
.Ltmp9:
0x34d: {  	v49 =	vld [tilespmem:s7+$0xC8E0];
	(pc) =	sbr.rel @p0 .LBB2_21-.Ltmp9, $4  }
0x34e: {  	[tilespmem:v5+s26+$0x0] =	vst.idx.msk $0xffff, v0  }
0x34f: {  	[tilespmem:v61+s26+$0x0] =	vst.idx.msk $0xffff, v3  }
0x350: {  	[tilespmem:v62+s26+$0x0] =	vst.idx.msk $0xffff, v2  }
0x351: {  	[tilespmem:v4+s26+$0x0] =	vst.idx.msk $0xffff, v63  }
0x352: {  	_ =	sdelay $0x3  }
0x353: {  	[tilespmem:v52+s26+$0x0] =	vst.idx.msk $0xffff, v60  }
0x354: {  	[tilespmem:v53+s26+$0x0] =	vst.idx.msk $0xffff, v45  }
0x355: {  	[tilespmem:v50+s26+$0x0] =	vst.idx.msk $0xffff, v55  }
0x356: {  	[tilespmem:v54+s26+$0x0] =	vst.idx.msk $0xffff, v46  }
0x357: {  	[tilespmem:v56+s26+$0x0] =	vst.idx.msk $0xffff, v38  }
0x358: {  	[tilespmem:v57+s26+$0x0] =	vst.idx.msk $0xffff, v48  }
0x359: {  	[tilespmem:v58+s26+$0x0] =	vst.idx.msk $0xffff, v47  }
0x35a: {  	s14 =	sadd.s32 $0x1, s6;
	[tilespmem:v59+s26+$0x0] =	vst.idx.msk $0xffff, v51  }
0x35b: {  	s15 =	sshll.u32 s14, $0x14;
	[tilespmem:v42+s26+$0x0] =	vst.idx.msk $0xffff, v41  }
0x35c: {  	s7 =	sor.u32 s5, s15;
	[tilespmem:v43+s26+$0x0] =	vst.idx.msk $0xffff, v39  }
0x35d: {  	s7 =	sshrl.u32 s7, $0x3;
	[tilespmem:v44+s26+$0x0] =	vst.idx.msk $0xffff, v49  }
0x35e: {  	s12 =	simm.s32 $0x14800;
	s11 =	sadd.s32 s2, s7;
	[tilespmem:v40+s26+$0x0] =	vst.idx.msk $0xffff, v36  }
0x35f: {  	[hbm4b:s11+s3] =	stream.linear.scatter [tilespmem:s12], [sflag:$0x5], $0x80, $0x38;
	[tilespmem:$0x1D000] =	vst v63  }
0x360: {  	s13 =	simm.s32 $0x14888;
	s12 =	sadd.s32 $0x10, s11  }
0x361: {  	[hbm4b:s12+s3] =	stream.linear.scatter [tilespmem:s13], [sflag:$0x5], $0x80, $0x38;
	[tilespmem:$0x1D000] =	vst v63  }
0x362: {  	s18 =	simm.s32 $0x14910;
	s20 =	sadd.s32 $0x20, s11  }
0x363: {  	[hbm4b:s20+s3] =	stream.linear.scatter [tilespmem:s18], [sflag:$0x5], $0x80, $0x38;
	[tilespmem:$0x1D000] =	vst v63  }
0x364: {  	s12 =	simm.s32 $0x14998;
	s13 =	sadd.s32 $0x30, s11  }
0x365: {  	[hbm4b:s13+s3] =	stream.linear.scatter [tilespmem:s12], [sflag:$0x5], $0x80, $0x38;
	[tilespmem:$0x1D000] =	vst v63  }
0x366: {  	s18 =	simm.s32 $0x14A20;
	s20 =	sadd.s32 $0x40, s11  }
0x367: {  	[hbm4b:s20+s3] =	stream.linear.scatter [tilespmem:s18], [sflag:$0x5], $0x80, $0x38;
	[tilespmem:$0x1D000] =	vst v63  }
0x368: {  	s7 =	simm.s32 $0x440;
	s12 =	simm.s32 $0x14AA8;
	s13 =	sadd.s32 $0x50, s11  }
0x369: {  	[hbm4b:s13+s3] =	stream.linear.scatter [tilespmem:s12], [sflag:$0x5], $0x80, $0x38;
	[tilespmem:$0x1D000] =	vst v63  }
0x36a: {  	s18 =	simm.s32 $0x14B30;
	s20 =	sadd.s32 $0x60, s11;
	s12 =	simm.s32 $0x2200  }
0x36b: {  	[hbm4b:s20+s3] =	stream.linear.scatter [tilespmem:s18], [sflag:$0x5], $0x80, $0x38;
	[tilespmem:$0x1D000] =	vst v63  }
0x36c: {  	s13 =	simm.s32 $0x14BB8;
	s18 =	sadd.s32 $0x70, s11;
	s11 =	sadd.s32 $0x4000, s11  }
.LBB2_23:
0x36d: {  	[hbm4b:s18+s3] =	stream.linear.scatter [tilespmem:s13], [sflag:$0x5], $0x80, $0x38;
	[tilespmem:$0x1D000] =	vst v63  }
0x36e: {  	s13 =	smov.u32 s7;
	s7 =	smov.u32 s12  }
0x36f: {  	s20 =	sadd.s32 $0x1100, s12;
	s7 =	sshra.s32 s7, $0x2;
	s18 =	sadd.s32 $0x14800, s13  }
0x370: {  	[hbm4b:s11+s3] =	stream.linear.scatter [tilespmem:s18], [sflag:$0x5], $0x80, $0x38;
	[tilespmem:$0x1D000] =	vst v63  }
0x371: {  	p0 =	sne.s32 s12, $0x7700;
	s12 =	sadd.s32 $0x14888, s13;
	s18 =	sadd.s32 $0x10, s11  }
0x372: {  	[hbm4b:s18+s3] =	stream.linear.scatter [tilespmem:s12], [sflag:$0x5], $0x80, $0x38;
	[tilespmem:$0x1D000] =	vst v63  }
0x373: {  	s12 =	sadd.s32 $0x14910, s13;
	s18 =	sadd.s32 $0x20, s11  }
0x374: {  	[hbm4b:s18+s3] =	stream.linear.scatter [tilespmem:s12], [sflag:$0x5], $0x80, $0x38;
	[tilespmem:$0x1D000] =	vst v63  }
0x375: {  	s12 =	sadd.s32 $0x14998, s13;
	s18 =	sadd.s32 $0x30, s11  }
0x376: {  	[hbm4b:s18+s3] =	stream.linear.scatter [tilespmem:s12], [sflag:$0x5], $0x80, $0x38;
	[tilespmem:$0x1D000] =	vst v63  }
0x377: {  	s12 =	sadd.s32 $0x14A20, s13;
	s18 =	sadd.s32 $0x40, s11  }
0x378: {  	[hbm4b:s18+s3] =	stream.linear.scatter [tilespmem:s12], [sflag:$0x5], $0x80, $0x38;
	[tilespmem:$0x1D000] =	vst v63  }
.Ltmp10:
0x379: {  	s12 =	sadd.s32 $0x14AA8, s13;
	s18 =	sadd.s32 $0x50, s11;
	(pc) =	sbr.rel @p0 .LBB2_23-.Ltmp10, $4  }
0x37a: {  	[hbm4b:s18+s3] =	stream.linear.scatter [tilespmem:s12], [sflag:$0x5], $0x80, $0x38;
	[tilespmem:$0x1D000] =	vst v63  }
0x37b: {  	s12 =	sadd.s32 $0x14B30, s13;
	s18 =	sadd.s32 $0x60, s11;
	s13 =	sadd.s32 $0x14BB8, s13  }
0x37c: {  	[hbm4b:s18+s3] =	stream.linear.scatter [tilespmem:s12], [sflag:$0x5], $0x80, $0x38;
	[tilespmem:$0x1D000] =	vst v63  }
0x37d: {  	s18 =	sadd.s32 $0x70, s11;
	s11 =	sadd.s32 $0x4000, s11;
	s12 =	smov.u32 s20  }
0x37e: {  	[hbm4b:s18+s3] =	stream.linear.scatter [tilespmem:s13], [sflag:$0x5], $0x80, $0x38;
	[tilespmem:$0x1D000] =	vst v63  }
0x37f: {  	s12 =	sadd.s32 $0x14800, s7  }
0x380: {  	[hbm4b:s11+s3] =	stream.linear.scatter [tilespmem:s12], [sflag:$0x5], $0x80, $0x38;
	[tilespmem:$0x1D000] =	vst v63  }
0x381: {  	s18 =	sadd.s32 $0x14888, s7;
	s20 =	sadd.s32 $0x10, s11  }
0x382: {  	[hbm4b:s20+s3] =	stream.linear.scatter [tilespmem:s18], [sflag:$0x5], $0x80, $0x38;
	[tilespmem:$0x1D000] =	vst v63  }
0x383: {  	s18 =	sadd.s32 $0x14910, s7;
	s20 =	sadd.s32 $0x20, s11  }
0x384: {  	[hbm4b:s20+s3] =	stream.linear.scatter [tilespmem:s18], [sflag:$0x5], $0x80, $0x38;
	[tilespmem:$0x1D000] =	vst v63  }
0x385: {  	s18 =	sadd.s32 $0x14998, s7;
	s20 =	sadd.s32 $0x30, s11  }
0x386: {  	[hbm4b:s20+s3] =	stream.linear.scatter [tilespmem:s18], [sflag:$0x5], $0x80, $0x38;
	[tilespmem:$0x1D000] =	vst v63  }
0x387: {  	s18 =	sadd.s32 $0x14A20, s7;
	s20 =	sadd.s32 $0x40, s11  }
0x388: {  	[hbm4b:s20+s3] =	stream.linear.scatter [tilespmem:s18], [sflag:$0x5], $0x80, $0x38;
	[tilespmem:$0x1D000] =	vst v63  }
0x389: {  	s18 =	sadd.s32 $0x14AA8, s7;
	s20 =	sadd.s32 $0x50, s11  }
0x38a: {  	[hbm4b:s20+s3] =	stream.linear.scatter [tilespmem:s18], [sflag:$0x5], $0x80, $0x38;
	[tilespmem:$0x1D000] =	vst v63  }
0x38b: {  	s13 =	sadd.s32 $0x14B30, s7;
	s6 =	smin.u32 s6, $0x2F;
	s18 =	sadd.s32 $0x60, s11  }
0x38c: {  	[hbm4b:s18+s3] =	stream.linear.scatter [tilespmem:s13], [sflag:$0x5], $0x80, $0x38;
	[tilespmem:$0x1D000] =	vst v63  }
0x38d: {  	s6 =	sshll.u32 s6, $0x9;
	s12 =	sadd.s32 $0x70, s11;
	s20 =	sadd.s32 $0x14BB8, s7  }
0x38e: {  	[hbm4b:s12+s3] =	stream.linear.scatter [tilespmem:s20], [sflag:$0x5], $0x80, $0x38;
	[tilespmem:$0x1D000] =	vst v63  }
0x38f: {  	s13 =	sadd.s32 $0x6800, s6;
	s18 =	simm.s32 $0xC800  }
0x390: {  	[tilespmem:s18], [sflag:$0x1] =	stream.indirect.gather [hbm4b:s4+s16], $0x40, s13, s16, $0xb8;
	[tilespmem:$0x1D000] =	vst v63  }
0x391: {  	_ =	swait.ge [sflag:s29], $0x2000  }
0x392: {  	[sflag:s29] =	ssyncset.done $0x0  }
0x393: {  	[sflag:s29] =	ssyncadd.s32 $0xFFFFE000  }
0x394: {  	_ =	swait.ge [sflag:s31], $0x2000  }
0x395: {  	[sflag:s31] =	ssyncset.done $0x0  }
0x396: {  	s20 =	simm.s32 $0x0;
	[sflag:s31] =	ssyncadd.s32 $0xFFFFE000  }
0x397: {  	v36 =	vld [tilespmem:s20+$0xE8F0]  }
0x398: {  	v38 =	vld [tilespmem:s20+$0xE880]  }
0x399: {  	v45 =	vld [tilespmem:s20+$0xE850]  }
0x39a: {  	v46 =	vld [tilespmem:s20+$0xE870]  }
0x39b: {  	v39 =	vld [tilespmem:s20+$0xE8D0]  }
0x39c: {  	v41 =	vld [tilespmem:s20+$0xE8C0]  }
0x39d: {  	v47 =	vld [tilespmem:s20+$0xE8A0]  }
0x39e: {  	v37 =	vimm.s32 $0x0;
	v48 =	vld [tilespmem:s20+$0xE890]  }
0x39f: {  	v1 =	vand.u32 $0xFFFFFFF8, v37;
	v0 =	vld [tilespmem:s20+$0xE830]  }
0x3a0: {  	v3 =	vand.u32 $0x4, v37;
	v4 =	vadd.s32 v29, v1;
	v2 =	vld [tilespmem:s20+$0xE820]  }
0x3a1: {  	v57 =	vadd.s32 v33, v1;
	v53 =	vor.u32 v3, v4;
	v54 =	vld [tilespmem:s20+$0xE800]  }
0x3a2: {  	v58 =	vadd.s32 v34, v1;
	v56 =	vor.u32 v3, v57;
	v5 =	vld [tilespmem:s20+$0xE810]  }
0x3a3: {  	v40 =	vor.u32 $0x3, v3;
	v1 =	vadd.s32 v35, v1;
	v59 =	vor.u32 v3, v58;
	v55 =	vld [tilespmem:s20+$0xE860]  }
0x3a4: {  	v62 =	vor.u32 $0x1, v3;
	v42 =	vor.u32 v40, v4;
	v61 =	vor.u32 v3, v1;
	v60 =	vld [tilespmem:s20+$0xE840]  }
0x3a5: {  	v43 =	vor.u32 v40, v57;
	v44 =	vor.u32 v40, v58;
	v52 =	vor.u32 v62, v4;
	v51 =	vld [tilespmem:s20+$0xE8B0]  }
0x3a6: {  	v40 =	vor.u32 v40, v1;
	v3 =	vor.u32 $0x2, v3;
	v50 =	vld [tilespmem:s20+$0xE8E0];
	[tilespmem:v53+s30+$0x0] =	vst.idx.msk $0xffff, v54;
	v53 =	vor.u32 v62, v57  }
0x3a7: {  	v49 =	vor.u32 v62, v58;
	v58 =	vor.u32 v3, v58;
	[tilespmem:v56+s30+$0x0] =	vst.idx.msk $0xffff, v5  }
0x3a8: {  	v54 =	vor.u32 v62, v1;
	v57 =	vor.u32 v3, v57;
	[tilespmem:v59+s30+$0x0] =	vst.idx.msk $0xffff, v2  }
0x3a9: {  	s7 =	simm.s32 $0x400;
	v56 =	vor.u32 v3, v4;
	v59 =	vor.u32 v3, v1;
	[tilespmem:v61+s30+$0x0] =	vst.idx.msk $0xffff, v0  }
.LBB2_25:
0x3aa: {  	p0 =	sne.s32 s7, $0x7C00;
	[tilespmem:v52+s30+$0x0] =	vst.idx.msk $0xffff, v60;
	v37 =	vadd.s32 $0x4, v37;
	s11 =	smov.u32 s7;
	s7 =	sadd.s32 $0x400, s7  }
0x3ab: {  	[tilespmem:v53+s30+$0x0] =	vst.idx.msk $0xffff, v45  }
0x3ac: {  	[tilespmem:v49+s30+$0x0] =	vst.idx.msk $0xffff, v55  }
0x3ad: {  	[tilespmem:v54+s30+$0x0] =	vst.idx.msk $0xffff, v46  }
0x3ae: {  	[tilespmem:v56+s30+$0x0] =	vst.idx.msk $0xffff, v38  }
0x3af: {  	[tilespmem:v57+s30+$0x0] =	vst.idx.msk $0xffff, v48  }
0x3b0: {  	[tilespmem:v58+s30+$0x0] =	vst.idx.msk $0xffff, v47  }
0x3b1: {  	[tilespmem:v59+s30+$0x0] =	vst.idx.msk $0xffff, v51  }
0x3b2: {  	[tilespmem:v42+s30+$0x0] =	vst.idx.msk $0xffff, v41  }
0x3b3: {  	[tilespmem:v43+s30+$0x0] =	vst.idx.msk $0xffff, v39  }
0x3b4: {  	v0 =	vand.u32 $0xFFFFFFF8, v37;
	v1 =	vand.u32 $0x4, v37;
	[tilespmem:v44+s30+$0x0] =	vst.idx.msk $0xffff, v50  }
0x3b5: {  	s11 =	sshra.s32 s11, $0x2;
	v2 =	vadd.s32 v29, v0;
	v3 =	vadd.s32 v33, v0;
	v4 =	vor.u32 $0x3, v1;
	[tilespmem:v40+s30+$0x0] =	vst.idx.msk $0xffff, v36  }
0x3b6: {  	v5 =	vor.u32 v1, v2;
	v42 =	vor.u32 v4, v2;
	v50 =	vadd.s32 v35, v0;
	v36 =	vld [tilespmem:s11+$0xE8F0]  }
0x3b7: {  	v61 =	vor.u32 v1, v3;
	v43 =	vor.u32 v4, v3;
	v0 =	vadd.s32 v34, v0;
	v38 =	vld [tilespmem:s11+$0xE880]  }
0x3b8: {  	v62 =	vor.u32 v1, v0;
	v44 =	vor.u32 v4, v0;
	v40 =	vor.u32 v4, v50;
	v45 =	vld [tilespmem:s11+$0xE850]  }
0x3b9: {  	v51 =	vor.u32 $0x1, v1;
	v4 =	vor.u32 v1, v50;
	v46 =	vld [tilespmem:s11+$0xE870]  }
0x3ba: {  	v52 =	vor.u32 v51, v2;
	v49 =	vor.u32 v51, v0;
	v39 =	vld [tilespmem:s11+$0xE8D0]  }
0x3bb: {  	v53 =	vor.u32 v51, v3;
	v41 =	vld [tilespmem:s11+$0xE8C0]  }
0x3bc: {  	v47 =	vld [tilespmem:s11+$0xE8A0]  }
0x3bd: {  	v54 =	vor.u32 v51, v50;
	v1 =	vor.u32 $0x2, v1;
	v48 =	vld [tilespmem:s11+$0xE890]  }
0x3be: {  	v56 =	vor.u32 v1, v2;
	v63 =	vld [tilespmem:s11+$0xE830]  }
0x3bf: {  	v57 =	vor.u32 v1, v3;
	v2 =	vld [tilespmem:s11+$0xE820]  }
0x3c0: {  	v58 =	vor.u32 v1, v0;
	v3 =	vld [tilespmem:s11+$0xE810]  }
0x3c1: {  	v59 =	vor.u32 v1, v50;
	v0 =	vld [tilespmem:s11+$0xE800]  }
0x3c2: {  	v55 =	vld [tilespmem:s11+$0xE860]  }
0x3c3: {  	v60 =	vld [tilespmem:s11+$0xE840]  }
0x3c4: {  	v51 =	vld [tilespmem:s11+$0xE8B0]  }
.Ltmp11:
0x3c5: {  	v50 =	vld [tilespmem:s11+$0xE8E0];
	(pc) =	sbr.rel @p0 .LBB2_25-.Ltmp11, $4  }
0x3c6: {  	[tilespmem:v5+s30+$0x0] =	vst.idx.msk $0xffff, v0  }
0x3c7: {  	[tilespmem:v61+s30+$0x0] =	vst.idx.msk $0xffff, v3  }
0x3c8: {  	[tilespmem:v62+s30+$0x0] =	vst.idx.msk $0xffff, v2  }
0x3c9: {  	[tilespmem:v4+s30+$0x0] =	vst.idx.msk $0xffff, v63  }
0x3ca: {  	_ =	sdelay $0x3  }
0x3cb: {  	[tilespmem:v52+s30+$0x0] =	vst.idx.msk $0xffff, v60  }
0x3cc: {  	[tilespmem:v53+s30+$0x0] =	vst.idx.msk $0xffff, v45  }
0x3cd: {  	[tilespmem:v49+s30+$0x0] =	vst.idx.msk $0xffff, v55  }
0x3ce: {  	[tilespmem:v54+s30+$0x0] =	vst.idx.msk $0xffff, v46  }
0x3cf: {  	[tilespmem:v56+s30+$0x0] =	vst.idx.msk $0xffff, v38  }
0x3d0: {  	[tilespmem:v57+s30+$0x0] =	vst.idx.msk $0xffff, v48  }
0x3d1: {  	[tilespmem:v58+s30+$0x0] =	vst.idx.msk $0xffff, v47  }
0x3d2: {  	[tilespmem:v59+s30+$0x0] =	vst.idx.msk $0xffff, v51  }
0x3d3: {  	[tilespmem:v42+s30+$0x0] =	vst.idx.msk $0xffff, v41  }
0x3d4: {  	s7 =	sor.u32 s8, s15;
	[tilespmem:v43+s30+$0x0] =	vst.idx.msk $0xffff, v39  }
0x3d5: {  	s7 =	sshrl.u32 s7, $0x3;
	[tilespmem:v44+s30+$0x0] =	vst.idx.msk $0xffff, v50  }
0x3d6: {  	s12 =	simm.s32 $0x16A00;
	s11 =	sadd.s32 s2, s7;
	[tilespmem:v40+s30+$0x0] =	vst.idx.msk $0xffff, v36  }
0x3d7: {  	[hbm4b:s11+s3] =	stream.linear.scatter [tilespmem:s12], [sflag:$0x6], $0x80, $0x38;
	[tilespmem:$0x1D000] =	vst v63  }
0x3d8: {  	s13 =	simm.s32 $0x16A88;
	s12 =	sadd.s32 $0x10, s11  }
0x3d9: {  	[hbm4b:s12+s3] =	stream.linear.scatter [tilespmem:s13], [sflag:$0x6], $0x80, $0x38;
	[tilespmem:$0x1D000] =	vst v63  }
0x3da: {  	s18 =	simm.s32 $0x16B10;
	s20 =	sadd.s32 $0x20, s11  }
0x3db: {  	[hbm4b:s20+s3] =	stream.linear.scatter [tilespmem:s18], [sflag:$0x6], $0x80, $0x38;
	[tilespmem:$0x1D000] =	vst v63  }
0x3dc: {  	s12 =	simm.s32 $0x16B98;
	s13 =	sadd.s32 $0x30, s11  }
0x3dd: {  	[hbm4b:s13+s3] =	stream.linear.scatter [tilespmem:s12], [sflag:$0x6], $0x80, $0x38;
	[tilespmem:$0x1D000] =	vst v63  }
0x3de: {  	s18 =	simm.s32 $0x16C20;
	s20 =	sadd.s32 $0x40, s11  }
0x3df: {  	[hbm4b:s20+s3] =	stream.linear.scatter [tilespmem:s18], [sflag:$0x6], $0x80, $0x38;
	[tilespmem:$0x1D000] =	vst v63  }
0x3e0: {  	s7 =	simm.s32 $0x440;
	s12 =	simm.s32 $0x16CA8;
	s13 =	sadd.s32 $0x50, s11  }
0x3e1: {  	[hbm4b:s13+s3] =	stream.linear.scatter [tilespmem:s12], [sflag:$0x6], $0x80, $0x38;
	[tilespmem:$0x1D000] =	vst v63  }
0x3e2: {  	s18 =	simm.s32 $0x16D30;
	s20 =	sadd.s32 $0x60, s11;
	s12 =	simm.s32 $0x2200  }
0x3e3: {  	[hbm4b:s20+s3] =	stream.linear.scatter [tilespmem:s18], [sflag:$0x6], $0x80, $0x38;
	[tilespmem:$0x1D000] =	vst v63  }
0x3e4: {  	s13 =	simm.s32 $0x16DB8;
	s18 =	sadd.s32 $0x70, s11;
	s11 =	sadd.s32 $0x4000, s11  }
.LBB2_27:
0x3e5: {  	[hbm4b:s18+s3] =	stream.linear.scatter [tilespmem:s13], [sflag:$0x6], $0x80, $0x38;
	[tilespmem:$0x1D000] =	vst v63  }
0x3e6: {  	s13 =	smov.u32 s7;
	s7 =	smov.u32 s12  }
0x3e7: {  	s20 =	sadd.s32 $0x1100, s12;
	s7 =	sshra.s32 s7, $0x2;
	s18 =	sadd.s32 $0x16A00, s13  }
0x3e8: {  	[hbm4b:s11+s3] =	stream.linear.scatter [tilespmem:s18], [sflag:$0x6], $0x80, $0x38;
	[tilespmem:$0x1D000] =	vst v63  }
0x3e9: {  	p0 =	sne.s32 s12, $0x7700;
	s12 =	sadd.s32 $0x16A88, s13;
	s18 =	sadd.s32 $0x10, s11  }
0x3ea: {  	[hbm4b:s18+s3] =	stream.linear.scatter [tilespmem:s12], [sflag:$0x6], $0x80, $0x38;
	[tilespmem:$0x1D000] =	vst v63  }
0x3eb: {  	s12 =	sadd.s32 $0x16B10, s13;
	s18 =	sadd.s32 $0x20, s11  }
0x3ec: {  	[hbm4b:s18+s3] =	stream.linear.scatter [tilespmem:s12], [sflag:$0x6], $0x80, $0x38;
	[tilespmem:$0x1D000] =	vst v63  }
0x3ed: {  	s12 =	sadd.s32 $0x16B98, s13;
	s18 =	sadd.s32 $0x30, s11  }
0x3ee: {  	[hbm4b:s18+s3] =	stream.linear.scatter [tilespmem:s12], [sflag:$0x6], $0x80, $0x38;
	[tilespmem:$0x1D000] =	vst v63  }
0x3ef: {  	s12 =	sadd.s32 $0x16C20, s13;
	s18 =	sadd.s32 $0x40, s11  }
0x3f0: {  	[hbm4b:s18+s3] =	stream.linear.scatter [tilespmem:s12], [sflag:$0x6], $0x80, $0x38;
	[tilespmem:$0x1D000] =	vst v63  }
.Ltmp12:
0x3f1: {  	s12 =	sadd.s32 $0x16CA8, s13;
	s18 =	sadd.s32 $0x50, s11;
	(pc) =	sbr.rel @p0 .LBB2_27-.Ltmp12, $4  }
0x3f2: {  	[hbm4b:s18+s3] =	stream.linear.scatter [tilespmem:s12], [sflag:$0x6], $0x80, $0x38;
	[tilespmem:$0x1D000] =	vst v63  }
0x3f3: {  	s12 =	sadd.s32 $0x16D30, s13;
	s18 =	sadd.s32 $0x60, s11;
	s13 =	sadd.s32 $0x16DB8, s13  }
0x3f4: {  	[hbm4b:s18+s3] =	stream.linear.scatter [tilespmem:s12], [sflag:$0x6], $0x80, $0x38;
	[tilespmem:$0x1D000] =	vst v63  }
0x3f5: {  	s18 =	sadd.s32 $0x70, s11;
	s11 =	sadd.s32 $0x4000, s11;
	s12 =	smov.u32 s20  }
0x3f6: {  	[hbm4b:s18+s3] =	stream.linear.scatter [tilespmem:s13], [sflag:$0x6], $0x80, $0x38;
	[tilespmem:$0x1D000] =	vst v63  }
0x3f7: {  	s12 =	sadd.s32 $0x16A00, s7  }
0x3f8: {  	[hbm4b:s11+s3] =	stream.linear.scatter [tilespmem:s12], [sflag:$0x6], $0x80, $0x38;
	[tilespmem:$0x1D000] =	vst v63  }
0x3f9: {  	s18 =	sadd.s32 $0x16A88, s7;
	s20 =	sadd.s32 $0x10, s11  }
0x3fa: {  	[hbm4b:s20+s3] =	stream.linear.scatter [tilespmem:s18], [sflag:$0x6], $0x80, $0x38;
	[tilespmem:$0x1D000] =	vst v63  }
0x3fb: {  	s18 =	sadd.s32 $0x16B10, s7;
	s20 =	sadd.s32 $0x20, s11  }
0x3fc: {  	[hbm4b:s20+s3] =	stream.linear.scatter [tilespmem:s18], [sflag:$0x6], $0x80, $0x38;
	[tilespmem:$0x1D000] =	vst v63  }
0x3fd: {  	s18 =	sadd.s32 $0x16B98, s7;
	s20 =	sadd.s32 $0x30, s11  }
0x3fe: {  	[hbm4b:s20+s3] =	stream.linear.scatter [tilespmem:s18], [sflag:$0x6], $0x80, $0x38;
	[tilespmem:$0x1D000] =	vst v63  }
0x3ff: {  	s18 =	sadd.s32 $0x16C20, s7;
	s20 =	sadd.s32 $0x40, s11  }
0x400: {  	[hbm4b:s20+s3] =	stream.linear.scatter [tilespmem:s18], [sflag:$0x6], $0x80, $0x38;
	[tilespmem:$0x1D000] =	vst v63  }
0x401: {  	s18 =	sadd.s32 $0x16CA8, s7;
	s20 =	sadd.s32 $0x50, s11  }
0x402: {  	[hbm4b:s20+s3] =	stream.linear.scatter [tilespmem:s18], [sflag:$0x6], $0x80, $0x38;
	[tilespmem:$0x1D000] =	vst v63  }
0x403: {  	s13 =	sadd.s32 $0x16D30, s7;
	s18 =	sadd.s32 $0x60, s11  }
0x404: {  	[hbm4b:s18+s3] =	stream.linear.scatter [tilespmem:s13], [sflag:$0x6], $0x80, $0x38;
	[tilespmem:$0x1D000] =	vst v63  }
0x405: {  	s12 =	sadd.s32 $0x70, s11;
	s20 =	sadd.s32 $0x16DB8, s7  }
0x406: {  	[hbm4b:s12+s3] =	stream.linear.scatter [tilespmem:s20], [sflag:$0x6], $0x80, $0x38;
	[tilespmem:$0x1D000] =	vst v63  }
0x407: {  	s13 =	sadd.s32 $0x6880, s6;
	s18 =	simm.s32 $0xE800  }
0x408: {  	[tilespmem:s18], [sflag:$0x2] =	stream.indirect.gather [hbm4b:s4+s16], $0x40, s13, s16, $0xb8;
	[tilespmem:$0x1D000] =	vst v63  }
0x409: {  	_ =	swait.ge [sflag:s1], $0x2000  }
0x40a: {  	[sflag:s1] =	ssyncset.done $0x0  }
0x40b: {  	[sflag:s1] =	ssyncadd.s32 $0xFFFFE000  }
0x40c: {  	_ =	swait.ge [sflag:s17], $0x2000  }
0x40d: {  	[sflag:s17] =	ssyncset.done $0x0  }
0x40e: {  	s20 =	simm.s32 $0x0;
	[sflag:s17] =	ssyncadd.s32 $0xFFFFE000  }
0x40f: {  	v36 =	vld [tilespmem:s20+$0x108F0]  }
0x410: {  	v38 =	vld [tilespmem:s20+$0x10880]  }
0x411: {  	v45 =	vld [tilespmem:s20+$0x10850]  }
0x412: {  	v46 =	vld [tilespmem:s20+$0x10870]  }
0x413: {  	v39 =	vld [tilespmem:s20+$0x108D0]  }
0x414: {  	v41 =	vld [tilespmem:s20+$0x108C0]  }
0x415: {  	v47 =	vld [tilespmem:s20+$0x108A0]  }
0x416: {  	v37 =	vimm.s32 $0x0;
	v48 =	vld [tilespmem:s20+$0x10890]  }
0x417: {  	v1 =	vand.u32 $0xFFFFFFF8, v37;
	v0 =	vld [tilespmem:s20+$0x10830]  }
0x418: {  	v3 =	vand.u32 $0x4, v37;
	v4 =	vadd.s32 v29, v1;
	v2 =	vld [tilespmem:s20+$0x10820]  }
0x419: {  	v57 =	vadd.s32 v33, v1;
	v53 =	vor.u32 v3, v4;
	v54 =	vld [tilespmem:s20+$0x10800]  }
0x41a: {  	v58 =	vadd.s32 v34, v1;
	v56 =	vor.u32 v3, v57;
	v5 =	vld [tilespmem:s20+$0x10810]  }
0x41b: {  	v40 =	vor.u32 $0x3, v3;
	v1 =	vadd.s32 v35, v1;
	v59 =	vor.u32 v3, v58;
	v55 =	vld [tilespmem:s20+$0x10860]  }
0x41c: {  	v62 =	vor.u32 $0x1, v3;
	v42 =	vor.u32 v40, v4;
	v61 =	vor.u32 v3, v1;
	v60 =	vld [tilespmem:s20+$0x10840]  }
0x41d: {  	v43 =	vor.u32 v40, v57;
	v44 =	vor.u32 v40, v58;
	v52 =	vor.u32 v62, v4;
	v51 =	vld [tilespmem:s20+$0x108B0]  }
0x41e: {  	v40 =	vor.u32 v40, v1;
	v3 =	vor.u32 $0x2, v3;
	v50 =	vld [tilespmem:s20+$0x108E0];
	[tilespmem:v53+s0+$0x0] =	vst.idx.msk $0xffff, v54;
	v53 =	vor.u32 v62, v57  }
0x41f: {  	v49 =	vor.u32 v62, v58;
	v58 =	vor.u32 v3, v58;
	[tilespmem:v56+s0+$0x0] =	vst.idx.msk $0xffff, v5  }
0x420: {  	v54 =	vor.u32 v62, v1;
	v57 =	vor.u32 v3, v57;
	[tilespmem:v59+s0+$0x0] =	vst.idx.msk $0xffff, v2  }
0x421: {  	s7 =	simm.s32 $0x400;
	v56 =	vor.u32 v3, v4;
	v59 =	vor.u32 v3, v1;
	[tilespmem:v61+s0+$0x0] =	vst.idx.msk $0xffff, v0  }
.LBB2_29:
0x422: {  	p0 =	sne.s32 s7, $0x7C00;
	[tilespmem:v52+s0+$0x0] =	vst.idx.msk $0xffff, v60;
	v37 =	vadd.s32 $0x4, v37;
	s11 =	smov.u32 s7;
	s7 =	sadd.s32 $0x400, s7  }
0x423: {  	[tilespmem:v53+s0+$0x0] =	vst.idx.msk $0xffff, v45  }
0x424: {  	[tilespmem:v49+s0+$0x0] =	vst.idx.msk $0xffff, v55  }
0x425: {  	[tilespmem:v54+s0+$0x0] =	vst.idx.msk $0xffff, v46  }
0x426: {  	[tilespmem:v56+s0+$0x0] =	vst.idx.msk $0xffff, v38  }
0x427: {  	[tilespmem:v57+s0+$0x0] =	vst.idx.msk $0xffff, v48  }
0x428: {  	[tilespmem:v58+s0+$0x0] =	vst.idx.msk $0xffff, v47  }
0x429: {  	[tilespmem:v59+s0+$0x0] =	vst.idx.msk $0xffff, v51  }
0x42a: {  	[tilespmem:v42+s0+$0x0] =	vst.idx.msk $0xffff, v41  }
0x42b: {  	[tilespmem:v43+s0+$0x0] =	vst.idx.msk $0xffff, v39  }
0x42c: {  	v0 =	vand.u32 $0xFFFFFFF8, v37;
	v1 =	vand.u32 $0x4, v37;
	[tilespmem:v44+s0+$0x0] =	vst.idx.msk $0xffff, v50  }
0x42d: {  	s11 =	sshra.s32 s11, $0x2;
	v2 =	vadd.s32 v29, v0;
	v3 =	vadd.s32 v33, v0;
	v4 =	vor.u32 $0x3, v1;
	[tilespmem:v40+s0+$0x0] =	vst.idx.msk $0xffff, v36  }
0x42e: {  	v5 =	vor.u32 v1, v2;
	v42 =	vor.u32 v4, v2;
	v50 =	vadd.s32 v35, v0;
	v36 =	vld [tilespmem:s11+$0x108F0]  }
0x42f: {  	v61 =	vor.u32 v1, v3;
	v43 =	vor.u32 v4, v3;
	v0 =	vadd.s32 v34, v0;
	v38 =	vld [tilespmem:s11+$0x10880]  }
0x430: {  	v62 =	vor.u32 v1, v0;
	v44 =	vor.u32 v4, v0;
	v40 =	vor.u32 v4, v50;
	v45 =	vld [tilespmem:s11+$0x10850]  }
0x431: {  	v51 =	vor.u32 $0x1, v1;
	v4 =	vor.u32 v1, v50;
	v46 =	vld [tilespmem:s11+$0x10870]  }
0x432: {  	v52 =	vor.u32 v51, v2;
	v49 =	vor.u32 v51, v0;
	v39 =	vld [tilespmem:s11+$0x108D0]  }
0x433: {  	v53 =	vor.u32 v51, v3;
	v41 =	vld [tilespmem:s11+$0x108C0]  }
0x434: {  	v47 =	vld [tilespmem:s11+$0x108A0]  }
0x435: {  	v54 =	vor.u32 v51, v50;
	v1 =	vor.u32 $0x2, v1;
	v48 =	vld [tilespmem:s11+$0x10890]  }
0x436: {  	v56 =	vor.u32 v1, v2;
	v63 =	vld [tilespmem:s11+$0x10830]  }
0x437: {  	v57 =	vor.u32 v1, v3;
	v2 =	vld [tilespmem:s11+$0x10820]  }
0x438: {  	v58 =	vor.u32 v1, v0;
	v3 =	vld [tilespmem:s11+$0x10810]  }
0x439: {  	v59 =	vor.u32 v1, v50;
	v0 =	vld [tilespmem:s11+$0x10800]  }
0x43a: {  	v55 =	vld [tilespmem:s11+$0x10860]  }
0x43b: {  	v60 =	vld [tilespmem:s11+$0x10840]  }
0x43c: {  	v51 =	vld [tilespmem:s11+$0x108B0]  }
.Ltmp13:
0x43d: {  	v50 =	vld [tilespmem:s11+$0x108E0];
	(pc) =	sbr.rel @p0 .LBB2_29-.Ltmp13, $4  }
0x43e: {  	[tilespmem:v5+s0+$0x0] =	vst.idx.msk $0xffff, v0  }
0x43f: {  	[tilespmem:v61+s0+$0x0] =	vst.idx.msk $0xffff, v3  }
0x440: {  	[tilespmem:v62+s0+$0x0] =	vst.idx.msk $0xffff, v2  }
0x441: {  	[tilespmem:v4+s0+$0x0] =	vst.idx.msk $0xffff, v63  }
0x442: {  	_ =	sdelay $0x3  }
0x443: {  	[tilespmem:v52+s0+$0x0] =	vst.idx.msk $0xffff, v60  }
0x444: {  	[tilespmem:v53+s0+$0x0] =	vst.idx.msk $0xffff, v45  }
0x445: {  	[tilespmem:v49+s0+$0x0] =	vst.idx.msk $0xffff, v55  }
0x446: {  	[tilespmem:v54+s0+$0x0] =	vst.idx.msk $0xffff, v46  }
0x447: {  	[tilespmem:v56+s0+$0x0] =	vst.idx.msk $0xffff, v38  }
0x448: {  	[tilespmem:v57+s0+$0x0] =	vst.idx.msk $0xffff, v48  }
0x449: {  	[tilespmem:v58+s0+$0x0] =	vst.idx.msk $0xffff, v47  }
0x44a: {  	[tilespmem:v59+s0+$0x0] =	vst.idx.msk $0xffff, v51  }
0x44b: {  	[tilespmem:v42+s0+$0x0] =	vst.idx.msk $0xffff, v41  }
0x44c: {  	s7 =	sor.u32 s9, s15;
	[tilespmem:v43+s0+$0x0] =	vst.idx.msk $0xffff, v39  }
0x44d: {  	s7 =	sshrl.u32 s7, $0x3;
	[tilespmem:v44+s0+$0x0] =	vst.idx.msk $0xffff, v50  }
0x44e: {  	s12 =	simm.s32 $0x18C00;
	s11 =	sadd.s32 s2, s7;
	[tilespmem:v40+s0+$0x0] =	vst.idx.msk $0xffff, v36  }
0x44f: {  	[hbm4b:s11+s3] =	stream.linear.scatter [tilespmem:s12], [sflag:$0x7], $0x80, $0x38;
	[tilespmem:$0x1D000] =	vst v63  }
0x450: {  	s13 =	simm.s32 $0x18C88;
	s12 =	sadd.s32 $0x10, s11  }
0x451: {  	[hbm4b:s12+s3] =	stream.linear.scatter [tilespmem:s13], [sflag:$0x7], $0x80, $0x38;
	[tilespmem:$0x1D000] =	vst v63  }
0x452: {  	s18 =	simm.s32 $0x18D10;
	s20 =	sadd.s32 $0x20, s11  }
0x453: {  	[hbm4b:s20+s3] =	stream.linear.scatter [tilespmem:s18], [sflag:$0x7], $0x80, $0x38;
	[tilespmem:$0x1D000] =	vst v63  }
0x454: {  	s12 =	simm.s32 $0x18D98;
	s13 =	sadd.s32 $0x30, s11  }
0x455: {  	[hbm4b:s13+s3] =	stream.linear.scatter [tilespmem:s12], [sflag:$0x7], $0x80, $0x38;
	[tilespmem:$0x1D000] =	vst v63  }
0x456: {  	s18 =	simm.s32 $0x18E20;
	s20 =	sadd.s32 $0x40, s11  }
0x457: {  	[hbm4b:s20+s3] =	stream.linear.scatter [tilespmem:s18], [sflag:$0x7], $0x80, $0x38;
	[tilespmem:$0x1D000] =	vst v63  }
0x458: {  	s7 =	simm.s32 $0x440;
	s12 =	simm.s32 $0x18EA8;
	s13 =	sadd.s32 $0x50, s11  }
0x459: {  	[hbm4b:s13+s3] =	stream.linear.scatter [tilespmem:s12], [sflag:$0x7], $0x80, $0x38;
	[tilespmem:$0x1D000] =	vst v63  }
0x45a: {  	s18 =	simm.s32 $0x18F30;
	s20 =	sadd.s32 $0x60, s11;
	s12 =	simm.s32 $0x2200  }
0x45b: {  	[hbm4b:s20+s3] =	stream.linear.scatter [tilespmem:s18], [sflag:$0x7], $0x80, $0x38;
	[tilespmem:$0x1D000] =	vst v63  }
0x45c: {  	s13 =	simm.s32 $0x18FB8;
	s18 =	sadd.s32 $0x70, s11;
	s11 =	sadd.s32 $0x4000, s11  }
.LBB2_31:
0x45d: {  	[hbm4b:s18+s3] =	stream.linear.scatter [tilespmem:s13], [sflag:$0x7], $0x80, $0x38;
	[tilespmem:$0x1D000] =	vst v63  }
0x45e: {  	s13 =	smov.u32 s7;
	s7 =	smov.u32 s12  }
0x45f: {  	s20 =	sadd.s32 $0x1100, s12;
	s7 =	sshra.s32 s7, $0x2;
	s18 =	sadd.s32 $0x18C00, s13  }
0x460: {  	[hbm4b:s11+s3] =	stream.linear.scatter [tilespmem:s18], [sflag:$0x7], $0x80, $0x38;
	[tilespmem:$0x1D000] =	vst v63  }
0x461: {  	p0 =	sne.s32 s12, $0x7700;
	s12 =	sadd.s32 $0x18C88, s13;
	s18 =	sadd.s32 $0x10, s11  }
0x462: {  	[hbm4b:s18+s3] =	stream.linear.scatter [tilespmem:s12], [sflag:$0x7], $0x80, $0x38;
	[tilespmem:$0x1D000] =	vst v63  }
0x463: {  	s12 =	sadd.s32 $0x18D10, s13;
	s18 =	sadd.s32 $0x20, s11  }
0x464: {  	[hbm4b:s18+s3] =	stream.linear.scatter [tilespmem:s12], [sflag:$0x7], $0x80, $0x38;
	[tilespmem:$0x1D000] =	vst v63  }
0x465: {  	s12 =	sadd.s32 $0x18D98, s13;
	s18 =	sadd.s32 $0x30, s11  }
0x466: {  	[hbm4b:s18+s3] =	stream.linear.scatter [tilespmem:s12], [sflag:$0x7], $0x80, $0x38;
	[tilespmem:$0x1D000] =	vst v63  }
0x467: {  	s12 =	sadd.s32 $0x18E20, s13;
	s18 =	sadd.s32 $0x40, s11  }
0x468: {  	[hbm4b:s18+s3] =	stream.linear.scatter [tilespmem:s12], [sflag:$0x7], $0x80, $0x38;
	[tilespmem:$0x1D000] =	vst v63  }
.Ltmp14:
0x469: {  	s12 =	sadd.s32 $0x18EA8, s13;
	s18 =	sadd.s32 $0x50, s11;
	(pc) =	sbr.rel @p0 .LBB2_31-.Ltmp14, $4  }
0x46a: {  	[hbm4b:s18+s3] =	stream.linear.scatter [tilespmem:s12], [sflag:$0x7], $0x80, $0x38;
	[tilespmem:$0x1D000] =	vst v63  }
0x46b: {  	s12 =	sadd.s32 $0x18F30, s13;
	s18 =	sadd.s32 $0x60, s11;
	s13 =	sadd.s32 $0x18FB8, s13  }
0x46c: {  	[hbm4b:s18+s3] =	stream.linear.scatter [tilespmem:s12], [sflag:$0x7], $0x80, $0x38;
	[tilespmem:$0x1D000] =	vst v63  }
0x46d: {  	s18 =	sadd.s32 $0x70, s11;
	s11 =	sadd.s32 $0x4000, s11;
	s12 =	smov.u32 s20  }
0x46e: {  	[hbm4b:s18+s3] =	stream.linear.scatter [tilespmem:s13], [sflag:$0x7], $0x80, $0x38;
	[tilespmem:$0x1D000] =	vst v63  }
0x46f: {  	s12 =	sadd.s32 $0x18C00, s7  }
0x470: {  	[hbm4b:s11+s3] =	stream.linear.scatter [tilespmem:s12], [sflag:$0x7], $0x80, $0x38;
	[tilespmem:$0x1D000] =	vst v63  }
0x471: {  	s18 =	sadd.s32 $0x18C88, s7;
	s20 =	sadd.s32 $0x10, s11  }
0x472: {  	[hbm4b:s20+s3] =	stream.linear.scatter [tilespmem:s18], [sflag:$0x7], $0x80, $0x38;
	[tilespmem:$0x1D000] =	vst v63  }
0x473: {  	s18 =	sadd.s32 $0x18D10, s7;
	s20 =	sadd.s32 $0x20, s11  }
0x474: {  	[hbm4b:s20+s3] =	stream.linear.scatter [tilespmem:s18], [sflag:$0x7], $0x80, $0x38;
	[tilespmem:$0x1D000] =	vst v63  }
0x475: {  	s18 =	sadd.s32 $0x18D98, s7;
	s20 =	sadd.s32 $0x30, s11  }
0x476: {  	[hbm4b:s20+s3] =	stream.linear.scatter [tilespmem:s18], [sflag:$0x7], $0x80, $0x38;
	[tilespmem:$0x1D000] =	vst v63  }
0x477: {  	s18 =	sadd.s32 $0x18E20, s7;
	s20 =	sadd.s32 $0x40, s11  }
0x478: {  	[hbm4b:s20+s3] =	stream.linear.scatter [tilespmem:s18], [sflag:$0x7], $0x80, $0x38;
	[tilespmem:$0x1D000] =	vst v63  }
0x479: {  	s18 =	sadd.s32 $0x18EA8, s7;
	s20 =	sadd.s32 $0x50, s11  }
0x47a: {  	[hbm4b:s20+s3] =	stream.linear.scatter [tilespmem:s18], [sflag:$0x7], $0x80, $0x38;
	[tilespmem:$0x1D000] =	vst v63  }
0x47b: {  	s18 =	sadd.s32 $0x18F30, s7;
	s20 =	sadd.s32 $0x60, s11  }
0x47c: {  	[hbm4b:s20+s3] =	stream.linear.scatter [tilespmem:s18], [sflag:$0x7], $0x80, $0x38;
	[tilespmem:$0x1D000] =	vst v63  }
0x47d: {  	s13 =	sadd.s32 $0x70, s11;
	s12 =	sadd.s32 $0x18FB8, s7  }
0x47e: {  	[hbm4b:s13+s3] =	stream.linear.scatter [tilespmem:s12], [sflag:$0x7], $0x80, $0x38;
	[tilespmem:$0x1D000] =	vst v63  }
0x47f: {  	s18 =	sadd.s32 $0x6900, s6  }
0x480: {  	[tilespmem:s22], [sflag:$0x3] =	stream.indirect.gather [hbm4b:s4+s16], $0x40, s18, s16, $0xb8;
	[tilespmem:$0x1D000] =	vst v63  }
0x481: {  	_ =	swait.ge [sflag:s19], $0x2000  }
0x482: {  	[sflag:s19] =	ssyncset.done $0x0  }
0x483: {  	[sflag:s19] =	ssyncadd.s32 $0xFFFFE000  }
0x484: {  	_ =	swait.ge [sflag:s23], $0x2000  }
0x485: {  	[sflag:s23] =	ssyncset.done $0x0  }
0x486: {  	s20 =	simm.s32 $0x0;
	[sflag:s23] =	ssyncadd.s32 $0xFFFFE000  }
0x487: {  	v36 =	vld [tilespmem:s20+$0x128F0]  }
0x488: {  	v38 =	vld [tilespmem:s20+$0x12880]  }
0x489: {  	v45 =	vld [tilespmem:s20+$0x12850]  }
0x48a: {  	v46 =	vld [tilespmem:s20+$0x12870]  }
0x48b: {  	v39 =	vld [tilespmem:s20+$0x128D0]  }
0x48c: {  	v41 =	vld [tilespmem:s20+$0x128C0]  }
0x48d: {  	v47 =	vld [tilespmem:s20+$0x128A0]  }
0x48e: {  	v37 =	vimm.s32 $0x0;
	v48 =	vld [tilespmem:s20+$0x12890]  }
0x48f: {  	v1 =	vand.u32 $0xFFFFFFF8, v37;
	v0 =	vld [tilespmem:s20+$0x12830]  }
0x490: {  	v3 =	vand.u32 $0x4, v37;
	v4 =	vadd.s32 v29, v1;
	v2 =	vld [tilespmem:s20+$0x12820]  }
0x491: {  	v57 =	vadd.s32 v33, v1;
	v53 =	vor.u32 v3, v4;
	v54 =	vld [tilespmem:s20+$0x12800]  }
0x492: {  	v58 =	vadd.s32 v34, v1;
	v56 =	vor.u32 v3, v57;
	v5 =	vld [tilespmem:s20+$0x12810]  }
0x493: {  	v40 =	vor.u32 $0x3, v3;
	v1 =	vadd.s32 v35, v1;
	v59 =	vor.u32 v3, v58;
	v55 =	vld [tilespmem:s20+$0x12860]  }
0x494: {  	v62 =	vor.u32 $0x1, v3;
	v42 =	vor.u32 v40, v4;
	v61 =	vor.u32 v3, v1;
	v60 =	vld [tilespmem:s20+$0x12840]  }
0x495: {  	v43 =	vor.u32 v40, v57;
	v44 =	vor.u32 v40, v58;
	v52 =	vor.u32 v62, v4;
	v51 =	vld [tilespmem:s20+$0x128B0]  }
0x496: {  	v40 =	vor.u32 v40, v1;
	v3 =	vor.u32 $0x2, v3;
	v50 =	vld [tilespmem:s20+$0x128E0];
	[tilespmem:v53+s21+$0x0] =	vst.idx.msk $0xffff, v54;
	v53 =	vor.u32 v62, v57  }
0x497: {  	v49 =	vor.u32 v62, v58;
	v58 =	vor.u32 v3, v58;
	[tilespmem:v56+s21+$0x0] =	vst.idx.msk $0xffff, v5  }
0x498: {  	v54 =	vor.u32 v62, v1;
	v57 =	vor.u32 v3, v57;
	[tilespmem:v59+s21+$0x0] =	vst.idx.msk $0xffff, v2  }
0x499: {  	s7 =	simm.s32 $0x400;
	v56 =	vor.u32 v3, v4;
	v59 =	vor.u32 v3, v1;
	[tilespmem:v61+s21+$0x0] =	vst.idx.msk $0xffff, v0  }
.LBB2_33:
0x49a: {  	p0 =	sne.s32 s7, $0x7C00;
	[tilespmem:v52+s21+$0x0] =	vst.idx.msk $0xffff, v60;
	v37 =	vadd.s32 $0x4, v37;
	s11 =	smov.u32 s7;
	s7 =	sadd.s32 $0x400, s7  }
0x49b: {  	[tilespmem:v53+s21+$0x0] =	vst.idx.msk $0xffff, v45  }
0x49c: {  	[tilespmem:v49+s21+$0x0] =	vst.idx.msk $0xffff, v55  }
0x49d: {  	[tilespmem:v54+s21+$0x0] =	vst.idx.msk $0xffff, v46  }
0x49e: {  	[tilespmem:v56+s21+$0x0] =	vst.idx.msk $0xffff, v38  }
0x49f: {  	[tilespmem:v57+s21+$0x0] =	vst.idx.msk $0xffff, v48  }
0x4a0: {  	[tilespmem:v58+s21+$0x0] =	vst.idx.msk $0xffff, v47  }
0x4a1: {  	[tilespmem:v59+s21+$0x0] =	vst.idx.msk $0xffff, v51  }
0x4a2: {  	[tilespmem:v42+s21+$0x0] =	vst.idx.msk $0xffff, v41  }
0x4a3: {  	[tilespmem:v43+s21+$0x0] =	vst.idx.msk $0xffff, v39  }
0x4a4: {  	v0 =	vand.u32 $0xFFFFFFF8, v37;
	v1 =	vand.u32 $0x4, v37;
	[tilespmem:v44+s21+$0x0] =	vst.idx.msk $0xffff, v50  }
0x4a5: {  	s11 =	sshra.s32 s11, $0x2;
	v2 =	vadd.s32 v29, v0;
	v3 =	vadd.s32 v33, v0;
	v4 =	vor.u32 $0x3, v1;
	[tilespmem:v40+s21+$0x0] =	vst.idx.msk $0xffff, v36  }
0x4a6: {  	v5 =	vor.u32 v1, v2;
	v42 =	vor.u32 v4, v2;
	v50 =	vadd.s32 v35, v0;
	v36 =	vld [tilespmem:s11+$0x128F0]  }
0x4a7: {  	v61 =	vor.u32 v1, v3;
	v43 =	vor.u32 v4, v3;
	v0 =	vadd.s32 v34, v0;
	v38 =	vld [tilespmem:s11+$0x12880]  }
0x4a8: {  	v62 =	vor.u32 v1, v0;
	v44 =	vor.u32 v4, v0;
	v40 =	vor.u32 v4, v50;
	v45 =	vld [tilespmem:s11+$0x12850]  }
0x4a9: {  	v51 =	vor.u32 $0x1, v1;
	v4 =	vor.u32 v1, v50;
	v46 =	vld [tilespmem:s11+$0x12870]  }
0x4aa: {  	v52 =	vor.u32 v51, v2;
	v49 =	vor.u32 v51, v0;
	v39 =	vld [tilespmem:s11+$0x128D0]  }
0x4ab: {  	v53 =	vor.u32 v51, v3;
	v41 =	vld [tilespmem:s11+$0x128C0]  }
0x4ac: {  	v47 =	vld [tilespmem:s11+$0x128A0]  }
0x4ad: {  	v54 =	vor.u32 v51, v50;
	v1 =	vor.u32 $0x2, v1;
	v48 =	vld [tilespmem:s11+$0x12890]  }
0x4ae: {  	v56 =	vor.u32 v1, v2;
	v63 =	vld [tilespmem:s11+$0x12830]  }
0x4af: {  	v57 =	vor.u32 v1, v3;
	v2 =	vld [tilespmem:s11+$0x12820]  }
0x4b0: {  	v58 =	vor.u32 v1, v0;
	v3 =	vld [tilespmem:s11+$0x12810]  }
0x4b1: {  	v59 =	vor.u32 v1, v50;
	v0 =	vld [tilespmem:s11+$0x12800]  }
0x4b2: {  	v55 =	vld [tilespmem:s11+$0x12860]  }
0x4b3: {  	v60 =	vld [tilespmem:s11+$0x12840]  }
0x4b4: {  	v51 =	vld [tilespmem:s11+$0x128B0]  }
.Ltmp15:
0x4b5: {  	v50 =	vld [tilespmem:s11+$0x128E0];
	(pc) =	sbr.rel @p0 .LBB2_33-.Ltmp15, $4  }
0x4b6: {  	[tilespmem:v5+s21+$0x0] =	vst.idx.msk $0xffff, v0  }
0x4b7: {  	[tilespmem:v61+s21+$0x0] =	vst.idx.msk $0xffff, v3  }
0x4b8: {  	[tilespmem:v62+s21+$0x0] =	vst.idx.msk $0xffff, v2  }
0x4b9: {  	[tilespmem:v4+s21+$0x0] =	vst.idx.msk $0xffff, v63  }
0x4ba: {  	_ =	sdelay $0x3  }
0x4bb: {  	[tilespmem:v52+s21+$0x0] =	vst.idx.msk $0xffff, v60  }
0x4bc: {  	[tilespmem:v53+s21+$0x0] =	vst.idx.msk $0xffff, v45  }
0x4bd: {  	[tilespmem:v49+s21+$0x0] =	vst.idx.msk $0xffff, v55  }
0x4be: {  	[tilespmem:v54+s21+$0x0] =	vst.idx.msk $0xffff, v46  }
0x4bf: {  	[tilespmem:v56+s21+$0x0] =	vst.idx.msk $0xffff, v38  }
0x4c0: {  	[tilespmem:v57+s21+$0x0] =	vst.idx.msk $0xffff, v48  }
0x4c1: {  	[tilespmem:v58+s21+$0x0] =	vst.idx.msk $0xffff, v47  }
0x4c2: {  	[tilespmem:v59+s21+$0x0] =	vst.idx.msk $0xffff, v51  }
0x4c3: {  	[tilespmem:v42+s21+$0x0] =	vst.idx.msk $0xffff, v41  }
0x4c4: {  	s7 =	sor.u32 s10, s15;
	[tilespmem:v43+s21+$0x0] =	vst.idx.msk $0xffff, v39  }
0x4c5: {  	s7 =	sshrl.u32 s7, $0x3;
	[tilespmem:v44+s21+$0x0] =	vst.idx.msk $0xffff, v50  }
0x4c6: {  	s13 =	simm.s32 $0x1AE00;
	s11 =	sadd.s32 s2, s7;
	[tilespmem:v40+s21+$0x0] =	vst.idx.msk $0xffff, v36  }
0x4c7: {  	[hbm4b:s11+s3] =	stream.linear.scatter [tilespmem:s13], [sflag:$0x8], $0x80, $0x38;
	[tilespmem:$0x1D000] =	vst v63  }
0x4c8: {  	s15 =	simm.s32 $0x1AE88;
	s12 =	sadd.s32 $0x10, s11  }
0x4c9: {  	[hbm4b:s12+s3] =	stream.linear.scatter [tilespmem:s15], [sflag:$0x8], $0x80, $0x38;
	[tilespmem:$0x1D000] =	vst v63  }
0x4ca: {  	s18 =	simm.s32 $0x1AF10;
	s7 =	simm.s32 $0x440;
	s20 =	sadd.s32 $0x20, s11  }
0x4cb: {  	[hbm4b:s20+s3] =	stream.linear.scatter [tilespmem:s18], [sflag:$0x8], $0x80, $0x38;
	[tilespmem:$0x1D000] =	vst v63  }
0x4cc: {  	s13 =	simm.s32 $0x1AF98;
	s15 =	sadd.s32 $0x30, s11;
	s12 =	simm.s32 $0x2200  }
0x4cd: {  	[hbm4b:s15+s3] =	stream.linear.scatter [tilespmem:s13], [sflag:$0x8], $0x80, $0x38;
	[tilespmem:$0x1D000] =	vst v63  }
0x4ce: {  	s18 =	simm.s32 $0x1B020;
	s20 =	sadd.s32 $0x40, s11;
	s13 =	simm.s32 $0x1B0A8  }
0x4cf: {  	[hbm4b:s20+s3] =	stream.linear.scatter [tilespmem:s18], [sflag:$0x8], $0x80, $0x38;
	[tilespmem:$0x1D000] =	vst v63  }
0x4d0: {  	s15 =	sadd.s32 $0x50, s11;
	s18 =	simm.s32 $0x1B130;
	s20 =	sadd.s32 $0x60, s11  }
0x4d1: {  	[hbm4b:s15+s3] =	stream.linear.scatter [tilespmem:s13], [sflag:$0x8], $0x80, $0x38;
	[tilespmem:$0x1D000] =	vst v63  }
0x4d2: {  	s13 =	simm.s32 $0x1B1B8;
	s15 =	sadd.s32 $0x70, s11;
	s11 =	sadd.s32 $0x4000, s11  }
0x4d3: {  	[hbm4b:s20+s3] =	stream.linear.scatter [tilespmem:s18], [sflag:$0x8], $0x80, $0x38;
	[tilespmem:$0x1D000] =	vst v63  }
.LBB2_35:
0x4d4: {  	[hbm4b:s15+s3] =	stream.linear.scatter [tilespmem:s13], [sflag:$0x8], $0x80, $0x38;
	[tilespmem:$0x1D000] =	vst v63  }
0x4d5: {  	s13 =	smov.u32 s7;
	s7 =	smov.u32 s12  }
0x4d6: {  	s18 =	sadd.s32 $0x1100, s12;
	s7 =	sshra.s32 s7, $0x2;
	s15 =	sadd.s32 $0x1AE00, s13  }
0x4d7: {  	[hbm4b:s11+s3] =	stream.linear.scatter [tilespmem:s15], [sflag:$0x8], $0x80, $0x38;
	[tilespmem:$0x1D000] =	vst v63  }
0x4d8: {  	p0 =	sne.s32 s12, $0x7700;
	s12 =	sadd.s32 $0x1AE88, s13;
	s15 =	sadd.s32 $0x10, s11  }
0x4d9: {  	[hbm4b:s15+s3] =	stream.linear.scatter [tilespmem:s12], [sflag:$0x8], $0x80, $0x38;
	[tilespmem:$0x1D000] =	vst v63  }
0x4da: {  	s12 =	sadd.s32 $0x1AF10, s13;
	s15 =	sadd.s32 $0x20, s11  }
0x4db: {  	[hbm4b:s15+s3] =	stream.linear.scatter [tilespmem:s12], [sflag:$0x8], $0x80, $0x38;
	[tilespmem:$0x1D000] =	vst v63  }
0x4dc: {  	s12 =	sadd.s32 $0x1AF98, s13;
	s15 =	sadd.s32 $0x30, s11  }
0x4dd: {  	[hbm4b:s15+s3] =	stream.linear.scatter [tilespmem:s12], [sflag:$0x8], $0x80, $0x38;
	[tilespmem:$0x1D000] =	vst v63  }
0x4de: {  	s12 =	sadd.s32 $0x1B020, s13;
	s15 =	sadd.s32 $0x40, s11  }
0x4df: {  	[hbm4b:s15+s3] =	stream.linear.scatter [tilespmem:s12], [sflag:$0x8], $0x80, $0x38;
	[tilespmem:$0x1D000] =	vst v63  }
.Ltmp16:
0x4e0: {  	s12 =	sadd.s32 $0x1B0A8, s13;
	s15 =	sadd.s32 $0x50, s11;
	(pc) =	sbr.rel @p0 .LBB2_35-.Ltmp16, $4  }
0x4e1: {  	[hbm4b:s15+s3] =	stream.linear.scatter [tilespmem:s12], [sflag:$0x8], $0x80, $0x38;
	[tilespmem:$0x1D000] =	vst v63  }
0x4e2: {  	s12 =	sadd.s32 $0x1B130, s13;
	s15 =	sadd.s32 $0x60, s11;
	s13 =	sadd.s32 $0x1B1B8, s13  }
0x4e3: {  	[hbm4b:s15+s3] =	stream.linear.scatter [tilespmem:s12], [sflag:$0x8], $0x80, $0x38;
	[tilespmem:$0x1D000] =	vst v63  }
0x4e4: {  	s15 =	sadd.s32 $0x70, s11;
	s11 =	sadd.s32 $0x4000, s11;
	s12 =	smov.u32 s18  }
0x4e5: {  	[hbm4b:s15+s3] =	stream.linear.scatter [tilespmem:s13], [sflag:$0x8], $0x80, $0x38;
	[tilespmem:$0x1D000] =	vst v63  }
0x4e6: {  	s12 =	sadd.s32 $0x1AE00, s7  }
0x4e7: {  	[hbm4b:s11+s3] =	stream.linear.scatter [tilespmem:s12], [sflag:$0x8], $0x80, $0x38;
	[tilespmem:$0x1D000] =	vst v63  }
0x4e8: {  	s18 =	sadd.s32 $0x1AE88, s7;
	s20 =	sadd.s32 $0x10, s11  }
0x4e9: {  	[hbm4b:s20+s3] =	stream.linear.scatter [tilespmem:s18], [sflag:$0x8], $0x80, $0x38;
	[tilespmem:$0x1D000] =	vst v63  }
0x4ea: {  	s13 =	sadd.s32 $0x1AF10, s7;
	s15 =	sadd.s32 $0x20, s11  }
0x4eb: {  	[hbm4b:s15+s3] =	stream.linear.scatter [tilespmem:s13], [sflag:$0x8], $0x80, $0x38;
	[tilespmem:$0x1D000] =	vst v63  }
0x4ec: {  	s18 =	sadd.s32 $0x1AF98, s7;
	s20 =	sadd.s32 $0x30, s11  }
0x4ed: {  	[hbm4b:s20+s3] =	stream.linear.scatter [tilespmem:s18], [sflag:$0x8], $0x80, $0x38;
	[tilespmem:$0x1D000] =	vst v63  }
0x4ee: {  	s13 =	sadd.s32 $0x1B020, s7;
	s15 =	sadd.s32 $0x40, s11  }
0x4ef: {  	[hbm4b:s15+s3] =	stream.linear.scatter [tilespmem:s13], [sflag:$0x8], $0x80, $0x38;
	[tilespmem:$0x1D000] =	vst v63  }
0x4f0: {  	s18 =	sadd.s32 $0x1B0A8, s7;
	s20 =	sadd.s32 $0x50, s11  }
0x4f1: {  	[hbm4b:s20+s3] =	stream.linear.scatter [tilespmem:s18], [sflag:$0x8], $0x80, $0x38;
	[tilespmem:$0x1D000] =	vst v63  }
0x4f2: {  	p0 =	sne.s32 s14, $0x31;
	s13 =	sadd.s32 $0x1B130, s7;
	s15 =	sadd.s32 $0x60, s11  }
0x4f3: {  	[hbm4b:s15+s3] =	stream.linear.scatter [tilespmem:s13], [sflag:$0x8], $0x80, $0x38;
	[tilespmem:$0x1D000] =	vst v63  }
.Ltmp17:
0x4f4: {  	s18 =	sadd.s32 $0x1B1B8, s7;
	s20 =	sadd.s32 $0x70, s11;
	(pc) =	sbr.rel @p0 .LBB2_20-.Ltmp17, $4  }
0x4f5: {  	[hbm4b:s20+s3] =	stream.linear.scatter [tilespmem:s18], [sflag:$0x8], $0x80, $0x38;
	[tilespmem:$0x1D000] =	vst v63  }
0x4f6: {  	s6 =	sadd.s32 $0x6980, s6  }
0x4f7: {  	[tilespmem:s24], [sflag:$0x4] =	stream.indirect.gather [hbm4b:s4+s16], $0x40, s6, s16, $0xb8;
	[tilespmem:$0x1D000] =	vst v63  }
0x4f8: {  	s6 =	smov.u32 s14  }
0x4f9: {  	_ =	swait.ge [sflag:s25], $0x2000  }
0x4fa: {  	[sflag:s25] =	ssyncset.done $0x0  }
0x4fb: {  	[sflag:s25] =	ssyncadd.s32 $0xFFFFE000  }
0x4fc: {  	_ =	swait.ge [sflag:s28], $0x2000  }
0x4fd: {  	[sflag:s28] =	ssyncset.done $0x0  }
0x4fe: {  	[sflag:s28] =	ssyncadd.s32 $0xFFFFE000  }
0x4ff: {  	_ =	swait.ge [sflag:s29], $0x2000  }
0x500: {  	[sflag:s29] =	ssyncset.done $0x0  }
0x501: {  	[sflag:s29] =	ssyncadd.s32 $0xFFFFE000  }
0x502: {  	_ =	swait.ge [sflag:s31], $0x2000  }
0x503: {  	[sflag:s31] =	ssyncset.done $0x0  }
0x504: {  	[sflag:s31] =	ssyncadd.s32 $0xFFFFE000  }
0x505: {  	_ =	swait.ge [sflag:s1], $0x2000  }
0x506: {  	[sflag:s1] =	ssyncset.done $0x0  }
0x507: {  	[sflag:s1] =	ssyncadd.s32 $0xFFFFE000  }
0x508: {  	_ =	swait.ge [sflag:s17], $0x2000  }
0x509: {  	[sflag:s17] =	ssyncset.done $0x0  }
0x50a: {  	[sflag:s17] =	ssyncadd.s32 $0xFFFFE000  }
0x50b: {  	_ =	swait.ge [sflag:s19], $0x2000  }
0x50c: {  	[sflag:s19] =	ssyncset.done $0x0  }
0x50d: {  	[sflag:s19] =	ssyncadd.s32 $0xFFFFE000  }
0x50e: {  	_ =	swait.ge [sflag:s23], $0x2000  }
0x50f: {  	s7 =	rddreg [dreg:$0x9]  }
0x510: {  	s6 =	rddreg [dreg:$0x8];
	s7 =	sadd.s32 $0x1, s7  }
0x511: {  	v0 =	vld [tilespmem:$0x1FFA0];
	p0 =	sne.s32 s7, s6  }
.Ltmp18:
0x512: {  	v1 =	vld [tilespmem:$0x1FFB0];
	(pc) =	sbr.rel @p0 .LBB2_1-.Ltmp18, $4  }
0x513: {  	v2 =	vld [tilespmem:$0x1FFC0]  }
0x514: {  	v3 =	vld [tilespmem:$0x1FFD0]  }
0x515: {  	[sflag:s23] =	ssyncset.done $0x0;
	v4 =	vld [tilespmem:$0x1FFE0]  }
0x516: {  	v5 =	vld [tilespmem:$0x1FFF0];
	[sflag:s23] =	ssyncadd.s32 $0xFFFFE000  }
0x517: {  	_ =	sfence.sel $0x180000  }
0x518: {  	[bflag:$0x0] =	sbarrier.arrive $0xFFFF  }
0x519: {  	_ =	strace $0x90000047  }
0x51a: {  	s0 =	stileid.u32;
	[bflag:$0x2] =	sbarrier.arrive $0xFFFF  }
0x51b: {  	p0 =	sne.s32 s0, $0x0;
	s0 =	rddreg [dreg:$0x2]  }
0x51c: {  	s0 =	sadd.s32 @!p0 $0x100000, s0  }
0x51d: {  	[sflag:s0] =	ssyncadd.tile.s32 @!p0 $0x1;
	_ =	shalt  }
.Lfunc_end2:
_tile_overlayer_lowered:
.L_overlay_start_2:
0x51e: {  	(tag) =	ssettag $0x2  }
0x51f: {  	s0 =	rddreg [dreg:$0x0];
	s2 =	stileid.u32  }
0x520: {  	s1 =	rddreg [dreg:$0x1];
	p0 =	sne.s32 s2, $0x0  }
0x521: {  	s3 =	rddreg [dreg:$0x2];
	[bflag:$0x3] =	sbarrier.arrive $0xFFFF;
	s2 =	simm.s32 @!p0 $0x1C0A  }
0x522: {  	[timem:s3], [sflag:s2] =	dma.local @!p0 [hbm:s0], s1  }
0x523: {  	s0 =	simm.s32 @!p0 $0xA  }
0x524: {  	_ =	swait.ge @!p0 [sflag:s0], s1  }
0x525: {  	s1 =	ssub.s32 @!p0 $0x0, s1;
	[sflag:s0] =	ssyncset.done @!p0 $0x0  }
0x526: {  	[sflag:s0] =	ssyncadd.s32 @!p0 s1  }
0x527: {  	[bflag:$0x3] =	sbarrier.arrive $0xFFFF  }
0x528: {  	_ =	shalt  }

</sc_bundles>
